<compile_context>
chip_gen: v7x
topology: tpu7x:2x2x1
jax: 0.10.2.dev20260603
libtpu: 0.0.44.dev20260713+nightly
codegen_flags: <defaults>
</compile_context>

<pallas_src>
import jax
import jax.numpy as jnp
import numpy as np
from jax import lax
from jax.experimental import pallas as pl
from jax.experimental.pallas import tpu as pltpu
from jax.experimental.pallas import tpu_sc as plsc

N = 50000
E = 800000
D = 64
H1, O1 = 4, 32
O2 = 256

NT = 51200
NH = NT // 2
ND = NH + 64
ET = 851968
EPS = ET // 16
C = 128
NCHUNK = EPS // C
CB = 64
NCHUNKB = EPS // CB
SLICE = NT // 16
HSLICE = NH // 16
BM = 512

_PERM = np.zeros((128,), np.int32)
for _q in range(2):
    for _o in range(32):
        for _p in range(2):
            _PERM[64 * _q + 2 * _o + _p] = (2 * _q + _p) * 32 + _o


def _f32(x):
    return lax.bitcast_convert_type(x, jnp.float32)


def _i32(x):
    return lax.bitcast_convert_type(x, jnp.int32)


def _hi(x):
    return _f32(x & jnp.int32(-65536))


def _lo(x):
    return _f32(lax.shift_left(x, 16))


def _pack2(a, b):
    return (_i32(a) & jnp.int32(-65536)) | lax.shift_right_logical(
        _i32(b), 16)


def _splat(v, j):
    idx = jnp.full((16,), j, dtype=jnp.int32)
    dnums = lax.GatherDimensionNumbers(
        offset_dims=(), collapsed_slice_dims=(0,), start_index_map=(0,))
    return lax.gather(v, idx[:, None], dnums, (1,),
                      mode=lax.GatherScatterMode.PROMISE_IN_BOUNDS)


_SC_PARAMS = pltpu.CompilerParams(needs_layout_passes=False)



def _t1_body(emb_ref, w1p_ref, q_ref, k_ref, h1n_ref, ts_ref, td_ref):
    x = emb_ref[...]
    h = jnp.dot(x, w1p_ref[...], preferred_element_type=jnp.float32)
    h1n_ref[...] = h
    a = []
    for hh in range(H1):
        a_s = jnp.sum(x * q_ref[hh][None, :], axis=1)
        a_d = jnp.sum(x * k_ref[hh][None, :], axis=1)
        a.append((a_s, a_d))
    ts_ref[0] = _pack2(a[0][0], a[1][0])
    td_ref[0] = _pack2(a[0][1], a[1][1])
    ts_ref[1] = _pack2(a[2][0], a[3][0])
    td_ref[1] = _pack2(a[2][1], a[3][1])


def _t1(embp, w1p, q1, k1):
    grid = (NT // BM,)
    return pl.pallas_call(
        _t1_body,
        grid=grid,
        in_specs=[
            pl.BlockSpec((BM, D), lambda i: (i, 0)),
            pl.BlockSpec((D, H1 * O1), lambda i: (0, 0)),
            pl.BlockSpec((H1, D), lambda i: (0, 0)),
            pl.BlockSpec((H1, D), lambda i: (0, 0)),
        ],
        out_specs=[
            pl.BlockSpec((BM, H1 * O1), lambda i: (i, 0)),
            pl.BlockSpec((2, BM), lambda i: (0, i)),
            pl.BlockSpec((2, BM), lambda i: (0, i)),
        ],
        out_shape=[
            jax.ShapeDtypeStruct((NT, H1 * O1), jnp.float32),
            jax.ShapeDtypeStruct((2, NT), jnp.int32),
            jax.ShapeDtypeStruct((2, NT), jnp.int32),
        ],
    )(embp, w1p, q1, k1)



def _k1a_body(srcp, dstp, ts, td, z1d,
              wout, den_out,
              tsb, tdb, srcb, dstb, wpb, dflushb, dens0, dens1):
    cid = lax.axis_index("c")
    sid = lax.axis_index("s")
    row0 = sid * SLICE

    pltpu.sync_copy(z1d, dflushb)
    pltpu.sync_copy(dflushb, dens0.at[pl.ds(row0, SLICE)])
    pltpu.sync_copy(dflushb, dens1.at[pl.ds(row0, SLICE)])

    pltpu.sync_copy(ts.at[cid], tsb)
    pltpu.sync_copy(td.at[cid], tdb)

    plsc.subcore_barrier()

    def chunk_body2(i, carry):
        off = sid * EPS + i * C
        pltpu.sync_copy(srcp.at[pl.ds(off, C)], srcb)
        pltpu.sync_copy(dstp.at[pl.ds(off, C)], dstb)
        for g in range(C // 16):
            q = g * 16
            s16 = srcb[pl.ds(q, 16)]
            d16 = dstb[pl.ds(q, 16)]
            ps = plsc.load_gather(tsb, [s16])
            pd = plsc.load_gather(tdb, [d16])
            x0 = _hi(ps) + _hi(pd)
            x1 = _lo(ps) + _lo(pd)
            w0 = jnp.exp(jnp.maximum(x0, 0.2 * x0))
            w1 = jnp.exp(jnp.maximum(x1, 0.2 * x1))
            r0 = _i32(w0) + jnp.int32(32768)
            r1 = _i32(w1) + jnp.int32(32768)
            wpb[pl.ds(q, 16)] = (r1 & jnp.int32(-65536)) | (
                lax.shift_right_logical(r0, 16))
            dflushb[pl.ds(q, 16)] = _f32(r0 & jnp.int32(-65536))
            dflushb[pl.ds(256 + q, 16)] = _f32(r1 & jnp.int32(-65536))
        pltpu.sync_copy(wpb, wout.at[cid].at[pl.ds(off, C)])
        pltpu.sync_copy(dflushb.at[pl.ds(0, C)], dens0.at[dstb], add=True)
        pltpu.sync_copy(dflushb.at[pl.ds(256, C)], dens1.at[dstb], add=True)
        return carry

    lax.fori_loop(0, NCHUNK, chunk_body2, 0)

    plsc.subcore_barrier()

    sl = pl.ds(row0, SLICE)
    h0 = cid * 2
    pltpu.sync_copy(dens0.at[sl], dflushb.at[pl.ds(0, SLICE)])
    pltpu.sync_copy(dflushb.at[pl.ds(0, SLICE)], den_out.at[h0].at[sl])
    pltpu.sync_copy(dens1.at[sl], dflushb.at[pl.ds(0, SLICE)])
    pltpu.sync_copy(dflushb.at[pl.ds(0, SLICE)], den_out.at[h0 + 1].at[sl])


def _k1a(srcp, dstp, ts, td, z1d):
    mesh = plsc.VectorSubcoreMesh(core_axis_name="c", subcore_axis_name="s")
    f = pl.kernel(
        _k1a_body,
        out_type=[
            jax.ShapeDtypeStruct((2, ET), jnp.int32),
            jax.ShapeDtypeStruct((H1, NT), jnp.float32),
        ],
        mesh=mesh,
        compiler_params=_SC_PARAMS,
        scratch_types=[
            pltpu.VMEM((NT,), jnp.int32),
            pltpu.VMEM((NT,), jnp.int32),
            pltpu.VMEM((C,), jnp.int32),
            pltpu.VMEM((C,), jnp.int32),
            pltpu.VMEM((C,), jnp.int32),
            pltpu.VMEM((SLICE,), jnp.float32),
            pltpu.VMEM_SHARED((NT,), jnp.float32),
            pltpu.VMEM_SHARED((NT,), jnp.float32),
        ],
    )
    return f(srcp, dstp, ts, td, z1d)



def _k1b_body(srcp, dstp, wq, h1n,
              agg_out,
              srcb, dstb, wpb, idxb, rowb, sbuf, zb,
              accs):
    cid = lax.axis_index("c")
    sid = lax.axis_index("s")
    row0 = sid * HSLICE
    col0 = cid * 64
    evenlane = (lax.iota(jnp.int32, 16) & 1) == 0
    zv = jnp.zeros((16,), jnp.float32)

    for r in range(64):
        for k in range(4):
            zb[r, pl.ds(k * 16, 16)] = zv

    for p in range(2):
        lo_node = p * NH
        for t in range(25):
            pltpu.sync_copy(zb, accs.at[pl.ds(row0 + t * 64, 64)])

        @pl.when(sid == 0)
        def _():
            pltpu.sync_copy(zb, accs.at[pl.ds(NH, 64)])

        plsc.subcore_barrier()

        def chunk_body(i, carry):
            off = sid * EPS + i * CB
            pltpu.sync_copy(srcp.at[pl.ds(off, CB)], srcb)
            pltpu.sync_copy(dstp.at[pl.ds(off, CB)], dstb)

            pltpu.sync_copy(wq.at[cid].at[pl.ds(off, CB)], wpb)
            for g in range(CB // 16):
                q = g * 16
                d16 = dstb[pl.ds(q, 16)]
                local = d16 - lo_node
                ok = (local >= 0) & (local < NH)
                dummy = jnp.int32(NH) + lax.iota(jnp.int32, 16) * 4 + g
                idxb[pl.ds(q, 16)] = jnp.where(ok, local, dummy)
            pltpu.sync_copy(h1n.at[srcb], rowb)
            for g in range(CB // 16):
                q = g * 16
                wp16 = wpb[pl.ds(q, 16)]
                for jj in range(16):
                    e = q + jj
                    sp = _splat(wp16, jj)
                    alt = jnp.where(evenlane, _lo(sp), _hi(sp))
                    for k in range(4):
                        sbuf[e, pl.ds(k * 16, 16)] = (
                            rowb[e, pl.ds(col0 + k * 16, 16)] * alt)
            pltpu.sync_copy(sbuf, accs.at[idxb], add=True)
            return carry

        lax.fori_loop(0, NCHUNKB, chunk_body, 0)

        plsc.subcore_barrier()

        for t in range(25):
            sl = pl.ds(row0 + t * 64, 64)
            pltpu.sync_copy(accs.at[sl], sbuf)
            pltpu.sync_copy(
                sbuf, agg_out.at[cid].at[pl.ds(lo_node + row0 + t * 64, 64)])

        plsc.subcore_barrier()


def _k1b(srcp, dstp, wq, h1n):
    mesh = plsc.VectorSubcoreMesh(core_axis_name="c", subcore_axis_name="s")
    f = pl.kernel(
        _k1b_body,
        out_type=jax.ShapeDtypeStruct((2, NT, 64), jnp.float32),
        mesh=mesh,
        compiler_params=_SC_PARAMS,
        scratch_types=[
            pltpu.VMEM((CB,), jnp.int32),
            pltpu.VMEM((CB,), jnp.int32),
            pltpu.VMEM((CB,), jnp.int32),
            pltpu.VMEM((CB,), jnp.int32),
            pltpu.VMEM((CB, H1 * O1), jnp.float32),
            pltpu.VMEM((CB, 64), jnp.float32),
            pltpu.VMEM((64, 64), jnp.float32),
            pltpu.VMEM_SHARED((ND, 64), jnp.float32),
        ],
    )
    return f(srcp, dstp, wq, h1n)



def _t2_body(agg_ref, den_ref, b1p_ref, v2p_ref, x1_ref, a2_ref):
    r = 1.0 / (den_ref[...] + 1e-16)
    m01 = jnp.stack([r[0], r[1]], axis=-1)
    m23 = jnp.stack([r[2], r[3]], axis=-1)
    m01 = jnp.broadcast_to(m01[:, None, :], (m01.shape[0], O1, 2))
    m23 = jnp.broadcast_to(m23[:, None, :], (m23.shape[0], O1, 2))
    m = jnp.concatenate([m01.reshape(-1, 2 * O1),
                         m23.reshape(-1, 2 * O1)], axis=1)
    x = agg_ref[...] * m + b1p_ref[...]
    x1 = jnp.where(x > 0, x, jnp.exp(x) - 1.0)
    x1_ref[...] = x1
    a2_ref[...] = jnp.dot(x1, v2p_ref[...],
                          preferred_element_type=jnp.float32)


def _t2(agg, den1, b1p, v2p):
    grid = (NT // BM,)
    return pl.pallas_call(
        _t2_body,
        grid=grid,
        in_specs=[
            pl.BlockSpec((BM, H1 * O1), lambda i: (i, 0)),
            pl.BlockSpec((H1, BM), lambda i: (0, i)),
            pl.BlockSpec((1, H1 * O1), lambda i: (0, 0)),
            pl.BlockSpec((H1 * O1, 2), lambda i: (0, 0)),
        ],
        out_specs=[
            pl.BlockSpec((BM, H1 * O1), lambda i: (i, 0)),
            pl.BlockSpec((BM, 2), lambda i: (i, 0)),
        ],
        out_shape=[
            jax.ShapeDtypeStruct((NT, H1 * O1), jnp.float32),
            jax.ShapeDtypeStruct((NT, 2), jnp.float32),
        ],
    )(agg, den1, b1p, v2p)



def _t3_body(c_ref, x1_ref, w2_ref, b2_ref, o_ref):
    y = jnp.dot(c_ref[...], x1_ref[...],
                preferred_element_type=jnp.float32)
    o_ref[...] = (y @ w2_ref[...]) * (1.0 / N) + b2_ref[...]


def _t3(c2, x1, w2p, b2):
    return pl.pallas_call(
        _t3_body,
        in_specs=[
            pl.BlockSpec((1, NT), lambda: (0, 0)),
            pl.BlockSpec((NT, H1 * O1), lambda: (0, 0)),
            pl.BlockSpec((H1 * O1, O2), lambda: (0, 0)),
            pl.BlockSpec((1, O2), lambda: (0, 0)),
        ],
        out_specs=pl.BlockSpec((1, O2), lambda: (0, 0)),
        out_shape=jax.ShapeDtypeStruct((1, O2), jnp.float32),
    )(c2, x1, w2p, b2)



def kernel(edge_index, emb, W1, att_src1, att_dst1, b1, W2, att_src2,
           att_dst2, b2):
    perm = jnp.asarray(_PERM)
    loop = jnp.arange(N, dtype=jnp.int32)
    npad = ET - (E + N)
    padv = (jnp.arange(npad, dtype=jnp.int32) & 63) + N
    srcp = jnp.concatenate([edge_index[0].astype(jnp.int32), loop, padv])
    dstp = jnp.concatenate([edge_index[1].astype(jnp.int32), loop, padv])

    embp = jnp.pad(emb, ((0, NT - N), (0, 0)))
    w1h = W1.reshape(D, H1, O1)
    q1 = jnp.einsum("dho,ho->hd", w1h, att_src1)
    k1 = jnp.einsum("dho,ho->hd", w1h, att_dst1)
    w1p = W1[:, perm]

    h1n, ts, td = _t1(embp, w1p, q1, k1)

    z1d = jnp.zeros((SLICE,), jnp.float32)
    wq, den1 = _k1a(srcp, dstp, ts, td, z1d)

    w0 = _lo(wq[0])
    w1 = _hi(wq[0])
    w2_ = _lo(wq[1])
    w3 = _hi(wq[1])
    wtr = jnp.stack([w0, w1, w2_, w3], axis=1)
    walt = wtr[:, jnp.asarray(_PERM) // O1]
    agg = jax.ops.segment_sum(h1n[srcp] * walt, dstp, num_segments=NT)

    b1p = b1[perm].reshape(1, H1 * O1)
    v2 = jnp.stack([W2 @ att_src2[0], W2 @ att_dst2[0]], axis=1)
    v2p = v2[perm, :]
    x1, a2 = _t2(agg, den1, b1p, v2p)

    src = srcp[:E + N]
    dst = dstp[:E + N]
    a2s, a2d = a2[:, 0], a2[:, 1]
    ew2 = jnp.exp(jax.nn.leaky_relu(a2s[src] + a2d[dst], 0.2))
    den2 = jax.ops.segment_sum(ew2, dst, num_segments=N)
    alpha2 = ew2 / (den2[dst] + 1e-16)
    c = jax.ops.segment_sum(alpha2, src, num_segments=N)
    c2 = jnp.pad(c, (0, NT - N)).reshape(1, NT)

    return _t3(c2, x1, W2[perm, :], b2.reshape(1, O2))

# --- scband reference (transcript-rebuilt; emitter-appended) ---
"""Pipeline reference for scband-graph-attention-network-45664092291725 (READ-ONLY COPY).

The authoritative reference and input builder live on the scoring server;
editing this copy changes nothing except your own understanding.
"""

import jax, jax.numpy as jnp
import numpy as np

N = 50000
E = 800000
D = 64
H1, O1 = 4, 32
O2 = 256


def gat_layer(x, edge_src, edge_dst, W, att_src, att_dst, bias, heads, out_dim, num_nodes):
    # PyG GATConv: h = x W, per-head additive attention with LeakyReLU(0.2),
    # softmax over incoming edges of each destination node, weighted sum aggregation.
    h = (x @ W).reshape(num_nodes, heads, out_dim)
    a_src = (h * att_src[None, :, :]).sum(-1)  # [N, heads]
    a_dst = (h * att_dst[None, :, :]).sum(-1)  # [N, heads]
    e = jax.nn.leaky_relu(a_src[edge_src] + a_dst[edge_dst], 0.2)  # [E, heads]
    m = jax.ops.segment_max(e, edge_dst, num_segments=num_nodes)
    m = jnp.where(jnp.isfinite(m), m, 0.0)
    ex = jnp.exp(e - m[edge_dst])
    denom = jax.ops.segment_sum(ex, edge_dst, num_segments=num_nodes)
    alpha = ex / (denom[edge_dst] + 1e-16)  # [E, heads]
    msg = h[edge_src] * alpha[:, :, None]  # [E, heads, out_dim]
    out = jax.ops.segment_sum(msg, edge_dst, num_segments=num_nodes)
    return out.reshape(num_nodes, heads * out_dim) + bias


def setup_inputs(seed: int = 0) -> dict:
    key = jax.random.key(seed)
    ks = jax.random.split(key, 10)
    edge_index = jax.random.randint(ks[0], (2, E), 0, N, dtype=jnp.int32)
    emb = jax.random.normal(ks[1], (N, D), dtype=jnp.float32) * 0.1
    W1 = jax.random.normal(ks[2], (D, H1 * O1), dtype=jnp.float32) * (1.0 / np.sqrt(D))
    att_src1 = jax.random.normal(ks[3], (H1, O1), dtype=jnp.float32) * 0.1
    att_dst1 = jax.random.normal(ks[4], (H1, O1), dtype=jnp.float32) * 0.1
    b1 = jnp.zeros((H1 * O1,), dtype=jnp.float32)
    W2 = jax.random.normal(ks[5], (H1 * O1, O2), dtype=jnp.float32) * (1.0 / np.sqrt(H1 * O1))
    att_src2 = jax.random.normal(ks[6], (1, O2), dtype=jnp.float32) * 0.1
    att_dst2 = jax.random.normal(ks[7], (1, O2), dtype=jnp.float32) * 0.1
    b2 = jnp.zeros((O2,), dtype=jnp.float32)
    return {"edge_index": edge_index, "emb": emb, "W1": W1, "att_src1": att_src1,
            "att_dst1": att_dst1, "b1": b1, "W2": W2, "att_src2": att_src2,
            "att_dst2": att_dst2, "b2": b2}


def reference(edge_index, emb, W1, att_src1, att_dst1, b1, W2, att_src2, att_dst2, b2):
    # node_embeddings(arange(N)) == full embedding table
    x = emb
    # PyG GATConv adds self-loops by default
    loop = jnp.arange(N, dtype=edge_index.dtype)
    src = jnp.concatenate([edge_index[0], loop])
    dst = jnp.concatenate([edge_index[1], loop])
    x = gat_layer(x, src, dst, W1, att_src1, att_dst1, b1, H1, O1, N)
    x = jax.nn.elu(x)
    # dropout is identity in eval mode
    x = gat_layer(x, src, dst, W2, att_src2, att_dst2, b2, 1, O2, N)
    graph_embedding = x.mean(axis=0, keepdims=True)  # [1, output_dim]
    return graph_embedding

if __name__ == "__main__":
    import jax
    _d = setup_inputs()
    print(jax.jit(kernel)(*tuple(_d.values())))

</pallas_src>

<mosaic_0001>
#map = affine_map<(d0, d1) -> (0)>
#map1 = affine_map<(d0, d1) -> (0, 0)>
module attributes {stable_mosaic.version = 14 : i64} {
  func.func @_k1a_body(%arg0: i32, %arg1: i32, %arg2: memref<851968xi32, #tpu.memory_space<hbm>>, %arg3: memref<851968xi32, #tpu.memory_space<hbm>>, %arg4: memref<2x51200xi32, #tpu.memory_space<hbm>>, %arg5: memref<2x51200xi32, #tpu.memory_space<hbm>>, %arg6: memref<3200xf32, #tpu.memory_space<hbm>>, %arg7: memref<2x851968xi32, #tpu.memory_space<hbm>>, %arg8: memref<4x51200xf32, #tpu.memory_space<hbm>>, %arg9: memref<51200xi32, #tpu.memory_space<vmem>>, %arg10: memref<51200xi32, #tpu.memory_space<vmem>>, %arg11: memref<128xi32, #tpu.memory_space<vmem>>, %arg12: memref<128xi32, #tpu.memory_space<vmem>>, %arg13: memref<128xi32, #tpu.memory_space<vmem>>, %arg14: memref<3200xf32, #tpu.memory_space<vmem>>, %arg15: memref<51200xf32, #tpu.memory_space<vmem_shared>>, %arg16: memref<51200xf32, #tpu.memory_space<vmem_shared>>) attributes {dimension_semantics = [#tpu.dimension_semantics<core_parallel>, #tpu.dimension_semantics<subcore_parallel>], iteration_bounds = array<i64: 2, 16>, scalar_prefetch = 0 : i64, scratch_operands = 8 : i64, tpu.core_type = #tpu.core_type<sc_vector_subcore>, window_params = [{transform_indices = #map}, {transform_indices = #map}, {transform_indices = #map1}, {transform_indices = #map1}, {transform_indices = #map}, {transform_indices = #map1}, {transform_indices = #map1}]} {
    %mul3A = arith.constant 3200 : i32
    %mul3A_0 = arith.muli %arg1, %mul3A : i32
    "tpu.region"() ({
      %run_scoped3A = tpu.sem_alloc : memref<!tpu.dma_semaphore, #tpu.memory_space<semaphore_mem>>
      tpu.enqueue_dma source(%arg6 : memref<3200xf32, #tpu.memory_space<hbm>>) target(%arg14 : memref<3200xf32, #tpu.memory_space<vmem>>) target_semaphore(%run_scoped3A : memref<!tpu.dma_semaphore, #tpu.memory_space<semaphore_mem>>)
      tpu.wait_dma2 semaphore(%run_scoped3A : memref<!tpu.dma_semaphore, #tpu.memory_space<semaphore_mem>>) src(%arg6 : memref<3200xf32, #tpu.memory_space<hbm>>) dst(%arg14 : memref<3200xf32, #tpu.memory_space<vmem>>)
      tpu.yield
    }) : () -> ()
    "tpu.region"() ({
      %run_scoped3A = tpu.sem_alloc : memref<!tpu.dma_semaphore, #tpu.memory_space<semaphore_mem>>
      %dma_start3A = tpu.memref_slice %arg15[%mul3A_0] : memref<51200xf32, #tpu.memory_space<vmem_shared>> -> memref<3200xf32, #tpu.memory_space<vmem_shared>>
      %dma_start3A_10 = tpu.memref_slice %arg15[%mul3A_0] : memref<51200xf32, #tpu.memory_space<vmem_shared>> -> memref<3200xf32, #tpu.memory_space<vmem_shared>>
      tpu.enqueue_dma source(%arg14 : memref<3200xf32, #tpu.memory_space<vmem>>) target(%dma_start3A_10 : memref<3200xf32, #tpu.memory_space<vmem_shared>>) target_semaphore(%run_scoped3A : memref<!tpu.dma_semaphore, #tpu.memory_space<semaphore_mem>>)
      %dma_wait3A = tpu.memref_slice %arg15[%mul3A_0] : memref<51200xf32, #tpu.memory_space<vmem_shared>> -> memref<3200xf32, #tpu.memory_space<vmem_shared>>
      %dma_wait3A_11 = tpu.memref_slice %arg15[%mul3A_0] : memref<51200xf32, #tpu.memory_space<vmem_shared>> -> memref<3200xf32, #tpu.memory_space<vmem_shared>>
      tpu.wait_dma2 semaphore(%run_scoped3A : memref<!tpu.dma_semaphore, #tpu.memory_space<semaphore_mem>>) src(%arg14 : memref<3200xf32, #tpu.memory_space<vmem>>) dst(%dma_wait3A_11 : memref<3200xf32, #tpu.memory_space<vmem_shared>>)
      tpu.yield
    }) : () -> ()
    "tpu.region"() ({
      %run_scoped3A = tpu.sem_alloc : memref<!tpu.dma_semaphore, #tpu.memory_space<semaphore_mem>>
      %dma_start3A = tpu.memref_slice %arg16[%mul3A_0] : memref<51200xf32, #tpu.memory_space<vmem_shared>> -> memref<3200xf32, #tpu.memory_space<vmem_shared>>
      %dma_start3A_10 = tpu.memref_slice %arg16[%mul3A_0] : memref<51200xf32, #tpu.memory_space<vmem_shared>> -> memref<3200xf32, #tpu.memory_space<vmem_shared>>
      tpu.enqueue_dma source(%arg14 : memref<3200xf32, #tpu.memory_space<vmem>>) target(%dma_start3A_10 : memref<3200xf32, #tpu.memory_space<vmem_shared>>) target_semaphore(%run_scoped3A : memref<!tpu.dma_semaphore, #tpu.memory_space<semaphore_mem>>)
      %dma_wait3A = tpu.memref_slice %arg16[%mul3A_0] : memref<51200xf32, #tpu.memory_space<vmem_shared>> -> memref<3200xf32, #tpu.memory_space<vmem_shared>>
      %dma_wait3A_11 = tpu.memref_slice %arg16[%mul3A_0] : memref<51200xf32, #tpu.memory_space<vmem_shared>> -> memref<3200xf32, #tpu.memory_space<vmem_shared>>
      tpu.wait_dma2 semaphore(%run_scoped3A : memref<!tpu.dma_semaphore, #tpu.memory_space<semaphore_mem>>) src(%arg14 : memref<3200xf32, #tpu.memory_space<vmem>>) dst(%dma_wait3A_11 : memref<3200xf32, #tpu.memory_space<vmem_shared>>)
      tpu.yield
    }) : () -> ()
    "tpu.region"() ({
      %run_scoped3A = tpu.sem_alloc : memref<!tpu.dma_semaphore, #tpu.memory_space<semaphore_mem>>
      %dma_start3A = arith.constant 0 : i32
      %dma_start3A_10 = tpu.memref_slice %arg4[%arg0, %dma_start3A] : memref<2x51200xi32, #tpu.memory_space<hbm>> -> memref<1x51200xi32, #tpu.memory_space<hbm>>
      %dma_start3A_11 = tpu.memref_squeeze %dma_start3A_10 : memref<1x51200xi32, #tpu.memory_space<hbm>> -> memref<51200xi32, #tpu.memory_space<hbm>>
      %dma_start3A_12 = arith.constant 0 : i32
      %dma_start3A_13 = tpu.memref_slice %arg4[%arg0, %dma_start3A_12] : memref<2x51200xi32, #tpu.memory_space<hbm>> -> memref<1x51200xi32, #tpu.memory_space<hbm>>
      %dma_start3A_14 = tpu.memref_squeeze %dma_start3A_13 : memref<1x51200xi32, #tpu.memory_space<hbm>> -> memref<51200xi32, #tpu.memory_space<hbm>>
      tpu.enqueue_dma source(%dma_start3A_14 : memref<51200xi32, #tpu.memory_space<hbm>>) target(%arg9 : memref<51200xi32, #tpu.memory_space<vmem>>) target_semaphore(%run_scoped3A : memref<!tpu.dma_semaphore, #tpu.memory_space<semaphore_mem>>)
      %dma_wait3A = arith.constant 0 : i32
      %dma_wait3A_15 = tpu.memref_slice %arg4[%arg0, %dma_wait3A] : memref<2x51200xi32, #tpu.memory_space<hbm>> -> memref<1x51200xi32, #tpu.memory_space<hbm>>
      %dma_wait3A_16 = tpu.memref_squeeze %dma_wait3A_15 : memref<1x51200xi32, #tpu.memory_space<hbm>> -> memref<51200xi32, #tpu.memory_space<hbm>>
      %dma_wait3A_17 = arith.constant 0 : i32
      %dma_wait3A_18 = tpu.memref_slice %arg4[%arg0, %dma_wait3A_17] : memref<2x51200xi32, #tpu.memory_space<hbm>> -> memref<1x51200xi32, #tpu.memory_space<hbm>>
      %dma_wait3A_19 = tpu.memref_squeeze %dma_wait3A_18 : memref<1x51200xi32, #tpu.memory_space<hbm>> -> memref<51200xi32, #tpu.memory_space<hbm>>
      tpu.wait_dma2 semaphore(%run_scoped3A : memref<!tpu.dma_semaphore, #tpu.memory_space<semaphore_mem>>) src(%dma_wait3A_19 : memref<51200xi32, #tpu.memory_space<hbm>>) dst(%arg9 : memref<51200xi32, #tpu.memory_space<vmem>>)
      tpu.yield
    }) : () -> ()
    "tpu.region"() ({
      %run_scoped3A = tpu.sem_alloc : memref<!tpu.dma_semaphore, #tpu.memory_space<semaphore_mem>>
      %dma_start3A = arith.constant 0 : i32
      %dma_start3A_10 = tpu.memref_slice %arg5[%arg0, %dma_start3A] : memref<2x51200xi32, #tpu.memory_space<hbm>> -> memref<1x51200xi32, #tpu.memory_space<hbm>>
      %dma_start3A_11 = tpu.memref_squeeze %dma_start3A_10 : memref<1x51200xi32, #tpu.memory_space<hbm>> -> memref<51200xi32, #tpu.memory_space<hbm>>
      %dma_start3A_12 = arith.constant 0 : i32
      %dma_start3A_13 = tpu.memref_slice %arg5[%arg0, %dma_start3A_12] : memref<2x51200xi32, #tpu.memory_space<hbm>> -> memref<1x51200xi32, #tpu.memory_space<hbm>>
      %dma_start3A_14 = tpu.memref_squeeze %dma_start3A_13 : memref<1x51200xi32, #tpu.memory_space<hbm>> -> memref<51200xi32, #tpu.memory_space<hbm>>
      tpu.enqueue_dma source(%dma_start3A_14 : memref<51200xi32, #tpu.memory_space<hbm>>) target(%arg10 : memref<51200xi32, #tpu.memory_space<vmem>>) target_semaphore(%run_scoped3A : memref<!tpu.dma_semaphore, #tpu.memory_space<semaphore_mem>>)
      %dma_wait3A = arith.constant 0 : i32
      %dma_wait3A_15 = tpu.memref_slice %arg5[%arg0, %dma_wait3A] : memref<2x51200xi32, #tpu.memory_space<hbm>> -> memref<1x51200xi32, #tpu.memory_space<hbm>>
      %dma_wait3A_16 = tpu.memref_squeeze %dma_wait3A_15 : memref<1x51200xi32, #tpu.memory_space<hbm>> -> memref<51200xi32, #tpu.memory_space<hbm>>
      %dma_wait3A_17 = arith.constant 0 : i32
      %dma_wait3A_18 = tpu.memref_slice %arg5[%arg0, %dma_wait3A_17] : memref<2x51200xi32, #tpu.memory_space<hbm>> -> memref<1x51200xi32, #tpu.memory_space<hbm>>
      %dma_wait3A_19 = tpu.memref_squeeze %dma_wait3A_18 : memref<1x51200xi32, #tpu.memory_space<hbm>> -> memref<51200xi32, #tpu.memory_space<hbm>>
      tpu.wait_dma2 semaphore(%run_scoped3A : memref<!tpu.dma_semaphore, #tpu.memory_space<semaphore_mem>>) src(%dma_wait3A_19 : memref<51200xi32, #tpu.memory_space<hbm>>) dst(%arg10 : memref<51200xi32, #tpu.memory_space<vmem>>)
      tpu.yield
    }) : () -> ()
    %barrier3A = arith.constant 0 : index
    tpu.barrier barrier_id(%barrier3A)
    %scan3A = arith.constant 0 : i32
    %scan3A_1 = arith.constant 0 : i32
    %scan3A_2 = arith.constant 416 : i32
    %scan3A_3 = arith.addi %scan3A_1, %scan3A_2 : i32
    %scan3A_4 = arith.constant 1 : i32
    scf.for %scan3A_10 = %scan3A_1 to %scan3A_3 step %scan3A_4  : i32 {
      %mul3A_11 = arith.constant 53248 : i32
      %mul3A_12 = arith.muli %arg1, %mul3A_11 : i32
      %mul3A_13 = arith.constant 128 : i32
      %mul3A_14 = arith.muli %scan3A_10, %mul3A_13 : i32
      %add3A_15 = arith.addi %mul3A_12, %mul3A_14 : i32
      "tpu.region"() ({
        %run_scoped3A = tpu.sem_alloc : memref<!tpu.dma_semaphore, #tpu.memory_space<semaphore_mem>>
        %dma_start3A = tpu.memref_slice %arg2[%add3A_15] : memref<851968xi32, #tpu.memory_space<hbm>> -> memref<128xi32, #tpu.memory_space<hbm>>
        %dma_start3A_510 = tpu.memref_slice %arg2[%add3A_15] : memref<851968xi32, #tpu.memory_space<hbm>> -> memref<128xi32, #tpu.memory_space<hbm>>
        tpu.enqueue_dma source(%dma_start3A_510 : memref<128xi32, #tpu.memory_space<hbm>>) target(%arg11 : memref<128xi32, #tpu.memory_space<vmem>>) target_semaphore(%run_scoped3A : memref<!tpu.dma_semaphore, #tpu.memory_space<semaphore_mem>>)
        %dma_wait3A = tpu.memref_slice %arg2[%add3A_15] : memref<851968xi32, #tpu.memory_space<hbm>> -> memref<128xi32, #tpu.memory_space<hbm>>
        %dma_wait3A_511 = tpu.memref_slice %arg2[%add3A_15] : memref<851968xi32, #tpu.memory_space<hbm>> -> memref<128xi32, #tpu.memory_space<hbm>>
        tpu.wait_dma2 semaphore(%run_scoped3A : memref<!tpu.dma_semaphore, #tpu.memory_space<semaphore_mem>>) src(%dma_wait3A_511 : memref<128xi32, #tpu.memory_space<hbm>>) dst(%arg11 : memref<128xi32, #tpu.memory_space<vmem>>)
        tpu.yield
      }) : () -> ()
      "tpu.region"() ({
        %run_scoped3A = tpu.sem_alloc : memref<!tpu.dma_semaphore, #tpu.memory_space<semaphore_mem>>
        %dma_start3A = tpu.memref_slice %arg3[%add3A_15] : memref<851968xi32, #tpu.memory_space<hbm>> -> memref<128xi32, #tpu.memory_space<hbm>>
        %dma_start3A_510 = tpu.memref_slice %arg3[%add3A_15] : memref<851968xi32, #tpu.memory_space<hbm>> -> memref<128xi32, #tpu.memory_space<hbm>>
        tpu.enqueue_dma source(%dma_start3A_510 : memref<128xi32, #tpu.memory_space<hbm>>) target(%arg12 : memref<128xi32, #tpu.memory_space<vmem>>) target_semaphore(%run_scoped3A : memref<!tpu.dma_semaphore, #tpu.memory_space<semaphore_mem>>)
        %dma_wait3A = tpu.memref_slice %arg3[%add3A_15] : memref<851968xi32, #tpu.memory_space<hbm>> -> memref<128xi32, #tpu.memory_space<hbm>>
        %dma_wait3A_511 = tpu.memref_slice %arg3[%add3A_15] : memref<851968xi32, #tpu.memory_space<hbm>> -> memref<128xi32, #tpu.memory_space<hbm>>
        tpu.wait_dma2 semaphore(%run_scoped3A : memref<!tpu.dma_semaphore, #tpu.memory_space<semaphore_mem>>) src(%dma_wait3A_511 : memref<128xi32, #tpu.memory_space<hbm>>) dst(%arg12 : memref<128xi32, #tpu.memory_space<vmem>>)
        tpu.yield
      }) : () -> ()
      %get3A = arith.constant 0 : index
      %get3A_16 = tpu.vector_load %arg11[%get3A] {strides = array<i32>} : memref<128xi32, #tpu.memory_space<vmem>>, vector<16xi32>,
      %get3A_17 = arith.constant 0 : index
      %get3A_18 = tpu.vector_load %arg12[%get3A_17] {strides = array<i32>} : memref<128xi32, #tpu.memory_space<vmem>>, vector<16xi32>,
      %gather3A = tpu.vector_load_idx %arg9[%get3A_16] : memref<51200xi32, #tpu.memory_space<vmem>>[vector<16xi32>], vector<16xi32>,
      %gather3A_19 = tpu.vector_load_idx %arg10[%get3A_18] : memref<51200xi32, #tpu.memory_space<vmem>>[vector<16xi32>], vector<16xi32>,
      %and3A = arith.constant -65536 : i32
      %and3A_20 = vector.broadcast %and3A : i32 to vector<16xi32>
      %and3A_21 = arith.andi %gather3A, %and3A_20 : vector<16xi32>
      %bitcast_convert_type3A = tpu.bitcast %and3A_21 : vector<16xi32> -> vector<16xf32>
      %and3A_22 = arith.constant -65536 : i32
      %and3A_23 = vector.broadcast %and3A_22 : i32 to vector<16xi32>
      %and3A_24 = arith.andi %gather3A_19, %and3A_23 : vector<16xi32>
      %bitcast_convert_type3A_25 = tpu.bitcast %and3A_24 : vector<16xi32> -> vector<16xf32>
      %add3A_26 = arith.addf %bitcast_convert_type3A, %bitcast_convert_type3A_25 : vector<16xf32>
      %shift_left3A = arith.constant 16 : i32
      %shift_left3A_27 = vector.broadcast %shift_left3A : i32 to vector<16xi32>
      %shift_left3A_28 = arith.shli %gather3A, %shift_left3A_27 : vector<16xi32>
      %bitcast_convert_type3A_29 = tpu.bitcast %shift_left3A_28 : vector<16xi32> -> vector<16xf32>
      %shift_left3A_30 = arith.constant 16 : i32
      %shift_left3A_31 = vector.broadcast %shift_left3A_30 : i32 to vector<16xi32>
      %shift_left3A_32 = arith.shli %gather3A_19, %shift_left3A_31 : vector<16xi32>
      %bitcast_convert_type3A_33 = tpu.bitcast %shift_left3A_32 : vector<16xi32> -> vector<16xf32>
      %add3A_34 = arith.addf %bitcast_convert_type3A_29, %bitcast_convert_type3A_33 : vector<16xf32>
      %mul3A_35 = arith.constant 2.000000e-01 : f32
      %mul3A_36 = vector.broadcast %mul3A_35 : f32 to vector<16xf32>
      %mul3A_37 = arith.mulf %mul3A_36, %add3A_26 : vector<16xf32>
      %max3A = arith.maximumf %add3A_26, %mul3A_37 : vector<16xf32>
      %exp3A = math.exp %max3A : vector<16xf32>
      %mul3A_38 = arith.constant 2.000000e-01 : f32
      %mul3A_39 = vector.broadcast %mul3A_38 : f32 to vector<16xf32>
      %mul3A_40 = arith.mulf %mul3A_39, %add3A_34 : vector<16xf32>
      %max3A_41 = arith.maximumf %add3A_34, %mul3A_40 : vector<16xf32>
      %exp3A_42 = math.exp %max3A_41 : vector<16xf32>
      %bitcast_convert_type3A_43 = tpu.bitcast %exp3A : vector<16xf32> -> vector<16xi32>
      %add3A_44 = arith.constant 32768 : i32
      %add3A_45 = vector.broadcast %add3A_44 : i32 to vector<16xi32>
      %add3A_46 = arith.addi %bitcast_convert_type3A_43, %add3A_45 : vector<16xi32>
      %bitcast_convert_type3A_47 = tpu.bitcast %exp3A_42 : vector<16xf32> -> vector<16xi32>
      %add3A_48 = arith.constant 32768 : i32
      %add3A_49 = vector.broadcast %add3A_48 : i32 to vector<16xi32>
      %add3A_50 = arith.addi %bitcast_convert_type3A_47, %add3A_49 : vector<16xi32>
      %and3A_51 = arith.constant -65536 : i32
      %and3A_52 = vector.broadcast %and3A_51 : i32 to vector<16xi32>
      %and3A_53 = arith.andi %add3A_50, %and3A_52 : vector<16xi32>
      %shift_right_logical3A = arith.constant 16 : i32
      %shift_right_logical3A_54 = vector.broadcast %shift_right_logical3A : i32 to vector<16xi32>
      %shift_right_logical3A_55 = arith.shrui %add3A_46, %shift_right_logical3A_54 : vector<16xi32>
      %or3A = arith.ori %and3A_53, %shift_right_logical3A_55 : vector<16xi32>
      %swap3A = arith.constant 0 : index
      %swap3A_56 = tpu.vector_load %arg13[%swap3A] {strides = array<i32>} : memref<128xi32, #tpu.memory_space<vmem>>, vector<16xi32>,
      tpu.vector_store %arg13[%swap3A], %or3A {strides = array<i32>} : memref<128xi32, #tpu.memory_space<vmem>>, vector<16xi32>,
      %and3A_57 = arith.constant -65536 : i32
      %and3A_58 = vector.broadcast %and3A_57 : i32 to vector<16xi32>
      %and3A_59 = arith.andi %add3A_46, %and3A_58 : vector<16xi32>
      %bitcast_convert_type3A_60 = tpu.bitcast %and3A_59 : vector<16xi32> -> vector<16xf32>
      %swap3A_61 = arith.constant 0 : index
      %swap3A_62 = tpu.vector_load %arg14[%swap3A_61] {strides = array<i32>} : memref<3200xf32, #tpu.memory_space<vmem>>, vector<16xf32>,
      tpu.vector_store %arg14[%swap3A_61], %bitcast_convert_type3A_60 {strides = array<i32>} : memref<3200xf32, #tpu.memory_space<vmem>>, vector<16xf32>,
      %and3A_63 = arith.constant -65536 : i32
      %and3A_64 = vector.broadcast %and3A_63 : i32 to vector<16xi32>
      %and3A_65 = arith.andi %add3A_50, %and3A_64 : vector<16xi32>
      %bitcast_convert_type3A_66 = tpu.bitcast %and3A_65 : vector<16xi32> -> vector<16xf32>
      %swap3A_67 = arith.constant 256 : index
      %swap3A_68 = tpu.vector_load %arg14[%swap3A_67] {strides = array<i32>} : memref<3200xf32, #tpu.memory_space<vmem>>, vector<16xf32>,
      tpu.vector_store %arg14[%swap3A_67], %bitcast_convert_type3A_66 {strides = array<i32>} : memref<3200xf32, #tpu.memory_space<vmem>>, vector<16xf32>,
      %get3A_69 = arith.constant 16 : index
      %get3A_70 = tpu.vector_load %arg11[%get3A_69] {strides = array<i32>} : memref<128xi32, #tpu.memory_space<vmem>>, vector<16xi32>,
      %get3A_71 = arith.constant 16 : index
      %get3A_72 = tpu.vector_load %arg12[%get3A_71] {strides = array<i32>} : memref<128xi32, #tpu.memory_space<vmem>>, vector<16xi32>,
      %gather3A_73 = tpu.vector_load_idx %arg9[%get3A_70] : memref<51200xi32, #tpu.memory_space<vmem>>[vector<16xi32>], vector<16xi32>,
      %gather3A_74 = tpu.vector_load_idx %arg10[%get3A_72] : memref<51200xi32, #tpu.memory_space<vmem>>[vector<16xi32>], vector<16xi32>,
      %and3A_75 = arith.constant -65536 : i32
      %and3A_76 = vector.broadcast %and3A_75 : i32 to vector<16xi32>
      %and3A_77 = arith.andi %gather3A_73, %and3A_76 : vector<16xi32>
      %bitcast_convert_type3A_78 = tpu.bitcast %and3A_77 : vector<16xi32> -> vector<16xf32>
      %and3A_79 = arith.constant -65536 : i32
      %and3A_80 = vector.broadcast %and3A_79 : i32 to vector<16xi32>
      %and3A_81 = arith.andi %gather3A_74, %and3A_80 : vector<16xi32>
      %bitcast_convert_type3A_82 = tpu.bitcast %and3A_81 : vector<16xi32> -> vector<16xf32>
      %add3A_83 = arith.addf %bitcast_convert_type3A_78, %bitcast_convert_type3A_82 : vector<16xf32>
      %shift_left3A_84 = arith.constant 16 : i32
      %shift_left3A_85 = vector.broadcast %shift_left3A_84 : i32 to vector<16xi32>
      %shift_left3A_86 = arith.shli %gather3A_73, %shift_left3A_85 : vector<16xi32>
      %bitcast_convert_type3A_87 = tpu.bitcast %shift_left3A_86 : vector<16xi32> -> vector<16xf32>
      %shift_left3A_88 = arith.constant 16 : i32
      %shift_left3A_89 = vector.broadcast %shift_left3A_88 : i32 to vector<16xi32>
      %shift_left3A_90 = arith.shli %gather3A_74, %shift_left3A_89 : vector<16xi32>
      %bitcast_convert_type3A_91 = tpu.bitcast %shift_left3A_90 : vector<16xi32> -> vector<16xf32>
      %add3A_92 = arith.addf %bitcast_convert_type3A_87, %bitcast_convert_type3A_91 : vector<16xf32>
      %mul3A_93 = arith.constant 2.000000e-01 : f32
      %mul3A_94 = vector.broadcast %mul3A_93 : f32 to vector<16xf32>
      %mul3A_95 = arith.mulf %mul3A_94, %add3A_83 : vector<16xf32>
      %max3A_96 = arith.maximumf %add3A_83, %mul3A_95 : vector<16xf32>
      %exp3A_97 = math.exp %max3A_96 : vector<16xf32>
      %mul3A_98 = arith.constant 2.000000e-01 : f32
      %mul3A_99 = vector.broadcast %mul3A_98 : f32 to vector<16xf32>
      %mul3A_100 = arith.mulf %mul3A_99, %add3A_92 : vector<16xf32>
      %max3A_101 = arith.maximumf %add3A_92, %mul3A_100 : vector<16xf32>
      %exp3A_102 = math.exp %max3A_101 : vector<16xf32>
      %bitcast_convert_type3A_103 = tpu.bitcast %exp3A_97 : vector<16xf32> -> vector<16xi32>
      %add3A_104 = arith.constant 32768 : i32
      %add3A_105 = vector.broadcast %add3A_104 : i32 to vector<16xi32>
      %add3A_106 = arith.addi %bitcast_convert_type3A_103, %add3A_105 : vector<16xi32>
      %bitcast_convert_type3A_107 = tpu.bitcast %exp3A_102 : vector<16xf32> -> vector<16xi32>
      %add3A_108 = arith.constant 32768 : i32
      %add3A_109 = vector.broadcast %add3A_108 : i32 to vector<16xi32>
      %add3A_110 = arith.addi %bitcast_convert_type3A_107, %add3A_109 : vector<16xi32>
      %and3A_111 = arith.constant -65536 : i32
      %and3A_112 = vector.broadcast %and3A_111 : i32 to vector<16xi32>
      %and3A_113 = arith.andi %add3A_110, %and3A_112 : vector<16xi32>
      %shift_right_logical3A_114 = arith.constant 16 : i32
      %shift_right_logical3A_115 = vector.broadcast %shift_right_logical3A_114 : i32 to vector<16xi32>
      %shift_right_logical3A_116 = arith.shrui %add3A_106, %shift_right_logical3A_115 : vector<16xi32>
      %or3A_117 = arith.ori %and3A_113, %shift_right_logical3A_116 : vector<16xi32>
      %swap3A_118 = arith.constant 16 : index
      %swap3A_119 = tpu.vector_load %arg13[%swap3A_118] {strides = array<i32>} : memref<128xi32, #tpu.memory_space<vmem>>, vector<16xi32>,
      tpu.vector_store %arg13[%swap3A_118], %or3A_117 {strides = array<i32>} : memref<128xi32, #tpu.memory_space<vmem>>, vector<16xi32>,
      %and3A_120 = arith.constant -65536 : i32
      %and3A_121 = vector.broadcast %and3A_120 : i32 to vector<16xi32>
      %and3A_122 = arith.andi %add3A_106, %and3A_121 : vector<16xi32>
      %bitcast_convert_type3A_123 = tpu.bitcast %and3A_122 : vector<16xi32> -> vector<16xf32>
      %swap3A_124 = arith.constant 16 : index
      %swap3A_125 = tpu.vector_load %arg14[%swap3A_124] {strides = array<i32>} : memref<3200xf32, #tpu.memory_space<vmem>>, vector<16xf32>,
      tpu.vector_store %arg14[%swap3A_124], %bitcast_convert_type3A_123 {strides = array<i32>} : memref<3200xf32, #tpu.memory_space<vmem>>, vector<16xf32>,
      %and3A_126 = arith.constant -65536 : i32
      %and3A_127 = vector.broadcast %and3A_126 : i32 to vector<16xi32>
      %and3A_128 = arith.andi %add3A_110, %and3A_127 : vector<16xi32>
      %bitcast_convert_type3A_129 = tpu.bitcast %and3A_128 : vector<16xi32> -> vector<16xf32>
      %swap3A_130 = arith.constant 272 : index
      %swap3A_131 = tpu.vector_load %arg14[%swap3A_130] {strides = array<i32>} : memref<3200xf32, #tpu.memory_space<vmem>>, vector<16xf32>,
      tpu.vector_store %arg14[%swap3A_130], %bitcast_convert_type3A_129 {strides = array<i32>} : memref<3200xf32, #tpu.memory_space<vmem>>, vector<16xf32>,
      %get3A_132 = arith.constant 32 : index
      %get3A_133 = tpu.vector_load %arg11[%get3A_132] {strides = array<i32>} : memref<128xi32, #tpu.memory_space<vmem>>, vector<16xi32>,
      %get3A_134 = arith.constant 32 : index
      %get3A_135 = tpu.vector_load %arg12[%get3A_134] {strides = array<i32>} : memref<128xi32, #tpu.memory_space<vmem>>, vector<16xi32>,
      %gather3A_136 = tpu.vector_load_idx %arg9[%get3A_133] : memref<51200xi32, #tpu.memory_space<vmem>>[vector<16xi32>], vector<16xi32>,
      %gather3A_137 = tpu.vector_load_idx %arg10[%get3A_135] : memref<51200xi32, #tpu.memory_space<vmem>>[vector<16xi32>], vector<16xi32>,
      %and3A_138 = arith.constant -65536 : i32
      %and3A_139 = vector.broadcast %and3A_138 : i32 to vector<16xi32>
      %and3A_140 = arith.andi %gather3A_136, %and3A_139 : vector<16xi32>
      %bitcast_convert_type3A_141 = tpu.bitcast %and3A_140 : vector<16xi32> -> vector<16xf32>
      %and3A_142 = arith.constant -65536 : i32
      %and3A_143 = vector.broadcast %and3A_142 : i32 to vector<16xi32>
      %and3A_144 = arith.andi %gather3A_137, %and3A_143 : vector<16xi32>
      %bitcast_convert_type3A_145 = tpu.bitcast %and3A_144 : vector<16xi32> -> vector<16xf32>
      %add3A_146 = arith.addf %bitcast_convert_type3A_141, %bitcast_convert_type3A_145 : vector<16xf32>
      %shift_left3A_147 = arith.constant 16 : i32
      %shift_left3A_148 = vector.broadcast %shift_left3A_147 : i32 to vector<16xi32>
      %shift_left3A_149 = arith.shli %gather3A_136, %shift_left3A_148 : vector<16xi32>
      %bitcast_convert_type3A_150 = tpu.bitcast %shift_left3A_149 : vector<16xi32> -> vector<16xf32>
      %shift_left3A_151 = arith.constant 16 : i32
      %shift_left3A_152 = vector.broadcast %shift_left3A_151 : i32 to vector<16xi32>
      %shift_left3A_153 = arith.shli %gather3A_137, %shift_left3A_152 : vector<16xi32>
      %bitcast_convert_type3A_154 = tpu.bitcast %shift_left3A_153 : vector<16xi32> -> vector<16xf32>
      %add3A_155 = arith.addf %bitcast_convert_type3A_150, %bitcast_convert_type3A_154 : vector<16xf32>
      %mul3A_156 = arith.constant 2.000000e-01 : f32
      %mul3A_157 = vector.broadcast %mul3A_156 : f32 to vector<16xf32>
      %mul3A_158 = arith.mulf %mul3A_157, %add3A_146 : vector<16xf32>
      %max3A_159 = arith.maximumf %add3A_146, %mul3A_158 : vector<16xf32>
      %exp3A_160 = math.exp %max3A_159 : vector<16xf32>
      %mul3A_161 = arith.constant 2.000000e-01 : f32
      %mul3A_162 = vector.broadcast %mul3A_161 : f32 to vector<16xf32>
      %mul3A_163 = arith.mulf %mul3A_162, %add3A_155 : vector<16xf32>
      %max3A_164 = arith.maximumf %add3A_155, %mul3A_163 : vector<16xf32>
      %exp3A_165 = math.exp %max3A_164 : vector<16xf32>
      %bitcast_convert_type3A_166 = tpu.bitcast %exp3A_160 : vector<16xf32> -> vector<16xi32>
      %add3A_167 = arith.constant 32768 : i32
      %add3A_168 = vector.broadcast %add3A_167 : i32 to vector<16xi32>
      %add3A_169 = arith.addi %bitcast_convert_type3A_166, %add3A_168 : vector<16xi32>
      %bitcast_convert_type3A_170 = tpu.bitcast %exp3A_165 : vector<16xf32> -> vector<16xi32>
      %add3A_171 = arith.constant 32768 : i32
      %add3A_172 = vector.broadcast %add3A_171 : i32 to vector<16xi32>
      %add3A_173 = arith.addi %bitcast_convert_type3A_170, %add3A_172 : vector<16xi32>
      %and3A_174 = arith.constant -65536 : i32
      %and3A_175 = vector.broadcast %and3A_174 : i32 to vector<16xi32>
      %and3A_176 = arith.andi %add3A_173, %and3A_175 : vector<16xi32>
      %shift_right_logical3A_177 = arith.constant 16 : i32
      %shift_right_logical3A_178 = vector.broadcast %shift_right_logical3A_177 : i32 to vector<16xi32>
      %shift_right_logical3A_179 = arith.shrui %add3A_169, %shift_right_logical3A_178 : vector<16xi32>
      %or3A_180 = arith.ori %and3A_176, %shift_right_logical3A_179 : vector<16xi32>
      %swap3A_181 = arith.constant 32 : index
      %swap3A_182 = tpu.vector_load %arg13[%swap3A_181] {strides = array<i32>} : memref<128xi32, #tpu.memory_space<vmem>>, vector<16xi32>,
      tpu.vector_store %arg13[%swap3A_181], %or3A_180 {strides = array<i32>} : memref<128xi32, #tpu.memory_space<vmem>>, vector<16xi32>,
      %and3A_183 = arith.constant -65536 : i32
      %and3A_184 = vector.broadcast %and3A_183 : i32 to vector<16xi32>
      %and3A_185 = arith.andi %add3A_169, %and3A_184 : vector<16xi32>
      %bitcast_convert_type3A_186 = tpu.bitcast %and3A_185 : vector<16xi32> -> vector<16xf32>
      %swap3A_187 = arith.constant 32 : index
      %swap3A_188 = tpu.vector_load %arg14[%swap3A_187] {strides = array<i32>} : memref<3200xf32, #tpu.memory_space<vmem>>, vector<16xf32>,
      tpu.vector_store %arg14[%swap3A_187], %bitcast_convert_type3A_186 {strides = array<i32>} : memref<3200xf32, #tpu.memory_space<vmem>>, vector<16xf32>,
      %and3A_189 = arith.constant -65536 : i32
      %and3A_190 = vector.broadcast %and3A_189 : i32 to vector<16xi32>
      %and3A_191 = arith.andi %add3A_173, %and3A_190 : vector<16xi32>
      %bitcast_convert_type3A_192 = tpu.bitcast %and3A_191 : vector<16xi32> -> vector<16xf32>
      %swap3A_193 = arith.constant 288 : index
      %swap3A_194 = tpu.vector_load %arg14[%swap3A_193] {strides = array<i32>} : memref<3200xf32, #tpu.memory_space<vmem>>, vector<16xf32>,
      tpu.vector_store %arg14[%swap3A_193], %bitcast_convert_type3A_192 {strides = array<i32>} : memref<3200xf32, #tpu.memory_space<vmem>>, vector<16xf32>,
      %get3A_195 = arith.constant 48 : index
      %get3A_196 = tpu.vector_load %arg11[%get3A_195] {strides = array<i32>} : memref<128xi32, #tpu.memory_space<vmem>>, vector<16xi32>,
      %get3A_197 = arith.constant 48 : index
      %get3A_198 = tpu.vector_load %arg12[%get3A_197] {strides = array<i32>} : memref<128xi32, #tpu.memory_space<vmem>>, vector<16xi32>,
      %gather3A_199 = tpu.vector_load_idx %arg9[%get3A_196] : memref<51200xi32, #tpu.memory_space<vmem>>[vector<16xi32>], vector<16xi32>,
      %gather3A_200 = tpu.vector_load_idx %arg10[%get3A_198] : memref<51200xi32, #tpu.memory_space<vmem>>[vector<16xi32>], vector<16xi32>,
      %and3A_201 = arith.constant -65536 : i32
      %and3A_202 = vector.broadcast %and3A_201 : i32 to vector<16xi32>
      %and3A_203 = arith.andi %gather3A_199, %and3A_202 : vector<16xi32>
      %bitcast_convert_type3A_204 = tpu.bitcast %and3A_203 : vector<16xi32> -> vector<16xf32>
      %and3A_205 = arith.constant -65536 : i32
      %and3A_206 = vector.broadcast %and3A_205 : i32 to vector<16xi32>
      %and3A_207 = arith.andi %gather3A_200, %and3A_206 : vector<16xi32>
      %bitcast_convert_type3A_208 = tpu.bitcast %and3A_207 : vector<16xi32> -> vector<16xf32>
      %add3A_209 = arith.addf %bitcast_convert_type3A_204, %bitcast_convert_type3A_208 : vector<16xf32>
      %shift_left3A_210 = arith.constant 16 : i32
      %shift_left3A_211 = vector.broadcast %shift_left3A_210 : i32 to vector<16xi32>
      %shift_left3A_212 = arith.shli %gather3A_199, %shift_left3A_211 : vector<16xi32>
      %bitcast_convert_type3A_213 = tpu.bitcast %shift_left3A_212 : vector<16xi32> -> vector<16xf32>
      %shift_left3A_214 = arith.constant 16 : i32
      %shift_left3A_215 = vector.broadcast %shift_left3A_214 : i32 to vector<16xi32>
      %shift_left3A_216 = arith.shli %gather3A_200, %shift_left3A_215 : vector<16xi32>
      %bitcast_convert_type3A_217 = tpu.bitcast %shift_left3A_216 : vector<16xi32> -> vector<16xf32>
      %add3A_218 = arith.addf %bitcast_convert_type3A_213, %bitcast_convert_type3A_217 : vector<16xf32>
      %mul3A_219 = arith.constant 2.000000e-01 : f32
      %mul3A_220 = vector.broadcast %mul3A_219 : f32 to vector<16xf32>
      %mul3A_221 = arith.mulf %mul3A_220, %add3A_209 : vector<16xf32>
      %max3A_222 = arith.maximumf %add3A_209, %mul3A_221 : vector<16xf32>
      %exp3A_223 = math.exp %max3A_222 : vector<16xf32>
      %mul3A_224 = arith.constant 2.000000e-01 : f32
      %mul3A_225 = vector.broadcast %mul3A_224 : f32 to vector<16xf32>
      %mul3A_226 = arith.mulf %mul3A_225, %add3A_218 : vector<16xf32>
      %max3A_227 = arith.maximumf %add3A_218, %mul3A_226 : vector<16xf32>
      %exp3A_228 = math.exp %max3A_227 : vector<16xf32>
      %bitcast_convert_type3A_229 = tpu.bitcast %exp3A_223 : vector<16xf32> -> vector<16xi32>
      %add3A_230 = arith.constant 32768 : i32
      %add3A_231 = vector.broadcast %add3A_230 : i32 to vector<16xi32>
      %add3A_232 = arith.addi %bitcast_convert_type3A_229, %add3A_231 : vector<16xi32>
      %bitcast_convert_type3A_233 = tpu.bitcast %exp3A_228 : vector<16xf32> -> vector<16xi32>
      %add3A_234 = arith.constant 32768 : i32
      %add3A_235 = vector.broadcast %add3A_234 : i32 to vector<16xi32>
      %add3A_236 = arith.addi %bitcast_convert_type3A_233, %add3A_235 : vector<16xi32>
      %and3A_237 = arith.constant -65536 : i32
      %and3A_238 = vector.broadcast %and3A_237 : i32 to vector<16xi32>
      %and3A_239 = arith.andi %add3A_236, %and3A_238 : vector<16xi32>
      %shift_right_logical3A_240 = arith.constant 16 : i32
      %shift_right_logical3A_241 = vector.broadcast %shift_right_logical3A_240 : i32 to vector<16xi32>
      %shift_right_logical3A_242 = arith.shrui %add3A_232, %shift_right_logical3A_241 : vector<16xi32>
      %or3A_243 = arith.ori %and3A_239, %shift_right_logical3A_242 : vector<16xi32>
      %swap3A_244 = arith.constant 48 : index
      %swap3A_245 = tpu.vector_load %arg13[%swap3A_244] {strides = array<i32>} : memref<128xi32, #tpu.memory_space<vmem>>, vector<16xi32>,
      tpu.vector_store %arg13[%swap3A_244], %or3A_243 {strides = array<i32>} : memref<128xi32, #tpu.memory_space<vmem>>, vector<16xi32>,
      %and3A_246 = arith.constant -65536 : i32
      %and3A_247 = vector.broadcast %and3A_246 : i32 to vector<16xi32>
      %and3A_248 = arith.andi %add3A_232, %and3A_247 : vector<16xi32>
      %bitcast_convert_type3A_249 = tpu.bitcast %and3A_248 : vector<16xi32> -> vector<16xf32>
      %swap3A_250 = arith.constant 48 : index
      %swap3A_251 = tpu.vector_load %arg14[%swap3A_250] {strides = array<i32>} : memref<3200xf32, #tpu.memory_space<vmem>>, vector<16xf32>,
      tpu.vector_store %arg14[%swap3A_250], %bitcast_convert_type3A_249 {strides = array<i32>} : memref<3200xf32, #tpu.memory_space<vmem>>, vector<16xf32>,
      %and3A_252 = arith.constant -65536 : i32
      %and3A_253 = vector.broadcast %and3A_252 : i32 to vector<16xi32>
      %and3A_254 = arith.andi %add3A_236, %and3A_253 : vector<16xi32>
      %bitcast_convert_type3A_255 = tpu.bitcast %and3A_254 : vector<16xi32> -> vector<16xf32>
      %swap3A_256 = arith.constant 304 : index
      %swap3A_257 = tpu.vector_load %arg14[%swap3A_256] {strides = array<i32>} : memref<3200xf32, #tpu.memory_space<vmem>>, vector<16xf32>,
      tpu.vector_store %arg14[%swap3A_256], %bitcast_convert_type3A_255 {strides = array<i32>} : memref<3200xf32, #tpu.memory_space<vmem>>, vector<16xf32>,
      %get3A_258 = arith.constant 64 : index
      %get3A_259 = tpu.vector_load %arg11[%get3A_258] {strides = array<i32>} : memref<128xi32, #tpu.memory_space<vmem>>, vector<16xi32>,
      %get3A_260 = arith.constant 64 : index
      %get3A_261 = tpu.vector_load %arg12[%get3A_260] {strides = array<i32>} : memref<128xi32, #tpu.memory_space<vmem>>, vector<16xi32>,
      %gather3A_262 = tpu.vector_load_idx %arg9[%get3A_259] : memref<51200xi32, #tpu.memory_space<vmem>>[vector<16xi32>], vector<16xi32>,
      %gather3A_263 = tpu.vector_load_idx %arg10[%get3A_261] : memref<51200xi32, #tpu.memory_space<vmem>>[vector<16xi32>], vector<16xi32>,
      %and3A_264 = arith.constant -65536 : i32
      %and3A_265 = vector.broadcast %and3A_264 : i32 to vector<16xi32>
      %and3A_266 = arith.andi %gather3A_262, %and3A_265 : vector<16xi32>
      %bitcast_convert_type3A_267 = tpu.bitcast %and3A_266 : vector<16xi32> -> vector<16xf32>
      %and3A_268 = arith.constant -65536 : i32
      %and3A_269 = vector.broadcast %and3A_268 : i32 to vector<16xi32>
      %and3A_270 = arith.andi %gather3A_263, %and3A_269 : vector<16xi32>
      %bitcast_convert_type3A_271 = tpu.bitcast %and3A_270 : vector<16xi32> -> vector<16xf32>
      %add3A_272 = arith.addf %bitcast_convert_type3A_267, %bitcast_convert_type3A_271 : vector<16xf32>
      %shift_left3A_273 = arith.constant 16 : i32
      %shift_left3A_274 = vector.broadcast %shift_left3A_273 : i32 to vector<16xi32>
      %shift_left3A_275 = arith.shli %gather3A_262, %shift_left3A_274 : vector<16xi32>
      %bitcast_convert_type3A_276 = tpu.bitcast %shift_left3A_275 : vector<16xi32> -> vector<16xf32>
      %shift_left3A_277 = arith.constant 16 : i32
      %shift_left3A_278 = vector.broadcast %shift_left3A_277 : i32 to vector<16xi32>
      %shift_left3A_279 = arith.shli %gather3A_263, %shift_left3A_278 : vector<16xi32>
      %bitcast_convert_type3A_280 = tpu.bitcast %shift_left3A_279 : vector<16xi32> -> vector<16xf32>
      %add3A_281 = arith.addf %bitcast_convert_type3A_276, %bitcast_convert_type3A_280 : vector<16xf32>
      %mul3A_282 = arith.constant 2.000000e-01 : f32
      %mul3A_283 = vector.broadcast %mul3A_282 : f32 to vector<16xf32>
      %mul3A_284 = arith.mulf %mul3A_283, %add3A_272 : vector<16xf32>
      %max3A_285 = arith.maximumf %add3A_272, %mul3A_284 : vector<16xf32>
      %exp3A_286 = math.exp %max3A_285 : vector<16xf32>
      %mul3A_287 = arith.constant 2.000000e-01 : f32
      %mul3A_288 = vector.broadcast %mul3A_287 : f32 to vector<16xf32>
      %mul3A_289 = arith.mulf %mul3A_288, %add3A_281 : vector<16xf32>
      %max3A_290 = arith.maximumf %add3A_281, %mul3A_289 : vector<16xf32>
      %exp3A_291 = math.exp %max3A_290 : vector<16xf32>
      %bitcast_convert_type3A_292 = tpu.bitcast %exp3A_286 : vector<16xf32> -> vector<16xi32>
      %add3A_293 = arith.constant 32768 : i32
      %add3A_294 = vector.broadcast %add3A_293 : i32 to vector<16xi32>
      %add3A_295 = arith.addi %bitcast_convert_type3A_292, %add3A_294 : vector<16xi32>
      %bitcast_convert_type3A_296 = tpu.bitcast %exp3A_291 : vector<16xf32> -> vector<16xi32>
      %add3A_297 = arith.constant 32768 : i32
      %add3A_298 = vector.broadcast %add3A_297 : i32 to vector<16xi32>
      %add3A_299 = arith.addi %bitcast_convert_type3A_296, %add3A_298 : vector<16xi32>
      %and3A_300 = arith.constant -65536 : i32
      %and3A_301 = vector.broadcast %and3A_300 : i32 to vector<16xi32>
      %and3A_302 = arith.andi %add3A_299, %and3A_301 : vector<16xi32>
      %shift_right_logical3A_303 = arith.constant 16 : i32
      %shift_right_logical3A_304 = vector.broadcast %shift_right_logical3A_303 : i32 to vector<16xi32>
      %shift_right_logical3A_305 = arith.shrui %add3A_295, %shift_right_logical3A_304 : vector<16xi32>
      %or3A_306 = arith.ori %and3A_302, %shift_right_logical3A_305 : vector<16xi32>
      %swap3A_307 = arith.constant 64 : index
      %swap3A_308 = tpu.vector_load %arg13[%swap3A_307] {strides = array<i32>} : memref<128xi32, #tpu.memory_space<vmem>>, vector<16xi32>,
      tpu.vector_store %arg13[%swap3A_307], %or3A_306 {strides = array<i32>} : memref<128xi32, #tpu.memory_space<vmem>>, vector<16xi32>,
      %and3A_309 = arith.constant -65536 : i32
      %and3A_310 = vector.broadcast %and3A_309 : i32 to vector<16xi32>
      %and3A_311 = arith.andi %add3A_295, %and3A_310 : vector<16xi32>
      %bitcast_convert_type3A_312 = tpu.bitcast %and3A_311 : vector<16xi32> -> vector<16xf32>
      %swap3A_313 = arith.constant 64 : index
      %swap3A_314 = tpu.vector_load %arg14[%swap3A_313] {strides = array<i32>} : memref<3200xf32, #tpu.memory_space<vmem>>, vector<16xf32>,
      tpu.vector_store %arg14[%swap3A_313], %bitcast_convert_type3A_312 {strides = array<i32>} : memref<3200xf32, #tpu.memory_space<vmem>>, vector<16xf32>,
      %and3A_315 = arith.constant -65536 : i32
      %and3A_316 = vector.broadcast %and3A_315 : i32 to vector<16xi32>
      %and3A_317 = arith.andi %add3A_299, %and3A_316 : vector<16xi32>
      %bitcast_convert_type3A_318 = tpu.bitcast %and3A_317 : vector<16xi32> -> vector<16xf32>
      %swap3A_319 = arith.constant 320 : index
      %swap3A_320 = tpu.vector_load %arg14[%swap3A_319] {strides = array<i32>} : memref<3200xf32, #tpu.memory_space<vmem>>, vector<16xf32>,
      tpu.vector_store %arg14[%swap3A_319], %bitcast_convert_type3A_318 {strides = array<i32>} : memref<3200xf32, #tpu.memory_space<vmem>>, vector<16xf32>,
      %get3A_321 = arith.constant 80 : index
      %get3A_322 = tpu.vector_load %arg11[%get3A_321] {strides = array<i32>} : memref<128xi32, #tpu.memory_space<vmem>>, vector<16xi32>,
      %get3A_323 = arith.constant 80 : index
      %get3A_324 = tpu.vector_load %arg12[%get3A_323] {strides = array<i32>} : memref<128xi32, #tpu.memory_space<vmem>>, vector<16xi32>,
      %gather3A_325 = tpu.vector_load_idx %arg9[%get3A_322] : memref<51200xi32, #tpu.memory_space<vmem>>[vector<16xi32>], vector<16xi32>,
      %gather3A_326 = tpu.vector_load_idx %arg10[%get3A_324] : memref<51200xi32, #tpu.memory_space<vmem>>[vector<16xi32>], vector<16xi32>,
      %and3A_327 = arith.constant -65536 : i32
      %and3A_328 = vector.broadcast %and3A_327 : i32 to vector<16xi32>
      %and3A_329 = arith.andi %gather3A_325, %and3A_328 : vector<16xi32>
      %bitcast_convert_type3A_330 = tpu.bitcast %and3A_329 : vector<16xi32> -> vector<16xf32>
      %and3A_331 = arith.constant -65536 : i32
      %and3A_332 = vector.broadcast %and3A_331 : i32 to vector<16xi32>
      %and3A_333 = arith.andi %gather3A_326, %and3A_332 : vector<16xi32>
      %bitcast_convert_type3A_334 = tpu.bitcast %and3A_333 : vector<16xi32> -> vector<16xf32>
      %add3A_335 = arith.addf %bitcast_convert_type3A_330, %bitcast_convert_type3A_334 : vector<16xf32>
      %shift_left3A_336 = arith.constant 16 : i32
      %shift_left3A_337 = vector.broadcast %shift_left3A_336 : i32 to vector<16xi32>
      %shift_left3A_338 = arith.shli %gather3A_325, %shift_left3A_337 : vector<16xi32>
      %bitcast_convert_type3A_339 = tpu.bitcast %shift_left3A_338 : vector<16xi32> -> vector<16xf32>
      %shift_left3A_340 = arith.constant 16 : i32
      %shift_left3A_341 = vector.broadcast %shift_left3A_340 : i32 to vector<16xi32>
      %shift_left3A_342 = arith.shli %gather3A_326, %shift_left3A_341 : vector<16xi32>
      %bitcast_convert_type3A_343 = tpu.bitcast %shift_left3A_342 : vector<16xi32> -> vector<16xf32>
      %add3A_344 = arith.addf %bitcast_convert_type3A_339, %bitcast_convert_type3A_343 : vector<16xf32>
      %mul3A_345 = arith.constant 2.000000e-01 : f32
      %mul3A_346 = vector.broadcast %mul3A_345 : f32 to vector<16xf32>
      %mul3A_347 = arith.mulf %mul3A_346, %add3A_335 : vector<16xf32>
      %max3A_348 = arith.maximumf %add3A_335, %mul3A_347 : vector<16xf32>
      %exp3A_349 = math.exp %max3A_348 : vector<16xf32>
      %mul3A_350 = arith.constant 2.000000e-01 : f32
      %mul3A_351 = vector.broadcast %mul3A_350 : f32 to vector<16xf32>
      %mul3A_352 = arith.mulf %mul3A_351, %add3A_344 : vector<16xf32>
      %max3A_353 = arith.maximumf %add3A_344, %mul3A_352 : vector<16xf32>
      %exp3A_354 = math.exp %max3A_353 : vector<16xf32>
      %bitcast_convert_type3A_355 = tpu.bitcast %exp3A_349 : vector<16xf32> -> vector<16xi32>
      %add3A_356 = arith.constant 32768 : i32
      %add3A_357 = vector.broadcast %add3A_356 : i32 to vector<16xi32>
      %add3A_358 = arith.addi %bitcast_convert_type3A_355, %add3A_357 : vector<16xi32>
      %bitcast_convert_type3A_359 = tpu.bitcast %exp3A_354 : vector<16xf32> -> vector<16xi32>
      %add3A_360 = arith.constant 32768 : i32
      %add3A_361 = vector.broadcast %add3A_360 : i32 to vector<16xi32>
      %add3A_362 = arith.addi %bitcast_convert_type3A_359, %add3A_361 : vector<16xi32>
      %and3A_363 = arith.constant -65536 : i32
      %and3A_364 = vector.broadcast %and3A_363 : i32 to vector<16xi32>
      %and3A_365 = arith.andi %add3A_362, %and3A_364 : vector<16xi32>
      %shift_right_logical3A_366 = arith.constant 16 : i32
      %shift_right_logical3A_367 = vector.broadcast %shift_right_logical3A_366 : i32 to vector<16xi32>
      %shift_right_logical3A_368 = arith.shrui %add3A_358, %shift_right_logical3A_367 : vector<16xi32>
      %or3A_369 = arith.ori %and3A_365, %shift_right_logical3A_368 : vector<16xi32>
      %swap3A_370 = arith.constant 80 : index
      %swap3A_371 = tpu.vector_load %arg13[%swap3A_370] {strides = array<i32>} : memref<128xi32, #tpu.memory_space<vmem>>, vector<16xi32>,
      tpu.vector_store %arg13[%swap3A_370], %or3A_369 {strides = array<i32>} : memref<128xi32, #tpu.memory_space<vmem>>, vector<16xi32>,
      %and3A_372 = arith.constant -65536 : i32
      %and3A_373 = vector.broadcast %and3A_372 : i32 to vector<16xi32>
      %and3A_374 = arith.andi %add3A_358, %and3A_373 : vector<16xi32>
      %bitcast_convert_type3A_375 = tpu.bitcast %and3A_374 : vector<16xi32> -> vector<16xf32>
      %swap3A_376 = arith.constant 80 : index
      %swap3A_377 = tpu.vector_load %arg14[%swap3A_376] {strides = array<i32>} : memref<3200xf32, #tpu.memory_space<vmem>>, vector<16xf32>,
      tpu.vector_store %arg14[%swap3A_376], %bitcast_convert_type3A_375 {strides = array<i32>} : memref<3200xf32, #tpu.memory_space<vmem>>, vector<16xf32>,
      %and3A_378 = arith.constant -65536 : i32
      %and3A_379 = vector.broadcast %and3A_378 : i32 to vector<16xi32>
      %and3A_380 = arith.andi %add3A_362, %and3A_379 : vector<16xi32>
      %bitcast_convert_type3A_381 = tpu.bitcast %and3A_380 : vector<16xi32> -> vector<16xf32>
      %swap3A_382 = arith.constant 336 : index
      %swap3A_383 = tpu.vector_load %arg14[%swap3A_382] {strides = array<i32>} : memref<3200xf32, #tpu.memory_space<vmem>>, vector<16xf32>,
      tpu.vector_store %arg14[%swap3A_382], %bitcast_convert_type3A_381 {strides = array<i32>} : memref<3200xf32, #tpu.memory_space<vmem>>, vector<16xf32>,
      %get3A_384 = arith.constant 96 : index
      %get3A_385 = tpu.vector_load %arg11[%get3A_384] {strides = array<i32>} : memref<128xi32, #tpu.memory_space<vmem>>, vector<16xi32>,
      %get3A_386 = arith.constant 96 : index
      %get3A_387 = tpu.vector_load %arg12[%get3A_386] {strides = array<i32>} : memref<128xi32, #tpu.memory_space<vmem>>, vector<16xi32>,
      %gather3A_388 = tpu.vector_load_idx %arg9[%get3A_385] : memref<51200xi32, #tpu.memory_space<vmem>>[vector<16xi32>], vector<16xi32>,
      %gather3A_389 = tpu.vector_load_idx %arg10[%get3A_387] : memref<51200xi32, #tpu.memory_space<vmem>>[vector<16xi32>], vector<16xi32>,
      %and3A_390 = arith.constant -65536 : i32
      %and3A_391 = vector.broadcast %and3A_390 : i32 to vector<16xi32>
      %and3A_392 = arith.andi %gather3A_388, %and3A_391 : vector<16xi32>
      %bitcast_convert_type3A_393 = tpu.bitcast %and3A_392 : vector<16xi32> -> vector<16xf32>
      %and3A_394 = arith.constant -65536 : i32
      %and3A_395 = vector.broadcast %and3A_394 : i32 to vector<16xi32>
      %and3A_396 = arith.andi %gather3A_389, %and3A_395 : vector<16xi32>
      %bitcast_convert_type3A_397 = tpu.bitcast %and3A_396 : vector<16xi32> -> vector<16xf32>
      %add3A_398 = arith.addf %bitcast_convert_type3A_393, %bitcast_convert_type3A_397 : vector<16xf32>
      %shift_left3A_399 = arith.constant 16 : i32
      %shift_left3A_400 = vector.broadcast %shift_left3A_399 : i32 to vector<16xi32>
      %shift_left3A_401 = arith.shli %gather3A_388, %shift_left3A_400 : vector<16xi32>
      %bitcast_convert_type3A_402 = tpu.bitcast %shift_left3A_401 : vector<16xi32> -> vector<16xf32>
      %shift_left3A_403 = arith.constant 16 : i32
      %shift_left3A_404 = vector.broadcast %shift_left3A_403 : i32 to vector<16xi32>
      %shift_left3A_405 = arith.shli %gather3A_389, %shift_left3A_404 : vector<16xi32>
      %bitcast_convert_type3A_406 = tpu.bitcast %shift_left3A_405 : vector<16xi32> -> vector<16xf32>
      %add3A_407 = arith.addf %bitcast_convert_type3A_402, %bitcast_convert_type3A_406 : vector<16xf32>
      %mul3A_408 = arith.constant 2.000000e-01 : f32
      %mul3A_409 = vector.broadcast %mul3A_408 : f32 to vector<16xf32>
      %mul3A_410 = arith.mulf %mul3A_409, %add3A_398 : vector<16xf32>
      %max3A_411 = arith.maximumf %add3A_398, %mul3A_410 : vector<16xf32>
      %exp3A_412 = math.exp %max3A_411 : vector<16xf32>
      %mul3A_413 = arith.constant 2.000000e-01 : f32
      %mul3A_414 = vector.broadcast %mul3A_413 : f32 to vector<16xf32>
      %mul3A_415 = arith.mulf %mul3A_414, %add3A_407 : vector<16xf32>
      %max3A_416 = arith.maximumf %add3A_407, %mul3A_415 : vector<16xf32>
      %exp3A_417 = math.exp %max3A_416 : vector<16xf32>
      %bitcast_convert_type3A_418 = tpu.bitcast %exp3A_412 : vector<16xf32> -> vector<16xi32>
      %add3A_419 = arith.constant 32768 : i32
      %add3A_420 = vector.broadcast %add3A_419 : i32 to vector<16xi32>
      %add3A_421 = arith.addi %bitcast_convert_type3A_418, %add3A_420 : vector<16xi32>
      %bitcast_convert_type3A_422 = tpu.bitcast %exp3A_417 : vector<16xf32> -> vector<16xi32>
      %add3A_423 = arith.constant 32768 : i32
      %add3A_424 = vector.broadcast %add3A_423 : i32 to vector<16xi32>
      %add3A_425 = arith.addi %bitcast_convert_type3A_422, %add3A_424 : vector<16xi32>
      %and3A_426 = arith.constant -65536 : i32
      %and3A_427 = vector.broadcast %and3A_426 : i32 to vector<16xi32>
      %and3A_428 = arith.andi %add3A_425, %and3A_427 : vector<16xi32>
      %shift_right_logical3A_429 = arith.constant 16 : i32
      %shift_right_logical3A_430 = vector.broadcast %shift_right_logical3A_429 : i32 to vector<16xi32>
      %shift_right_logical3A_431 = arith.shrui %add3A_421, %shift_right_logical3A_430 : vector<16xi32>
      %or3A_432 = arith.ori %and3A_428, %shift_right_logical3A_431 : vector<16xi32>
      %swap3A_433 = arith.constant 96 : index
      %swap3A_434 = tpu.vector_load %arg13[%swap3A_433] {strides = array<i32>} : memref<128xi32, #tpu.memory_space<vmem>>, vector<16xi32>,
      tpu.vector_store %arg13[%swap3A_433], %or3A_432 {strides = array<i32>} : memref<128xi32, #tpu.memory_space<vmem>>, vector<16xi32>,
      %and3A_435 = arith.constant -65536 : i32
      %and3A_436 = vector.broadcast %and3A_435 : i32 to vector<16xi32>
      %and3A_437 = arith.andi %add3A_421, %and3A_436 : vector<16xi32>
      %bitcast_convert_type3A_438 = tpu.bitcast %and3A_437 : vector<16xi32> -> vector<16xf32>
      %swap3A_439 = arith.constant 96 : index
      %swap3A_440 = tpu.vector_load %arg14[%swap3A_439] {strides = array<i32>} : memref<3200xf32, #tpu.memory_space<vmem>>, vector<16xf32>,
      tpu.vector_store %arg14[%swap3A_439], %bitcast_convert_type3A_438 {strides = array<i32>} : memref<3200xf32, #tpu.memory_space<vmem>>, vector<16xf32>,
      %and3A_441 = arith.constant -65536 : i32
      %and3A_442 = vector.broadcast %and3A_441 : i32 to vector<16xi32>
      %and3A_443 = arith.andi %add3A_425, %and3A_442 : vector<16xi32>
      %bitcast_convert_type3A_444 = tpu.bitcast %and3A_443 : vector<16xi32> -> vector<16xf32>
      %swap3A_445 = arith.constant 352 : index
      %swap3A_446 = tpu.vector_load %arg14[%swap3A_445] {strides = array<i32>} : memref<3200xf32, #tpu.memory_space<vmem>>, vector<16xf32>,
      tpu.vector_store %arg14[%swap3A_445], %bitcast_convert_type3A_444 {strides = array<i32>} : memref<3200xf32, #tpu.memory_space<vmem>>, vector<16xf32>,
      %get3A_447 = arith.constant 112 : index
      %get3A_448 = tpu.vector_load %arg11[%get3A_447] {strides = array<i32>} : memref<128xi32, #tpu.memory_space<vmem>>, vector<16xi32>,
      %get3A_449 = arith.constant 112 : index
      %get3A_450 = tpu.vector_load %arg12[%get3A_449] {strides = array<i32>} : memref<128xi32, #tpu.memory_space<vmem>>, vector<16xi32>,
      %gather3A_451 = tpu.vector_load_idx %arg9[%get3A_448] : memref<51200xi32, #tpu.memory_space<vmem>>[vector<16xi32>], vector<16xi32>,
      %gather3A_452 = tpu.vector_load_idx %arg10[%get3A_450] : memref<51200xi32, #tpu.memory_space<vmem>>[vector<16xi32>], vector<16xi32>,
      %and3A_453 = arith.constant -65536 : i32
      %and3A_454 = vector.broadcast %and3A_453 : i32 to vector<16xi32>
      %and3A_455 = arith.andi %gather3A_451, %and3A_454 : vector<16xi32>
      %bitcast_convert_type3A_456 = tpu.bitcast %and3A_455 : vector<16xi32> -> vector<16xf32>
      %and3A_457 = arith.constant -65536 : i32
      %and3A_458 = vector.broadcast %and3A_457 : i32 to vector<16xi32>
      %and3A_459 = arith.andi %gather3A_452, %and3A_458 : vector<16xi32>
      %bitcast_convert_type3A_460 = tpu.bitcast %and3A_459 : vector<16xi32> -> vector<16xf32>
      %add3A_461 = arith.addf %bitcast_convert_type3A_456, %bitcast_convert_type3A_460 : vector<16xf32>
      %shift_left3A_462 = arith.constant 16 : i32
      %shift_left3A_463 = vector.broadcast %shift_left3A_462 : i32 to vector<16xi32>
      %shift_left3A_464 = arith.shli %gather3A_451, %shift_left3A_463 : vector<16xi32>
      %bitcast_convert_type3A_465 = tpu.bitcast %shift_left3A_464 : vector<16xi32> -> vector<16xf32>
      %shift_left3A_466 = arith.constant 16 : i32
      %shift_left3A_467 = vector.broadcast %shift_left3A_466 : i32 to vector<16xi32>
      %shift_left3A_468 = arith.shli %gather3A_452, %shift_left3A_467 : vector<16xi32>
      %bitcast_convert_type3A_469 = tpu.bitcast %shift_left3A_468 : vector<16xi32> -> vector<16xf32>
      %add3A_470 = arith.addf %bitcast_convert_type3A_465, %bitcast_convert_type3A_469 : vector<16xf32>
      %mul3A_471 = arith.constant 2.000000e-01 : f32
      %mul3A_472 = vector.broadcast %mul3A_471 : f32 to vector<16xf32>
      %mul3A_473 = arith.mulf %mul3A_472, %add3A_461 : vector<16xf32>
      %max3A_474 = arith.maximumf %add3A_461, %mul3A_473 : vector<16xf32>
      %exp3A_475 = math.exp %max3A_474 : vector<16xf32>
      %mul3A_476 = arith.constant 2.000000e-01 : f32
      %mul3A_477 = vector.broadcast %mul3A_476 : f32 to vector<16xf32>
      %mul3A_478 = arith.mulf %mul3A_477, %add3A_470 : vector<16xf32>
      %max3A_479 = arith.maximumf %add3A_470, %mul3A_478 : vector<16xf32>
      %exp3A_480 = math.exp %max3A_479 : vector<16xf32>
      %bitcast_convert_type3A_481 = tpu.bitcast %exp3A_475 : vector<16xf32> -> vector<16xi32>
      %add3A_482 = arith.constant 32768 : i32
      %add3A_483 = vector.broadcast %add3A_482 : i32 to vector<16xi32>
      %add3A_484 = arith.addi %bitcast_convert_type3A_481, %add3A_483 : vector<16xi32>
      %bitcast_convert_type3A_485 = tpu.bitcast %exp3A_480 : vector<16xf32> -> vector<16xi32>
      %add3A_486 = arith.constant 32768 : i32
      %add3A_487 = vector.broadcast %add3A_486 : i32 to vector<16xi32>
      %add3A_488 = arith.addi %bitcast_convert_type3A_485, %add3A_487 : vector<16xi32>
      %and3A_489 = arith.constant -65536 : i32
      %and3A_490 = vector.broadcast %and3A_489 : i32 to vector<16xi32>
      %and3A_491 = arith.andi %add3A_488, %and3A_490 : vector<16xi32>
      %shift_right_logical3A_492 = arith.constant 16 : i32
      %shift_right_logical3A_493 = vector.broadcast %shift_right_logical3A_492 : i32 to vector<16xi32>
      %shift_right_logical3A_494 = arith.shrui %add3A_484, %shift_right_logical3A_493 : vector<16xi32>
      %or3A_495 = arith.ori %and3A_491, %shift_right_logical3A_494 : vector<16xi32>
      %swap3A_496 = arith.constant 112 : index
      %swap3A_497 = tpu.vector_load %arg13[%swap3A_496] {strides = array<i32>} : memref<128xi32, #tpu.memory_space<vmem>>, vector<16xi32>,
      tpu.vector_store %arg13[%swap3A_496], %or3A_495 {strides = array<i32>} : memref<128xi32, #tpu.memory_space<vmem>>, vector<16xi32>,
      %and3A_498 = arith.constant -65536 : i32
      %and3A_499 = vector.broadcast %and3A_498 : i32 to vector<16xi32>
      %and3A_500 = arith.andi %add3A_484, %and3A_499 : vector<16xi32>
      %bitcast_convert_type3A_501 = tpu.bitcast %and3A_500 : vector<16xi32> -> vector<16xf32>
      %swap3A_502 = arith.constant 112 : index
      %swap3A_503 = tpu.vector_load %arg14[%swap3A_502] {strides = array<i32>} : memref<3200xf32, #tpu.memory_space<vmem>>, vector<16xf32>,
      tpu.vector_store %arg14[%swap3A_502], %bitcast_convert_type3A_501 {strides = array<i32>} : memref<3200xf32, #tpu.memory_space<vmem>>, vector<16xf32>,
      %and3A_504 = arith.constant -65536 : i32
      %and3A_505 = vector.broadcast %and3A_504 : i32 to vector<16xi32>
      %and3A_506 = arith.andi %add3A_488, %and3A_505 : vector<16xi32>
      %bitcast_convert_type3A_507 = tpu.bitcast %and3A_506 : vector<16xi32> -> vector<16xf32>
      %swap3A_508 = arith.constant 368 : index
      %swap3A_509 = tpu.vector_load %arg14[%swap3A_508] {strides = array<i32>} : memref<3200xf32, #tpu.memory_space<vmem>>, vector<16xf32>,
      tpu.vector_store %arg14[%swap3A_508], %bitcast_convert_type3A_507 {strides = array<i32>} : memref<3200xf32, #tpu.memory_space<vmem>>, vector<16xf32>,
      "tpu.region"() ({
        %run_scoped3A = tpu.sem_alloc : memref<!tpu.dma_semaphore, #tpu.memory_space<semaphore_mem>>
        %dma_start3A = arith.constant 0 : i32
        %dma_start3A_510 = tpu.memref_slice %arg7[%arg0, %dma_start3A] : memref<2x851968xi32, #tpu.memory_space<hbm>> -> memref<1x851968xi32, #tpu.memory_space<hbm>>
        %dma_start3A_511 = tpu.memref_squeeze %dma_start3A_510 : memref<1x851968xi32, #tpu.memory_space<hbm>> -> memref<851968xi32, #tpu.memory_space<hbm>>
        %dma_start3A_512 = tpu.memref_slice %dma_start3A_511[%add3A_15] : memref<851968xi32, #tpu.memory_space<hbm>> -> memref<128xi32, #tpu.memory_space<hbm>>
        %dma_start3A_513 = arith.constant 0 : i32
        %dma_start3A_514 = tpu.memref_slice %arg7[%arg0, %dma_start3A_513] : memref<2x851968xi32, #tpu.memory_space<hbm>> -> memref<1x851968xi32, #tpu.memory_space<hbm>>
        %dma_start3A_515 = tpu.memref_squeeze %dma_start3A_514 : memref<1x851968xi32, #tpu.memory_space<hbm>> -> memref<851968xi32, #tpu.memory_space<hbm>>
        %dma_start3A_516 = tpu.memref_slice %dma_start3A_515[%add3A_15] : memref<851968xi32, #tpu.memory_space<hbm>> -> memref<128xi32, #tpu.memory_space<hbm>>
        tpu.enqueue_dma source(%arg13 : memref<128xi32, #tpu.memory_space<vmem>>) target(%dma_start3A_516 : memref<128xi32, #tpu.memory_space<hbm>>) target_semaphore(%run_scoped3A : memref<!tpu.dma_semaphore, #tpu.memory_space<semaphore_mem>>)
        %dma_wait3A = arith.constant 0 : i32
        %dma_wait3A_517 = tpu.memref_slice %arg7[%arg0, %dma_wait3A] : memref<2x851968xi32, #tpu.memory_space<hbm>> -> memref<1x851968xi32, #tpu.memory_space<hbm>>
        %dma_wait3A_518 = tpu.memref_squeeze %dma_wait3A_517 : memref<1x851968xi32, #tpu.memory_space<hbm>> -> memref<851968xi32, #tpu.memory_space<hbm>>
        %dma_wait3A_519 = tpu.memref_slice %dma_wait3A_518[%add3A_15] : memref<851968xi32, #tpu.memory_space<hbm>> -> memref<128xi32, #tpu.memory_space<hbm>>
        %dma_wait3A_520 = arith.constant 0 : i32
        %dma_wait3A_521 = tpu.memref_slice %arg7[%arg0, %dma_wait3A_520] : memref<2x851968xi32, #tpu.memory_space<hbm>> -> memref<1x851968xi32, #tpu.memory_space<hbm>>
        %dma_wait3A_522 = tpu.memref_squeeze %dma_wait3A_521 : memref<1x851968xi32, #tpu.memory_space<hbm>> -> memref<851968xi32, #tpu.memory_space<hbm>>
        %dma_wait3A_523 = tpu.memref_slice %dma_wait3A_522[%add3A_15] : memref<851968xi32, #tpu.memory_space<hbm>> -> memref<128xi32, #tpu.memory_space<hbm>>
        tpu.wait_dma2 semaphore(%run_scoped3A : memref<!tpu.dma_semaphore, #tpu.memory_space<semaphore_mem>>) src(%arg13 : memref<128xi32, #tpu.memory_space<vmem>>) dst(%dma_wait3A_523 : memref<128xi32, #tpu.memory_space<hbm>>)
        tpu.yield
      }) : () -> ()
      "tpu.region"() ({
        %run_scoped3A = tpu.sem_alloc : memref<!tpu.dma_semaphore, #tpu.memory_space<semaphore_mem>>
        %dma_start3A = arith.constant 0 : i32
        %dma_start3A_510 = tpu.memref_slice %arg14[%dma_start3A] : memref<3200xf32, #tpu.memory_space<vmem>> -> memref<128xf32, #tpu.memory_space<vmem>>
        %dma_start3A_511 = arith.constant 0 : i32
        %dma_start3A_512 = tpu.memref_slice %arg15[%dma_start3A_511] : memref<51200xf32, #tpu.memory_space<vmem_shared>> -> memref<51200xf32, #tpu.memory_space<vmem_shared>>
        tpu.enqueue_indirect_dma source(%dma_start3A_510 : memref<128xf32, #tpu.memory_space<vmem>>) target(%dma_start3A_512 : memref<51200xf32, #tpu.memory_space<vmem_shared>>) offsets(%arg12 : memref<128xi32, #tpu.memory_space<vmem>>) semaphore(%run_scoped3A : memref<!tpu.dma_semaphore, #tpu.memory_space<semaphore_mem>>) {add = true}
        %dma_wait3A = arith.constant 0 : i32
        %dma_wait3A_513 = tpu.memref_slice %arg14[%dma_wait3A] : memref<3200xf32, #tpu.memory_space<vmem>> -> memref<128xf32, #tpu.memory_space<vmem>>
        %dma_wait3A_514 = arith.constant 0 : i32
        %dma_wait3A_515 = tpu.memref_slice %arg15[%dma_wait3A_514] : memref<51200xf32, #tpu.memory_space<vmem_shared>> -> memref<51200xf32, #tpu.memory_space<vmem_shared>>
        tpu.wait_indirect_dma semaphore(%run_scoped3A : memref<!tpu.dma_semaphore, #tpu.memory_space<semaphore_mem>>) src(%dma_wait3A_513 : memref<128xf32, #tpu.memory_space<vmem>>) dst(%dma_wait3A_515 : memref<51200xf32, #tpu.memory_space<vmem_shared>>)
        tpu.yield
      }) : () -> ()
      "tpu.region"() ({
        %run_scoped3A = tpu.sem_alloc : memref<!tpu.dma_semaphore, #tpu.memory_space<semaphore_mem>>
        %dma_start3A = arith.constant 256 : i32
        %dma_start3A_510 = tpu.memref_slice %arg14[%dma_start3A] : memref<3200xf32, #tpu.memory_space<vmem>> -> memref<128xf32, #tpu.memory_space<vmem>>
        %dma_start3A_511 = arith.constant 0 : i32
        %dma_start3A_512 = tpu.memref_slice %arg16[%dma_start3A_511] : memref<51200xf32, #tpu.memory_space<vmem_shared>> -> memref<51200xf32, #tpu.memory_space<vmem_shared>>
        tpu.enqueue_indirect_dma source(%dma_start3A_510 : memref<128xf32, #tpu.memory_space<vmem>>) target(%dma_start3A_512 : memref<51200xf32, #tpu.memory_space<vmem_shared>>) offsets(%arg12 : memref<128xi32, #tpu.memory_space<vmem>>) semaphore(%run_scoped3A : memref<!tpu.dma_semaphore, #tpu.memory_space<semaphore_mem>>) {add = true}
        %dma_wait3A = arith.constant 256 : i32
        %dma_wait3A_513 = tpu.memref_slice %arg14[%dma_wait3A] : memref<3200xf32, #tpu.memory_space<vmem>> -> memref<128xf32, #tpu.memory_space<vmem>>
        %dma_wait3A_514 = arith.constant 0 : i32
        %dma_wait3A_515 = tpu.memref_slice %arg16[%dma_wait3A_514] : memref<51200xf32, #tpu.memory_space<vmem_shared>> -> memref<51200xf32, #tpu.memory_space<vmem_shared>>
        tpu.wait_indirect_dma semaphore(%run_scoped3A : memref<!tpu.dma_semaphore, #tpu.memory_space<semaphore_mem>>) src(%dma_wait3A_513 : memref<128xf32, #tpu.memory_space<vmem>>) dst(%dma_wait3A_515 : memref<51200xf32, #tpu.memory_space<vmem_shared>>)
        tpu.yield
      }) : () -> ()
    }
    %scan3A_5 = arith.constant 416 : i32
    %barrier3A_6 = arith.constant 0 : index
    tpu.barrier barrier_id(%barrier3A_6)
    %mul3A_7 = arith.constant 2 : i32
    %mul3A_8 = arith.muli %arg0, %mul3A_7 : i32
    "tpu.region"() ({
      %run_scoped3A = tpu.sem_alloc : memref<!tpu.dma_semaphore, #tpu.memory_space<semaphore_mem>>
      %dma_start3A = arith.constant 0 : i32
      %dma_start3A_10 = tpu.memref_slice %arg14[%dma_start3A] : memref<3200xf32, #tpu.memory_space<vmem>> -> memref<3200xf32, #tpu.memory_space<vmem>>
      %dma_start3A_11 = tpu.memref_slice %arg15[%mul3A_0] : memref<51200xf32, #tpu.memory_space<vmem_shared>> -> memref<3200xf32, #tpu.memory_space<vmem_shared>>
      %dma_start3A_12 = arith.constant 0 : i32
      %dma_start3A_13 = tpu.memref_slice %arg14[%dma_start3A_12] : memref<3200xf32, #tpu.memory_space<vmem>> -> memref<3200xf32, #tpu.memory_space<vmem>>
      %dma_start3A_14 = tpu.memref_slice %arg15[%mul3A_0] : memref<51200xf32, #tpu.memory_space<vmem_shared>> -> memref<3200xf32, #tpu.memory_space<vmem_shared>>
      tpu.enqueue_dma source(%dma_start3A_14 : memref<3200xf32, #tpu.memory_space<vmem_shared>>) target(%dma_start3A_13 : memref<3200xf32, #tpu.memory_space<vmem>>) target_semaphore(%run_scoped3A : memref<!tpu.dma_semaphore, #tpu.memory_space<semaphore_mem>>)
      %dma_wait3A = arith.constant 0 : i32
      %dma_wait3A_15 = tpu.memref_slice %arg14[%dma_wait3A] : memref<3200xf32, #tpu.memory_space<vmem>> -> memref<3200xf32, #tpu.memory_space<vmem>>
      %dma_wait3A_16 = tpu.memref_slice %arg15[%mul3A_0] : memref<51200xf32, #tpu.memory_space<vmem_shared>> -> memref<3200xf32, #tpu.memory_space<vmem_shared>>
      %dma_wait3A_17 = arith.constant 0 : i32
      %dma_wait3A_18 = tpu.memref_slice %arg14[%dma_wait3A_17] : memref<3200xf32, #tpu.memory_space<vmem>> -> memref<3200xf32, #tpu.memory_space<vmem>>
      %dma_wait3A_19 = tpu.memref_slice %arg15[%mul3A_0] : memref<51200xf32, #tpu.memory_space<vmem_shared>> -> memref<3200xf32, #tpu.memory_space<vmem_shared>>
      tpu.wait_dma2 semaphore(%run_scoped3A : memref<!tpu.dma_semaphore, #tpu.memory_space<semaphore_mem>>) src(%dma_wait3A_19 : memref<3200xf32, #tpu.memory_space<vmem_shared>>) dst(%dma_wait3A_18 : memref<3200xf32, #tpu.memory_space<vmem>>)
      tpu.yield
    }) : () -> ()
    "tpu.region"() ({
      %run_scoped3A = tpu.sem_alloc : memref<!tpu.dma_semaphore, #tpu.memory_space<semaphore_mem>>
      %dma_start3A = arith.constant 0 : i32
      %dma_start3A_10 = tpu.memref_slice %arg14[%dma_start3A] : memref<3200xf32, #tpu.memory_space<vmem>> -> memref<3200xf32, #tpu.memory_space<vmem>>
      %dma_start3A_11 = arith.constant 0 : i32
      %dma_start3A_12 = tpu.memref_slice %arg8[%mul3A_8, %dma_start3A_11] : memref<4x51200xf32, #tpu.memory_space<hbm>> -> memref<1x51200xf32, #tpu.memory_space<hbm>>
      %dma_start3A_13 = tpu.memref_squeeze %dma_start3A_12 : memref<1x51200xf32, #tpu.memory_space<hbm>> -> memref<51200xf32, #tpu.memory_space<hbm>>
      %dma_start3A_14 = tpu.memref_slice %dma_start3A_13[%mul3A_0] : memref<51200xf32, #tpu.memory_space<hbm>> -> memref<3200xf32, #tpu.memory_space<hbm>>
      %dma_start3A_15 = arith.constant 0 : i32
      %dma_start3A_16 = tpu.memref_slice %arg8[%mul3A_8, %dma_start3A_15] : memref<4x51200xf32, #tpu.memory_space<hbm>> -> memref<1x51200xf32, #tpu.memory_space<hbm>>
      %dma_start3A_17 = tpu.memref_squeeze %dma_start3A_16 : memref<1x51200xf32, #tpu.memory_space<hbm>> -> memref<51200xf32, #tpu.memory_space<hbm>>
      %dma_start3A_18 = tpu.memref_slice %dma_start3A_17[%mul3A_0] : memref<51200xf32, #tpu.memory_space<hbm>> -> memref<3200xf32, #tpu.memory_space<hbm>>
      %dma_start3A_19 = arith.constant 0 : i32
      %dma_start3A_20 = tpu.memref_slice %arg14[%dma_start3A_19] : memref<3200xf32, #tpu.memory_space<vmem>> -> memref<3200xf32, #tpu.memory_space<vmem>>
      tpu.enqueue_dma source(%dma_start3A_20 : memref<3200xf32, #tpu.memory_space<vmem>>) target(%dma_start3A_18 : memref<3200xf32, #tpu.memory_space<hbm>>) target_semaphore(%run_scoped3A : memref<!tpu.dma_semaphore, #tpu.memory_space<semaphore_mem>>)
      %dma_wait3A = arith.constant 0 : i32
      %dma_wait3A_21 = tpu.memref_slice %arg14[%dma_wait3A] : memref<3200xf32, #tpu.memory_space<vmem>> -> memref<3200xf32, #tpu.memory_space<vmem>>
      %dma_wait3A_22 = arith.constant 0 : i32
      %dma_wait3A_23 = tpu.memref_slice %arg8[%mul3A_8, %dma_wait3A_22] : memref<4x51200xf32, #tpu.memory_space<hbm>> -> memref<1x51200xf32, #tpu.memory_space<hbm>>
      %dma_wait3A_24 = tpu.memref_squeeze %dma_wait3A_23 : memref<1x51200xf32, #tpu.memory_space<hbm>> -> memref<51200xf32, #tpu.memory_space<hbm>>
      %dma_wait3A_25 = tpu.memref_slice %dma_wait3A_24[%mul3A_0] : memref<51200xf32, #tpu.memory_space<hbm>> -> memref<3200xf32, #tpu.memory_space<hbm>>
      %dma_wait3A_26 = arith.constant 0 : i32
      %dma_wait3A_27 = tpu.memref_slice %arg8[%mul3A_8, %dma_wait3A_26] : memref<4x51200xf32, #tpu.memory_space<hbm>> -> memref<1x51200xf32, #tpu.memory_space<hbm>>
      %dma_wait3A_28 = tpu.memref_squeeze %dma_wait3A_27 : memref<1x51200xf32, #tpu.memory_space<hbm>> -> memref<51200xf32, #tpu.memory_space<hbm>>
      %dma_wait3A_29 = tpu.memref_slice %dma_wait3A_28[%mul3A_0] : memref<51200xf32, #tpu.memory_space<hbm>> -> memref<3200xf32, #tpu.memory_space<hbm>>
      %dma_wait3A_30 = arith.constant 0 : i32
      %dma_wait3A_31 = tpu.memref_slice %arg14[%dma_wait3A_30] : memref<3200xf32, #tpu.memory_space<vmem>> -> memref<3200xf32, #tpu.memory_space<vmem>>
      tpu.wait_dma2 semaphore(%run_scoped3A : memref<!tpu.dma_semaphore, #tpu.memory_space<semaphore_mem>>) src(%dma_wait3A_31 : memref<3200xf32, #tpu.memory_space<vmem>>) dst(%dma_wait3A_29 : memref<3200xf32, #tpu.memory_space<hbm>>)
      tpu.yield
    }) : () -> ()
    "tpu.region"() ({
      %run_scoped3A = tpu.sem_alloc : memref<!tpu.dma_semaphore, #tpu.memory_space<semaphore_mem>>
      %dma_start3A = arith.constant 0 : i32
      %dma_start3A_10 = tpu.memref_slice %arg14[%dma_start3A] : memref<3200xf32, #tpu.memory_space<vmem>> -> memref<3200xf32, #tpu.memory_space<vmem>>
      %dma_start3A_11 = tpu.memref_slice %arg16[%mul3A_0] : memref<51200xf32, #tpu.memory_space<vmem_shared>> -> memref<3200xf32, #tpu.memory_space<vmem_shared>>
      %dma_start3A_12 = arith.constant 0 : i32
      %dma_start3A_13 = tpu.memref_slice %arg14[%dma_start3A_12] : memref<3200xf32, #tpu.memory_space<vmem>> -> memref<3200xf32, #tpu.memory_space<vmem>>
      %dma_start3A_14 = tpu.memref_slice %arg16[%mul3A_0] : memref<51200xf32, #tpu.memory_space<vmem_shared>> -> memref<3200xf32, #tpu.memory_space<vmem_shared>>
      tpu.enqueue_dma source(%dma_start3A_14 : memref<3200xf32, #tpu.memory_space<vmem_shared>>) target(%dma_start3A_13 : memref<3200xf32, #tpu.memory_space<vmem>>) target_semaphore(%run_scoped3A : memref<!tpu.dma_semaphore, #tpu.memory_space<semaphore_mem>>)
      %dma_wait3A = arith.constant 0 : i32
      %dma_wait3A_15 = tpu.memref_slice %arg14[%dma_wait3A] : memref<3200xf32, #tpu.memory_space<vmem>> -> memref<3200xf32, #tpu.memory_space<vmem>>
      %dma_wait3A_16 = tpu.memref_slice %arg16[%mul3A_0] : memref<51200xf32, #tpu.memory_space<vmem_shared>> -> memref<3200xf32, #tpu.memory_space<vmem_shared>>
      %dma_wait3A_17 = arith.constant 0 : i32
      %dma_wait3A_18 = tpu.memref_slice %arg14[%dma_wait3A_17] : memref<3200xf32, #tpu.memory_space<vmem>> -> memref<3200xf32, #tpu.memory_space<vmem>>
      %dma_wait3A_19 = tpu.memref_slice %arg16[%mul3A_0] : memref<51200xf32, #tpu.memory_space<vmem_shared>> -> memref<3200xf32, #tpu.memory_space<vmem_shared>>
      tpu.wait_dma2 semaphore(%run_scoped3A : memref<!tpu.dma_semaphore, #tpu.memory_space<semaphore_mem>>) src(%dma_wait3A_19 : memref<3200xf32, #tpu.memory_space<vmem_shared>>) dst(%dma_wait3A_18 : memref<3200xf32, #tpu.memory_space<vmem>>)
      tpu.yield
    }) : () -> ()
    %add3A = arith.constant 1 : i32
    %add3A_9 = arith.addi %mul3A_8, %add3A : i32
    "tpu.region"() ({
      %run_scoped3A = tpu.sem_alloc : memref<!tpu.dma_semaphore, #tpu.memory_space<semaphore_mem>>
      %dma_start3A = arith.constant 0 : i32
      %dma_start3A_10 = tpu.memref_slice %arg14[%dma_start3A] : memref<3200xf32, #tpu.memory_space<vmem>> -> memref<3200xf32, #tpu.memory_space<vmem>>
      %dma_start3A_11 = arith.constant 0 : i32
      %dma_start3A_12 = tpu.memref_slice %arg8[%add3A_9, %dma_start3A_11] : memref<4x51200xf32, #tpu.memory_space<hbm>> -> memref<1x51200xf32, #tpu.memory_space<hbm>>
      %dma_start3A_13 = tpu.memref_squeeze %dma_start3A_12 : memref<1x51200xf32, #tpu.memory_space<hbm>> -> memref<51200xf32, #tpu.memory_space<hbm>>
      %dma_start3A_14 = tpu.memref_slice %dma_start3A_13[%mul3A_0] : memref<51200xf32, #tpu.memory_space<hbm>> -> memref<3200xf32, #tpu.memory_space<hbm>>
      %dma_start3A_15 = arith.constant 0 : i32
      %dma_start3A_16 = tpu.memref_slice %arg8[%add3A_9, %dma_start3A_15] : memref<4x51200xf32, #tpu.memory_space<hbm>> -> memref<1x51200xf32, #tpu.memory_space<hbm>>
      %dma_start3A_17 = tpu.memref_squeeze %dma_start3A_16 : memref<1x51200xf32, #tpu.memory_space<hbm>> -> memref<51200xf32, #tpu.memory_space<hbm>>
      %dma_start3A_18 = tpu.memref_slice %dma_start3A_17[%mul3A_0] : memref<51200xf32, #tpu.memory_space<hbm>> -> memref<3200xf32, #tpu.memory_space<hbm>>
      %dma_start3A_19 = arith.constant 0 : i32
      %dma_start3A_20 = tpu.memref_slice %arg14[%dma_start3A_19] : memref<3200xf32, #tpu.memory_space<vmem>> -> memref<3200xf32, #tpu.memory_space<vmem>>
      tpu.enqueue_dma source(%dma_start3A_20 : memref<3200xf32, #tpu.memory_space<vmem>>) target(%dma_start3A_18 : memref<3200xf32, #tpu.memory_space<hbm>>) target_semaphore(%run_scoped3A : memref<!tpu.dma_semaphore, #tpu.memory_space<semaphore_mem>>)
      %dma_wait3A = arith.constant 0 : i32
      %dma_wait3A_21 = tpu.memref_slice %arg14[%dma_wait3A] : memref<3200xf32, #tpu.memory_space<vmem>> -> memref<3200xf32, #tpu.memory_space<vmem>>
      %dma_wait3A_22 = arith.constant 0 : i32
      %dma_wait3A_23 = tpu.memref_slice %arg8[%add3A_9, %dma_wait3A_22] : memref<4x51200xf32, #tpu.memory_space<hbm>> -> memref<1x51200xf32, #tpu.memory_space<hbm>>
      %dma_wait3A_24 = tpu.memref_squeeze %dma_wait3A_23 : memref<1x51200xf32, #tpu.memory_space<hbm>> -> memref<51200xf32, #tpu.memory_space<hbm>>
      %dma_wait3A_25 = tpu.memref_slice %dma_wait3A_24[%mul3A_0] : memref<51200xf32, #tpu.memory_space<hbm>> -> memref<3200xf32, #tpu.memory_space<hbm>>
      %dma_wait3A_26 = arith.constant 0 : i32
      %dma_wait3A_27 = tpu.memref_slice %arg8[%add3A_9, %dma_wait3A_26] : memref<4x51200xf32, #tpu.memory_space<hbm>> -> memref<1x51200xf32, #tpu.memory_space<hbm>>
      %dma_wait3A_28 = tpu.memref_squeeze %dma_wait3A_27 : memref<1x51200xf32, #tpu.memory_space<hbm>> -> memref<51200xf32, #tpu.memory_space<hbm>>
      %dma_wait3A_29 = tpu.memref_slice %dma_wait3A_28[%mul3A_0] : memref<51200xf32, #tpu.memory_space<hbm>> -> memref<3200xf32, #tpu.memory_space<hbm>>
      %dma_wait3A_30 = arith.constant 0 : i32
      %dma_wait3A_31 = tpu.memref_slice %arg14[%dma_wait3A_30] : memref<3200xf32, #tpu.memory_space<vmem>> -> memref<3200xf32, #tpu.memory_space<vmem>>
      tpu.wait_dma2 semaphore(%run_scoped3A : memref<!tpu.dma_semaphore, #tpu.memory_space<semaphore_mem>>) src(%dma_wait3A_31 : memref<3200xf32, #tpu.memory_space<vmem>>) dst(%dma_wait3A_29 : memref<3200xf32, #tpu.memory_space<hbm>>)
      tpu.yield
    }) : () -> ()
    return
  }
}

module attributes {stable_mosaic.version = 14 : i64} {
  func.func @_t1_body(%arg0: i32, %arg1: memref<512x64xf32, #tpu.memory_space<vmem>>, %arg2: memref<64x128xf32, #tpu.memory_space<vmem>>, %arg3: memref<4x64xf32, #tpu.memory_space<vmem>>, %arg4: memref<4x64xf32, #tpu.memory_space<vmem>>, %arg5: memref<512x128xf32, #tpu.memory_space<vmem>>, %arg6: memref<2x512xi32, #tpu.memory_space<vmem>>, %arg7: memref<2x512xi32, #tpu.memory_space<vmem>>) attributes {dimension_semantics = [#tpu.dimension_semantics<arbitrary>], iteration_bounds = array<i64: 100>, scalar_prefetch = 0 : i64, scratch_operands = 0 : i64, tpu.core_type = #tpu.core_type<tc>, window_params = [{transform_indices = @transform_0, window_bounds = array<i64: 512, 64>}, {pipeline_mode = #tpu.pipeline_mode<synchronous>, transform_indices = @transform_1, window_bounds = array<i64: 64, 128>}, {pipeline_mode = #tpu.pipeline_mode<synchronous>, transform_indices = @transform_2, window_bounds = array<i64: 4, 64>}, {pipeline_mode = #tpu.pipeline_mode<synchronous>, transform_indices = @transform_3, window_bounds = array<i64: 4, 64>}, {transform_indices = @transform_4, window_bounds = array<i64: 512, 128>}, {transform_indices = @transform_5, window_bounds = array<i64: 2, 512>}, {transform_indices = @transform_6, window_bounds = array<i64: 2, 512>}]} {
    %get3A = arith.constant 0 : index
    %get3A_0 = arith.constant 0 : index
    %get3A_1 = vector.load %arg1[%get3A, %get3A_0] : memref<512x64xf32, #tpu.memory_space<vmem>>, vector<512x64xf32>
    %get3A_2 = arith.constant 0 : index
    %get3A_3 = arith.constant 0 : index
    %get3A_4 = vector.load %arg2[%get3A_2, %get3A_3] : memref<64x128xf32, #tpu.memory_space<vmem>>, vector<64x128xf32>
    %dot_general3A = arith.constant dense<0.000000e+00> : vector<512x128xf32>
    %dot_general3A_5 = tpu.matmul %get3A_1, %get3A_4, %dot_general3A {dimension_numbers = #tpu.dot_dimension_numbers<[1], [0], [0], [1], [0, 0, 1, 1], [], []>, transpose_lhs_hint = false} : vector<512x64xf32>, vector<64x128xf32>, vector<512x128xf32> -> vector<512x128xf32>
    %swap3A = arith.constant 0 : index
    %swap3A_6 = arith.constant 0 : index
    %swap3A_7 = vector.load %arg5[%swap3A, %swap3A_6] : memref<512x128xf32, #tpu.memory_space<vmem>>, vector<512x128xf32>
    tpu.vector_store %arg5[%swap3A, %swap3A_6], %dot_general3A_5 {strides = array<i32>} : memref<512x128xf32, #tpu.memory_space<vmem>>, vector<512x128xf32>,
    %get3A_8 = arith.constant 0 : index
    %get3A_9 = arith.constant 0 : index
    %get3A_10 = vector.load %arg3[%get3A_8, %get3A_9] : memref<4x64xf32, #tpu.memory_space<vmem>>, vector<1x64xf32>
    %get3A_11 = vector.shape_cast %get3A_10 : vector<1x64xf32> to vector<64xf32>
    %broadcast_in_dim3A = vector.shape_cast %get3A_11 : vector<64xf32> to vector<1x64xf32>
    %mul3A = vector.broadcast %broadcast_in_dim3A : vector<1x64xf32> to vector<512x64xf32>
    %mul3A_12 = arith.mulf %get3A_1, %mul3A : vector<512x64xf32>
    %reduce_sum3A = arith.constant dense<0.000000e+00> : vector<512xf32>
    %reduce_sum3A_13 = vector.multi_reduction <add>, %mul3A_12, %reduce_sum3A [1] : vector<512x64xf32> to vector<512xf32>
    %get3A_14 = arith.constant 0 : index
    %get3A_15 = arith.constant 0 : index
    %get3A_16 = vector.load %arg4[%get3A_14, %get3A_15] : memref<4x64xf32, #tpu.memory_space<vmem>>, vector<1x64xf32>
    %get3A_17 = vector.shape_cast %get3A_16 : vector<1x64xf32> to vector<64xf32>
    %broadcast_in_dim3A_18 = vector.shape_cast %get3A_17 : vector<64xf32> to vector<1x64xf32>
    %mul3A_19 = vector.broadcast %broadcast_in_dim3A_18 : vector<1x64xf32> to vector<512x64xf32>
    %mul3A_20 = arith.mulf %get3A_1, %mul3A_19 : vector<512x64xf32>
    %reduce_sum3A_21 = arith.constant dense<0.000000e+00> : vector<512xf32>
    %reduce_sum3A_22 = vector.multi_reduction <add>, %mul3A_20, %reduce_sum3A_21 [1] : vector<512x64xf32> to vector<512xf32>
    %get3A_23 = arith.constant 1 : index
    %get3A_24 = arith.constant 0 : index
    %get3A_25 = vector.load %arg3[%get3A_23, %get3A_24] : memref<4x64xf32, #tpu.memory_space<vmem>>, vector<1x64xf32>
    %get3A_26 = vector.shape_cast %get3A_25 : vector<1x64xf32> to vector<64xf32>
    %broadcast_in_dim3A_27 = vector.shape_cast %get3A_26 : vector<64xf32> to vector<1x64xf32>
    %mul3A_28 = vector.broadcast %broadcast_in_dim3A_27 : vector<1x64xf32> to vector<512x64xf32>
    %mul3A_29 = arith.mulf %get3A_1, %mul3A_28 : vector<512x64xf32>
    %reduce_sum3A_30 = arith.constant dense<0.000000e+00> : vector<512xf32>
    %reduce_sum3A_31 = vector.multi_reduction <add>, %mul3A_29, %reduce_sum3A_30 [1] : vector<512x64xf32> to vector<512xf32>
    %get3A_32 = arith.constant 1 : index
    %get3A_33 = arith.constant 0 : index
    %get3A_34 = vector.load %arg4[%get3A_32, %get3A_33] : memref<4x64xf32, #tpu.memory_space<vmem>>, vector<1x64xf32>
    %get3A_35 = vector.shape_cast %get3A_34 : vector<1x64xf32> to vector<64xf32>
    %broadcast_in_dim3A_36 = vector.shape_cast %get3A_35 : vector<64xf32> to vector<1x64xf32>
    %mul3A_37 = vector.broadcast %broadcast_in_dim3A_36 : vector<1x64xf32> to vector<512x64xf32>
    %mul3A_38 = arith.mulf %get3A_1, %mul3A_37 : vector<512x64xf32>
    %reduce_sum3A_39 = arith.constant dense<0.000000e+00> : vector<512xf32>
    %reduce_sum3A_40 = vector.multi_reduction <add>, %mul3A_38, %reduce_sum3A_39 [1] : vector<512x64xf32> to vector<512xf32>
    %get3A_41 = arith.constant 2 : index
    %get3A_42 = arith.constant 0 : index
    %get3A_43 = vector.load %arg3[%get3A_41, %get3A_42] : memref<4x64xf32, #tpu.memory_space<vmem>>, vector<1x64xf32>
    %get3A_44 = vector.shape_cast %get3A_43 : vector<1x64xf32> to vector<64xf32>
    %broadcast_in_dim3A_45 = vector.shape_cast %get3A_44 : vector<64xf32> to vector<1x64xf32>
    %mul3A_46 = vector.broadcast %broadcast_in_dim3A_45 : vector<1x64xf32> to vector<512x64xf32>
    %mul3A_47 = arith.mulf %get3A_1, %mul3A_46 : vector<512x64xf32>
    %reduce_sum3A_48 = arith.constant dense<0.000000e+00> : vector<512xf32>
    %reduce_sum3A_49 = vector.multi_reduction <add>, %mul3A_47, %reduce_sum3A_48 [1] : vector<512x64xf32> to vector<512xf32>
    %get3A_50 = arith.constant 2 : index
    %get3A_51 = arith.constant 0 : index
    %get3A_52 = vector.load %arg4[%get3A_50, %get3A_51] : memref<4x64xf32, #tpu.memory_space<vmem>>, vector<1x64xf32>
    %get3A_53 = vector.shape_cast %get3A_52 : vector<1x64xf32> to vector<64xf32>
    %broadcast_in_dim3A_54 = vector.shape_cast %get3A_53 : vector<64xf32> to vector<1x64xf32>
    %mul3A_55 = vector.broadcast %broadcast_in_dim3A_54 : vector<1x64xf32> to vector<512x64xf32>
    %mul3A_56 = arith.mulf %get3A_1, %mul3A_55 : vector<512x64xf32>
    %reduce_sum3A_57 = arith.constant dense<0.000000e+00> : vector<512xf32>
    %reduce_sum3A_58 = vector.multi_reduction <add>, %mul3A_56, %reduce_sum3A_57 [1] : vector<512x64xf32> to vector<512xf32>
    %get3A_59 = arith.constant 3 : index
    %get3A_60 = arith.constant 0 : index
    %get3A_61 = vector.load %arg3[%get3A_59, %get3A_60] : memref<4x64xf32, #tpu.memory_space<vmem>>, vector<1x64xf32>
    %get3A_62 = vector.shape_cast %get3A_61 : vector<1x64xf32> to vector<64xf32>
    %broadcast_in_dim3A_63 = vector.shape_cast %get3A_62 : vector<64xf32> to vector<1x64xf32>
    %mul3A_64 = vector.broadcast %broadcast_in_dim3A_63 : vector<1x64xf32> to vector<512x64xf32>
    %mul3A_65 = arith.mulf %get3A_1, %mul3A_64 : vector<512x64xf32>
    %reduce_sum3A_66 = arith.constant dense<0.000000e+00> : vector<512xf32>
    %reduce_sum3A_67 = vector.multi_reduction <add>, %mul3A_65, %reduce_sum3A_66 [1] : vector<512x64xf32> to vector<512xf32>
    %get3A_68 = arith.constant 3 : index
    %get3A_69 = arith.constant 0 : index
    %get3A_70 = vector.load %arg4[%get3A_68, %get3A_69] : memref<4x64xf32, #tpu.memory_space<vmem>>, vector<1x64xf32>
    %get3A_71 = vector.shape_cast %get3A_70 : vector<1x64xf32> to vector<64xf32>
    %broadcast_in_dim3A_72 = vector.shape_cast %get3A_71 : vector<64xf32> to vector<1x64xf32>
    %mul3A_73 = vector.broadcast %broadcast_in_dim3A_72 : vector<1x64xf32> to vector<512x64xf32>
    %mul3A_74 = arith.mulf %get3A_1, %mul3A_73 : vector<512x64xf32>
    %reduce_sum3A_75 = arith.constant dense<0.000000e+00> : vector<512xf32>
    %reduce_sum3A_76 = vector.multi_reduction <add>, %mul3A_74, %reduce_sum3A_75 [1] : vector<512x64xf32> to vector<512xf32>
    %bitcast_convert_type3A = tpu.bitcast %reduce_sum3A_13 : vector<512xf32> -> vector<512xi32>
    %and3A = arith.constant -65536 : i32
    %and3A_77 = vector.broadcast %and3A : i32 to vector<512xi32>
    %and3A_78 = arith.andi %bitcast_convert_type3A, %and3A_77 : vector<512xi32>
    %bitcast_convert_type3A_79 = tpu.bitcast %reduce_sum3A_31 : vector<512xf32> -> vector<512xi32>
    %shift_right_logical3A = arith.constant 16 : i32
    %shift_right_logical3A_80 = vector.broadcast %shift_right_logical3A : i32 to vector<512xi32>
    %shift_right_logical3A_81 = arith.shrui %bitcast_convert_type3A_79, %shift_right_logical3A_80 : vector<512xi32>
    %or3A = arith.ori %and3A_78, %shift_right_logical3A_81 : vector<512xi32>
    %swap3A_82 = arith.constant 0 : index
    %swap3A_83 = arith.constant 0 : index
    %swap3A_84 = vector.load %arg6[%swap3A_82, %swap3A_83] : memref<2x512xi32, #tpu.memory_space<vmem>>, vector<1x512xi32>
    %swap3A_85 = vector.shape_cast %swap3A_84 : vector<1x512xi32> to vector<512xi32>
    %swap3A_86 = vector.shape_cast %or3A : vector<512xi32> to vector<1x512xi32>
    tpu.vector_store %arg6[%swap3A_82, %swap3A_83], %swap3A_86 {strides = array<i32>} : memref<2x512xi32, #tpu.memory_space<vmem>>, vector<1x512xi32>,
    %bitcast_convert_type3A_87 = tpu.bitcast %reduce_sum3A_22 : vector<512xf32> -> vector<512xi32>
    %and3A_88 = arith.constant -65536 : i32
    %and3A_89 = vector.broadcast %and3A_88 : i32 to vector<512xi32>
    %and3A_90 = arith.andi %bitcast_convert_type3A_87, %and3A_89 : vector<512xi32>
    %bitcast_convert_type3A_91 = tpu.bitcast %reduce_sum3A_40 : vector<512xf32> -> vector<512xi32>
    %shift_right_logical3A_92 = arith.constant 16 : i32
    %shift_right_logical3A_93 = vector.broadcast %shift_right_logical3A_92 : i32 to vector<512xi32>
    %shift_right_logical3A_94 = arith.shrui %bitcast_convert_type3A_91, %shift_right_logical3A_93 : vector<512xi32>
    %or3A_95 = arith.ori %and3A_90, %shift_right_logical3A_94 : vector<512xi32>
    %swap3A_96 = arith.constant 0 : index
    %swap3A_97 = arith.constant 0 : index
    %swap3A_98 = vector.load %arg7[%swap3A_96, %swap3A_97] : memref<2x512xi32, #tpu.memory_space<vmem>>, vector<1x512xi32>
    %swap3A_99 = vector.shape_cast %swap3A_98 : vector<1x512xi32> to vector<512xi32>
    %swap3A_100 = vector.shape_cast %or3A_95 : vector<512xi32> to vector<1x512xi32>
    tpu.vector_store %arg7[%swap3A_96, %swap3A_97], %swap3A_100 {strides = array<i32>} : memref<2x512xi32, #tpu.memory_space<vmem>>, vector<1x512xi32>,
    %bitcast_convert_type3A_101 = tpu.bitcast %reduce_sum3A_49 : vector<512xf32> -> vector<512xi32>
    %and3A_102 = arith.constant -65536 : i32
    %and3A_103 = vector.broadcast %and3A_102 : i32 to vector<512xi32>
    %and3A_104 = arith.andi %bitcast_convert_type3A_101, %and3A_103 : vector<512xi32>
    %bitcast_convert_type3A_105 = tpu.bitcast %reduce_sum3A_67 : vector<512xf32> -> vector<512xi32>
    %shift_right_logical3A_106 = arith.constant 16 : i32
    %shift_right_logical3A_107 = vector.broadcast %shift_right_logical3A_106 : i32 to vector<512xi32>
    %shift_right_logical3A_108 = arith.shrui %bitcast_convert_type3A_105, %shift_right_logical3A_107 : vector<512xi32>
    %or3A_109 = arith.ori %and3A_104, %shift_right_logical3A_108 : vector<512xi32>
    %swap3A_110 = arith.constant 1 : index
    %swap3A_111 = arith.constant 0 : index
    %swap3A_112 = vector.load %arg6[%swap3A_110, %swap3A_111] : memref<2x512xi32, #tpu.memory_space<vmem>>, vector<1x512xi32>
    %swap3A_113 = vector.shape_cast %swap3A_112 : vector<1x512xi32> to vector<512xi32>
    %swap3A_114 = vector.shape_cast %or3A_109 : vector<512xi32> to vector<1x512xi32>
    tpu.vector_store %arg6[%swap3A_110, %swap3A_111], %swap3A_114 {strides = array<i32>} : memref<2x512xi32, #tpu.memory_space<vmem>>, vector<1x512xi32>,
    %bitcast_convert_type3A_115 = tpu.bitcast %reduce_sum3A_58 : vector<512xf32> -> vector<512xi32>
    %and3A_116 = arith.constant -65536 : i32
    %and3A_117 = vector.broadcast %and3A_116 : i32 to vector<512xi32>
    %and3A_118 = arith.andi %bitcast_convert_type3A_115, %and3A_117 : vector<512xi32>
    %bitcast_convert_type3A_119 = tpu.bitcast %reduce_sum3A_76 : vector<512xf32> -> vector<512xi32>
    %shift_right_logical3A_120 = arith.constant 16 : i32
    %shift_right_logical3A_121 = vector.broadcast %shift_right_logical3A_120 : i32 to vector<512xi32>
    %shift_right_logical3A_122 = arith.shrui %bitcast_convert_type3A_119, %shift_right_logical3A_121 : vector<512xi32>
    %or3A_123 = arith.ori %and3A_118, %shift_right_logical3A_122 : vector<512xi32>
    %swap3A_124 = arith.constant 1 : index
    %swap3A_125 = arith.constant 0 : index
    %swap3A_126 = vector.load %arg7[%swap3A_124, %swap3A_125] : memref<2x512xi32, #tpu.memory_space<vmem>>, vector<1x512xi32>
    %swap3A_127 = vector.shape_cast %swap3A_126 : vector<1x512xi32> to vector<512xi32>
    %swap3A_128 = vector.shape_cast %or3A_123 : vector<512xi32> to vector<1x512xi32>
    tpu.vector_store %arg7[%swap3A_124, %swap3A_125], %swap3A_128 {strides = array<i32>} : memref<2x512xi32, #tpu.memory_space<vmem>>, vector<1x512xi32>,
    return
  }
  func.func @transform_0(%arg0: i32) -> (i32, i32) {
    %c0_i32 = arith.constant 0 : i32
    %c0_i32_0 = arith.constant 0 : i32
    return %arg0, %c0_i32 : i32, i32
  }
  func.func @transform_1(%arg0: i32) -> (i32, i32) {
    %c0_i32 = arith.constant 0 : i32
    %c0_i32_0 = arith.constant 0 : i32
    %c0_i32_1 = arith.constant 0 : i32
    return %c0_i32, %c0_i32_0 : i32, i32
  }
  func.func @transform_2(%arg0: i32) -> (i32, i32) {
    %c0_i32 = arith.constant 0 : i32
    %c0_i32_0 = arith.constant 0 : i32
    %c0_i32_1 = arith.constant 0 : i32
    return %c0_i32, %c0_i32_0 : i32, i32
  }
  func.func @transform_3(%arg0: i32) -> (i32, i32) {
    %c0_i32 = arith.constant 0 : i32
    %c0_i32_0 = arith.constant 0 : i32
    %c0_i32_1 = arith.constant 0 : i32
    return %c0_i32, %c0_i32_0 : i32, i32
  }
  func.func @transform_4(%arg0: i32) -> (i32, i32) {
    %c0_i32 = arith.constant 0 : i32
    %c0_i32_0 = arith.constant 0 : i32
    return %arg0, %c0_i32 : i32, i32
  }
  func.func @transform_5(%arg0: i32) -> (i32, i32) {
    %c0_i32 = arith.constant 0 : i32
    %c0_i32_0 = arith.constant 0 : i32
    return %c0_i32, %arg0 : i32, i32
  }
  func.func @transform_6(%arg0: i32) -> (i32, i32) {
    %c0_i32 = arith.constant 0 : i32
    %c0_i32_0 = arith.constant 0 : i32
    return %c0_i32, %arg0 : i32, i32
  }
}

module attributes {stable_mosaic.version = 14 : i64} {
  func.func @_t2_body(%arg0: i32, %arg1: memref<512x128xf32, #tpu.memory_space<vmem>>, %arg2: memref<4x512xf32, #tpu.memory_space<vmem>>, %arg3: memref<1x128xf32, #tpu.memory_space<vmem>>, %arg4: memref<128x2xf32, #tpu.memory_space<vmem>>, %arg5: memref<512x128xf32, #tpu.memory_space<vmem>>, %arg6: memref<512x2xf32, #tpu.memory_space<vmem>>) attributes {dimension_semantics = [#tpu.dimension_semantics<arbitrary>], iteration_bounds = array<i64: 100>, scalar_prefetch = 0 : i64, scratch_operands = 0 : i64, tpu.core_type = #tpu.core_type<tc>, window_params = [{transform_indices = @transform_0, window_bounds = array<i64: 512, 128>}, {transform_indices = @transform_1, window_bounds = array<i64: 4, 512>}, {pipeline_mode = #tpu.pipeline_mode<synchronous>, transform_indices = @transform_2, window_bounds = array<i64: 1, 128>}, {pipeline_mode = #tpu.pipeline_mode<synchronous>, transform_indices = @transform_3, window_bounds = array<i64: 128, 2>}, {transform_indices = @transform_4, window_bounds = array<i64: 512, 128>}, {transform_indices = @transform_5, window_bounds = array<i64: 512, 2>}]} {
    %get3A = arith.constant 0 : index
    %get3A_0 = arith.constant 0 : index
    %get3A_1 = vector.load %arg2[%get3A, %get3A_0] : memref<4x512xf32, #tpu.memory_space<vmem>>, vector<4x512xf32>
    %add3A = arith.constant 1.000000e-16 : f32
    %add3A_2 = vector.broadcast %add3A : f32 to vector<4x512xf32>
    %add3A_3 = arith.addf %get3A_1, %add3A_2 : vector<4x512xf32>
    %div3A = arith.constant 1.000000e+00 : f32
    %div3A_4 = vector.broadcast %div3A : f32 to vector<4x512xf32>
    %div3A_5 = arith.divf %div3A_4, %add3A_3 : vector<4x512xf32>
    %slice3A = vector.extract_strided_slice %div3A_5 {offsets = [0, 0], sizes = [1, 512], strides = [1, 1]} : vector<4x512xf32> to vector<1x512xf32>
    %squeeze3A = vector.shape_cast %slice3A : vector<1x512xf32> to vector<512xf32>
    %slice3A_6 = vector.extract_strided_slice %div3A_5 {offsets = [1, 0], sizes = [1, 512], strides = [1, 1]} : vector<4x512xf32> to vector<1x512xf32>
    %squeeze3A_7 = vector.shape_cast %slice3A_6 : vector<1x512xf32> to vector<512xf32>
    %stack3A = vector.shape_cast %squeeze3A : vector<512xf32> to vector<512x1xf32>
    %stack3A_8 = vector.shape_cast %squeeze3A_7 : vector<512xf32> to vector<512x1xf32>
    %stack3A_9 = tpu.concatenate %stack3A, %stack3A_8 in 1 : vector<512x1xf32>, vector<512x1xf32> -> vector<512x2xf32>
    %slice3A_10 = vector.extract_strided_slice %div3A_5 {offsets = [2, 0], sizes = [1, 512], strides = [1, 1]} : vector<4x512xf32> to vector<1x512xf32>
    %squeeze3A_11 = vector.shape_cast %slice3A_10 : vector<1x512xf32> to vector<512xf32>
    %slice3A_12 = vector.extract_strided_slice %div3A_5 {offsets = [3, 0], sizes = [1, 512], strides = [1, 1]} : vector<4x512xf32> to vector<1x512xf32>
    %squeeze3A_13 = vector.shape_cast %slice3A_12 : vector<1x512xf32> to vector<512xf32>
    %stack3A_14 = vector.shape_cast %squeeze3A_11 : vector<512xf32> to vector<512x1xf32>
    %stack3A_15 = vector.shape_cast %squeeze3A_13 : vector<512xf32> to vector<512x1xf32>
    %stack3A_16 = tpu.concatenate %stack3A_14, %stack3A_15 in 1 : vector<512x1xf32>, vector<512x1xf32> -> vector<512x2xf32>
    %broadcast_in_dim3A = vector.shape_cast %stack3A_9 : vector<512x2xf32> to vector<512x1x2xf32>
    %broadcast_in_dim3A_17 = vector.shape_cast %broadcast_in_dim3A : vector<512x1x2xf32> to vector<512x1x2xf32>
    %broadcast_in_dim3A_18 = vector.broadcast %broadcast_in_dim3A_17 : vector<512x1x2xf32> to vector<512x32x2xf32>
    %broadcast_in_dim3A_19 = vector.shape_cast %stack3A_16 : vector<512x2xf32> to vector<512x1x2xf32>
    %broadcast_in_dim3A_20 = vector.shape_cast %broadcast_in_dim3A_19 : vector<512x1x2xf32> to vector<512x1x2xf32>
    %broadcast_in_dim3A_21 = vector.broadcast %broadcast_in_dim3A_20 : vector<512x1x2xf32> to vector<512x32x2xf32>
    %reshape3A = vector.shape_cast %broadcast_in_dim3A_18 : vector<512x32x2xf32> to vector<512x64xf32>
    %reshape3A_22 = vector.shape_cast %broadcast_in_dim3A_21 : vector<512x32x2xf32> to vector<512x64xf32>
    %concatenate3A = tpu.concatenate %reshape3A, %reshape3A_22 in 1 : vector<512x64xf32>, vector<512x64xf32> -> vector<512x128xf32>
    %get3A_23 = arith.constant 0 : index
    %get3A_24 = arith.constant 0 : index
    %get3A_25 = vector.load %arg1[%get3A_23, %get3A_24] : memref<512x128xf32, #tpu.memory_space<vmem>>, vector<512x128xf32>
    %mul3A = arith.mulf %get3A_25, %concatenate3A : vector<512x128xf32>
    %get3A_26 = arith.constant 0 : index
    %get3A_27 = arith.constant 0 : index
    %get3A_28 = vector.load %arg3[%get3A_26, %get3A_27] : memref<1x128xf32, #tpu.memory_space<vmem>>, vector<1x128xf32>
    %add3A_29 = vector.broadcast %get3A_28 : vector<1x128xf32> to vector<512x128xf32>
    %add3A_30 = arith.addf %mul3A, %add3A_29 : vector<512x128xf32>
    %gt3A = arith.constant 0.000000e+00 : f32
    %gt3A_31 = vector.broadcast %gt3A : f32 to vector<512x128xf32>
    %gt3A_32 = arith.cmpf ogt, %add3A_30, %gt3A_31 : vector<512x128xf32>
    %exp3A = math.exp %add3A_30 : vector<512x128xf32>
    %sub3A = arith.constant 1.000000e+00 : f32
    %sub3A_33 = vector.broadcast %sub3A : f32 to vector<512x128xf32>
    %sub3A_34 = arith.subf %exp3A, %sub3A_33 : vector<512x128xf32>
    %select_n3A = arith.select %gt3A_32, %add3A_30, %sub3A_34 : vector<512x128xi1>, vector<512x128xf32>
    %swap3A = arith.constant 0 : index
    %swap3A_35 = arith.constant 0 : index
    %swap3A_36 = vector.load %arg5[%swap3A, %swap3A_35] : memref<512x128xf32, #tpu.memory_space<vmem>>, vector<512x128xf32>
    tpu.vector_store %arg5[%swap3A, %swap3A_35], %select_n3A {strides = array<i32>} : memref<512x128xf32, #tpu.memory_space<vmem>>, vector<512x128xf32>,
    %get3A_37 = arith.constant 0 : index
    %get3A_38 = arith.constant 0 : index
    %get3A_39 = vector.load %arg4[%get3A_37, %get3A_38] : memref<128x2xf32, #tpu.memory_space<vmem>>, vector<128x2xf32>
    %dot_general3A = arith.constant dense<0.000000e+00> : vector<512x2xf32>
    %dot_general3A_40 = tpu.matmul %select_n3A, %get3A_39, %dot_general3A {dimension_numbers = #tpu.dot_dimension_numbers<[1], [0], [0], [1], [0, 0, 1, 1], [], []>, transpose_lhs_hint = false} : vector<512x128xf32>, vector<128x2xf32>, vector<512x2xf32> -> vector<512x2xf32>
    %swap3A_41 = arith.constant 0 : index
    %swap3A_42 = arith.constant 0 : index
    %swap3A_43 = vector.load %arg6[%swap3A_41, %swap3A_42] : memref<512x2xf32, #tpu.memory_space<vmem>>, vector<512x2xf32>
    tpu.vector_store %arg6[%swap3A_41, %swap3A_42], %dot_general3A_40 {strides = array<i32>} : memref<512x2xf32, #tpu.memory_space<vmem>>, vector<512x2xf32>,
    return
  }
  func.func @transform_0(%arg0: i32) -> (i32, i32) {
    %c0_i32 = arith.constant 0 : i32
    %c0_i32_0 = arith.constant 0 : i32
    return %arg0, %c0_i32 : i32, i32
  }
  func.func @transform_1(%arg0: i32) -> (i32, i32) {
    %c0_i32 = arith.constant 0 : i32
    %c0_i32_0 = arith.constant 0 : i32
    return %c0_i32, %arg0 : i32, i32
  }
  func.func @transform_2(%arg0: i32) -> (i32, i32) {
    %c0_i32 = arith.constant 0 : i32
    %c0_i32_0 = arith.constant 0 : i32
    %c0_i32_1 = arith.constant 0 : i32
    return %c0_i32, %c0_i32_0 : i32, i32
  }
  func.func @transform_3(%arg0: i32) -> (i32, i32) {
    %c0_i32 = arith.constant 0 : i32
    %c0_i32_0 = arith.constant 0 : i32
    %c0_i32_1 = arith.constant 0 : i32
    return %c0_i32, %c0_i32_0 : i32, i32
  }
  func.func @transform_4(%arg0: i32) -> (i32, i32) {
    %c0_i32 = arith.constant 0 : i32
    %c0_i32_0 = arith.constant 0 : i32
    return %arg0, %c0_i32 : i32, i32
  }
  func.func @transform_5(%arg0: i32) -> (i32, i32) {
    %c0_i32 = arith.constant 0 : i32
    %c0_i32_0 = arith.constant 0 : i32
    return %arg0, %c0_i32 : i32, i32
  }
}

module attributes {stable_mosaic.version = 14 : i64} {
  func.func @_t3_body(%arg0: memref<1x51200xf32, #tpu.memory_space<vmem>>, %arg1: memref<51200x128xf32, #tpu.memory_space<vmem>>, %arg2: memref<128x256xf32, #tpu.memory_space<vmem>>, %arg3: memref<1x256xf32, #tpu.memory_space<vmem>>, %arg4: memref<1x256xf32, #tpu.memory_space<vmem>>) attributes {dimension_semantics = [], scalar_prefetch = 0 : i64, scratch_operands = 0 : i64, tpu.core_type = #tpu.core_type<tc>} {
    %get3A = arith.constant 0 : index
    %get3A_0 = arith.constant 0 : index
    %get3A_1 = vector.load %arg0[%get3A, %get3A_0] : memref<1x51200xf32, #tpu.memory_space<vmem>>, vector<1x51200xf32>
    %get3A_2 = arith.constant 0 : index
    %get3A_3 = arith.constant 0 : index
    %get3A_4 = vector.load %arg1[%get3A_2, %get3A_3] : memref<51200x128xf32, #tpu.memory_space<vmem>>, vector<51200x128xf32>
    %dot_general3A = arith.constant dense<0.000000e+00> : vector<1x128xf32>
    %dot_general3A_5 = tpu.matmul %get3A_1, %get3A_4, %dot_general3A {dimension_numbers = #tpu.dot_dimension_numbers<[1], [0], [0], [1], [0, 0, 1, 1], [], []>, transpose_lhs_hint = false} : vector<1x51200xf32>, vector<51200x128xf32>, vector<1x128xf32> -> vector<1x128xf32>
    %get3A_6 = arith.constant 0 : index
    %get3A_7 = arith.constant 0 : index
    %get3A_8 = vector.load %arg2[%get3A_6, %get3A_7] : memref<128x256xf32, #tpu.memory_space<vmem>>, vector<128x256xf32>
    %dot_general3A_9 = arith.constant dense<0.000000e+00> : vector<1x256xf32>
    %dot_general3A_10 = tpu.matmul %dot_general3A_5, %get3A_8, %dot_general3A_9 {dimension_numbers = #tpu.dot_dimension_numbers<[1], [0], [0], [1], [0, 0, 1, 1], [], []>, transpose_lhs_hint = false} : vector<1x128xf32>, vector<128x256xf32>, vector<1x256xf32> -> vector<1x256xf32>
    %mul3A = arith.constant 2.000000e-05 : f32
    %mul3A_11 = vector.broadcast %mul3A : f32 to vector<1x256xf32>
    %mul3A_12 = arith.mulf %dot_general3A_10, %mul3A_11 : vector<1x256xf32>
    %get3A_13 = arith.constant 0 : index
    %get3A_14 = arith.constant 0 : index
    %get3A_15 = vector.load %arg3[%get3A_13, %get3A_14] : memref<1x256xf32, #tpu.memory_space<vmem>>, vector<1x256xf32>
    %add3A = arith.addf %mul3A_12, %get3A_15 : vector<1x256xf32>
    %swap3A = arith.constant 0 : index
    %swap3A_16 = arith.constant 0 : index
    %swap3A_17 = vector.load %arg4[%swap3A, %swap3A_16] : memref<1x256xf32, #tpu.memory_space<vmem>>, vector<1x256xf32>
    tpu.vector_store %arg4[%swap3A, %swap3A_16], %add3A {strides = array<i32>} : memref<1x256xf32, #tpu.memory_space<vmem>>, vector<1x256xf32>,
    return
  }
}

</mosaic_0001>

<sc_bundles>
// kernel: kernel.6.cloned.1.call-start
scs
__scs_entry_jumppad:
0x0: {  	(pc) =	sbr.rel $0x88, $3  }
0x1: {  	(tag) =	ssettag $0x0;
	lr =	simm.s32 $0x1  }
0x2: {  	[smem:$0x3F97] =	sst lr;
	_ =	strace $0xD0000000  }
0x3: {  	_ = 	snop  }
0x4: {  	_ = 	snop  }
0x5: {  	_ = 	snop  }
0x6: {  	_ = 	snop  }
0x7: {  	_ = 	snop  }
__scs_overlays_trampoline_lowered:
0x8: {  	[smem:$0x3FA6] =	sst s0  }
0x9: {  	[smem:$0x3FA7] =	sst s1  }
0xa: {  	[smem:$0x3FA8] =	sst s2  }
0xb: {  	[smem:$0x3FA9] =	sst s3  }
0xc: {  	[smem:$0x3FAA] =	sst s4  }
0xd: {  	[smem:$0x3FAB] =	sst s5  }
0xe: {  	[smem:$0x3FAC] =	sst s6  }
0xf: {  	[smem:$0x3FAD] =	sst s7  }
0x10: {  	[smem:$0x3FAE] =	sst s8  }
0x11: {  	[smem:$0x3FAF] =	sst s9;
	s0 =	simm.s32 @!p0 $0x0  }
0x12: {  	s1 =	sld [smem:$0x3F95];
	s0 =	simm.s32 @p0 $0x1  }
0x13: {  	[smem:$0x3FB0] =	sst s0;
	s0 =	simm.s32 @!p1 $0x0  }
0x14: {  	s2 =	sld [smem:$0x3F94];
	s0 =	simm.s32 @p1 $0x1  }
0x15: {  	[smem:$0x3FB1] =	sst s0;
	s0 =	simm.s32 @!p2 $0x0  }
0x16: {  	s3 =	sld [smem:$0x3FDB];
	s0 =	simm.s32 @p2 $0x1  }
0x17: {  	s4 =	simm.s32 $0x1BF5;
	[smem:$0x3FB3] =	sst s0  }
0x18: {  	s0 =	sld [smem:$0x3F96];
	_ =	swait.ge [sflag:s4], $0x0  }
0x19: {  	s7 =	sld [smem:$0x3F97]  }
0x1a: {  	s8 =	sadd.s32 $0xFFFFE003, lr  }
0x1b: {  	s9 =	sadd.s32 $0xFFFFFEF7, lr;
	s5 =	simm.s32 $0xFFFFFFFF;
	p2 =	slt.u32 s8, $0xFFFFF086  }
0x1c: {  	p1 =	slt.u32 s9, $0xF7A;
	s5 =	simm.s32 @!p2 $0x0  }
0x1d: {  	s5 =	simm.s32 @p1 $0x1;
	p0 =	seq.s32 s7, s2  }
0x1e: {  	s7 =	smul.u32 @!p0 $0xF7A, s2;
	p2 =	seq.s32 @!p0 s5, $0x0  }
0x1f: {  	s9 =	smul.u32 $0xF7A, s1;
	s8 =	simm.s32 @!p0 $0x1BF5;
	p2 =	por !p2, p0  }
0x20: {  	[sflag:s8] =	ssyncset.s32 @!p0 $0xFFFFF086;
	s6 =	sadd.s32 @!p0 s3, s7;
	s7 =	simm.s32 @!p0 $0x108  }
0x21: {  	s3 =	sadd.s32 s3, s9;
	s6 =	sadd.s32 @!p0 $0x88, s6;
	s7 =	simm.s32 @p2 $0x1082  }
0x22: {  	[simem:s7], [sflag:s8] =	dma.local @!p0 [hbm:s6], $0xF7A  }
0x23: {  	s9 =	sor.u32 $0xD0000000, s2;
	s6 =	simm.s32 $0x108;
	_ =	swait.ge @!p0 [sflag:s8], $0x0  }
0x24: {  	s3 =	sadd.s32 $0x88, s3;
	s6 =	simm.s32 @!p1 $0x1082;
	[sflag:s4] =	ssyncset.s32 $0xFFFFF086  }
0x25: {  	[simem:s6], [sflag:s4] =	dma.local [hbm:s3], $0xF7A  }
0x26: {  	[smem:$0x3F97] =	sst s1;
	(tag) =	ssettag s2;
	_ =	strace s9  }
0x27: {  	s1 =	sld [smem:$0x3FA7]  }
0x28: {  	s2 =	sld [smem:$0x3FA8]  }
0x29: {  	s4 =	sld [smem:$0x3FAA]  }
0x2a: {  	p0 =	seq.s32 s5, $0x0;
	s5 =	sld [smem:$0x3FAB]  }
0x2b: {  	s6 =	sld [smem:$0x3FAC]  }
0x2c: {  	s7 =	sld [smem:$0x3FAD]  }
0x2d: {  	s3 =	simm.s32 $0x108;
	s8 =	sld [smem:$0x3FAE]  }
0x2e: {  	s3 =	simm.s32 @!p0 $0x1082;
	s9 =	sld [smem:$0x3FAF]  }
0x2f: {  	lr =	sadd.s32 s0, s3;
	s0 =	sld [smem:$0x3FA6]  }
0x30: {  	s3 =	sld [smem:$0x3FA9]  }
0x31: {  	[smem:$0x3FB2] =	sst s10  }
0x32: {  	s10 =	sld [smem:$0x3FB0];
	_ =	sdelay $0x3  }
0x33: {  	p0 =	seq.s32 s10, $0x1;
	s10 =	sld [smem:$0x3FB2];
	_ =	sdelay $0x3  }
0x34: {  	[smem:$0x3FB2] =	sst s10  }
0x35: {  	s10 =	sld [smem:$0x3FB1];
	_ =	sdelay $0x3  }
0x36: {  	p1 =	seq.s32 s10, $0x1;
	s10 =	sld [smem:$0x3FB2];
	_ =	sdelay $0x3  }
0x37: {  	[smem:$0x3FB2] =	sst s10  }
0x38: {  	s10 =	sld [smem:$0x3FB3]  }
0x39: {  	_ = 	snop;
	(pc) =	sbr.ind lr, $3  }
0x3a: {  	_ = 	snop  }
0x3b: {  	_ = 	snop  }
0x3c: {  	p2 =	seq.s32 s10, $0x1;
	s10 =	sld [smem:$0x3FB2]  }
0x3d: {  	_ =	shalt  }
0x3e: {  	_ =	shalt  }
0x3f: {  	_ =	shalt  }
0x40: {  	_ =	shalt  }
0x41: {  	_ =	shalt  }
0x42: {  	_ =	shalt  }
0x43: {  	_ =	shalt  }
0x44: {  	_ =	shalt  }
0x45: {  	_ =	shalt  }
0x46: {  	_ =	shalt  }
0x47: {  	_ =	shalt  }
0x48: {  	_ =	shalt  }
0x49: {  	_ =	shalt  }
0x4a: {  	_ =	shalt  }
0x4b: {  	_ =	shalt  }
0x4c: {  	_ =	shalt  }
0x4d: {  	_ =	shalt  }
0x4e: {  	_ =	shalt  }
0x4f: {  	_ =	shalt  }
0x50: {  	_ =	shalt  }
0x51: {  	_ =	shalt  }
0x52: {  	_ =	shalt  }
0x53: {  	_ =	shalt  }
0x54: {  	_ =	shalt  }
0x55: {  	_ =	shalt  }
0x56: {  	_ =	shalt  }
0x57: {  	_ =	shalt  }
0x58: {  	_ =	shalt  }
0x59: {  	_ =	shalt  }
0x5a: {  	_ =	shalt  }
0x5b: {  	_ =	shalt  }
0x5c: {  	_ =	shalt  }
0x5d: {  	_ =	shalt  }
0x5e: {  	_ =	shalt  }
0x5f: {  	_ =	shalt  }
0x60: {  	_ =	shalt  }
0x61: {  	_ =	shalt  }
0x62: {  	_ =	shalt  }
0x63: {  	_ =	shalt  }
0x64: {  	_ =	shalt  }
0x65: {  	_ =	shalt  }
0x66: {  	_ =	shalt  }
0x67: {  	_ =	shalt  }
0x68: {  	_ =	shalt  }
0x69: {  	_ =	shalt  }
0x6a: {  	_ =	shalt  }
0x6b: {  	_ =	shalt  }
0x6c: {  	_ =	shalt  }
0x6d: {  	_ =	shalt  }
0x6e: {  	_ =	shalt  }
0x6f: {  	_ =	shalt  }
0x70: {  	_ =	shalt  }
0x71: {  	_ =	shalt  }
0x72: {  	_ =	shalt  }
0x73: {  	_ =	shalt  }
0x74: {  	_ =	shalt  }
0x75: {  	_ =	shalt  }
0x76: {  	_ =	shalt  }
0x77: {  	_ =	shalt  }
0x78: {  	_ =	shalt  }
0x79: {  	_ =	shalt  }
0x7a: {  	_ =	shalt  }
0x7b: {  	_ =	shalt  }
0x7c: {  	_ =	shalt  }
0x7d: {  	_ =	shalt  }
0x7e: {  	_ =	shalt  }
0x7f: {  	_ =	shalt  }
0x80: {  	_ =	shalt  }
0x81: {  	_ =	shalt  }
0x82: {  	_ =	shalt  }
0x83: {  	_ =	shalt  }
0x84: {  	_ =	shalt  }
0x85: {  	_ =	shalt  }
0x86: {  	_ =	shalt  }
0x87: {  	_ =	shalt  }
.Lfunc_end0:
.L_simem_size_0:
called_computation.16_lowered:
.L_overlay_start_0:
0x88: {  	s2 =	sld [smem:$0x3FD9]  }
0x89: {  	s3 =	sld [smem:$0x3FFE];
	_ =	sdelay $0x1  }
0x8a: {  	s1 =	srdreg.scid  }
0x8b: {  	s0 =	sand.u32 $0x1, s1  }
0x8c: {  	s16 =	sshll.u32 s0, $0xA;
	s2 =	sadd.s32 s3, s2  }
0x8d: {  	s2 =	sadd.s32 s2, s16  }
0x8e: {  	[smem:$0x3FBE] =	sst s2  }
0x8f: {  	_ = 	snop  }
0x90: {  	(tm) =	ssettm $0x1  }
0x91: {  	s17 =	sld [smem:$0x3FFB];
	_ =	sdelay $0x3  }
0x92: {  	_ =	strace s17  }
0x93: {  	s2 =	sld [smem:$0x3FFC];
	_ =	sdelay $0x3  }
0x94: {  	_ =	strace s2  }
0x95: {  	s2 =	sld [smem:$0x3FFD];
	_ =	sdelay $0x3  }
0x96: {  	_ =	strace s2  }
0x97: {  	_ =	strace $0x8FFFFFFF  }
0x98: {  	s18 =	sld [smem:$0x3FDB];
	_ =	sdelay $0x1  }
0x99: {  	s19 =	simm.s32 $_scs_section_size  }
0x9a: {  	s4 =	simm.s32 $_size__tile_overlayer_lowered;
	s5 =	simm.s32 $_tile_overlayer_lowered  }
0x9b: {  	s22 =	simm.s32 $0x1BFF;
	s21 =	sshll.u32 s5, $0x1;
	s2 =	sadd.s32 s19, s18  }
0x9c: {  	s6 =	simm.s32 $0x0;
	s20 =	sshll.u32 s4, $0x1;
	s4 =	sadd.s32 s21, s2  }
0x9d: {  	[timem:s6], [sflag:s22] =	dma.local [hbm:s4], s20  }
0x9e: {  	_ =	swait.ge [sflag:s22], s20  }
0x9f: {  	s3 =	ssub.s32 $0x0, s20;
	[sflag:s22] =	ssyncset.done $0x0  }
0xa0: {  	[sflag:s22] =	ssyncadd.s32 s3;
	_ =	sdelay $0x1  }
0xa1: {  	s23 =	simm.s32 $0x1B8B  }
0xa2: {  	_ =	swait.ge [sflag:s23], $0x1  }
0xa3: {  	[sflag:s23] =	ssyncset.done $0x0  }
0xa4: {  	s25 =	simm.s32 $0x1B8E;
	s24 =	sld [smem:$0x3FFE];
	[sflag:s23] =	ssyncadd.s32 $0xFFFFFFFF  }
0xa5: {  	s26 =	simm.s32 $execute0_lowered;
	[smem:$0x3FD2] =	sst s25  }
0xa6: {  	s4 =	sshll.u32 s26, $0x1;
	_ =	strace $0x80000046;
	[dreg:$0x1] =	wrdreg $0xFFFFFFFF  }
0xa7: {  	s28 =	simm.s32 $_size_execute0_lowered;
	s2 =	sadd.s32 s2, s4;
	[dreg:$0x0] =	wrdreg $0x0  }
0xa8: {  	s4 =	sshll.u32 s28, $0x1;
	[dreg:$0x2] =	wrdreg s2  }
0xa9: {  	[dreg:$0x3] =	wrdreg s4  }
0xaa: {  	[dreg:$0x4] =	wrdreg $0xC0  }
0xab: {  	_ =	task [dreg:s6], $0x5FFFF  }
0xac: {  	[dreg:$0x1] =	wrdreg $0xFFFFFFFF  }
0xad: {  	[dreg:$0x0] =	wrdreg $0x60  }
0xae: {  	[dreg:$0x2] =	wrdreg s24  }
0xaf: {  	[dreg:$0x3] =	wrdreg $0x19E000  }
0xb0: {  	[dreg:$0x4] =	wrdreg $0x1AA800  }
0xb1: {  	[dreg:$0x5] =	wrdreg $0x9  }
0xb2: {  	_ =	task.clear_ibuf [dreg:s6], $0x6FFFF;
	_ =	strace $0x90000046  }
0xb3: {  	s29 =	simm.s32 $0x9;
	_ =	strace $0x80000048  }
0xb4: {  	_ =	swait.ge [sflag:s29], $0x1  }
0xb5: {  	[sflag:s29] =	ssyncadd.s32 $0xFFFFFFFF  }
0xb6: {  	_ =	strace $0x90000048  }
0xb7: {  	_ =	sfence  }
0xb8: {  	s30 =	sld [smem:$0x0];
	_ =	sdelay $0x2  }
0xb9: {  	s31 =	sshll.u32 s1, $0xD;
	s1 =	sshrl.u32 s1, $0x2  }
0xba: {  	s3 =	sand.u32 $0x4000, s31;
	s1 =	sadd.s32 s1, s30  }
0xbb: {  	s0 =	sor.u32 s3, s0;
	s1 =	sshll.u32 s1, $0x11  }
0xbc: {  	s0 =	sor.u32 s1, s0  }
0xbd: {  	s0 =	sadd.s32 $0x8F2B, s0  }
0xbe: {  	[sflag:s0] =	ssyncadd.remote.s32 $0x1  }
0xbf: {  	_ =	sfence.sel $0xFFFF  }
0xc0: {  	[dreg:$0x0] =	wrdreg $0xFFFFFFFF;
	(pc) =	sbr.abs _section_cstart, $3  }
0xc1: {  	[dreg:$0x1] =	wrdreg $0xFFFFFFFF  }
0xc2: {  	_ =	task.clear_ibuf [dreg:s6], $0x2FFFF;
	_ =	strace $0x9FFFFFFF  }
0xc3: {  	(tm) =	ssettm $0x7FFFFFFF  }
tec
execute0_lowered:
.L_overlay_start_1:
0x0: {  	(tag) =	ssettag $0x1  }
0x1: {  	s6 =	rddreg [dreg:$0x0]  }
0x2: {  	s2 =	rddreg [dreg:$0x1]  }
0x3: {  	s3 =	rddreg [dreg:$0x2]  }
0x4: {  	s4 =	simm.s32 $0x0;
	s1 =	stileid.u32;
	s7 =	srdreg.scid  }
0x5: {  	s15 =	simm.s32 $0x19180;
	s16 =	simm.s32 $0x1;
	s17 =	simm.s32 $0x80  }
0x6: {  	s18 =	simm.s32 $0x100;
	s19 =	simm.s32 $0xC800;
	s20 =	simm.s32 $0x19000  }
0x7: {  	s21 =	simm.s32 $0x19080;
	s22 =	simm.s32 $0x19100;
	s5 =	smul.u32 $0x1A00, s1  }
0x8: {  	s26 =	simm.s32 $0x200;
	s28 =	simm.s32 $0x0;
	s10 =	smul.u32 $0xC80, s1  }
0x9: {  	[smem:$0x7FF] =	sst s4;
	s7 =	sand.u32 $0x1, s7;
	s24 =	smul.u32 $0x640, s1  }
0xa: {  	_ =	strace $0x80000047;
	s8 =	sshll.u32 s7, $0x4;
	s9 =	ssub.s32 $0x2, s7  }
0xb: {  	s7 =	sshll.u32 s7, $0x5;
	s14 =	sadd.s32 s5, s6;
	s5 =	sadd.s32 $0xA3C00, s6  }
0xc: {  	s11 =	sadd.s32 s8, s6;
	s31 =	sshrl.u32 s9, $0x1;
	s12 =	sadd.s32 s7, s6  }
0xd: {  	s6 =	sadd.s32 s10, s2;
	s7 =	sadd.s32 s10, s3;
	s13 =	ssub.s32 s9, s31  }
0xe: {  	s8 =	sadd.s32 $0x9D800, s11;
	s9 =	sadd.s32 $0xA0A00, s11;
	s10 =	sadd.s32 $0xA3E00, s11  }
0xf: {  	s23 =	sadd.s32 $0xD7E00, s12;
	s25 =	sadd.s32 $0xD7E10, s12;
	s12 =	smul.u32 $0x3400, s1  }
0x10: {  	s11 =	smax.u32 s13, $0x1;
	s13 =	sadd.s32 $0x83800, s14;
	s14 =	sadd.s32 $0x69800, s14  }
0x11: {  	s23 =	sadd.s32 s24, s23;
	s24 =	sadd.s32 s24, s25;
	s25 =	simm.s32 $0x19280  }
.LBB2_1:
0x12: {  	[tilespmem:s15], [sflag:$0x1] =	stream.linear.gather [hbm4b:s5+s4], $0xC80, $0x38;
	[tilespmem:$0x1B700] =	vst v63  }
0x13: {  	_ =	swait.ge [sflag:s16], $0xC80  }
0x14: {  	[sflag:s16] =	ssyncset.done $0x0  }
0x15: {  	[sflag:s16] =	ssyncadd.s32 $0xFFFFF380  }
0x16: {  	[spmem:s6] =	stream.linear.scatter [tilespmem:s15], [sflag:$0x1], $0xC80, $0x38;
	[tilespmem:$0x1B700] =	vst v63  }
0x17: {  	_ =	swait.ge [sflag:s16], $0xC80  }
0x18: {  	[sflag:s16] =	ssyncset.done $0x0  }
0x19: {  	[sflag:s16] =	ssyncadd.s32 $0xFFFFF380  }
0x1a: {  	[spmem:s7] =	stream.linear.scatter [tilespmem:s15], [sflag:$0x1], $0xC80, $0x38;
	[tilespmem:$0x1B700] =	vst v63  }
0x1b: {  	_ =	swait.ge [sflag:s16], $0xC80  }
0x1c: {  	[sflag:s16] =	ssyncset.done $0x0  }
0x1d: {  	[sflag:s16] =	ssyncadd.s32 $0xFFFFF380  }
0x1e: {  	[tilespmem:s4], [sflag:$0x1] =	stream.strided.gather [hbm4b:s8+s17], $0xC800, s18, s17, $0x38;
	[tilespmem:$0x1B700] =	vst v63  }
0x1f: {  	_ =	swait.ge [sflag:s16], $0xC800  }
0x20: {  	[sflag:s16] =	ssyncset.done $0x0  }
0x21: {  	[sflag:s16] =	ssyncadd.s32 $0xFFFF3800  }
0x22: {  	[tilespmem:s19], [sflag:$0x1] =	stream.strided.gather [hbm4b:s9+s17], $0xC800, s18, s17, $0x38;
	[tilespmem:$0x1B700] =	vst v63  }
0x23: {  	_ =	swait.ge [sflag:s16], $0xC800  }
0x24: {  	[sflag:s16] =	ssyncset.done $0x0  }
0x25: {  	[sflag:s16] =	ssyncadd.s32 $0xFFFF3800  }
0x26: {  	s29 =	sadd.s32 $0x0, s13;
	[bflag:$0x0] =	sbarrier.arrive $0xFFFF  }
0x27: {  	[tilespmem:s20], [sflag:$0x1] =	stream.linear.gather [hbm4b:s29+s4], $0x80, $0x38;
	[tilespmem:$0x1B700] =	vst v63  }
0x28: {  	_ =	swait.ge [sflag:s16], $0x80  }
0x29: {  	[sflag:s16] =	ssyncset.done $0x0  }
0x2a: {  	s29 =	sadd.s32 $0x0, s14;
	[sflag:s16] =	ssyncadd.s32 $0xFFFFFF80  }
0x2b: {  	[tilespmem:s21], [sflag:$0x1] =	stream.linear.gather [hbm4b:s29+s4], $0x80, $0x38;
	[tilespmem:$0x1B700] =	vst v63  }
0x2c: {  	_ =	swait.ge [sflag:s16], $0x80  }
0x2d: {  	[sflag:s16] =	ssyncset.done $0x0  }
0x2e: {  	[sflag:s16] =	ssyncadd.s32 $0xFFFFFF80  }
0x2f: {  	v0 =	vld [tilespmem:$0x19000]  }
0x30: {  	v1 =	vld [tilespmem:$0x19080];
	_ =	sdelay $0x6  }
0x31: {  	v0 =	vld.idx.msk [tilespmem:v0+s4+$0x0], $0xffff  }
0x32: {  	v1 =	vld.idx.msk [tilespmem:v1+s19+$0x0], $0xffff;
	_ =	sdelay $0x4  }
0x33: {  	v2 =	vand.u32 $0xFFFF0000, v0;
	v3 =	vand.u32 $0xFFFF0000, v1  }
0x34: {  	v0 =	vshll.u32 v0, $0x10;
	v1 =	vshll.u32 v1, $0x10;
	v2 =	vadd.f32 v3, v2  }
0x35: {  	v0 =	vadd.f32 v1, v0  }
0x36: {  	v1 =	vmul.f32 $2.000000030e-01, v2  }
0x37: {  	v3 =	vmul.f32 $2.000000030e-01, v0  }
0x38: {  	v1 =	vmax.f32 v2, v1  }
0x39: {  	v0 =	vmax.f32 v0, v3;
	v1 =	vmul.f32 $1.442695020e+00, v1  }
0x3a: {  	v0 =	vmul.f32 $1.442695020e+00, v0  }
0x3b: {  	(erf) = vpow2.f32 v1  }
0x3c: {  	(erf) = vpow2.f32 v0;
	_ =	sdelay $0x5  }
0x3d: {  	v0 =	vld [tilespmem:$0x19010]  }
0x3e: {  	v1 =	vld [tilespmem:$0x19090]  }
0x3f: {  	v2 =	vpop (erf)  }
0x40: {  	v2 =	vadd.s32 $0x8000, v2;
	v3 =	vpop (erf)  }
0x41: {  	v3 =	vadd.s32 $0x8000, v3;
	v4 =	vand.u32 $0xFFFF0000, v2  }
0x42: {  	v2 =	vshrl.u32 v2, $0x10;
	v3 =	vand.u32 $0xFFFF0000, v3;
	[tilespmem:$0x19180] =	vst v4  }
0x43: {  	v2 =	vor.u32 v2, v3;
	[tilespmem:$0x19280] =	vst v3  }
0x44: {  	[tilespmem:$0x19100] =	vst v2  }
0x45: {  	v0 =	vld.idx.msk [tilespmem:v0+s4+$0x0], $0xffff  }
0x46: {  	v1 =	vld.idx.msk [tilespmem:v1+s19+$0x0], $0xffff;
	_ =	sdelay $0x4  }
0x47: {  	v2 =	vand.u32 $0xFFFF0000, v0;
	v3 =	vand.u32 $0xFFFF0000, v1  }
0x48: {  	v0 =	vshll.u32 v0, $0x10;
	v1 =	vshll.u32 v1, $0x10;
	v2 =	vadd.f32 v3, v2  }
0x49: {  	v0 =	vadd.f32 v1, v0  }
0x4a: {  	v1 =	vmul.f32 $2.000000030e-01, v2  }
0x4b: {  	v3 =	vmul.f32 $2.000000030e-01, v0  }
0x4c: {  	v1 =	vmax.f32 v2, v1  }
0x4d: {  	v0 =	vmax.f32 v0, v3;
	v1 =	vmul.f32 $1.442695020e+00, v1  }
0x4e: {  	v0 =	vmul.f32 $1.442695020e+00, v0  }
0x4f: {  	(erf) = vpow2.f32 v1  }
0x50: {  	(erf) = vpow2.f32 v0;
	_ =	sdelay $0x5  }
0x51: {  	v0 =	vld [tilespmem:$0x19020]  }
0x52: {  	v1 =	vld [tilespmem:$0x190A0]  }
0x53: {  	v2 =	vpop (erf)  }
0x54: {  	v2 =	vadd.s32 $0x8000, v2;
	v3 =	vpop (erf)  }
0x55: {  	v3 =	vadd.s32 $0x8000, v3;
	v58 =	vand.u32 $0xFFFF0000, v2  }
0x56: {  	v2 =	vshrl.u32 v2, $0x10;
	v3 =	vand.u32 $0xFFFF0000, v3;
	[tilespmem:$0x19190] =	vst v58  }
0x57: {  	v2 =	vor.u32 v2, v3;
	[tilespmem:$0x19290] =	vst v3  }
0x58: {  	[tilespmem:$0x19110] =	vst v2  }
0x59: {  	v0 =	vld.idx.msk [tilespmem:v0+s4+$0x0], $0xffff  }
0x5a: {  	v1 =	vld.idx.msk [tilespmem:v1+s19+$0x0], $0xffff;
	_ =	sdelay $0x4  }
0x5b: {  	v2 =	vand.u32 $0xFFFF0000, v0;
	v3 =	vand.u32 $0xFFFF0000, v1  }
0x5c: {  	v0 =	vshll.u32 v0, $0x10;
	v1 =	vshll.u32 v1, $0x10;
	v2 =	vadd.f32 v3, v2  }
0x5d: {  	v0 =	vadd.f32 v1, v0  }
0x5e: {  	v1 =	vmul.f32 $2.000000030e-01, v2  }
0x5f: {  	v3 =	vmul.f32 $2.000000030e-01, v0  }
0x60: {  	v1 =	vmax.f32 v2, v1  }
0x61: {  	v0 =	vmax.f32 v0, v3;
	v1 =	vmul.f32 $1.442695020e+00, v1  }
0x62: {  	v0 =	vmul.f32 $1.442695020e+00, v0  }
0x63: {  	(erf) = vpow2.f32 v1  }
0x64: {  	(erf) = vpow2.f32 v0;
	_ =	sdelay $0x5  }
0x65: {  	v0 =	vld [tilespmem:$0x19030]  }
0x66: {  	v1 =	vld [tilespmem:$0x190B0]  }
0x67: {  	v2 =	vpop (erf)  }
0x68: {  	v2 =	vadd.s32 $0x8000, v2;
	v3 =	vpop (erf)  }
0x69: {  	v3 =	vadd.s32 $0x8000, v3;
	v59 =	vand.u32 $0xFFFF0000, v2  }
0x6a: {  	v2 =	vshrl.u32 v2, $0x10;
	v3 =	vand.u32 $0xFFFF0000, v3;
	[tilespmem:$0x191A0] =	vst v59  }
0x6b: {  	v2 =	vor.u32 v2, v3;
	[tilespmem:$0x192A0] =	vst v3  }
0x6c: {  	[tilespmem:$0x19120] =	vst v2  }
0x6d: {  	v0 =	vld.idx.msk [tilespmem:v0+s4+$0x0], $0xffff  }
0x6e: {  	v1 =	vld.idx.msk [tilespmem:v1+s19+$0x0], $0xffff;
	_ =	sdelay $0x4  }
0x6f: {  	v2 =	vand.u32 $0xFFFF0000, v0;
	v3 =	vand.u32 $0xFFFF0000, v1  }
0x70: {  	v0 =	vshll.u32 v0, $0x10;
	v1 =	vshll.u32 v1, $0x10;
	v2 =	vadd.f32 v3, v2  }
0x71: {  	v0 =	vadd.f32 v1, v0  }
0x72: {  	v1 =	vmul.f32 $2.000000030e-01, v2  }
0x73: {  	v3 =	vmul.f32 $2.000000030e-01, v0  }
0x74: {  	v1 =	vmax.f32 v2, v1  }
0x75: {  	v0 =	vmax.f32 v0, v3;
	v1 =	vmul.f32 $1.442695020e+00, v1  }
0x76: {  	v0 =	vmul.f32 $1.442695020e+00, v0  }
0x77: {  	(erf) = vpow2.f32 v1  }
0x78: {  	(erf) = vpow2.f32 v0;
	_ =	sdelay $0x5  }
0x79: {  	v0 =	vld [tilespmem:$0x19040]  }
0x7a: {  	v1 =	vld [tilespmem:$0x190C0]  }
0x7b: {  	v2 =	vpop (erf)  }
0x7c: {  	v2 =	vadd.s32 $0x8000, v2;
	v3 =	vpop (erf)  }
0x7d: {  	v3 =	vadd.s32 $0x8000, v3;
	v60 =	vand.u32 $0xFFFF0000, v2  }
0x7e: {  	v2 =	vshrl.u32 v2, $0x10;
	v3 =	vand.u32 $0xFFFF0000, v3;
	[tilespmem:$0x191B0] =	vst v60  }
0x7f: {  	v2 =	vor.u32 v2, v3;
	[tilespmem:$0x192B0] =	vst v3  }
0x80: {  	[tilespmem:$0x19130] =	vst v2  }
0x81: {  	v0 =	vld.idx.msk [tilespmem:v0+s4+$0x0], $0xffff  }
0x82: {  	v1 =	vld.idx.msk [tilespmem:v1+s19+$0x0], $0xffff;
	_ =	sdelay $0x4  }
0x83: {  	v2 =	vand.u32 $0xFFFF0000, v0;
	v3 =	vand.u32 $0xFFFF0000, v1  }
0x84: {  	v0 =	vshll.u32 v0, $0x10;
	v1 =	vshll.u32 v1, $0x10;
	v2 =	vadd.f32 v3, v2  }
0x85: {  	v0 =	vadd.f32 v1, v0  }
0x86: {  	v1 =	vmul.f32 $2.000000030e-01, v2  }
0x87: {  	v3 =	vmul.f32 $2.000000030e-01, v0  }
0x88: {  	v1 =	vmax.f32 v2, v1  }
0x89: {  	v0 =	vmax.f32 v0, v3;
	v1 =	vmul.f32 $1.442695020e+00, v1  }
0x8a: {  	v0 =	vmul.f32 $1.442695020e+00, v0  }
0x8b: {  	(erf) = vpow2.f32 v1  }
0x8c: {  	(erf) = vpow2.f32 v0;
	_ =	sdelay $0x5  }
0x8d: {  	v0 =	vld [tilespmem:$0x19050]  }
0x8e: {  	v1 =	vld [tilespmem:$0x190D0]  }
0x8f: {  	v2 =	vpop (erf)  }
0x90: {  	v2 =	vadd.s32 $0x8000, v2;
	v3 =	vpop (erf)  }
0x91: {  	v3 =	vadd.s32 $0x8000, v3;
	v61 =	vand.u32 $0xFFFF0000, v2  }
0x92: {  	v2 =	vshrl.u32 v2, $0x10;
	v3 =	vand.u32 $0xFFFF0000, v3;
	[tilespmem:$0x191C0] =	vst v61  }
0x93: {  	v2 =	vor.u32 v2, v3;
	[tilespmem:$0x192C0] =	vst v3  }
0x94: {  	[tilespmem:$0x19140] =	vst v2  }
0x95: {  	v0 =	vld.idx.msk [tilespmem:v0+s4+$0x0], $0xffff  }
0x96: {  	v1 =	vld.idx.msk [tilespmem:v1+s19+$0x0], $0xffff;
	_ =	sdelay $0x4  }
0x97: {  	v2 =	vand.u32 $0xFFFF0000, v0;
	v3 =	vand.u32 $0xFFFF0000, v1  }
0x98: {  	v0 =	vshll.u32 v0, $0x10;
	v1 =	vshll.u32 v1, $0x10;
	v2 =	vadd.f32 v3, v2  }
0x99: {  	v0 =	vadd.f32 v1, v0  }
0x9a: {  	v1 =	vmul.f32 $2.000000030e-01, v2  }
0x9b: {  	v3 =	vmul.f32 $2.000000030e-01, v0  }
0x9c: {  	v1 =	vmax.f32 v2, v1  }
0x9d: {  	v0 =	vmax.f32 v0, v3;
	v1 =	vmul.f32 $1.442695020e+00, v1  }
0x9e: {  	v0 =	vmul.f32 $1.442695020e+00, v0  }
0x9f: {  	(erf) = vpow2.f32 v1  }
0xa0: {  	(erf) = vpow2.f32 v0;
	_ =	sdelay $0x5  }
0xa1: {  	v0 =	vld [tilespmem:$0x19060]  }
0xa2: {  	v1 =	vld [tilespmem:$0x190E0]  }
0xa3: {  	v2 =	vpop (erf)  }
0xa4: {  	v2 =	vadd.s32 $0x8000, v2;
	v3 =	vpop (erf)  }
0xa5: {  	v3 =	vadd.s32 $0x8000, v3;
	v62 =	vand.u32 $0xFFFF0000, v2  }
0xa6: {  	v2 =	vshrl.u32 v2, $0x10;
	v3 =	vand.u32 $0xFFFF0000, v3;
	[tilespmem:$0x191D0] =	vst v62  }
0xa7: {  	v2 =	vor.u32 v2, v3;
	[tilespmem:$0x192D0] =	vst v3  }
0xa8: {  	[tilespmem:$0x19150] =	vst v2  }
0xa9: {  	v0 =	vld.idx.msk [tilespmem:v0+s4+$0x0], $0xffff  }
0xaa: {  	v1 =	vld.idx.msk [tilespmem:v1+s19+$0x0], $0xffff;
	_ =	sdelay $0x4  }
0xab: {  	v2 =	vand.u32 $0xFFFF0000, v0;
	v3 =	vand.u32 $0xFFFF0000, v1  }
0xac: {  	v0 =	vshll.u32 v0, $0x10;
	v1 =	vshll.u32 v1, $0x10;
	v2 =	vadd.f32 v3, v2  }
0xad: {  	v0 =	vadd.f32 v1, v0  }
0xae: {  	v1 =	vmul.f32 $2.000000030e-01, v2  }
0xaf: {  	v3 =	vmul.f32 $2.000000030e-01, v0  }
0xb0: {  	v1 =	vmax.f32 v2, v1  }
0xb1: {  	v0 =	vmax.f32 v0, v3;
	v1 =	vmul.f32 $1.442695020e+00, v1  }
0xb2: {  	v0 =	vmul.f32 $1.442695020e+00, v0  }
0xb3: {  	(erf) = vpow2.f32 v1  }
0xb4: {  	(erf) = vpow2.f32 v0;
	_ =	sdelay $0x5  }
0xb5: {  	v0 =	vld [tilespmem:$0x19070]  }
0xb6: {  	v1 =	vld [tilespmem:$0x190F0]  }
0xb7: {  	v2 =	vpop (erf)  }
0xb8: {  	v2 =	vadd.s32 $0x8000, v2;
	v3 =	vpop (erf)  }
0xb9: {  	v3 =	vadd.s32 $0x8000, v3;
	v63 =	vand.u32 $0xFFFF0000, v2  }
0xba: {  	v2 =	vshrl.u32 v2, $0x10;
	v3 =	vand.u32 $0xFFFF0000, v3;
	[tilespmem:$0x191E0] =	vst v63  }
0xbb: {  	v2 =	vor.u32 v2, v3;
	[tilespmem:$0x192E0] =	vst v3  }
0xbc: {  	[tilespmem:$0x19160] =	vst v2  }
0xbd: {  	v0 =	vld.idx.msk [tilespmem:v0+s4+$0x0], $0xffff  }
0xbe: {  	v1 =	vld.idx.msk [tilespmem:v1+s19+$0x0], $0xffff;
	_ =	sdelay $0x4  }
0xbf: {  	v2 =	vand.u32 $0xFFFF0000, v0;
	v3 =	vand.u32 $0xFFFF0000, v1  }
0xc0: {  	v2 =	vadd.f32 v3, v2  }
0xc1: {  	v0 =	vshll.u32 v0, $0x10;
	v1 =	vshll.u32 v1, $0x10  }
0xc2: {  	v0 =	vadd.f32 v1, v0;
	v3 =	vmul.f32 $2.000000030e-01, v2;
	_ =	sdelay $0x1  }
0xc3: {  	v1 =	vmul.f32 $2.000000030e-01, v0;
	v2 =	vmax.f32 v2, v3  }
0xc4: {  	v2 =	vmul.f32 $1.442695020e+00, v2  }
0xc5: {  	v0 =	vmax.f32 v0, v1  }
0xc6: {  	v0 =	vmul.f32 $1.442695020e+00, v0;
	(erf) = vpow2.f32 v2;
	_ =	sdelay $0x1  }
0xc7: {  	(erf) = vpow2.f32 v0;
	_ =	sdelay $0x6  }
0xc8: {  	s31 =	sadd.s32 s12, s10;
	s30 =	smov.u32 s12;
	s29 =	simm.s32 $0x10;
	v0 =	vpop (erf)  }
.LBB2_2:
0xc9: {  	p0 =	sne.s32 s29, $0x19F0  }
0xca: {  	v0 =	vadd.s32 $0x8000, v0;
	s30 =	sadd.s32 $0x20, s30;
	v1 =	vpop (erf);
	s0 =	smov.u32 s29;
	s29 =	sadd.s32 $0x10, s29  }
0xcb: {  	v1 =	vadd.s32 $0x8000, v1;
	v2 =	vshrl.u32 v0, $0x10;
	v0 =	vand.u32 $0xFFFF0000, v0  }
0xcc: {  	v1 =	vand.u32 $0xFFFF0000, v1;
	[tilespmem:$0x191F0] =	vst v0  }
0xcd: {  	v0 =	vor.u32 v2, v1;
	[tilespmem:$0x192F0] =	vst v1  }
0xce: {  	[tilespmem:$0x19170] =	vst v0  }
0xcf: {  	[hbm4b:s31+s4] =	stream.linear.scatter [tilespmem:s22], [sflag:$0x1], $0x80, $0x38;
	[tilespmem:$0x1B700] =	vst v63  }
0xd0: {  	_ =	swait.ge [sflag:s16], $0x80  }
0xd1: {  	[sflag:s16] =	ssyncset.done $0x0  }
0xd2: {  	[sflag:s16] =	ssyncadd.s32 $0xFFFFFF80  }
0xd3: {  	[spmem:s2] =	stream.indirect.scatter.add.f32 [tilespmem:s15], [sflag:$0x1], $0x1, s21, s17, $0xb8;
	[tilespmem:$0x1B700] =	vst v63  }
0xd4: {  	_ =	swait.ge [sflag:s16], $0x80  }
0xd5: {  	[sflag:s16] =	ssyncset.done $0x0  }
0xd6: {  	[sflag:s16] =	ssyncadd.s32 $0xFFFFFF80  }
0xd7: {  	[spmem:s3] =	stream.indirect.scatter.add.f32 [tilespmem:s25], [sflag:$0x1], $0x1, s21, s17, $0xb8;
	[tilespmem:$0x1B700] =	vst v63  }
0xd8: {  	_ =	swait.ge [sflag:s16], $0x80  }
0xd9: {  	[sflag:s16] =	ssyncset.done $0x0  }
0xda: {  	s31 =	sadd.s32 s0, s13;
	[sflag:s16] =	ssyncadd.s32 $0xFFFFFF80  }
0xdb: {  	[tilespmem:s20], [sflag:$0x1] =	stream.linear.gather [hbm4b:s31+s4], $0x80, $0x38;
	[tilespmem:$0x1B700] =	vst v63  }
0xdc: {  	_ =	swait.ge [sflag:s16], $0x80  }
0xdd: {  	[sflag:s16] =	ssyncset.done $0x0  }
0xde: {  	s0 =	sadd.s32 s0, s14;
	[sflag:s16] =	ssyncadd.s32 $0xFFFFFF80  }
0xdf: {  	[tilespmem:s21], [sflag:$0x1] =	stream.linear.gather [hbm4b:s0+s4], $0x80, $0x38;
	[tilespmem:$0x1B700] =	vst v63  }
0xe0: {  	_ =	swait.ge [sflag:s16], $0x80  }
0xe1: {  	[sflag:s16] =	ssyncset.done $0x0  }
0xe2: {  	[sflag:s16] =	ssyncadd.s32 $0xFFFFFF80  }
0xe3: {  	v0 =	vld [tilespmem:$0x19000]  }
0xe4: {  	v1 =	vld [tilespmem:$0x19080];
	_ =	sdelay $0x6  }
0xe5: {  	v0 =	vld.idx.msk [tilespmem:v0+s4+$0x0], $0xffff  }
0xe6: {  	v1 =	vld.idx.msk [tilespmem:v1+s19+$0x0], $0xffff;
	_ =	sdelay $0x4  }
0xe7: {  	v2 =	vand.u32 $0xFFFF0000, v0;
	v0 =	vshll.u32 v0, $0x10  }
0xe8: {  	v3 =	vand.u32 $0xFFFF0000, v1;
	v1 =	vshll.u32 v1, $0x10  }
0xe9: {  	v2 =	vadd.f32 v3, v2;
	v0 =	vadd.f32 v1, v0;
	_ =	sdelay $0x1  }
0xea: {  	v1 =	vmul.f32 $2.000000030e-01, v2;
	v3 =	vmul.f32 $2.000000030e-01, v0;
	_ =	sdelay $0x1  }
0xeb: {  	v1 =	vmax.f32 v2, v1;
	v0 =	vmax.f32 v0, v3  }
0xec: {  	v1 =	vmul.f32 $1.442695020e+00, v1;
	v0 =	vmul.f32 $1.442695020e+00, v0;
	_ =	sdelay $0x1  }
0xed: {  	(erf) = vpow2.f32 v1  }
0xee: {  	(erf) = vpow2.f32 v0;
	_ =	sdelay $0x4  }
0xef: {  	v0 =	vld [tilespmem:$0x19090]  }
0xf0: {  	v1 =	vld [tilespmem:$0x19010];
	_ =	sdelay $0x1  }
0xf1: {  	v2 =	vpop (erf)  }
0xf2: {  	v2 =	vadd.s32 $0x8000, v2;
	v3 =	vpop (erf)  }
0xf3: {  	v3 =	vadd.s32 $0x8000, v3;
	v4 =	vshrl.u32 v2, $0x10;
	v2 =	vand.u32 $0xFFFF0000, v2  }
0xf4: {  	v3 =	vand.u32 $0xFFFF0000, v3;
	[tilespmem:$0x19180] =	vst v2  }
0xf5: {  	v2 =	vor.u32 v4, v3;
	[tilespmem:$0x19280] =	vst v3  }
0xf6: {  	[tilespmem:$0x19100] =	vst v2  }
0xf7: {  	v1 =	vld.idx.msk [tilespmem:v1+s4+$0x0], $0xffff  }
0xf8: {  	v0 =	vld.idx.msk [tilespmem:v0+s19+$0x0], $0xffff;
	_ =	sdelay $0x4  }
0xf9: {  	v2 =	vand.u32 $0xFFFF0000, v1;
	v1 =	vshll.u32 v1, $0x10  }
0xfa: {  	v3 =	vand.u32 $0xFFFF0000, v0;
	v0 =	vshll.u32 v0, $0x10  }
0xfb: {  	v2 =	vadd.f32 v3, v2;
	v0 =	vadd.f32 v0, v1;
	_ =	sdelay $0x1  }
0xfc: {  	v1 =	vmul.f32 $2.000000030e-01, v2;
	v3 =	vmul.f32 $2.000000030e-01, v0;
	_ =	sdelay $0x1  }
0xfd: {  	v1 =	vmax.f32 v2, v1;
	v0 =	vmax.f32 v0, v3  }
0xfe: {  	v1 =	vmul.f32 $1.442695020e+00, v1;
	v0 =	vmul.f32 $1.442695020e+00, v0;
	_ =	sdelay $0x1  }
0xff: {  	(erf) = vpow2.f32 v1  }
0x100: {  	(erf) = vpow2.f32 v0;
	_ =	sdelay $0x4  }
0x101: {  	v0 =	vld [tilespmem:$0x190A0]  }
0x102: {  	v1 =	vld [tilespmem:$0x19020];
	_ =	sdelay $0x1  }
0x103: {  	v2 =	vpop (erf)  }
0x104: {  	v2 =	vadd.s32 $0x8000, v2;
	v3 =	vpop (erf)  }
0x105: {  	v3 =	vadd.s32 $0x8000, v3;
	v4 =	vshrl.u32 v2, $0x10;
	v2 =	vand.u32 $0xFFFF0000, v2  }
0x106: {  	v3 =	vand.u32 $0xFFFF0000, v3;
	[tilespmem:$0x19190] =	vst v2  }
0x107: {  	v2 =	vor.u32 v4, v3;
	[tilespmem:$0x19290] =	vst v3  }
0x108: {  	[tilespmem:$0x19110] =	vst v2  }
0x109: {  	v1 =	vld.idx.msk [tilespmem:v1+s4+$0x0], $0xffff  }
0x10a: {  	v0 =	vld.idx.msk [tilespmem:v0+s19+$0x0], $0xffff;
	_ =	sdelay $0x4  }
0x10b: {  	v2 =	vand.u32 $0xFFFF0000, v1;
	v1 =	vshll.u32 v1, $0x10  }
0x10c: {  	v3 =	vand.u32 $0xFFFF0000, v0;
	v0 =	vshll.u32 v0, $0x10  }
0x10d: {  	v2 =	vadd.f32 v3, v2;
	v0 =	vadd.f32 v0, v1;
	_ =	sdelay $0x1  }
0x10e: {  	v1 =	vmul.f32 $2.000000030e-01, v2;
	v3 =	vmul.f32 $2.000000030e-01, v0;
	_ =	sdelay $0x1  }
0x10f: {  	v1 =	vmax.f32 v2, v1;
	v0 =	vmax.f32 v0, v3  }
0x110: {  	v1 =	vmul.f32 $1.442695020e+00, v1;
	v0 =	vmul.f32 $1.442695020e+00, v0;
	_ =	sdelay $0x1  }
0x111: {  	(erf) = vpow2.f32 v1  }
0x112: {  	(erf) = vpow2.f32 v0;
	_ =	sdelay $0x4  }
0x113: {  	v0 =	vld [tilespmem:$0x190B0]  }
0x114: {  	v1 =	vld [tilespmem:$0x19030];
	_ =	sdelay $0x1  }
0x115: {  	v2 =	vpop (erf)  }
0x116: {  	v2 =	vadd.s32 $0x8000, v2;
	v3 =	vpop (erf)  }
0x117: {  	v3 =	vadd.s32 $0x8000, v3;
	v4 =	vshrl.u32 v2, $0x10;
	v2 =	vand.u32 $0xFFFF0000, v2  }
0x118: {  	v3 =	vand.u32 $0xFFFF0000, v3;
	[tilespmem:$0x191A0] =	vst v2  }
0x119: {  	v2 =	vor.u32 v4, v3;
	[tilespmem:$0x192A0] =	vst v3  }
0x11a: {  	[tilespmem:$0x19120] =	vst v2  }
0x11b: {  	v1 =	vld.idx.msk [tilespmem:v1+s4+$0x0], $0xffff  }
0x11c: {  	v0 =	vld.idx.msk [tilespmem:v0+s19+$0x0], $0xffff;
	_ =	sdelay $0x4  }
0x11d: {  	v2 =	vand.u32 $0xFFFF0000, v1;
	v1 =	vshll.u32 v1, $0x10  }
0x11e: {  	v3 =	vand.u32 $0xFFFF0000, v0;
	v0 =	vshll.u32 v0, $0x10  }
0x11f: {  	v2 =	vadd.f32 v3, v2;
	v0 =	vadd.f32 v0, v1;
	_ =	sdelay $0x1  }
0x120: {  	v1 =	vmul.f32 $2.000000030e-01, v2;
	v3 =	vmul.f32 $2.000000030e-01, v0;
	_ =	sdelay $0x1  }
0x121: {  	v1 =	vmax.f32 v2, v1;
	v0 =	vmax.f32 v0, v3  }
0x122: {  	v1 =	vmul.f32 $1.442695020e+00, v1;
	v0 =	vmul.f32 $1.442695020e+00, v0;
	_ =	sdelay $0x1  }
0x123: {  	(erf) = vpow2.f32 v1  }
0x124: {  	(erf) = vpow2.f32 v0;
	_ =	sdelay $0x4  }
0x125: {  	v0 =	vld [tilespmem:$0x190C0]  }
0x126: {  	v1 =	vld [tilespmem:$0x19040];
	_ =	sdelay $0x1  }
0x127: {  	v2 =	vpop (erf)  }
0x128: {  	v2 =	vadd.s32 $0x8000, v2;
	v3 =	vpop (erf)  }
0x129: {  	v3 =	vadd.s32 $0x8000, v3;
	v4 =	vshrl.u32 v2, $0x10;
	v2 =	vand.u32 $0xFFFF0000, v2  }
0x12a: {  	v3 =	vand.u32 $0xFFFF0000, v3;
	[tilespmem:$0x191B0] =	vst v2  }
0x12b: {  	v2 =	vor.u32 v4, v3;
	[tilespmem:$0x192B0] =	vst v3  }
0x12c: {  	[tilespmem:$0x19130] =	vst v2  }
0x12d: {  	v1 =	vld.idx.msk [tilespmem:v1+s4+$0x0], $0xffff  }
0x12e: {  	v0 =	vld.idx.msk [tilespmem:v0+s19+$0x0], $0xffff;
	_ =	sdelay $0x4  }
0x12f: {  	v2 =	vand.u32 $0xFFFF0000, v1;
	v1 =	vshll.u32 v1, $0x10  }
0x130: {  	v3 =	vand.u32 $0xFFFF0000, v0;
	v0 =	vshll.u32 v0, $0x10  }
0x131: {  	v2 =	vadd.f32 v3, v2;
	v0 =	vadd.f32 v0, v1;
	_ =	sdelay $0x1  }
0x132: {  	v1 =	vmul.f32 $2.000000030e-01, v2;
	v3 =	vmul.f32 $2.000000030e-01, v0;
	_ =	sdelay $0x1  }
0x133: {  	v1 =	vmax.f32 v2, v1;
	v0 =	vmax.f32 v0, v3  }
0x134: {  	v1 =	vmul.f32 $1.442695020e+00, v1;
	v0 =	vmul.f32 $1.442695020e+00, v0;
	_ =	sdelay $0x1  }
0x135: {  	(erf) = vpow2.f32 v1  }
0x136: {  	(erf) = vpow2.f32 v0;
	_ =	sdelay $0x4  }
0x137: {  	v0 =	vld [tilespmem:$0x190D0]  }
0x138: {  	v1 =	vld [tilespmem:$0x19050];
	_ =	sdelay $0x1  }
0x139: {  	v2 =	vpop (erf)  }
0x13a: {  	v2 =	vadd.s32 $0x8000, v2;
	v3 =	vpop (erf)  }
0x13b: {  	v3 =	vadd.s32 $0x8000, v3;
	v4 =	vshrl.u32 v2, $0x10;
	v2 =	vand.u32 $0xFFFF0000, v2  }
0x13c: {  	v3 =	vand.u32 $0xFFFF0000, v3;
	[tilespmem:$0x191C0] =	vst v2  }
0x13d: {  	v2 =	vor.u32 v4, v3;
	[tilespmem:$0x192C0] =	vst v3  }
0x13e: {  	[tilespmem:$0x19140] =	vst v2  }
0x13f: {  	v1 =	vld.idx.msk [tilespmem:v1+s4+$0x0], $0xffff  }
0x140: {  	v0 =	vld.idx.msk [tilespmem:v0+s19+$0x0], $0xffff;
	_ =	sdelay $0x4  }
0x141: {  	v2 =	vand.u32 $0xFFFF0000, v1;
	v1 =	vshll.u32 v1, $0x10  }
0x142: {  	v3 =	vand.u32 $0xFFFF0000, v0;
	v0 =	vshll.u32 v0, $0x10  }
0x143: {  	v2 =	vadd.f32 v3, v2;
	v0 =	vadd.f32 v0, v1;
	_ =	sdelay $0x1  }
0x144: {  	v1 =	vmul.f32 $2.000000030e-01, v2;
	v3 =	vmul.f32 $2.000000030e-01, v0;
	_ =	sdelay $0x1  }
0x145: {  	v1 =	vmax.f32 v2, v1;
	v0 =	vmax.f32 v0, v3  }
0x146: {  	v1 =	vmul.f32 $1.442695020e+00, v1;
	v0 =	vmul.f32 $1.442695020e+00, v0;
	_ =	sdelay $0x1  }
0x147: {  	(erf) = vpow2.f32 v1  }
0x148: {  	(erf) = vpow2.f32 v0;
	_ =	sdelay $0x4  }
0x149: {  	v0 =	vld [tilespmem:$0x190E0]  }
0x14a: {  	v1 =	vld [tilespmem:$0x19060];
	_ =	sdelay $0x1  }
0x14b: {  	v2 =	vpop (erf)  }
0x14c: {  	v2 =	vadd.s32 $0x8000, v2;
	v3 =	vpop (erf)  }
0x14d: {  	v3 =	vadd.s32 $0x8000, v3;
	v4 =	vshrl.u32 v2, $0x10;
	v2 =	vand.u32 $0xFFFF0000, v2  }
0x14e: {  	v3 =	vand.u32 $0xFFFF0000, v3;
	[tilespmem:$0x191D0] =	vst v2  }
0x14f: {  	v2 =	vor.u32 v4, v3;
	[tilespmem:$0x192D0] =	vst v3  }
0x150: {  	[tilespmem:$0x19150] =	vst v2  }
0x151: {  	v1 =	vld.idx.msk [tilespmem:v1+s4+$0x0], $0xffff  }
0x152: {  	v0 =	vld.idx.msk [tilespmem:v0+s19+$0x0], $0xffff;
	_ =	sdelay $0x4  }
0x153: {  	v2 =	vand.u32 $0xFFFF0000, v1;
	v1 =	vshll.u32 v1, $0x10  }
0x154: {  	v3 =	vand.u32 $0xFFFF0000, v0;
	v0 =	vshll.u32 v0, $0x10  }
0x155: {  	v2 =	vadd.f32 v3, v2;
	v0 =	vadd.f32 v0, v1;
	_ =	sdelay $0x1  }
0x156: {  	v1 =	vmul.f32 $2.000000030e-01, v2;
	v3 =	vmul.f32 $2.000000030e-01, v0;
	_ =	sdelay $0x1  }
0x157: {  	v1 =	vmax.f32 v2, v1;
	v0 =	vmax.f32 v0, v3  }
0x158: {  	v1 =	vmul.f32 $1.442695020e+00, v1;
	v0 =	vmul.f32 $1.442695020e+00, v0;
	_ =	sdelay $0x1  }
0x159: {  	(erf) = vpow2.f32 v1  }
0x15a: {  	(erf) = vpow2.f32 v0;
	_ =	sdelay $0x4  }
0x15b: {  	v0 =	vld [tilespmem:$0x190F0]  }
0x15c: {  	v1 =	vld [tilespmem:$0x19070];
	_ =	sdelay $0x1  }
0x15d: {  	v2 =	vpop (erf)  }
0x15e: {  	v2 =	vadd.s32 $0x8000, v2;
	v3 =	vpop (erf)  }
0x15f: {  	v3 =	vadd.s32 $0x8000, v3;
	v4 =	vshrl.u32 v2, $0x10;
	v2 =	vand.u32 $0xFFFF0000, v2  }
0x160: {  	v3 =	vand.u32 $0xFFFF0000, v3;
	[tilespmem:$0x191E0] =	vst v2  }
0x161: {  	v2 =	vor.u32 v4, v3;
	[tilespmem:$0x192E0] =	vst v3  }
0x162: {  	[tilespmem:$0x19160] =	vst v2  }
0x163: {  	v1 =	vld.idx.msk [tilespmem:v1+s4+$0x0], $0xffff  }
0x164: {  	v0 =	vld.idx.msk [tilespmem:v0+s19+$0x0], $0xffff;
	_ =	sdelay $0x4  }
0x165: {  	v2 =	vand.u32 $0xFFFF0000, v1;
	v1 =	vshll.u32 v1, $0x10  }
0x166: {  	v3 =	vand.u32 $0xFFFF0000, v0;
	v0 =	vshll.u32 v0, $0x10  }
0x167: {  	v2 =	vadd.f32 v3, v2;
	v0 =	vadd.f32 v0, v1;
	_ =	sdelay $0x1  }
0x168: {  	v1 =	vmul.f32 $2.000000030e-01, v2;
	v3 =	vmul.f32 $2.000000030e-01, v0;
	_ =	sdelay $0x1  }
0x169: {  	v1 =	vmax.f32 v2, v1;
	v0 =	vmax.f32 v0, v3  }
0x16a: {  	s31 =	sadd.s32 s30, s10;
	v1 =	vmul.f32 $1.442695020e+00, v1;
	v0 =	vmul.f32 $1.442695020e+00, v0;
	_ =	sdelay $0x1  }
0x16b: {  	(erf) = vpow2.f32 v1  }
0x16c: {  	(erf) = vpow2.f32 v0;
	_ =	sdelay $0x3  }
.Ltmp0:
0x16d: {  	(pc) =	sbr.rel @p0 .LBB2_2-.Ltmp0, $2  }
0x16e: {  	_ =	sdelay $0x2  }
0x16f: {  	v0 =	vpop (erf)  }
0x170: {  	v0 =	vadd.s32 $0x8000, v0;
	v1 =	vpop (erf)  }
0x171: {  	v1 =	vadd.s32 $0x8000, v1;
	v2 =	vand.u32 $0xFFFF0000, v0  }
0x172: {  	v0 =	vshrl.u32 v0, $0x10;
	v1 =	vand.u32 $0xFFFF0000, v1;
	[tilespmem:$0x191F0] =	vst v2  }
0x173: {  	v0 =	vor.u32 v0, v1;
	[tilespmem:$0x192F0] =	vst v1  }
0x174: {  	[tilespmem:$0x19170] =	vst v0  }
0x175: {  	[hbm4b:s31+s4] =	stream.linear.scatter [tilespmem:s22], [sflag:$0x1], $0x80, $0x38;
	[tilespmem:$0x1B700] =	vst v63  }
0x176: {  	_ =	swait.ge [sflag:s16], $0x80  }
0x177: {  	[sflag:s16] =	ssyncset.done $0x0  }
0x178: {  	[sflag:s16] =	ssyncadd.s32 $0xFFFFFF80  }
0x179: {  	[spmem:s2] =	stream.indirect.scatter.add.f32 [tilespmem:s15], [sflag:$0x1], $0x1, s21, s17, $0xb8;
	[tilespmem:$0x1B700] =	vst v63  }
0x17a: {  	_ =	swait.ge [sflag:s16], $0x80  }
0x17b: {  	[sflag:s16] =	ssyncset.done $0x0  }
0x17c: {  	[sflag:s16] =	ssyncadd.s32 $0xFFFFFF80  }
0x17d: {  	[spmem:s3] =	stream.indirect.scatter.add.f32 [tilespmem:s25], [sflag:$0x1], $0x1, s21, s17, $0xb8;
	[tilespmem:$0x1B700] =	vst v63  }
0x17e: {  	_ =	swait.ge [sflag:s16], $0x80  }
0x17f: {  	[sflag:s16] =	ssyncset.done $0x0  }
0x180: {  	[sflag:s16] =	ssyncadd.s32 $0xFFFFFF80  }
0x181: {  	[bflag:$0x0] =	sbarrier.arrive $0xFFFF  }
0x182: {  	[tilespmem:s15], [sflag:$0x1] =	stream.linear.gather [spmem:s6], $0xC80, $0x38;
	[tilespmem:$0x1B700] =	vst v63  }
0x183: {  	_ =	swait.ge [sflag:s16], $0xC80  }
0x184: {  	[sflag:s16] =	ssyncset.done $0x0  }
0x185: {  	[sflag:s16] =	ssyncadd.s32 $0xFFFFF380  }
0x186: {  	[hbm4b:s23+s17] =	stream.strided.scatter [tilespmem:s15], [sflag:$0x1], $0xC80, s26, s17, $0x38;
	[tilespmem:$0x1B700] =	vst v63  }
0x187: {  	_ =	swait.ge [sflag:s16], $0xC80  }
0x188: {  	[sflag:s16] =	ssyncset.done $0x0  }
0x189: {  	[sflag:s16] =	ssyncadd.s32 $0xFFFFF380  }
0x18a: {  	[tilespmem:s15], [sflag:$0x1] =	stream.linear.gather [spmem:s7], $0xC80, $0x38;
	[tilespmem:$0x1B700] =	vst v63  }
0x18b: {  	s28 =	sadd.s32 $0x1, s28;
	_ =	swait.ge [sflag:s16], $0xC80  }
0x18c: {  	p0 =	sne.s32 s28, s11;
	[sflag:s16] =	ssyncset.done $0x0  }
.Ltmp1:
0x18d: {  	[sflag:s16] =	ssyncadd.s32 $0xFFFFF380;
	(pc) =	sbr.rel @p0 .LBB2_1-.Ltmp1, $4  }
0x18e: {  	[hbm4b:s24+s17] =	stream.strided.scatter [tilespmem:s15], [sflag:$0x1], $0xC80, s26, s17, $0x38;
	[tilespmem:$0x1B700] =	vst v63  }
0x18f: {  	_ =	swait.ge [sflag:s16], $0xC80  }
0x190: {  	[sflag:s16] =	ssyncset.done $0x0  }
0x191: {  	[sflag:s16] =	ssyncadd.s32 $0xFFFFF380  }
0x192: {  	_ =	sfence.sel $0x180000  }
0x193: {  	[bflag:$0x0] =	sbarrier.arrive $0xFFFF  }
0x194: {  	_ =	strace $0x90000047  }
0x195: {  	[bflag:$0x2] =	sbarrier.arrive $0xFFFF  }
0x196: {  	p0 =	sne.s32 s1, $0x0;
	s0 =	rddreg [dreg:$0x3]  }
0x197: {  	s0 =	sadd.s32 @!p0 $0x100000, s0  }
0x198: {  	[sflag:s0] =	ssyncadd.tile.s32 @!p0 $0x1;
	_ =	shalt  }
.Lfunc_end2:
_tile_overlayer_lowered:
.L_overlay_start_2:
0x199: {  	(tag) =	ssettag $0x2  }
0x19a: {  	s0 =	rddreg [dreg:$0x0];
	s2 =	stileid.u32  }
0x19b: {  	s1 =	rddreg [dreg:$0x1];
	p0 =	sne.s32 s2, $0x0  }
0x19c: {  	s3 =	rddreg [dreg:$0x2];
	[bflag:$0x3] =	sbarrier.arrive $0xFFFF;
	s2 =	simm.s32 @!p0 $0x1C01  }
0x19d: {  	[timem:s3], [sflag:s2] =	dma.local @!p0 [hbm:s0], s1  }
0x19e: {  	s0 =	simm.s32 @!p0 $0x1  }
0x19f: {  	_ =	swait.ge @!p0 [sflag:s0], s1  }
0x1a0: {  	s1 =	ssub.s32 @!p0 $0x0, s1;
	[sflag:s0] =	ssyncset.done @!p0 $0x0  }
0x1a1: {  	[sflag:s0] =	ssyncadd.s32 @!p0 s1  }
0x1a2: {  	[bflag:$0x3] =	sbarrier.arrive $0xFFFF  }
0x1a3: {  	_ =	shalt  }

// kernel: scatter_offload_async_start.1
scs
__scs_entry_jumppad:
0x0: {  	(pc) =	sbr.rel $0x88, $3  }
0x1: {  	(tag) =	ssettag $0x0;
	lr =	simm.s32 $0x1  }
0x2: {  	[smem:$0x3F97] =	sst lr;
	_ =	strace $0xD0000000  }
0x3: {  	_ = 	snop  }
0x4: {  	_ = 	snop  }
0x5: {  	_ = 	snop  }
0x6: {  	_ = 	snop  }
0x7: {  	_ = 	snop  }
__scs_overlays_trampoline_lowered:
0x8: {  	[smem:$0x3FA6] =	sst s0  }
0x9: {  	[smem:$0x3FA7] =	sst s1  }
0xa: {  	[smem:$0x3FA8] =	sst s2  }
0xb: {  	[smem:$0x3FA9] =	sst s3  }
0xc: {  	[smem:$0x3FAA] =	sst s4  }
0xd: {  	[smem:$0x3FAB] =	sst s5  }
0xe: {  	[smem:$0x3FAC] =	sst s6  }
0xf: {  	[smem:$0x3FAD] =	sst s7  }
0x10: {  	[smem:$0x3FAE] =	sst s8  }
0x11: {  	[smem:$0x3FAF] =	sst s9;
	s0 =	simm.s32 @!p0 $0x0  }
0x12: {  	s1 =	sld [smem:$0x3F95];
	s0 =	simm.s32 @p0 $0x1  }
0x13: {  	[smem:$0x3FB0] =	sst s0;
	s0 =	simm.s32 @!p1 $0x0  }
0x14: {  	s2 =	sld [smem:$0x3F94];
	s0 =	simm.s32 @p1 $0x1  }
0x15: {  	[smem:$0x3FB1] =	sst s0;
	s0 =	simm.s32 @!p2 $0x0  }
0x16: {  	s3 =	sld [smem:$0x3FDB];
	s0 =	simm.s32 @p2 $0x1  }
0x17: {  	s4 =	simm.s32 $0x1BF5;
	[smem:$0x3FB3] =	sst s0  }
0x18: {  	s0 =	sld [smem:$0x3F96];
	_ =	swait.ge [sflag:s4], $0x0  }
0x19: {  	s7 =	sld [smem:$0x3F97]  }
0x1a: {  	s8 =	sadd.s32 $0xFFFFE003, lr  }
0x1b: {  	s9 =	sadd.s32 $0xFFFFFEF7, lr;
	s5 =	simm.s32 $0xFFFFFFFF;
	p2 =	slt.u32 s8, $0xFFFFF086  }
0x1c: {  	p1 =	slt.u32 s9, $0xF7A;
	s5 =	simm.s32 @!p2 $0x0  }
0x1d: {  	s5 =	simm.s32 @p1 $0x1;
	p0 =	seq.s32 s7, s2  }
0x1e: {  	s7 =	smul.u32 @!p0 $0xF7A, s2;
	p2 =	seq.s32 @!p0 s5, $0x0  }
0x1f: {  	s9 =	smul.u32 $0xF7A, s1;
	s8 =	simm.s32 @!p0 $0x1BF5;
	p2 =	por !p2, p0  }
0x20: {  	[sflag:s8] =	ssyncset.s32 @!p0 $0xFFFFF086;
	s6 =	sadd.s32 @!p0 s3, s7;
	s7 =	simm.s32 @!p0 $0x108  }
0x21: {  	s3 =	sadd.s32 s3, s9;
	s6 =	sadd.s32 @!p0 $0x88, s6;
	s7 =	simm.s32 @p2 $0x1082  }
0x22: {  	[simem:s7], [sflag:s8] =	dma.local @!p0 [hbm:s6], $0xF7A  }
0x23: {  	s9 =	sor.u32 $0xD0000000, s2;
	s6 =	simm.s32 $0x108;
	_ =	swait.ge @!p0 [sflag:s8], $0x0  }
0x24: {  	s3 =	sadd.s32 $0x88, s3;
	s6 =	simm.s32 @!p1 $0x1082;
	[sflag:s4] =	ssyncset.s32 $0xFFFFF086  }
0x25: {  	[simem:s6], [sflag:s4] =	dma.local [hbm:s3], $0xF7A  }
0x26: {  	[smem:$0x3F97] =	sst s1;
	(tag) =	ssettag s2;
	_ =	strace s9  }
0x27: {  	s1 =	sld [smem:$0x3FA7]  }
0x28: {  	s2 =	sld [smem:$0x3FA8]  }
0x29: {  	s4 =	sld [smem:$0x3FAA]  }
0x2a: {  	p0 =	seq.s32 s5, $0x0;
	s5 =	sld [smem:$0x3FAB]  }
0x2b: {  	s6 =	sld [smem:$0x3FAC]  }
0x2c: {  	s7 =	sld [smem:$0x3FAD]  }
0x2d: {  	s3 =	simm.s32 $0x108;
	s8 =	sld [smem:$0x3FAE]  }
0x2e: {  	s3 =	simm.s32 @!p0 $0x1082;
	s9 =	sld [smem:$0x3FAF]  }
0x2f: {  	lr =	sadd.s32 s0, s3;
	s0 =	sld [smem:$0x3FA6]  }
0x30: {  	s3 =	sld [smem:$0x3FA9]  }
0x31: {  	[smem:$0x3FB2] =	sst s10  }
0x32: {  	s10 =	sld [smem:$0x3FB0];
	_ =	sdelay $0x3  }
0x33: {  	p0 =	seq.s32 s10, $0x1;
	s10 =	sld [smem:$0x3FB2];
	_ =	sdelay $0x3  }
0x34: {  	[smem:$0x3FB2] =	sst s10  }
0x35: {  	s10 =	sld [smem:$0x3FB1];
	_ =	sdelay $0x3  }
0x36: {  	p1 =	seq.s32 s10, $0x1;
	s10 =	sld [smem:$0x3FB2];
	_ =	sdelay $0x3  }
0x37: {  	[smem:$0x3FB2] =	sst s10  }
0x38: {  	s10 =	sld [smem:$0x3FB3]  }
0x39: {  	_ = 	snop;
	(pc) =	sbr.ind lr, $3  }
0x3a: {  	_ = 	snop  }
0x3b: {  	_ = 	snop  }
0x3c: {  	p2 =	seq.s32 s10, $0x1;
	s10 =	sld [smem:$0x3FB2]  }
0x3d: {  	_ =	shalt  }
0x3e: {  	_ =	shalt  }
0x3f: {  	_ =	shalt  }
0x40: {  	_ =	shalt  }
0x41: {  	_ =	shalt  }
0x42: {  	_ =	shalt  }
0x43: {  	_ =	shalt  }
0x44: {  	_ =	shalt  }
0x45: {  	_ =	shalt  }
0x46: {  	_ =	shalt  }
0x47: {  	_ =	shalt  }
0x48: {  	_ =	shalt  }
0x49: {  	_ =	shalt  }
0x4a: {  	_ =	shalt  }
0x4b: {  	_ =	shalt  }
0x4c: {  	_ =	shalt  }
0x4d: {  	_ =	shalt  }
0x4e: {  	_ =	shalt  }
0x4f: {  	_ =	shalt  }
0x50: {  	_ =	shalt  }
0x51: {  	_ =	shalt  }
0x52: {  	_ =	shalt  }
0x53: {  	_ =	shalt  }
0x54: {  	_ =	shalt  }
0x55: {  	_ =	shalt  }
0x56: {  	_ =	shalt  }
0x57: {  	_ =	shalt  }
0x58: {  	_ =	shalt  }
0x59: {  	_ =	shalt  }
0x5a: {  	_ =	shalt  }
0x5b: {  	_ =	shalt  }
0x5c: {  	_ =	shalt  }
0x5d: {  	_ =	shalt  }
0x5e: {  	_ =	shalt  }
0x5f: {  	_ =	shalt  }
0x60: {  	_ =	shalt  }
0x61: {  	_ =	shalt  }
0x62: {  	_ =	shalt  }
0x63: {  	_ =	shalt  }
0x64: {  	_ =	shalt  }
0x65: {  	_ =	shalt  }
0x66: {  	_ =	shalt  }
0x67: {  	_ =	shalt  }
0x68: {  	_ =	shalt  }
0x69: {  	_ =	shalt  }
0x6a: {  	_ =	shalt  }
0x6b: {  	_ =	shalt  }
0x6c: {  	_ =	shalt  }
0x6d: {  	_ =	shalt  }
0x6e: {  	_ =	shalt  }
0x6f: {  	_ =	shalt  }
0x70: {  	_ =	shalt  }
0x71: {  	_ =	shalt  }
0x72: {  	_ =	shalt  }
0x73: {  	_ =	shalt  }
0x74: {  	_ =	shalt  }
0x75: {  	_ =	shalt  }
0x76: {  	_ =	shalt  }
0x77: {  	_ =	shalt  }
0x78: {  	_ =	shalt  }
0x79: {  	_ =	shalt  }
0x7a: {  	_ =	shalt  }
0x7b: {  	_ =	shalt  }
0x7c: {  	_ =	shalt  }
0x7d: {  	_ =	shalt  }
0x7e: {  	_ =	shalt  }
0x7f: {  	_ =	shalt  }
0x80: {  	_ =	shalt  }
0x81: {  	_ =	shalt  }
0x82: {  	_ =	shalt  }
0x83: {  	_ =	shalt  }
0x84: {  	_ =	shalt  }
0x85: {  	_ =	shalt  }
0x86: {  	_ =	shalt  }
0x87: {  	_ =	shalt  }
.Lfunc_end0:
.L_simem_size_0:
called_computation.1_lowered:
.L_overlay_start_0:
0x88: {  	s0 =	sld [smem:$0x3FD9]  }
0x89: {  	s1 =	sld [smem:$0x3FFE];
	_ =	sdelay $0x3  }
0x8a: {  	s0 =	sadd.s32 s1, s0  }
0x8b: {  	[smem:$0x3FBE] =	sst s0  }
0x8c: {  	_ = 	snop  }
0x8d: {  	(tm) =	ssettm $0x1  }
0x8e: {  	s14 =	sld [smem:$0x3FFB];
	_ =	sdelay $0x3  }
0x8f: {  	_ =	strace s14  }
0x90: {  	s0 =	sld [smem:$0x3FFC];
	_ =	sdelay $0x3  }
0x91: {  	_ =	strace s0  }
0x92: {  	s0 =	sld [smem:$0x3FFD];
	_ =	sdelay $0x3  }
0x93: {  	_ =	strace s0  }
0x94: {  	_ =	strace $0x8FFFFFFF  }
0x95: {  	s15 =	sld [smem:$0x3FDB];
	_ =	sdelay $0x1  }
0x96: {  	s16 =	simm.s32 $_scs_section_size  }
0x97: {  	s2 =	simm.s32 $_size__tile_overlayer_lowered;
	s3 =	simm.s32 $_tile_overlayer_lowered  }
0x98: {  	s4 =	simm.s32 $0x1BFF;
	s17 =	sshll.u32 s3, $0x1;
	s1 =	sadd.s32 s16, s15  }
0x99: {  	s18 =	simm.s32 $0x0;
	s2 =	sshll.u32 s2, $0x1;
	s3 =	sadd.s32 s17, s1  }
0x9a: {  	[timem:s18], [sflag:s4] =	dma.local [hbm:s3], s2  }
0x9b: {  	_ =	swait.ge [sflag:s4], s2  }
0x9c: {  	s2 =	ssub.s32 $0x0, s2;
	[sflag:s4] =	ssyncset.done $0x0  }
0x9d: {  	[sflag:s4] =	ssyncadd.s32 s2;
	_ =	sdelay $0x1  }
0x9e: {  	s19 =	simm.s32 $0x1B8B  }
0x9f: {  	_ =	swait.ge [sflag:s19], $0x1  }
0xa0: {  	[sflag:s19] =	ssyncset.done $0x0  }
0xa1: {  	s21 =	simm.s32 $0x1B8E;
	s20 =	sld [smem:$0x3FFE];
	[sflag:s19] =	ssyncadd.s32 $0xFFFFFFFF  }
0xa2: {  	s22 =	simm.s32 $execute0_lowered;
	[smem:$0x3FD2] =	sst s21  }
0xa3: {  	s3 =	sshll.u32 s22, $0x1;
	_ =	strace $0x80000073;
	[dreg:$0x1] =	wrdreg $0xFFFFFFFF  }
0xa4: {  	s23 =	simm.s32 $_size_execute0_lowered;
	s3 =	sadd.s32 s1, s3;
	[dreg:$0x0] =	wrdreg $0x0  }
0xa5: {  	s4 =	sshll.u32 s23, $0x1;
	[dreg:$0x2] =	wrdreg s3  }
0xa6: {  	[dreg:$0x3] =	wrdreg s4  }
0xa7: {  	[dreg:$0x4] =	wrdreg $0xC0  }
0xa8: {  	s24 =	simm.s32 $execute1_lowered;
	_ =	task [dreg:s18], $0x5FFFF  }
0xa9: {  	s3 =	sshll.u32 s24, $0x1;
	[dreg:$0x1] =	wrdreg $0xFFFFFFFF  }
0xaa: {  	s1 =	sadd.s32 s1, s3;
	[dreg:$0x0] =	wrdreg $0x60  }
0xab: {  	[dreg:$0x2] =	wrdreg s1  }
0xac: {  	[dreg:$0x3] =	wrdreg s20  }
0xad: {  	[dreg:$0x4] =	wrdreg $0x9  }
0xae: {  	_ =	task.clear_ibuf [dreg:s18], $0x5FFFF;
	_ =	strace $0x90000073  }
0xaf: {  	s25 =	simm.s32 $0x9;
	_ =	strace $0x80000075  }
0xb0: {  	_ =	swait.ge [sflag:s25], $0x1  }
0xb1: {  	[sflag:s25] =	ssyncadd.s32 $0xFFFFFFFF  }
0xb2: {  	_ =	strace $0x90000075  }
0xb3: {  	_ =	strace $0x80000076;
	[dreg:$0x1] =	wrdreg $0xFFFFFFFF  }
0xb4: {  	[dreg:$0x0] =	wrdreg $0x2030  }
0xb5: {  	[dreg:$0x2] =	wrdreg s20  }
0xb6: {  	[dreg:$0x3] =	wrdreg $0xA  }
0xb7: {  	_ =	task.clear_ibuf [dreg:s18], $0x4FFFF;
	_ =	strace $0x90000076  }
0xb8: {  	s26 =	simm.s32 $0xA;
	_ =	strace $0x80000078  }
0xb9: {  	_ =	swait.ge [sflag:s26], $0x1  }
0xba: {  	[sflag:s26] =	ssyncadd.s32 $0xFFFFFFFF  }
0xbb: {  	_ =	strace $0x90000078  }
0xbc: {  	_ =	sfence  }
0xbd: {  	s28 =	sld [smem:$0x0];
	_ =	sdelay $0x1  }
0xbe: {  	s29 =	srdreg.scid  }
0xbf: {  	s30 =	sshll.u32 s29, $0xD;
	s31 =	sshrl.u32 s29, $0x2  }
0xc0: {  	s2 =	sand.u32 $0x1, s29;
	s3 =	sand.u32 $0x4000, s30;
	s1 =	sadd.s32 s31, s28  }
0xc1: {  	s2 =	sor.u32 s3, s2;
	s1 =	sshll.u32 s1, $0x11  }
0xc2: {  	s1 =	sor.u32 s1, s2  }
0xc3: {  	s1 =	sadd.s32 $0x8F2B, s1  }
0xc4: {  	[sflag:s1] =	ssyncadd.remote.s32 $0x1  }
0xc5: {  	_ =	sfence.sel $0xFFFF  }
0xc6: {  	[dreg:$0x0] =	wrdreg $0xFFFFFFFF;
	(pc) =	sbr.abs _section_cstart, $3  }
0xc7: {  	[dreg:$0x1] =	wrdreg $0xFFFFFFFF  }
0xc8: {  	_ =	task.clear_ibuf [dreg:s18], $0x2FFFF;
	_ =	strace $0x9FFFFFFF  }
0xc9: {  	(tm) =	ssettm $0x7FFFFFFF  }
tec
execute0_lowered:
.L_overlay_start_1:
0x0: {  	(tag) =	ssettag $0x1  }
0x1: {  	s2 =	rddreg [dreg:$0x0]  }
0x2: {  	s4 =	rddreg [dreg:$0x1]  }
0x3: {  	s0 =	rddreg [dreg:$0x2];
	s3 =	stileid.u32  }
0x4: {  	[bflag:$0x3] =	sbarrier.arrive $0xFFFF;
	s1 =	simm.s32 $_size_execute1_lowered;
	p0 =	sne.s32 s3, $0x0  }
0x5: {  	s1 =	sshll.u32 s1, $0x1;
	s5 =	simm.s32 @!p0 $0x1C3F;
	s6 =	simm.s32 @!p0 $0x4060  }
0x6: {  	[timem:s6], [sflag:s5] =	dma.local @!p0 [hbm:s2], s1  }
0x7: {  	s2 =	smul.u32 $0xC40, s3  }
.Ltmp0:
0x8: {  	s31 =	simm.s32 $0x2;
	s7 =	simm.s32 $0xC40;
	(pc) =	sbr.rel .LBB2_1-.Ltmp0, $4  }
0x9: {  	s8 =	simm.s32 $0x24C0;
	s10 =	simm.s32 $0x0;
	s9 =	simm.s32 $0x0  }
0xa: {  	s3 =	simm.s32 $0x1;
	_ =	strace $0x80000074;
	s30 =	sshrl.u32 s2, $0x3  }
0xb: {  	s6 =	simm.s32 $0x0;
	[sflag:s3] =	ssyncpa.u1 $0x0;
	s5 =	sadd.s32 s30, s4  }
0xc: {  	s4 =	sadd.s32 $0x6F600, s4;
	[sflag:s31] =	ssyncpa.u1 $0x0;
	s5 =	sadd.s32 $0x6DC00, s5  }
.LBB2_9:
0xd: {  	p1 =	seq.s32 s9, $0x2  }
.Ltmp1:
0xe: {  	_ = 	snop;
	(pc) =	sbr.rel @p1 .LBB2_11-.Ltmp1, $1  }
0xf: {  	_ =	sdelay $0x3  }
.LBB2_10:
0x10: {  	s9 =	sadd.s32 $0x1, s9;
	s10 =	smov.u32 s2  }
.LBB2_1:
0x11: {  	p1 =	sne.s32 s9, $0x0  }
.Ltmp2:
0x12: {  	_ = 	snop;
	(pc) =	sbr.rel @!p1 .LBB2_2-.Ltmp2, $1  }
0x13: {  	_ =	sdelay $0x3  }
0x14: {  	s11 =	sand.u32 $0x1, s9  }
0x15: {  	p1 =	seq.s32 s11, $0x0  }
.Ltmp3:
0x16: {  	_ = 	snop;
	(pc) =	sbr.rel @p1 .LBB2_9-.Ltmp3, $1  }
0x17: {  	_ =	sdelay $0x3  }
0x18: {  	_ =	swait.ge [sflag:s3], $0xC40  }
0x19: {  	[sflag:s3] =	ssyncset.done $0x0  }
0x1a: {  	s16 =	simm.s32 $0xD30;
	[sflag:s3] =	ssyncadd.s32 $0xFFFFF3C0  }
0x1b: {  	v0 =	vld [tilespmem:s16+$0x0]  }
0x1c: {  	v1 =	vld [tilespmem:s16+$0xFFFFFF20]  }
0x1d: {  	v2 =	vld [tilespmem:s16+$0xFFFFFF30]  }
0x1e: {  	v3 =	vld [tilespmem:s16+$0xFFFFFF40]  }
0x1f: {  	s11 =	simm.s32 $0x25B0;
	v4 =	vld [tilespmem:s16+$0xFFFFFF50]  }
0x20: {  	v5 =	vld [tilespmem:s16+$0xFFFFFF60];
	[tilespmem:s11+$0x0] =	vst v0  }
0x21: {  	[tilespmem:s11+$0xFFFFFF20] =	vst v1;
	v0 =	vld [tilespmem:s16+$0xFFFFFF70]  }
0x22: {  	[tilespmem:s11+$0xFFFFFF30] =	vst v2;
	v1 =	vld [tilespmem:s16+$0xFFFFFF80]  }
0x23: {  	[tilespmem:s11+$0xFFFFFF40] =	vst v3;
	v2 =	vld [tilespmem:s16+$0xFFFFFF90]  }
0x24: {  	[tilespmem:s11+$0xFFFFFF50] =	vst v4;
	v3 =	vld [tilespmem:s16+$0xFFFFFFA0]  }
0x25: {  	[tilespmem:s11+$0xFFFFFF60] =	vst v5;
	v5 =	vld [tilespmem:s16+$0xFFFFFFB0]  }
0x26: {  	[tilespmem:s11+$0xFFFFFF70] =	vst v0;
	v0 =	vld [tilespmem:s16+$0xFFFFFFC0]  }
0x27: {  	[tilespmem:s11+$0xFFFFFF80] =	vst v1;
	v1 =	vld [tilespmem:s16+$0xFFFFFFD0]  }
0x28: {  	[tilespmem:s11+$0xFFFFFF90] =	vst v2;
	v2 =	vld [tilespmem:s16+$0xFFFFFFE0]  }
0x29: {  	s15 =	simm.s32 $0x0;
	s12 =	simm.s32 $0xBF0;
	[tilespmem:s11+$0xFFFFFFA0] =	vst v3;
	v3 =	vld [tilespmem:s16+$0xFFFFFFF0]  }
0x2a: {  	s13 =	simm.s32 $0x30C0;
	s14 =	simm.s32 $0x1840;
	v4 =	vld [tilespmem:s16+$0xFFFFFF10];
	[tilespmem:s11+$0xFFFFFFB0] =	vst v5;
	s16 =	simm.s32 $0xE30  }
.LBB2_5:
0x2b: {  	v5 =	vld [tilespmem:s16+$0x0];
	s15 =	sadd.s32 $0x100, s15;
	[tilespmem:s11+$0xFFFFFFC0] =	vst v0  }
0x2c: {  	v0 =	vld [tilespmem:s16+$0xFFFFFF20];
	p1 =	slt.u32 s15, $0xB00;
	[tilespmem:s11+$0xFFFFFFD0] =	vst v1  }
0x2d: {  	v1 =	vld [tilespmem:s16+$0xFFFFFF30];
	[tilespmem:s11+$0xFFFFFFE0] =	vst v2  }
0x2e: {  	v2 =	vld [tilespmem:s16+$0xFFFFFF40];
	[tilespmem:s11+$0xFFFFFFF0] =	vst v3  }
0x2f: {  	v3 =	vld [tilespmem:s16+$0xFFFFFF50];
	[tilespmem:s11+$0xFFFFFF10] =	vst v4;
	s11 =	sadd.s32 $0x100, s11  }
0x30: {  	v4 =	vld [tilespmem:s16+$0xFFFFFF60];
	[tilespmem:s11+$0x0] =	vst v5  }
0x31: {  	[tilespmem:s11+$0xFFFFFF20] =	vst v0;
	v0 =	vld [tilespmem:s16+$0xFFFFFF70]  }
0x32: {  	[tilespmem:s11+$0xFFFFFF30] =	vst v1;
	v1 =	vld [tilespmem:s16+$0xFFFFFF80]  }
0x33: {  	[tilespmem:s11+$0xFFFFFF40] =	vst v2;
	v2 =	vld [tilespmem:s16+$0xFFFFFF90]  }
0x34: {  	[tilespmem:s11+$0xFFFFFF50] =	vst v3;
	v3 =	vld [tilespmem:s16+$0xFFFFFFA0]  }
0x35: {  	[tilespmem:s11+$0xFFFFFF60] =	vst v4;
	v5 =	vld [tilespmem:s16+$0xFFFFFFB0]  }
.Ltmp4:
0x36: {  	[tilespmem:s11+$0xFFFFFF70] =	vst v0;
	v0 =	vld [tilespmem:s16+$0xFFFFFFC0];
	(pc) =	sbr.rel @p1 .LBB2_5-.Ltmp4, $4  }
0x37: {  	[tilespmem:s11+$0xFFFFFF80] =	vst v1;
	v1 =	vld [tilespmem:s16+$0xFFFFFFD0]  }
0x38: {  	[tilespmem:s11+$0xFFFFFF90] =	vst v2;
	v2 =	vld [tilespmem:s16+$0xFFFFFFE0]  }
0x39: {  	[tilespmem:s11+$0xFFFFFFA0] =	vst v3;
	v3 =	vld [tilespmem:s16+$0xFFFFFFF0]  }
0x3a: {  	v4 =	vld [tilespmem:s16+$0xFFFFFF10];
	[tilespmem:s11+$0xFFFFFFB0] =	vst v5;
	s16 =	sadd.s32 $0x100, s16  }
0x3b: {  	[tilespmem:s11+$0xFFFFFFC0] =	vst v0  }
0x3c: {  	[tilespmem:s11+$0xFFFFFFD0] =	vst v1  }
0x3d: {  	[tilespmem:s11+$0xFFFFFFE0] =	vst v2  }
0x3e: {  	[tilespmem:s11+$0xFFFFFFF0] =	vst v3  }
0x3f: {  	[tilespmem:s11+$0xFFFFFF10] =	vst v4  }
.LBB2_7:
0x40: {  	s12 =	sadd.s32 $0x10, s12  }
0x41: {  	v0 =	vld [tilespmem:s14+$0x0];
	p1 =	slt.u32 s12, $0xC30  }
.Ltmp5:
0x42: {  	_ = 	snop;
	(pc) =	sbr.rel @p1 .LBB2_7-.Ltmp5, $2  }
0x43: {  	_ =	sdelay $0x2  }
0x44: {  	s14 =	sadd.s32 $0x10, s14;
	[tilespmem:s13+$0x0] =	vst v0;
	s13 =	sadd.s32 $0x10, s13  }
.Ltmp6:
0x45: {  	(pc) =	sbr.rel .LBB2_9-.Ltmp6, $4  }
0x46: {  	_ = 	snop  }
0x47: {  	s10 =	sshrl.u32 s10, $0x3  }
0x48: {  	s10 =	sadd.s32 s4, s10  }
0x49: {  	[hbm4b:s10+s6] =	stream.linear.scatter [tilespmem:s8], [sflag:$0x2], $0xC40, $0x38;
	[tilespmem:$0x3100] =	vst v63  }
.LBB2_2:
.Ltmp7:
0x4a: {  	(pc) =	sbr.rel .LBB2_10-.Ltmp7, $2  }
0x4b: {  	_ =	sdelay $0x2  }
0x4c: {  	[tilespmem:s7], [sflag:$0x1] =	stream.linear.gather [hbm4b:s5+s6], $0xC40, $0x38;
	[tilespmem:$0x3100] =	vst v63  }
.LBB2_11:
0x4d: {  	s2 =	simm.s32 $0x2  }
0x4e: {  	_ =	swait.ge [sflag:s2], $0xC40  }
0x4f: {  	[sflag:s2] =	ssyncset.done $0x0  }
0x50: {  	[sflag:s2] =	ssyncadd.s32 $0xFFFFF3C0  }
0x51: {  	_ =	sfence.sel $0x180000  }
0x52: {  	s3 =	simm.s32 $0x1;
	[bflag:$0x0] =	sbarrier.arrive $0xFFFF  }
0x53: {  	[sflag:s3] =	ssyncpa.u1 $0x1  }
0x54: {  	[sflag:s2] =	ssyncpa.u1 $0x1  }
0x55: {  	_ =	strace $0x90000074  }
0x56: {  	s0 =	sadd.s32 @!p0 $0x100000, s0;
	[bflag:$0x2] =	sbarrier.arrive $0xFFFF  }
0x57: {  	[sflag:s0] =	ssyncadd.tile.s32 @!p0 $0x1;
	s0 =	simm.s32 @!p0 $0x3F  }
0x58: {  	_ =	swait.ge @!p0 [sflag:s0], s1  }
0x59: {  	s1 =	ssub.s32 @!p0 $0x0, s1;
	[sflag:s0] =	ssyncset.done @!p0 $0x0  }
0x5a: {  	[sflag:s0] =	ssyncadd.s32 @!p0 s1  }
0x5b: {  	[bflag:$0x3] =	sbarrier.arrive $0xFFFF  }
0x5c: {  	_ =	shalt  }
.Lfunc_end2:
execute1_lowered:
.L_overlay_start_2:
0x5d: {  	(tag) =	ssettag $0x2  }
0x5e: {  	s0 =	rddreg [dreg:$0x0]  }
0x5f: {  	s6 =	stileid.u32;
	_ =	strace $0x80000077;
	s2 =	simm.s32 $0x1  }
0x60: {  	v1 =	vimm.s32 $0xFFFFFFFF;
	s1 =	smul.u32 $0x7, s6;
	[sflag:s2] =	ssyncpa.u1 $0x0  }
0x61: {  	s3 =	smin.u32 s6, $0xD;
	[tilespmem:$0x10] =	vst v1  }
0x62: {  	v0 =	vimm.f32 $0.0e+00;
	[tilespmem:$0x20] =	vst v1;
	s1 =	sadd.s32 s3, s1  }
0x63: {  	p0 =	slt.u32 s6, $0xD;
	[tilespmem:$0x30] =	vst v0;
	s3 =	smul.u32 $0x1A90, s1;
	s1 =	simm.s32 $0xD480  }
0x64: {  	[tilespmem:$0x40] =	vst v0;
	s1 =	simm.s32 @!p0 $0xB9F0  }
0x65: {  	[tilespmem:$0x50] =	vst v0;
	s1 =	sadd.s32 s1, s3  }
0x66: {  	[tilespmem:$0x60] =	vst v1;
	s4 =	smin.u32 s1, $0xCF850  }
0x67: {  	s7 =	simm.s32 $0x2;
	[tilespmem:$0x70] =	vst v1;
	s9 =	ssub.s32 s4, s3  }
0x68: {  	s8 =	simm.s32 $0x8;
	s31 =	simm.s32 $0x9;
	[tilespmem:$0x80] =	vst v1;
	p0 =	sgt.s32 s9, $0x0  }
0x69: {  	s16 =	simm.s32 $0x0;
	s17 =	simm.s32 $0xF0;
	v1 =	vimm.s32 $0x0;
	[tilespmem:$0xB0] =	vst v0;
	s9 =	simm.s32 @!p0 $0x0  }
0x6a: {  	s18 =	simm.s32 $0xFFFFFFFF;
	s19 =	simm.s32 $0xFFFFCBE0;
	[tilespmem:$0x90] =	vst v1;
	s5 =	smulhi.u32 $0x134679AD, s9  }
0x6b: {  	s20 =	simm.s32 $0xFFFFFFFE;
	[tilespmem:$0xA0] =	vst v1;
	[sflag:s7] =	ssyncpa.u1 $0x0;
	s7 =	simm.s32 $0x7  }
0x6c: {  	s21 =	simm.s32 $0xF;
	[sflag:s7] =	ssyncpa.u1 $0x0;
	s10 =	sshrl.u32 s5, $0x9  }
0x6d: {  	s25 =	simm.s32 $0x0;
	[sflag:s8] =	ssyncpa.u1 $0x0;
	s11 =	smul.u32 $0x1A90, s10  }
0x6e: {  	s24 =	simm.s32 $0x0;
	s14 =	sshllo.u32 s6, $0x1;
	[sflag:s31] =	ssyncpa.u1 $0x0  }
.Ltmp8:
0x6f: {  	s1 =	sadd.s32 $0x6F600, s0;
	p0 =	sne.s32 s9, s11;
	(pc) =	sbr.rel .LBB3_1-.Ltmp8, $4  }
0x70: {  	s5 =	sadd.s32 $0x39C00, s0;
	s0 =	sadd.s32 $0x53C00, s0;
	s2 =	simm.s32 @!p0 $0x0  }
0x71: {  	s23 =	smov.u32 s3;
	[dreg:$0x2] =	wrdreg s0;
	s9 =	sadd.s32 s2, s10  }
0x72: {  	vm0 =	vmmov $0xffff;
	v2 =	vlaneseq.u32;
	p0 =	por $0x0, $0x0;
	s10 =	sshll.u32 s6, $0x1;
	s11 =	sadd.s32 $0x1, s9  }
0x73: {  	vm1 =	vmxor vm1, vm1;
	vm2 =	vmmov $0x1;
	vm3 =	vcmask $0x3F3C;
	s12 =	sadd.s32 $0x2, s9;
	s13 =	sor.u32 $0x81, s10;
	s15 =	sor.u32 $0x80, s10  }
.LBB3_9:
0x74: {  	p1 =	slt.u32 s24, $0x3  }
0x75: {  	s0 =	simm.s32 @!p1 $0x2  }
0x76: {  	_ =	swait.ge @!p1 [sflag:s0], $0x1A90  }
0x77: {  	[sflag:s0] =	ssyncset.done @!p1 $0x0  }
0x78: {  	[sflag:s0] =	ssyncadd.s32 @!p1 $0xFFFFE570;
	s0 =	simm.s32 @!p1 $0x9  }
0x79: {  	_ =	swait.ge @!p1 [sflag:s0], $0x10  }
0x7a: {  	[sflag:s0] =	ssyncset.done @!p1 $0x0  }
0x7b: {  	[sflag:s0] =	ssyncadd.s32 @!p1 $0xFFFFFFF0;
	p1 =	sne.s32 s24, s12  }
.Ltmp9:
0x7c: {  	s2 =	sadd.s32 $0x1A90, s23;
	(pc) =	sbr.rel @!p1 .LBB3_10-.Ltmp9, $4  }
0x7d: {  	s6 =	smov.u32 s3;
	s31 =	sadd.s32 $0x1, s24;
	s17 =	sadd.s32 $0x1A90, s17  }
0x7e: {  	s18 =	sadd.s32 $0x1, s18;
	s25 =	smov.u32 s23;
	p2 =	slt.s32 s2, s4  }
0x7f: {  	p0 =	por !p0, !p0;
	s19 =	sadd.s32 $0x1A90, s19;
	s6 =	smov.u32 @p2 s2  }
0x80: {  	s20 =	sadd.s32 $0x1, s20;
	s23 =	smov.u32 s6;
	s24 =	smov.u32 s31  }
.LBB3_1:
0x81: {  	p1 =	sge.u32 s24, s9  }
0x82: {  	s0 =	smulhi.u32 @!p1 $0xAAAAAAAB, s24;
	_ =	sdelay $0x1  }
0x83: {  	s0 =	sshrl.u32 @!p1 s0, $0x1  }
0x84: {  	s0 =	smul.u32 @!p1 $0x3, s0;
	_ =	sdelay $0x1  }
0x85: {  	s0 =	ssub.s32 @!p1 s24, s0  }
0x86: {  	s0 =	smul.u32 @!p1 $0x6A40, s0;
	_ =	sdelay $0x1  }
0x87: {  	s2 =	sshrl.u32 @!p1 s23, $0x3;
	s0 =	sshrl.u32 @!p1 s0, $0x2  }
0x88: {  	s22 =	sand.u32 @!p1 $0x7, s23;
	s2 =	sadd.s32 @!p1 s5, s2;
	s0 =	sadd.s32 @!p1 $0x100, s0  }
0x89: {  	[tilespmem:s0], [sflag:$0x7] =	stream.linear.gather @!p1 [hbm4b:s2+s22], $0x1A90, $0x38;
	[tilespmem:$0xF030] =	vst v63  }
0x8a: {  	s0 =	sadd.s32 $0xFFFFFFFF, s24  }
0x8b: {  	p1 =	sge.u32 s0, s9  }
.Ltmp10:
0x8c: {  	_ = 	snop;
	(pc) =	sbr.rel @p1 .LBB3_5-.Ltmp10, $1  }
0x8d: {  	_ =	sdelay $0x3  }
0x8e: {  	s2 =	smulhi.u32 $0xAAAAAAAB, s0;
	_ =	sdelay $0x1  }
0x8f: {  	s2 =	sshrl.u32 s2, $0x1  }
0x90: {  	s2 =	smul.u32 $0x3, s2;
	_ =	sdelay $0x1  }
0x91: {  	s2 =	ssub.s32 s0, s2  }
0x92: {  	s2 =	smul.u32 $0x6A40, s2  }
0x93: {  	_ =	swait.ge [sflag:s7], $0x1A90  }
0x94: {  	[sflag:s7] =	ssyncset.done $0x0;
	s2 =	sshrl.u32 s2, $0x2  }
0x95: {  	[sflag:s7] =	ssyncadd.s32 $0xFFFFE570;
	(ifvalue) =	ssetifvalue $0xFFFFFFFF;
	v3 =	vld.msk [tilespmem:s2+$0x100 ss:$0x1], $0xffff;
	_ =	sdelay $0x2  }
0x96: {  	s30 =	smulhi.u32 $0xAAAAAAAB, s18;
	p1 =	sne.s32 s24, $0x1  }
0x97: {  	v4 =	vimm.s32 @!p1 $0x0  }
0x98: {  	s2 =	sshrl.u32 s30, $0x1;
	v4 =	vperm.xlane @!p1 v3, v4  }
0x99: {  	s22 =	sshll.u32 s24, $0x4;
	s2 =	smul.u32 $0xFFFEC140, s2;
	vm4 =	vlt.u32 v3, $0xC400  }
0x9a: {  	s22 =	sand.u32 $0x10, s22;
	v3 =	vnsel vm4, $0xFFFFFFFE, v3;
	vm4 =	vlt.u32 @!p1 v4, $0xC400  }
0x9b: {  	s2 =	sshra.s32 s2, $0x2;
	[tilespmem:s22+$0x60] =	vst v3;
	v3 =	vnsel @!p1 vm4, $0xFFFFFFFE, v4  }
0x9c: {  	s28 =	sadd.s32 s2, s17;
	[tilespmem:$0x80] =	vst @!p1 v3  }
0x9d: {  	v3 =	vld.msk [tilespmem:s28+$0x0 ss:$0x1], $0xffff;
	_ =	sdelay $0x4  }
0x9e: {  	(xrf1) =	vunique.msk.u32 $0xffff, v3;
	_ =	sdelay $0xd  }
0x9f: {  	v4 =	vimm.s32 $0xFFFFFFFF;
	v5, _, _ =	vpop (xrf1)  }
0xa0: {  	vm5 =	vne.s32 v3, v4;
	vm4 =	veq.s32 v5, v2  }
0xa1: {  	vm6 =	vlt.u32 v3, $0xC400;
	vm4 =	vmand vm5, vm4  }
0xa2: {  	vm4 =	vmand vm6, vm4  }
0xa3: {  	v4 =	vnsel vm4, $0xFFFFFFFF, v3  }
0xa4: {  	s31 =	sand.u32 $0x1, s0  }
0xa5: {  	s0 =	simm.s32 $0x1A90;
	p1 =	seq.s32 s31, $0x1  }
0xa6: {  	s0 =	simm.s32 @!p1 $0x0  }
0xa7: {  	s26 =	sadd.s32 $0x6B30, s0;
	(ifvalue) =	ssetifvalue $0xFFFFFFFF  }
0xa8: {  	v3 =	vperm.xlane v3, v1;
	[tilespmem:s26], [sflag:$0x8] =	stream.indirect_vreg.gather [hbm4b:s1+s16], $0x1, v4, vm0, $0x4038;
	v4 =	vnsel vm6, $0xFFFFFFFE, v4;
	[tilespmem:$0xF030] =	vst v63  }
0xa9: {  	s2 =	simm.s32 $0x0;
	s22 =	sadd.s32 $0xFFFFFFF0, s28;
	[tilespmem:s28+$0x0] =	vst v4  }
.LBB3_3:
0xaa: {  	v4 =	vld.msk [tilespmem:s22+$0x0 ss:$0x1], $0xffff;
	s2 =	sadd.s32 $0x10, s2;
	v5 =	vmov v3;
	s28 =	smov.u32 s22  }
0xab: {  	p1 =	slt.u32 s2, $0x1A80;
	_ =	sdelay $0x4  }
0xac: {  	v3 =	vperm.xlane v4, v1;
	(xrf1) =	vunique.msk.u32 $0xffff, v4;
	_ =	sdelay $0xd  }
0xad: {  	v6, _, _ =	vpop (xrf1)  }
0xae: {  	vm5 =	vne.s32 v4, v5;
	vm4 =	veq.s32 v6, v2  }
0xaf: {  	vm6 =	vlt.u32 v4, $0xC400;
	vm4 =	vmand vm5, vm4  }
0xb0: {  	vm4 =	vmand vm6, vm4  }
0xb1: {  	v4 =	vnsel vm4, $0xFFFFFFFF, v4  }
.Ltmp11:
0xb2: {  	v5 =	vnsel vm6, $0xFFFFFFFE, v4;
	(pc) =	sbr.rel @p1 .LBB3_3-.Ltmp11, $3  }
0xb3: {  	_ =	sdelay $0x1  }
0xb4: {  	s22 =	sadd.s32 $0xFFFFFFF0, s22;
	s26 =	sadd.s32 $0xFFFFFFF0, s26;
	(ifvalue) =	ssetifvalue $0xFFFFFFFF  }
0xb5: {  	[tilespmem:s26], [sflag:$0x8] =	stream.indirect_vreg.gather [hbm4b:s1+s16], $0x1, v4, vm0, $0x4038;
	[tilespmem:s28+$0x0] =	vst v5  }
0xb6: {  	s2 =	sshrl.u32 s25, $0x3;
	s6 =	rddreg [dreg:$0x2]  }
0xb7: {  	s0 =	sadd.s32 $0x85D0, s0;
	s2 =	sadd.s32 s6, s2  }
0xb8: {  	[tilespmem:s0], [sflag:$0x8] =	stream.linear.gather [hbm:s2], $0x1A90, $0x38;
	[tilespmem:$0xF030] =	vst v63  }
.LBB3_5:
0xb9: {  	p1 =	slt.u32 s24, $0x2  }
0xba: {  	p2 =	sge.u32 @!p1 s24, s12  }
0xbb: {  	p1 =	por p1, p2  }
.Ltmp12:
0xbc: {  	_ = 	snop;
	(pc) =	sbr.rel @p1 .LBB3_9-.Ltmp12, $1  }
0xbd: {  	_ =	sdelay $0x3  }
0xbe: {  	s0 =	sadd.s32 $0xFFFFFFFE, s24  }
0xbf: {  	s2 =	smulhi.u32 $0xAAAAAAAB, s0;
	_ =	sdelay $0x1  }
0xc0: {  	s2 =	sshrl.u32 s2, $0x1  }
0xc1: {  	s2 =	smul.u32 $0x3, s2;
	_ =	sdelay $0x1  }
0xc2: {  	s0 =	ssub.s32 s0, s2  }
0xc3: {  	_ =	swait.ge [sflag:s8], $0x3520;
	s0 =	smul.u32 $0x1A90, s0  }
0xc4: {  	p1 =	sne.s32 s24, s11;
	[sflag:s8] =	ssyncset.done $0x0  }
0xc5: {  	[sflag:s8] =	ssyncadd.s32 $0xFFFFCAE0;
	s2 =	sadd.s32 @!p1 $0x1B8F, s0  }
0xc6: {  	[spmem:s13] =	stream.linear.scatter @!p1 [tilespmem:s2], [sflag:$0x1], $0x1, $0x38;
	[tilespmem:$0xF030] =	vst v63  }
0xc7: {  	s2 =	simm.s32 @!p1 $0x1  }
0xc8: {  	_ =	swait.ge @!p1 [sflag:s2], $0x1  }
0xc9: {  	s22 =	sshll.u32 s24, $0x4;
	[sflag:s2] =	ssyncset.done @!p1 $0x0  }
0xca: {  	s25 =	sand.u32 $0x10, s22;
	[sflag:s2] =	ssyncadd.s32 @!p1 $0xFFFFFFFF  }
0xcb: {  	s2 =	sxor.u32 $0x10, s25;
	v4 =	vld [tilespmem:s25+$0x10]  }
0xcc: {  	v5 =	vld [tilespmem:s2+$0x60]  }
0xcd: {  	v3 =	vld [tilespmem:$0x80];
	_ =	sdelay $0x2  }
0xce: {  	(v2sf) =	vpush v4, $0x0  }
0xcf: {  	(v2sf) =	vpush v5, $0x0  }
0xd0: {  	(v2sf) =	vpush v3, $0x0;
	_ =	sdelay $0xc  }
0xd1: {  	s6 =	spop (v2sf)  }
0xd2: {  	s28 =	spop (v2sf)  }
0xd3: {  	s26 =	spop (v2sf)  }
0xd4: {  	p2 =	seq.s32 s6, s28;
	p3 =	seq.s32 s26, s6  }
0xd5: {  	p3 =	por p2, p3  }
0xd6: {  	s6 =	sand.u32 $0x1, s24;
	v4 =	vpsel p3, $0xFFFFFFFF, v4  }
0xd7: {  	s28 =	smul.u32 $0x1A90, s6;
	[tilespmem:s25+$0x10] =	vst.msk $0x1, v4  }
0xd8: {  	v4 =	vld [tilespmem:$0x30]  }
0xd9: {  	v5 =	vld [tilespmem:s28+$0x85D0]  }
0xda: {  	v6 =	vld [tilespmem:s25+$0x40];
	_ =	sdelay $0x3  }
0xdb: {  	vm4 =	vmmov vm1;
	v5 =	vadd.f32 v5, v4  }
0xdc: {  	vm5 =	vmmov vm2;
	vm4 =	vmmov @p2 vm2;
	v4 =	vadd.f32 v6, v4  }
0xdd: {  	s22 =	sshll.u32 s6, $0x4;
	vm5 =	vmmov @p3 vm1;
	[tilespmem:s28+$0x85D0] =	vst.msk vm4, v5  }
0xde: {  	[tilespmem:s22+$0xF010] =	vst.msk vm5, v4  }
0xdf: {  	v4 =	vld [tilespmem:s28+$0x6B30];
	_ =	sdelay $0x3  }
0xe0: {  	v5 =	vimm.f32 $0.0e+00  }
0xe1: {  	v4 =	vshift.insert v4, v5, s21  }
0xe2: {  	s29 =	sor.u32 $0x40, s2  }
0xe3: {  	[tilespmem:s29+$0x0] =	vst.msk $0x1, v4  }
0xe4: {  	[tilespmem:s28+$0x6B3F] =	vst.msk $0x1, v5  }
0xe5: {  	v4 =	vld [tilespmem:s0+$0x1B80];
	_ =	sdelay $0x1  }
0xe6: {  	s29 =	smulhi.u32 $0xAAAAAAAB, s20;
	s0 =	simm.s32 $0x1  }
0xe7: {  	s0 =	simm.s32 @!p0 $0x0  }
0xe8: {  	s29 =	sshrl.u32 s29, $0x1;
	s0 =	smul.u32 $0x6A40, s0  }
0xe9: {  	s29 =	smul.u32 $0xFFFEC140, s29;
	v4 =	vshift.insert v4, v1, s21  }
0xea: {  	s0 =	sshrl.u32 s0, $0x2  }
0xeb: {  	s29 =	sshra.s32 s29, $0x2;
	s30 =	sadd.s32 $0x85D0, s0;
	[tilespmem:s2+$0x10] =	vst.msk $0x1, v4  }
0xec: {  	s6 =	sadd.s32 s29, s19;
	v6 =	vld [tilespmem:s30+$0x0]  }
0xed: {  	v7 =	vld [tilespmem:s6+$0x0];
	_ =	sdelay $0x3  }
0xee: {  	v5 =	vadd.f32 v6, v5  }
0xef: {  	vm4 =	vne.s32 v7, $0xFFFFFFFF  }
0xf0: {  	(xrf2) =	vadd.seg.scan.f32 vm4, v5;
	_ =	sdelay $0x3  }
0xf1: {  	s31 =	sadd.s32 $0x50B0, s0;
	v5 =	vperm.xlane v4, v1  }
0xf2: {  	v6 =	vld [tilespmem:s31+$0x0]  }
0xf3: {  	vm5 =	veq.s32 v7, v3;
	vm6 =	veq.s32 v7, v5  }
0xf4: {  	vm7 =	vgt.u32 v7, $0xFFFFFFFD;
	vm6 =	vmor vm6, vm5  }
0xf5: {  	vm6 =	vmor vm6, vm7  }
0xf6: {  	v9 =	vld [tilespmem:$0xA0];
	v7 =	vsel vm6, $0xFFFFFFFF, v7  }
0xf7: {  	v10 =	vld [tilespmem:$0x90];
	v6 =	vsel vm5, $0x0, v6;
	v8, _, _ =	vpop (xrf2)  }
0xf8: {  	v6 =	vadd.f32 v8, v6  }
0xf9: {  	s0 =	sadd.s32 $0xBAF0, s0  }
0xfa: {  	vm4 =	vmand vm4, vm3;
	[tilespmem:s0+$0x0] =	vst v6;
	(ifvalue) =	ssetifvalue $0xFFFFFFFF  }
0xfb: {  	vm6 =	veq.s32 v9, $0x1;
	[hbm4b:s1+s16] =	stream.indirect_vreg.scatter [tilespmem:s0], [sflag:$0x2], $0x1, v7, vm0, $0x4038;
	v7 =	vsel vm4, $0x0, v8;
	[tilespmem:$0xF030] =	vst v63  }
0xfc: {  	s29 =	sadd.s32 $0xF010, s22;
	s22 =	sadd.s32 $0x10, s6;
	s2 =	simm.s32 $0x0;
	vm4 =	vmor vm6, vm5;
	v6 =	vsel vm5, v8, v10;
	v7 =	vshift.insert v7, v0, s21  }
.LBB3_7:
0xfd: {  	v8 =	vld [tilespmem:s22+$0x0];
	s30 =	sadd.s32 $0x10, s30  }
0xfe: {  	s31 =	sadd.s32 $0x10, s31;
	v9 =	vld [tilespmem:s30+$0x0]  }
0xff: {  	s2 =	sadd.s32 $0x10, s2;
	v10 =	vld [tilespmem:s31+$0x0]  }
0x100: {  	p2 =	slt.u32 s2, $0x1A80;
	_ =	sdelay $0x2  }
0x101: {  	v7 =	vadd.f32 v9, v7  }
0x102: {  	vm5 =	vne.s32 v8, $0xFFFFFFFF  }
0x103: {  	vm6 =	vmand vm5, vm3;
	(xrf2) =	vadd.seg.scan.f32 vm5, v7;
	_ =	sdelay $0x5  }
0x104: {  	vm7 =	veq.s32 v8, v5;
	vm5 =	veq.s32 v8, v3  }
0x105: {  	vm8 =	vgt.u32 v8, $0xFFFFFFFD;
	vm4 =	vmor vm4, vm5;
	vm7 =	vmor vm7, vm5  }
0x106: {  	vm7 =	vmor vm7, vm8  }
0x107: {  	v8 =	vsel vm7, $0xFFFFFFFF, v8  }
.Ltmp13:
0x108: {  	v7 =	vsel vm5, $0x0, v10;
	v9, _, _ =	vpop (xrf2);
	(pc) =	sbr.rel @p2 .LBB3_7-.Ltmp13, $4  }
0x109: {  	v6 =	vsel vm5, v9, v6;
	v10 =	vadd.f32 v9, v7;
	v7 =	vsel vm6, $0x0, v9  }
0x10a: {  	s0 =	sadd.s32 $0x10, s0;
	v7 =	vshift.insert v7, v0, s21  }
0x10b: {  	s22 =	sadd.s32 $0x10, s22;
	[tilespmem:s0+$0x0] =	vst v10;
	(ifvalue) =	ssetifvalue $0xFFFFFFFF  }
0x10c: {  	[hbm4b:s1+s16] =	stream.indirect_vreg.scatter [tilespmem:s0], [sflag:$0x2], $0x1, v8, vm0, $0x4038;
	[tilespmem:$0xF030] =	vst v63  }
0x10d: {  	v3 =	vld [tilespmem:s28+$0xD570];
	_ =	sdelay $0x4  }
0x10e: {  	v3 =	vshift.insert v3, v0, s21  }
0x10f: {  	s0 =	simm.s32 $0x30  }
0x110: {  	[tilespmem:s0+$0x0] =	vst.msk $0x1, v3  }
0x111: {  	v3 =	vsel vm4, $0x1, v1;
	[tilespmem:$0x90] =	vst v6  }
0x112: {  	s0 =	sadd.s32 @!p1 $0xD57F, s28;
	[tilespmem:$0xA0] =	vst v3  }
0x113: {  	[spmem:s14] =	stream.linear.scatter @!p1 [tilespmem:s0], [sflag:$0x1], $0x1, $0x38;
	[tilespmem:$0xF030] =	vst v63  }
0x114: {  	s0 =	simm.s32 @!p1 $0x1  }
0x115: {  	v3 =	vmctz.xlane @!p1 vm4;
	_ =	swait.ge @!p1 [sflag:s0], $0x1  }
0x116: {  	(v2sf) =	vpush @!p1 v4, $0x0  }
0x117: {  	(v2sf) =	vpush @!p1 v3, $0x0;
	_ =	sdelay $0xd  }
0x118: {  	s2 =	spop @!p1 (v2sf)  }
0x119: {  	s6 =	spop @!p1 (v2sf)  }
0x11a: {  	p2 =	sne.s32 @!p1 s26, s2;
	p3 =	slt.s32 @!p1 s6, $0xF  }
0x11b: {  	[sflag:s0] =	ssyncset.done @!p1 $0x0;
	p2 =	por p2, p1;
	p3 =	por !p3, p1  }
0x11c: {  	[sflag:s0] =	ssyncadd.s32 @!p1 $0xFFFFFFFF;
	v3 =	vimm.s32 @!p2 $0xFFFFFFFF;
	s6 =	simm.s32 @p3 $0xF  }
0x11d: {  	[tilespmem:$0x80] =	vst @!p2 v3;
	s2 =	sadd.s32 @!p1 $0x90, s6  }
0x11e: {  	[spmem:s10] =	stream.linear.scatter @!p1 [tilespmem:s2], [sflag:$0x1], $0x1, $0x38;
	[tilespmem:$0xF030] =	vst v63  }
0x11f: {  	_ =	swait.ge @!p1 [sflag:s0], $0x1  }
0x120: {  	[sflag:s0] =	ssyncset.done @!p1 $0x0  }
0x121: {  	s2 =	simm.s32 @!p1 $0x80;
	[sflag:s0] =	ssyncadd.s32 @!p1 $0xFFFFFFFF  }
0x122: {  	[spmem:s15] =	stream.linear.scatter @!p1 [tilespmem:s2], [sflag:$0x1], $0x1, $0x38;
	[tilespmem:$0xF030] =	vst v63  }
0x123: {  	_ =	swait.ge @!p1 [sflag:s0], $0x1  }
0x124: {  	[sflag:s0] =	ssyncset.done @!p1 $0x0  }
0x125: {  	[sflag:s0] =	ssyncadd.s32 @!p1 $0xFFFFFFFF;
	(ifvalue) =	ssetifvalue $0xFFFFFFFF;
	v3 =	vld [tilespmem:s25+$0x10];
	_ =	sdelay $0x3  }
.Ltmp14:
0x126: {  	_ = 	snop;
	(pc) =	sbr.rel .LBB3_9-.Ltmp14, $3  }
0x127: {  	_ =	sdelay $0x1  }
0x128: {  	(ifvalue) =	ssetifvalue $0xFFFFFFFF  }
0x129: {  	[hbm4b:s1+s16] =	stream.indirect_vreg.scatter [tilespmem:s29], [sflag:$0x9], $0x1, v3, vm0, $0x4038;
	[tilespmem:$0xF030] =	vst v63  }
.LBB3_10:
0x12a: {  	_ =	sfence.sel $0x180000  }
0x12b: {  	s0 =	simm.s32 $0x7;
	[bflag:$0x0] =	sbarrier.arrive $0xFFFF  }
0x12c: {  	s26 =	simm.s32 $0x8;
	[sflag:s0] =	ssyncpa.u1 $0x1  }
0x12d: {  	s28 =	simm.s32 $0x9;
	[sflag:s26] =	ssyncpa.u1 $0x1  }
0x12e: {  	[sflag:s28] =	ssyncpa.u1 $0x1  }
0x12f: {  	_ =	sfence.stream.spmem  }
0x130: {  	s29 =	simm.s32 $0x3;
	[bflag:$0x0] =	sbarrier.arrive $0xFFFF  }
0x131: {  	s30 =	simm.s32 $0x4;
	[sflag:s29] =	ssyncpa.u1 $0x1  }
0x132: {  	s31 =	simm.s32 $0x3C;
	s2 =	stileid.u32;
	[sflag:s30] =	ssyncpa.u1 $0x1  }
0x133: {  	p0 =	sne.s32 s2, $0x0;
	[sflag:s31] =	ssyncpa.u1 $0x1  }
0x134: {  	s0 =	simm.s32 @p0 $0x1;
	_ =	sfence @p0  }
0x135: {  	[sflag:s0] =	ssyncpa.u1 @p0 $0x1;
	s0 =	simm.s32 @p0 $0x2  }
0x136: {  	[sflag:s0] =	ssyncpa.u1 @p0 $0x1  }
0x137: {  	_ =	strace @p0 $0x90000077  }
0x138: {  	[bflag:$0x2] =	sbarrier.arrive @p0 $0xFFFF  }
0x139: {  	_ =	shalt @p0  }
.LBB3_11:
0x13a: {  	_ =	sfence.stream.spmem;
	s0 =	simm.s32 $0x5  }
0x13b: {  	s2 =	simm.s32 $0x80;
	s3 =	simm.s32 $0xC0;
	[sflag:s0] =	ssyncpa.u1 $0x0  }
0x13c: {  	[tilespmem:s3], [sflag:$0x5] =	stream.linear.gather [spmem:s2], $0x20, $0x38;
	[tilespmem:$0xF030] =	vst v63  }
0x13d: {  	s2 =	simm.s32 $0x0;
	s3 =	simm.s32 $0xE0  }
0x13e: {  	[tilespmem:s3], [sflag:$0x5] =	stream.linear.gather [spmem:s2], $0x20, $0x38;
	[tilespmem:$0xF030] =	vst v63  }
.Ltmp15:
0x13f: {  	_ = 	snop;
	(pc) =	sbr.rel .LBB3_12-.Ltmp15, $4  }
0x140: {  	_ =	swait.ge [sflag:s0], $0x40  }
0x141: {  	[sflag:s0] =	ssyncset.done $0x0  }
0x142: {  	s31 =	simm.s32 $0x6;
	[sflag:s0] =	ssyncadd.s32 $0xFFFFFFC0  }
0x143: {  	s4 =	simm.s32 $0x0;
	[sflag:s31] =	ssyncpa.u1 $0x0  }
.LBB3_17:
0x144: {  	p0 =	sgt.u32 s5, $0xC3FF  }
0x145: {  	s0 =	sshrl.u32 @!p0 s5, $0x3  }
0x146: {  	s5 =	sand.u32 @!p0 $0x7, s5;
	s6 =	simm.s32 @!p0 $0xB0;
	s0 =	sadd.s32 @!p0 s1, s0  }
0x147: {  	[tilespmem:s6], [sflag:$0x6] =	stream.linear.gather @!p0 [hbm4b:s0+s5], $0x1, $0x38;
	[tilespmem:$0xF030] =	vst v63  }
0x148: {  	s0 =	simm.s32 @!p0 $0x6  }
0x149: {  	_ =	swait.ge @!p0 [sflag:s0], $0x1  }
0x14a: {  	[sflag:s0] =	ssyncset.done @!p0 $0x0  }
0x14b: {  	[sflag:s0] =	ssyncadd.s32 @!p0 $0xFFFFFFFF  }
0x14c: {  	v2 =	vmov @!p0 s4;
	v1 =	vld.msk @!p0 [tilespmem:$0xB0], $0x1;
	_ =	sdelay $0x3  }
0x14d: {  	s0 =	simm.s32 @!p0 $0xE0  }
0x14e: {  	[tilespmem:v2+s0+$0x0], v1 =	vst.idx.ret.add.f32.msk @!p0 $0x1, v1  }
0x14f: {  	[tilespmem:s2+$0xC0] =	vst.msk $0x1, v0  }
0x150: {  	v0 =	vld.msk [tilespmem:s4+$0xE0], $0x1;
	_ =	sdelay $0x4  }
0x151: {  	[tilespmem:s2+$0xE0] =	vst.msk $0x1, v0;
	s2 =	sadd.s32 $0x1, s2  }
.LBB3_19:
0x152: {  	s4 =	sadd.s32 $0x1, s4  }
0x153: {  	p0 =	sne.s32 s4, $0x20  }
.Ltmp16:
0x154: {  	_ = 	snop;
	(pc) =	sbr.rel @!p0 .LBB3_20-.Ltmp16, $1  }
0x155: {  	_ =	sdelay $0x3  }
.LBB3_12:
0x156: {  	v0 =	vld.msk [tilespmem:s4+$0xC0], $0x1;
	_ =	sdelay $0x4  }
0x157: {  	(v2sf) =	vpush v0, $0x0;
	_ =	sdelay $0xe  }
0x158: {  	s5 =	spop (v2sf)  }
0x159: {  	p0 =	seq.s32 s5, $0xFFFFFFFF  }
.Ltmp17:
0x15a: {  	_ = 	snop;
	(pc) =	sbr.rel @p0 .LBB3_19-.Ltmp17, $1  }
0x15b: {  	_ =	sdelay $0x3  }
0x15c: {  	p0 =	slt.s32 s2, $0x1  }
.Ltmp18:
0x15d: {  	_ = 	snop;
	(pc) =	sbr.rel @p0 .LBB3_17-.Ltmp18, $1  }
0x15e: {  	_ =	sdelay $0x3  }
0x15f: {  	s0 =	simm.s32 $0xC0;
	p0 =	por $0x0, $0x0  }
0x160: {  	v1 =	vld.msk @!p0 [tilespmem:s0+$0x0], $0x1;
	_ =	sdelay $0x4  }
0x161: {  	(v2sf) =	vpush @!p0 v1, $0x0;
	_ =	sdelay $0xd  }
0x162: {  	p2 =	sne.s32 s2, $0x1  }
.Ltmp19:
0x163: {  	s6 =	spop @!p0 (v2sf);
	(pc) =	sbr.rel @!p2 .LBB3_16-.Ltmp19, $4  }
0x164: {  	p1 =	seq.s32 @!p0 s5, s6  }
0x165: {  	s6 =	simm.s32 $0x0;
	p1 =	por !p1, p0  }
0x166: {  	s8 =	simm.s32 $0xFFFFFFFF;
	s6 =	simm.s32 @p1 $0xFFFFFFFF  }
0x167: {  	s7 =	simm.s32 $0x1;
	s6 =	smov.u32 @p0 s8  }
.LBB3_15:
0x168: {  	s8 =	smov.u32 s6;
	p0 =	sne.s32 s6, $0xFFFFFFFF  }
0x169: {  	s0 =	sadd.s32 $0x1, s0;
	s6 =	smov.u32 s7;
	s7 =	sadd.s32 $0x1, s7  }
0x16a: {  	p1 =	sne.s32 s2, s7;
	v1 =	vld.msk @!p0 [tilespmem:s0+$0x0], $0x1;
	_ =	sdelay $0x4  }
0x16b: {  	(v2sf) =	vpush @!p0 v1, $0x0;
	_ =	sdelay $0xe  }
.Ltmp20:
0x16c: {  	s9 =	spop @!p0 (v2sf);
	(pc) =	sbr.rel @p1 .LBB3_15-.Ltmp20, $4  }
0x16d: {  	p2 =	seq.s32 @!p0 s5, s9  }
0x16e: {  	p2 =	por !p2, p0  }
0x16f: {  	s6 =	simm.s32 @p2 $0xFFFFFFFF  }
0x170: {  	s6 =	smov.u32 @p0 s8  }
.LBB3_16:
0x171: {  	p0 =	sne.s32 s6, $0xFFFFFFFF  }
.Ltmp21:
0x172: {  	_ = 	snop;
	(pc) =	sbr.rel @!p0 .LBB3_17-.Ltmp21, $1  }
0x173: {  	_ =	sdelay $0x3  }
0x174: {  	v0 =	vld.msk [tilespmem:s4+$0xE0], $0x1;
	v1 =	vmov s6  }
.Ltmp22:
0x175: {  	_ = 	snop;
	(pc) =	sbr.rel .LBB3_19-.Ltmp22, $2  }
0x176: {  	_ =	sdelay $0x2  }
0x177: {  	[tilespmem:v1+s3+$0x0], v0 =	vst.idx.ret.add.f32.msk $0x1, v0  }
.LBB3_20:
0x178: {  	p0 =	slt.s32 s2, $0x1  }
.Ltmp23:
0x179: {  	_ = 	snop;
	(pc) =	sbr.rel @p0 .LBB3_24-.Ltmp23, $3  }
0x17a: {  	_ =	sdelay $0x1  }
0x17b: {  	s0 =	simm.s32 $0x6  }
0x17c: {  	s3 =	simm.s32 $0x0;
	[sflag:s0] =	ssyncpa.u1 $0x1  }
0x17d: {  	s0 =	simm.s32 $0xC0  }
0x17e: {  	v0 =	vld.msk [tilespmem:s0+$0x0], $0x1;
	_ =	sdelay $0x4  }
0x17f: {  	(v2sf) =	vpush v0, $0x0;
	_ =	sdelay $0xe  }
0x180: {  	s2 =	sadd.s32 $0xFFFFFFFF, s2;
	s4 =	spop (v2sf)  }
0x181: {  	p1 =	sne.s32 s2, $0x0;
	p0 =	sgt.u32 s4, $0xC3FF  }
.Ltmp24:
0x182: {  	s5 =	sshrl.u32 @!p0 s4, $0x3;
	(pc) =	sbr.rel @!p1 .LBB3_23-.Ltmp24, $4  }
0x183: {  	s0 =	simm.s32 $0xE0;
	s4 =	sand.u32 @!p0 $0x7, s4;
	s5 =	sadd.s32 @!p0 s1, s5  }
0x184: {  	[hbm4b:s5+s4] =	stream.linear.scatter @!p0 [tilespmem:s0], [sflag:$0x5], $0x1, $0x38;
	[tilespmem:$0xF030] =	vst v63  }
0x185: {  	s5 =	simm.s32 $0x0  }
0x186: {  	s4 =	simm.s32 $0xC1;
	s5 =	simm.s32 @!p0 $0x4  }
.LBB3_22:
0x187: {  	v0 =	vld.msk [tilespmem:s4+$0x0], $0x1;
	s2 =	sadd.s32 $0xFFFFFFFF, s2;
	s3 =	sadd.s32 s3, s5  }
0x188: {  	p0 =	sne.s32 s2, $0x0;
	_ =	sdelay $0x3  }
0x189: {  	(v2sf) =	vpush v0, $0x0;
	_ =	sdelay $0xe  }
.Ltmp25:
0x18a: {  	s6 =	spop (v2sf);
	(pc) =	sbr.rel @p0 .LBB3_22-.Ltmp25, $4  }
0x18b: {  	s5 =	simm.s32 $0x0;
	p1 =	sgt.u32 s6, $0xC3FF  }
0x18c: {  	s0 =	sadd.s32 $0x1, s0;
	s5 =	simm.s32 @!p1 $0x4;
	s7 =	sshrl.u32 @!p1 s6, $0x3  }
0x18d: {  	s4 =	sadd.s32 $0x1, s4;
	s6 =	sand.u32 @!p1 $0x7, s6;
	s7 =	sadd.s32 @!p1 s1, s7  }
0x18e: {  	[hbm4b:s7+s6] =	stream.linear.scatter @!p1 [tilespmem:s0], [sflag:$0x5], $0x1, $0x38;
	[tilespmem:$0xF030] =	vst v63  }
.LBB3_23:
0x18f: {  	s0 =	sadd.s32 s3, s5  }
0x190: {  	s3 =	sshrl.u32 s0, $0x2  }
.LBB3_24:
0x191: {  	s0 =	simm.s32 $0x5  }
0x192: {  	_ =	swait.ge [sflag:s0], s3  }
0x193: {  	s1 =	ssub.s32 $0x0, s3;
	[sflag:s0] =	ssyncset.done $0x0  }
0x194: {  	[sflag:s0] =	ssyncadd.s32 s1  }
0x195: {  	[sflag:s0] =	ssyncpa.u1 $0x1  }
0x196: {  	s29 =	simm.s32 $0x1;
	_ =	sfence  }
0x197: {  	s30 =	simm.s32 $0x2;
	[sflag:s29] =	ssyncpa.u1 $0x1  }
0x198: {  	[sflag:s30] =	ssyncpa.u1 $0x1  }
0x199: {  	_ =	strace $0x90000077  }
0x19a: {  	[bflag:$0x2] =	sbarrier.arrive $0xFFFF  }
0x19b: {  	s31 =	rddreg [dreg:$0x1]  }
0x19c: {  	s0 =	sadd.s32 $0x100000, s31  }
0x19d: {  	[sflag:s0] =	ssyncadd.tile.s32 $0x1;
	_ =	shalt  }
.Lfunc_end3:
_tile_overlayer_lowered:
.L_overlay_start_3:
0x19e: {  	(tag) =	ssettag $0x3  }
0x19f: {  	s0 =	rddreg [dreg:$0x0];
	s2 =	stileid.u32  }
0x1a0: {  	s1 =	rddreg [dreg:$0x1];
	p0 =	sne.s32 s2, $0x0  }
0x1a1: {  	s3 =	rddreg [dreg:$0x2];
	[bflag:$0x3] =	sbarrier.arrive $0xFFFF;
	s2 =	simm.s32 @!p0 $0x1C01  }
0x1a2: {  	[timem:s3], [sflag:s2] =	dma.local @!p0 [hbm:s0], s1  }
0x1a3: {  	s0 =	simm.s32 @!p0 $0x1  }
0x1a4: {  	_ =	swait.ge @!p0 [sflag:s0], s1  }
0x1a5: {  	s1 =	ssub.s32 @!p0 $0x0, s1;
	[sflag:s0] =	ssyncset.done @!p0 $0x0  }
0x1a6: {  	[sflag:s0] =	ssyncadd.s32 @!p0 s1  }
0x1a7: {  	[bflag:$0x3] =	sbarrier.arrive $0xFFFF  }
0x1a8: {  	_ =	shalt  }

// kernel: scatter_offload_async_start.2
scs
__scs_entry_jumppad:
0x0: {  	(pc) =	sbr.rel $0x88, $3  }
0x1: {  	(tag) =	ssettag $0x0;
	lr =	simm.s32 $0x1  }
0x2: {  	[smem:$0x3F97] =	sst lr;
	_ =	strace $0xD0000000  }
0x3: {  	_ = 	snop  }
0x4: {  	_ = 	snop  }
0x5: {  	_ = 	snop  }
0x6: {  	_ = 	snop  }
0x7: {  	_ = 	snop  }
__scs_overlays_trampoline_lowered:
0x8: {  	[smem:$0x3FA6] =	sst s0  }
0x9: {  	[smem:$0x3FA7] =	sst s1  }
0xa: {  	[smem:$0x3FA8] =	sst s2  }
0xb: {  	[smem:$0x3FA9] =	sst s3  }
0xc: {  	[smem:$0x3FAA] =	sst s4  }
0xd: {  	[smem:$0x3FAB] =	sst s5  }
0xe: {  	[smem:$0x3FAC] =	sst s6  }
0xf: {  	[smem:$0x3FAD] =	sst s7  }
0x10: {  	[smem:$0x3FAE] =	sst s8  }
0x11: {  	[smem:$0x3FAF] =	sst s9;
	s0 =	simm.s32 @!p0 $0x0  }
0x12: {  	s1 =	sld [smem:$0x3F95];
	s0 =	simm.s32 @p0 $0x1  }
0x13: {  	[smem:$0x3FB0] =	sst s0;
	s0 =	simm.s32 @!p1 $0x0  }
0x14: {  	s2 =	sld [smem:$0x3F94];
	s0 =	simm.s32 @p1 $0x1  }
0x15: {  	[smem:$0x3FB1] =	sst s0;
	s0 =	simm.s32 @!p2 $0x0  }
0x16: {  	s3 =	sld [smem:$0x3FDB];
	s0 =	simm.s32 @p2 $0x1  }
0x17: {  	s4 =	simm.s32 $0x1BF5;
	[smem:$0x3FB3] =	sst s0  }
0x18: {  	s0 =	sld [smem:$0x3F96];
	_ =	swait.ge [sflag:s4], $0x0  }
0x19: {  	s7 =	sld [smem:$0x3F97]  }
0x1a: {  	s8 =	sadd.s32 $0xFFFFE003, lr  }
0x1b: {  	s9 =	sadd.s32 $0xFFFFFEF7, lr;
	s5 =	simm.s32 $0xFFFFFFFF;
	p2 =	slt.u32 s8, $0xFFFFF086  }
0x1c: {  	p1 =	slt.u32 s9, $0xF7A;
	s5 =	simm.s32 @!p2 $0x0  }
0x1d: {  	s5 =	simm.s32 @p1 $0x1;
	p0 =	seq.s32 s7, s2  }
0x1e: {  	s7 =	smul.u32 @!p0 $0xF7A, s2;
	p2 =	seq.s32 @!p0 s5, $0x0  }
0x1f: {  	s9 =	smul.u32 $0xF7A, s1;
	s8 =	simm.s32 @!p0 $0x1BF5;
	p2 =	por !p2, p0  }
0x20: {  	[sflag:s8] =	ssyncset.s32 @!p0 $0xFFFFF086;
	s6 =	sadd.s32 @!p0 s3, s7;
	s7 =	simm.s32 @!p0 $0x108  }
0x21: {  	s3 =	sadd.s32 s3, s9;
	s6 =	sadd.s32 @!p0 $0x88, s6;
	s7 =	simm.s32 @p2 $0x1082  }
0x22: {  	[simem:s7], [sflag:s8] =	dma.local @!p0 [hbm:s6], $0xF7A  }
0x23: {  	s9 =	sor.u32 $0xD0000000, s2;
	s6 =	simm.s32 $0x108;
	_ =	swait.ge @!p0 [sflag:s8], $0x0  }
0x24: {  	s3 =	sadd.s32 $0x88, s3;
	s6 =	simm.s32 @!p1 $0x1082;
	[sflag:s4] =	ssyncset.s32 $0xFFFFF086  }
0x25: {  	[simem:s6], [sflag:s4] =	dma.local [hbm:s3], $0xF7A  }
0x26: {  	[smem:$0x3F97] =	sst s1;
	(tag) =	ssettag s2;
	_ =	strace s9  }
0x27: {  	s1 =	sld [smem:$0x3FA7]  }
0x28: {  	s2 =	sld [smem:$0x3FA8]  }
0x29: {  	s4 =	sld [smem:$0x3FAA]  }
0x2a: {  	p0 =	seq.s32 s5, $0x0;
	s5 =	sld [smem:$0x3FAB]  }
0x2b: {  	s6 =	sld [smem:$0x3FAC]  }
0x2c: {  	s7 =	sld [smem:$0x3FAD]  }
0x2d: {  	s3 =	simm.s32 $0x108;
	s8 =	sld [smem:$0x3FAE]  }
0x2e: {  	s3 =	simm.s32 @!p0 $0x1082;
	s9 =	sld [smem:$0x3FAF]  }
0x2f: {  	lr =	sadd.s32 s0, s3;
	s0 =	sld [smem:$0x3FA6]  }
0x30: {  	s3 =	sld [smem:$0x3FA9]  }
0x31: {  	[smem:$0x3FB2] =	sst s10  }
0x32: {  	s10 =	sld [smem:$0x3FB0];
	_ =	sdelay $0x3  }
0x33: {  	p0 =	seq.s32 s10, $0x1;
	s10 =	sld [smem:$0x3FB2];
	_ =	sdelay $0x3  }
0x34: {  	[smem:$0x3FB2] =	sst s10  }
0x35: {  	s10 =	sld [smem:$0x3FB1];
	_ =	sdelay $0x3  }
0x36: {  	p1 =	seq.s32 s10, $0x1;
	s10 =	sld [smem:$0x3FB2];
	_ =	sdelay $0x3  }
0x37: {  	[smem:$0x3FB2] =	sst s10  }
0x38: {  	s10 =	sld [smem:$0x3FB3]  }
0x39: {  	_ = 	snop;
	(pc) =	sbr.ind lr, $3  }
0x3a: {  	_ = 	snop  }
0x3b: {  	_ = 	snop  }
0x3c: {  	p2 =	seq.s32 s10, $0x1;
	s10 =	sld [smem:$0x3FB2]  }
0x3d: {  	_ =	shalt  }
0x3e: {  	_ =	shalt  }
0x3f: {  	_ =	shalt  }
0x40: {  	_ =	shalt  }
0x41: {  	_ =	shalt  }
0x42: {  	_ =	shalt  }
0x43: {  	_ =	shalt  }
0x44: {  	_ =	shalt  }
0x45: {  	_ =	shalt  }
0x46: {  	_ =	shalt  }
0x47: {  	_ =	shalt  }
0x48: {  	_ =	shalt  }
0x49: {  	_ =	shalt  }
0x4a: {  	_ =	shalt  }
0x4b: {  	_ =	shalt  }
0x4c: {  	_ =	shalt  }
0x4d: {  	_ =	shalt  }
0x4e: {  	_ =	shalt  }
0x4f: {  	_ =	shalt  }
0x50: {  	_ =	shalt  }
0x51: {  	_ =	shalt  }
0x52: {  	_ =	shalt  }
0x53: {  	_ =	shalt  }
0x54: {  	_ =	shalt  }
0x55: {  	_ =	shalt  }
0x56: {  	_ =	shalt  }
0x57: {  	_ =	shalt  }
0x58: {  	_ =	shalt  }
0x59: {  	_ =	shalt  }
0x5a: {  	_ =	shalt  }
0x5b: {  	_ =	shalt  }
0x5c: {  	_ =	shalt  }
0x5d: {  	_ =	shalt  }
0x5e: {  	_ =	shalt  }
0x5f: {  	_ =	shalt  }
0x60: {  	_ =	shalt  }
0x61: {  	_ =	shalt  }
0x62: {  	_ =	shalt  }
0x63: {  	_ =	shalt  }
0x64: {  	_ =	shalt  }
0x65: {  	_ =	shalt  }
0x66: {  	_ =	shalt  }
0x67: {  	_ =	shalt  }
0x68: {  	_ =	shalt  }
0x69: {  	_ =	shalt  }
0x6a: {  	_ =	shalt  }
0x6b: {  	_ =	shalt  }
0x6c: {  	_ =	shalt  }
0x6d: {  	_ =	shalt  }
0x6e: {  	_ =	shalt  }
0x6f: {  	_ =	shalt  }
0x70: {  	_ =	shalt  }
0x71: {  	_ =	shalt  }
0x72: {  	_ =	shalt  }
0x73: {  	_ =	shalt  }
0x74: {  	_ =	shalt  }
0x75: {  	_ =	shalt  }
0x76: {  	_ =	shalt  }
0x77: {  	_ =	shalt  }
0x78: {  	_ =	shalt  }
0x79: {  	_ =	shalt  }
0x7a: {  	_ =	shalt  }
0x7b: {  	_ =	shalt  }
0x7c: {  	_ =	shalt  }
0x7d: {  	_ =	shalt  }
0x7e: {  	_ =	shalt  }
0x7f: {  	_ =	shalt  }
0x80: {  	_ =	shalt  }
0x81: {  	_ =	shalt  }
0x82: {  	_ =	shalt  }
0x83: {  	_ =	shalt  }
0x84: {  	_ =	shalt  }
0x85: {  	_ =	shalt  }
0x86: {  	_ =	shalt  }
0x87: {  	_ =	shalt  }
.Lfunc_end0:
.L_simem_size_0:
called_computation.2_lowered:
.L_overlay_start_0:
0x88: {  	s0 =	sld [smem:$0x3FD9]  }
0x89: {  	s1 =	sld [smem:$0x3FFE];
	_ =	sdelay $0x3  }
0x8a: {  	s0 =	sadd.s32 s1, s0  }
0x8b: {  	[smem:$0x3FBE] =	sst s0  }
0x8c: {  	_ = 	snop  }
0x8d: {  	(tm) =	ssettm $0x1  }
0x8e: {  	s15 =	sld [smem:$0x3FFB];
	_ =	sdelay $0x3  }
0x8f: {  	_ =	strace s15  }
0x90: {  	s0 =	sld [smem:$0x3FFC];
	_ =	sdelay $0x3  }
0x91: {  	_ =	strace s0  }
0x92: {  	s0 =	sld [smem:$0x3FFD];
	_ =	sdelay $0x3  }
0x93: {  	_ =	strace s0  }
0x94: {  	_ =	strace $0x8FFFFFFF  }
0x95: {  	s16 =	sld [smem:$0x3FDB];
	_ =	sdelay $0x1  }
0x96: {  	s17 =	simm.s32 $_scs_section_size  }
0x97: {  	s2 =	simm.s32 $_size__tile_overlayer_lowered;
	s3 =	simm.s32 $_tile_overlayer_lowered  }
0x98: {  	s20 =	simm.s32 $0x1BFF;
	s19 =	sshll.u32 s3, $0x1;
	s0 =	sadd.s32 s17, s16  }
0x99: {  	s4 =	simm.s32 $0x0;
	s18 =	sshll.u32 s2, $0x1;
	s2 =	sadd.s32 s19, s0  }
0x9a: {  	[timem:s4], [sflag:s20] =	dma.local [hbm:s2], s18  }
0x9b: {  	_ =	swait.ge [sflag:s20], s18  }
0x9c: {  	s1 =	ssub.s32 $0x0, s18;
	[sflag:s20] =	ssyncset.done $0x0  }
0x9d: {  	[sflag:s20] =	ssyncadd.s32 s1;
	_ =	sdelay $0x1  }
0x9e: {  	s21 =	simm.s32 $0x1B8B  }
0x9f: {  	_ =	swait.ge [sflag:s21], $0x1  }
0xa0: {  	[sflag:s21] =	ssyncset.done $0x0  }
0xa1: {  	s23 =	simm.s32 $0x1B8E;
	s22 =	sld [smem:$0x3FFE];
	[sflag:s21] =	ssyncadd.s32 $0xFFFFFFFF  }
0xa2: {  	s24 =	simm.s32 $execute0_lowered;
	[smem:$0x3FD2] =	sst s23  }
0xa3: {  	s2 =	sshll.u32 s24, $0x1;
	_ =	strace $0x80000079;
	[dreg:$0x1] =	wrdreg $0xFFFFFFFF  }
0xa4: {  	s25 =	simm.s32 $_size_execute0_lowered;
	s0 =	sadd.s32 s0, s2;
	[dreg:$0x0] =	wrdreg $0x0  }
0xa5: {  	s2 =	sshll.u32 s25, $0x1;
	[dreg:$0x2] =	wrdreg s0  }
0xa6: {  	[dreg:$0x3] =	wrdreg s2  }
0xa7: {  	[dreg:$0x4] =	wrdreg $0xC0  }
0xa8: {  	_ =	task [dreg:s4], $0x5FFFF  }
0xa9: {  	[dreg:$0x1] =	wrdreg $0xFFFFFFFF  }
0xaa: {  	[dreg:$0x0] =	wrdreg $0x60  }
0xab: {  	[dreg:$0x2] =	wrdreg s22  }
0xac: {  	[dreg:$0x3] =	wrdreg $0x9  }
0xad: {  	_ =	task.clear_ibuf [dreg:s4], $0x4FFFF;
	_ =	strace $0x90000079  }
0xae: {  	s26 =	simm.s32 $0x9;
	_ =	strace $0x8000007B  }
0xaf: {  	_ =	swait.ge [sflag:s26], $0x1  }
0xb0: {  	[sflag:s26] =	ssyncadd.s32 $0xFFFFFFFF  }
0xb1: {  	_ =	strace $0x9000007B  }
0xb2: {  	_ =	sfence  }
0xb3: {  	s28 =	sld [smem:$0x0];
	_ =	sdelay $0x1  }
0xb4: {  	s29 =	srdreg.scid  }
0xb5: {  	s30 =	sshll.u32 s29, $0xD;
	s31 =	sshrl.u32 s29, $0x2  }
0xb6: {  	s1 =	sand.u32 $0x1, s29;
	s2 =	sand.u32 $0x4000, s30;
	s0 =	sadd.s32 s31, s28  }
0xb7: {  	s1 =	sor.u32 s2, s1;
	s0 =	sshll.u32 s0, $0x11  }
0xb8: {  	s0 =	sor.u32 s0, s1  }
0xb9: {  	s0 =	sadd.s32 $0x8F2B, s0  }
0xba: {  	[sflag:s0] =	ssyncadd.remote.s32 $0x1  }
0xbb: {  	_ =	sfence.sel $0xFFFF  }
0xbc: {  	[dreg:$0x0] =	wrdreg $0xFFFFFFFF;
	(pc) =	sbr.abs _section_cstart, $3  }
0xbd: {  	[dreg:$0x1] =	wrdreg $0xFFFFFFFF  }
0xbe: {  	_ =	task.clear_ibuf [dreg:s4], $0x2FFFF;
	_ =	strace $0x9FFFFFFF  }
0xbf: {  	(tm) =	ssettm $0x7FFFFFFF  }
tec
execute0_lowered:
.L_overlay_start_1:
0x0: {  	(tag) =	ssettag $0x1  }
0x1: {  	s0 =	rddreg [dreg:$0x0]  }
0x2: {  	s6 =	stileid.u32;
	_ =	strace $0x8000007A;
	s2 =	simm.s32 $0x1  }
0x3: {  	v1 =	vimm.s32 $0xFFFFFFFF;
	s1 =	smul.u32 $0x7, s6;
	[sflag:s2] =	ssyncpa.u1 $0x0  }
0x4: {  	s3 =	smin.u32 s6, $0xD;
	[tilespmem:$0x10] =	vst v1  }
0x5: {  	v0 =	vimm.f32 $0.0e+00;
	[tilespmem:$0x20] =	vst v1;
	s1 =	sadd.s32 s3, s1  }
0x6: {  	p0 =	slt.u32 s6, $0xD;
	[tilespmem:$0x30] =	vst v0;
	s3 =	smul.u32 $0x1A90, s1;
	s1 =	simm.s32 $0xD480  }
0x7: {  	[tilespmem:$0x40] =	vst v0;
	s1 =	simm.s32 @!p0 $0xB9F0  }
0x8: {  	[tilespmem:$0x50] =	vst v0;
	s1 =	sadd.s32 s1, s3  }
0x9: {  	[tilespmem:$0x60] =	vst v1;
	s4 =	smin.u32 s1, $0xCF850  }
0xa: {  	s7 =	simm.s32 $0x2;
	[tilespmem:$0x70] =	vst v1;
	s9 =	ssub.s32 s4, s3  }
0xb: {  	s8 =	simm.s32 $0x8;
	s31 =	simm.s32 $0x9;
	[tilespmem:$0x80] =	vst v1;
	p0 =	sgt.s32 s9, $0x0  }
0xc: {  	s16 =	simm.s32 $0x0;
	s17 =	simm.s32 $0xF0;
	v1 =	vimm.s32 $0x0;
	[tilespmem:$0xB0] =	vst v0;
	s9 =	simm.s32 @!p0 $0x0  }
0xd: {  	s18 =	simm.s32 $0xFFFFFFFF;
	s19 =	simm.s32 $0xFFFFCBE0;
	[tilespmem:$0x90] =	vst v1;
	s5 =	smulhi.u32 $0x134679AD, s9  }
0xe: {  	s20 =	simm.s32 $0xFFFFFFFE;
	[tilespmem:$0xA0] =	vst v1;
	[sflag:s7] =	ssyncpa.u1 $0x0;
	s7 =	simm.s32 $0x7  }
0xf: {  	s21 =	simm.s32 $0xF;
	[sflag:s7] =	ssyncpa.u1 $0x0;
	s10 =	sshrl.u32 s5, $0x9  }
0x10: {  	s25 =	simm.s32 $0x0;
	[sflag:s8] =	ssyncpa.u1 $0x0;
	s11 =	smul.u32 $0x1A90, s10  }
0x11: {  	s24 =	simm.s32 $0x0;
	s14 =	sshllo.u32 s6, $0x1;
	[sflag:s31] =	ssyncpa.u1 $0x0  }
.Ltmp0:
0x12: {  	s1 =	sadd.s32 $0x6DC00, s0;
	p0 =	sne.s32 s9, s11;
	(pc) =	sbr.rel .LBB2_1-.Ltmp0, $4  }
0x13: {  	s5 =	sadd.s32 $0x5800, s0;
	s0 =	sadd.s32 $0x1F800, s0;
	s2 =	simm.s32 @!p0 $0x0  }
0x14: {  	s23 =	smov.u32 s3;
	[dreg:$0x2] =	wrdreg s0;
	s9 =	sadd.s32 s2, s10  }
0x15: {  	vm0 =	vmmov $0xffff;
	v2 =	vlaneseq.u32;
	p0 =	por $0x0, $0x0;
	s10 =	sshll.u32 s6, $0x1;
	s11 =	sadd.s32 $0x1, s9  }
0x16: {  	vm1 =	vmxor vm1, vm1;
	vm2 =	vmmov $0x1;
	vm3 =	vcmask $0x3F3C;
	s12 =	sadd.s32 $0x2, s9;
	s13 =	sor.u32 $0x81, s10;
	s15 =	sor.u32 $0x80, s10  }
.LBB2_9:
0x17: {  	p1 =	slt.u32 s24, $0x3  }
0x18: {  	s0 =	simm.s32 @!p1 $0x2  }
0x19: {  	_ =	swait.ge @!p1 [sflag:s0], $0x1A90  }
0x1a: {  	[sflag:s0] =	ssyncset.done @!p1 $0x0  }
0x1b: {  	[sflag:s0] =	ssyncadd.s32 @!p1 $0xFFFFE570;
	s0 =	simm.s32 @!p1 $0x9  }
0x1c: {  	_ =	swait.ge @!p1 [sflag:s0], $0x10  }
0x1d: {  	[sflag:s0] =	ssyncset.done @!p1 $0x0  }
0x1e: {  	[sflag:s0] =	ssyncadd.s32 @!p1 $0xFFFFFFF0;
	p1 =	sne.s32 s24, s12  }
.Ltmp1:
0x1f: {  	s2 =	sadd.s32 $0x1A90, s23;
	(pc) =	sbr.rel @!p1 .LBB2_10-.Ltmp1, $4  }
0x20: {  	s6 =	smov.u32 s3;
	s31 =	sadd.s32 $0x1, s24;
	s17 =	sadd.s32 $0x1A90, s17  }
0x21: {  	s18 =	sadd.s32 $0x1, s18;
	s25 =	smov.u32 s23;
	p2 =	slt.s32 s2, s4  }
0x22: {  	p0 =	por !p0, !p0;
	s19 =	sadd.s32 $0x1A90, s19;
	s6 =	smov.u32 @p2 s2  }
0x23: {  	s20 =	sadd.s32 $0x1, s20;
	s23 =	smov.u32 s6;
	s24 =	smov.u32 s31  }
.LBB2_1:
0x24: {  	p1 =	sge.u32 s24, s9  }
0x25: {  	s0 =	smulhi.u32 @!p1 $0xAAAAAAAB, s24;
	_ =	sdelay $0x1  }
0x26: {  	s0 =	sshrl.u32 @!p1 s0, $0x1  }
0x27: {  	s0 =	smul.u32 @!p1 $0x3, s0;
	_ =	sdelay $0x1  }
0x28: {  	s0 =	ssub.s32 @!p1 s24, s0  }
0x29: {  	s0 =	smul.u32 @!p1 $0x6A40, s0;
	_ =	sdelay $0x1  }
0x2a: {  	s2 =	sshrl.u32 @!p1 s23, $0x3;
	s0 =	sshrl.u32 @!p1 s0, $0x2  }
0x2b: {  	s22 =	sand.u32 @!p1 $0x7, s23;
	s2 =	sadd.s32 @!p1 s5, s2;
	s0 =	sadd.s32 @!p1 $0x100, s0  }
0x2c: {  	[tilespmem:s0], [sflag:$0x7] =	stream.linear.gather @!p1 [hbm4b:s2+s22], $0x1A90, $0x38;
	[tilespmem:$0xF030] =	vst v63  }
0x2d: {  	s0 =	sadd.s32 $0xFFFFFFFF, s24  }
0x2e: {  	p1 =	sge.u32 s0, s9  }
.Ltmp2:
0x2f: {  	_ = 	snop;
	(pc) =	sbr.rel @p1 .LBB2_5-.Ltmp2, $1  }
0x30: {  	_ =	sdelay $0x3  }
0x31: {  	s2 =	smulhi.u32 $0xAAAAAAAB, s0;
	_ =	sdelay $0x1  }
0x32: {  	s2 =	sshrl.u32 s2, $0x1  }
0x33: {  	s2 =	smul.u32 $0x3, s2;
	_ =	sdelay $0x1  }
0x34: {  	s2 =	ssub.s32 s0, s2  }
0x35: {  	s2 =	smul.u32 $0x6A40, s2  }
0x36: {  	_ =	swait.ge [sflag:s7], $0x1A90  }
0x37: {  	[sflag:s7] =	ssyncset.done $0x0;
	s2 =	sshrl.u32 s2, $0x2  }
0x38: {  	[sflag:s7] =	ssyncadd.s32 $0xFFFFE570;
	(ifvalue) =	ssetifvalue $0xFFFFFFFF;
	v3 =	vld.msk [tilespmem:s2+$0x100 ss:$0x1], $0xffff;
	_ =	sdelay $0x2  }
0x39: {  	s30 =	smulhi.u32 $0xAAAAAAAB, s18;
	p1 =	sne.s32 s24, $0x1  }
0x3a: {  	v4 =	vimm.s32 @!p1 $0x0  }
0x3b: {  	s2 =	sshrl.u32 s30, $0x1;
	v4 =	vperm.xlane @!p1 v3, v4  }
0x3c: {  	s22 =	sshll.u32 s24, $0x4;
	s2 =	smul.u32 $0xFFFEC140, s2;
	vm4 =	vlt.u32 v3, $0xC400  }
0x3d: {  	s22 =	sand.u32 $0x10, s22;
	v3 =	vnsel vm4, $0xFFFFFFFE, v3;
	vm4 =	vlt.u32 @!p1 v4, $0xC400  }
0x3e: {  	s2 =	sshra.s32 s2, $0x2;
	[tilespmem:s22+$0x60] =	vst v3;
	v3 =	vnsel @!p1 vm4, $0xFFFFFFFE, v4  }
0x3f: {  	s28 =	sadd.s32 s2, s17;
	[tilespmem:$0x80] =	vst @!p1 v3  }
0x40: {  	v3 =	vld.msk [tilespmem:s28+$0x0 ss:$0x1], $0xffff;
	_ =	sdelay $0x4  }
0x41: {  	(xrf1) =	vunique.msk.u32 $0xffff, v3;
	_ =	sdelay $0xd  }
0x42: {  	v4 =	vimm.s32 $0xFFFFFFFF;
	v5, _, _ =	vpop (xrf1)  }
0x43: {  	vm5 =	vne.s32 v3, v4;
	vm4 =	veq.s32 v5, v2  }
0x44: {  	vm6 =	vlt.u32 v3, $0xC400;
	vm4 =	vmand vm5, vm4  }
0x45: {  	vm4 =	vmand vm6, vm4  }
0x46: {  	v4 =	vnsel vm4, $0xFFFFFFFF, v3  }
0x47: {  	s31 =	sand.u32 $0x1, s0  }
0x48: {  	s0 =	simm.s32 $0x1A90;
	p1 =	seq.s32 s31, $0x1  }
0x49: {  	s0 =	simm.s32 @!p1 $0x0  }
0x4a: {  	s26 =	sadd.s32 $0x6B30, s0;
	(ifvalue) =	ssetifvalue $0xFFFFFFFF  }
0x4b: {  	v3 =	vperm.xlane v3, v1;
	[tilespmem:s26], [sflag:$0x8] =	stream.indirect_vreg.gather [hbm4b:s1+s16], $0x1, v4, vm0, $0x4038;
	v4 =	vnsel vm6, $0xFFFFFFFE, v4;
	[tilespmem:$0xF030] =	vst v63  }
0x4c: {  	s2 =	simm.s32 $0x0;
	s22 =	sadd.s32 $0xFFFFFFF0, s28;
	[tilespmem:s28+$0x0] =	vst v4  }
.LBB2_3:
0x4d: {  	v4 =	vld.msk [tilespmem:s22+$0x0 ss:$0x1], $0xffff;
	s2 =	sadd.s32 $0x10, s2;
	v5 =	vmov v3;
	s28 =	smov.u32 s22  }
0x4e: {  	p1 =	slt.u32 s2, $0x1A80;
	_ =	sdelay $0x4  }
0x4f: {  	v3 =	vperm.xlane v4, v1;
	(xrf1) =	vunique.msk.u32 $0xffff, v4;
	_ =	sdelay $0xd  }
0x50: {  	v6, _, _ =	vpop (xrf1)  }
0x51: {  	vm5 =	vne.s32 v4, v5;
	vm4 =	veq.s32 v6, v2  }
0x52: {  	vm6 =	vlt.u32 v4, $0xC400;
	vm4 =	vmand vm5, vm4  }
0x53: {  	vm4 =	vmand vm6, vm4  }
0x54: {  	v4 =	vnsel vm4, $0xFFFFFFFF, v4  }
.Ltmp3:
0x55: {  	v5 =	vnsel vm6, $0xFFFFFFFE, v4;
	(pc) =	sbr.rel @p1 .LBB2_3-.Ltmp3, $3  }
0x56: {  	_ =	sdelay $0x1  }
0x57: {  	s22 =	sadd.s32 $0xFFFFFFF0, s22;
	s26 =	sadd.s32 $0xFFFFFFF0, s26;
	(ifvalue) =	ssetifvalue $0xFFFFFFFF  }
0x58: {  	[tilespmem:s26], [sflag:$0x8] =	stream.indirect_vreg.gather [hbm4b:s1+s16], $0x1, v4, vm0, $0x4038;
	[tilespmem:s28+$0x0] =	vst v5  }
0x59: {  	s2 =	sshrl.u32 s25, $0x3;
	s6 =	rddreg [dreg:$0x2]  }
0x5a: {  	s0 =	sadd.s32 $0x85D0, s0;
	s2 =	sadd.s32 s6, s2  }
0x5b: {  	[tilespmem:s0], [sflag:$0x8] =	stream.linear.gather [hbm:s2], $0x1A90, $0x38;
	[tilespmem:$0xF030] =	vst v63  }
.LBB2_5:
0x5c: {  	p1 =	slt.u32 s24, $0x2  }
0x5d: {  	p2 =	sge.u32 @!p1 s24, s12  }
0x5e: {  	p1 =	por p1, p2  }
.Ltmp4:
0x5f: {  	_ = 	snop;
	(pc) =	sbr.rel @p1 .LBB2_9-.Ltmp4, $1  }
0x60: {  	_ =	sdelay $0x3  }
0x61: {  	s0 =	sadd.s32 $0xFFFFFFFE, s24  }
0x62: {  	s2 =	smulhi.u32 $0xAAAAAAAB, s0;
	_ =	sdelay $0x1  }
0x63: {  	s2 =	sshrl.u32 s2, $0x1  }
0x64: {  	s2 =	smul.u32 $0x3, s2;
	_ =	sdelay $0x1  }
0x65: {  	s0 =	ssub.s32 s0, s2  }
0x66: {  	_ =	swait.ge [sflag:s8], $0x3520;
	s0 =	smul.u32 $0x1A90, s0  }
0x67: {  	p1 =	sne.s32 s24, s11;
	[sflag:s8] =	ssyncset.done $0x0  }
0x68: {  	[sflag:s8] =	ssyncadd.s32 $0xFFFFCAE0;
	s2 =	sadd.s32 @!p1 $0x1B8F, s0  }
0x69: {  	[spmem:s13] =	stream.linear.scatter @!p1 [tilespmem:s2], [sflag:$0x1], $0x1, $0x38;
	[tilespmem:$0xF030] =	vst v63  }
0x6a: {  	s2 =	simm.s32 @!p1 $0x1  }
0x6b: {  	_ =	swait.ge @!p1 [sflag:s2], $0x1  }
0x6c: {  	s22 =	sshll.u32 s24, $0x4;
	[sflag:s2] =	ssyncset.done @!p1 $0x0  }
0x6d: {  	s25 =	sand.u32 $0x10, s22;
	[sflag:s2] =	ssyncadd.s32 @!p1 $0xFFFFFFFF  }
0x6e: {  	s2 =	sxor.u32 $0x10, s25;
	v4 =	vld [tilespmem:s25+$0x10]  }
0x6f: {  	v5 =	vld [tilespmem:s2+$0x60]  }
0x70: {  	v3 =	vld [tilespmem:$0x80];
	_ =	sdelay $0x2  }
0x71: {  	(v2sf) =	vpush v4, $0x0  }
0x72: {  	(v2sf) =	vpush v5, $0x0  }
0x73: {  	(v2sf) =	vpush v3, $0x0;
	_ =	sdelay $0xc  }
0x74: {  	s6 =	spop (v2sf)  }
0x75: {  	s28 =	spop (v2sf)  }
0x76: {  	s26 =	spop (v2sf)  }
0x77: {  	p2 =	seq.s32 s6, s28;
	p3 =	seq.s32 s26, s6  }
0x78: {  	p3 =	por p2, p3  }
0x79: {  	s6 =	sand.u32 $0x1, s24;
	v4 =	vpsel p3, $0xFFFFFFFF, v4  }
0x7a: {  	s28 =	smul.u32 $0x1A90, s6;
	[tilespmem:s25+$0x10] =	vst.msk $0x1, v4  }
0x7b: {  	v4 =	vld [tilespmem:$0x30]  }
0x7c: {  	v5 =	vld [tilespmem:s28+$0x85D0]  }
0x7d: {  	v6 =	vld [tilespmem:s25+$0x40];
	_ =	sdelay $0x3  }
0x7e: {  	vm4 =	vmmov vm1;
	v5 =	vadd.f32 v5, v4  }
0x7f: {  	vm5 =	vmmov vm2;
	vm4 =	vmmov @p2 vm2;
	v4 =	vadd.f32 v6, v4  }
0x80: {  	s22 =	sshll.u32 s6, $0x4;
	vm5 =	vmmov @p3 vm1;
	[tilespmem:s28+$0x85D0] =	vst.msk vm4, v5  }
0x81: {  	[tilespmem:s22+$0xF010] =	vst.msk vm5, v4  }
0x82: {  	v4 =	vld [tilespmem:s28+$0x6B30];
	_ =	sdelay $0x3  }
0x83: {  	v5 =	vimm.f32 $0.0e+00  }
0x84: {  	v4 =	vshift.insert v4, v5, s21  }
0x85: {  	s29 =	sor.u32 $0x40, s2  }
0x86: {  	[tilespmem:s29+$0x0] =	vst.msk $0x1, v4  }
0x87: {  	[tilespmem:s28+$0x6B3F] =	vst.msk $0x1, v5  }
0x88: {  	v4 =	vld [tilespmem:s0+$0x1B80];
	_ =	sdelay $0x1  }
0x89: {  	s29 =	smulhi.u32 $0xAAAAAAAB, s20;
	s0 =	simm.s32 $0x1  }
0x8a: {  	s0 =	simm.s32 @!p0 $0x0  }
0x8b: {  	s29 =	sshrl.u32 s29, $0x1;
	s0 =	smul.u32 $0x6A40, s0  }
0x8c: {  	s29 =	smul.u32 $0xFFFEC140, s29;
	v4 =	vshift.insert v4, v1, s21  }
0x8d: {  	s0 =	sshrl.u32 s0, $0x2  }
0x8e: {  	s29 =	sshra.s32 s29, $0x2;
	s30 =	sadd.s32 $0x85D0, s0;
	[tilespmem:s2+$0x10] =	vst.msk $0x1, v4  }
0x8f: {  	s6 =	sadd.s32 s29, s19;
	v6 =	vld [tilespmem:s30+$0x0]  }
0x90: {  	v7 =	vld [tilespmem:s6+$0x0];
	_ =	sdelay $0x3  }
0x91: {  	v5 =	vadd.f32 v6, v5  }
0x92: {  	vm4 =	vne.s32 v7, $0xFFFFFFFF  }
0x93: {  	(xrf2) =	vadd.seg.scan.f32 vm4, v5;
	_ =	sdelay $0x3  }
0x94: {  	s31 =	sadd.s32 $0x50B0, s0;
	v5 =	vperm.xlane v4, v1  }
0x95: {  	v6 =	vld [tilespmem:s31+$0x0]  }
0x96: {  	vm5 =	veq.s32 v7, v3;
	vm6 =	veq.s32 v7, v5  }
0x97: {  	vm7 =	vgt.u32 v7, $0xFFFFFFFD;
	vm6 =	vmor vm6, vm5  }
0x98: {  	vm6 =	vmor vm6, vm7  }
0x99: {  	v9 =	vld [tilespmem:$0xA0];
	v7 =	vsel vm6, $0xFFFFFFFF, v7  }
0x9a: {  	v10 =	vld [tilespmem:$0x90];
	v6 =	vsel vm5, $0x0, v6;
	v8, _, _ =	vpop (xrf2)  }
0x9b: {  	v6 =	vadd.f32 v8, v6  }
0x9c: {  	s0 =	sadd.s32 $0xBAF0, s0  }
0x9d: {  	vm4 =	vmand vm4, vm3;
	[tilespmem:s0+$0x0] =	vst v6;
	(ifvalue) =	ssetifvalue $0xFFFFFFFF  }
0x9e: {  	vm6 =	veq.s32 v9, $0x1;
	[hbm4b:s1+s16] =	stream.indirect_vreg.scatter [tilespmem:s0], [sflag:$0x2], $0x1, v7, vm0, $0x4038;
	v7 =	vsel vm4, $0x0, v8;
	[tilespmem:$0xF030] =	vst v63  }
0x9f: {  	s29 =	sadd.s32 $0xF010, s22;
	s22 =	sadd.s32 $0x10, s6;
	s2 =	simm.s32 $0x0;
	vm4 =	vmor vm6, vm5;
	v6 =	vsel vm5, v8, v10;
	v7 =	vshift.insert v7, v0, s21  }
.LBB2_7:
0xa0: {  	v8 =	vld [tilespmem:s22+$0x0];
	s30 =	sadd.s32 $0x10, s30  }
0xa1: {  	s31 =	sadd.s32 $0x10, s31;
	v9 =	vld [tilespmem:s30+$0x0]  }
0xa2: {  	s2 =	sadd.s32 $0x10, s2;
	v10 =	vld [tilespmem:s31+$0x0]  }
0xa3: {  	p2 =	slt.u32 s2, $0x1A80;
	_ =	sdelay $0x2  }
0xa4: {  	v7 =	vadd.f32 v9, v7  }
0xa5: {  	vm5 =	vne.s32 v8, $0xFFFFFFFF  }
0xa6: {  	vm6 =	vmand vm5, vm3;
	(xrf2) =	vadd.seg.scan.f32 vm5, v7;
	_ =	sdelay $0x5  }
0xa7: {  	vm7 =	veq.s32 v8, v5;
	vm5 =	veq.s32 v8, v3  }
0xa8: {  	vm8 =	vgt.u32 v8, $0xFFFFFFFD;
	vm4 =	vmor vm4, vm5;
	vm7 =	vmor vm7, vm5  }
0xa9: {  	vm7 =	vmor vm7, vm8  }
0xaa: {  	v8 =	vsel vm7, $0xFFFFFFFF, v8  }
.Ltmp5:
0xab: {  	v7 =	vsel vm5, $0x0, v10;
	v9, _, _ =	vpop (xrf2);
	(pc) =	sbr.rel @p2 .LBB2_7-.Ltmp5, $4  }
0xac: {  	v6 =	vsel vm5, v9, v6;
	v10 =	vadd.f32 v9, v7;
	v7 =	vsel vm6, $0x0, v9  }
0xad: {  	s0 =	sadd.s32 $0x10, s0;
	v7 =	vshift.insert v7, v0, s21  }
0xae: {  	s22 =	sadd.s32 $0x10, s22;
	[tilespmem:s0+$0x0] =	vst v10;
	(ifvalue) =	ssetifvalue $0xFFFFFFFF  }
0xaf: {  	[hbm4b:s1+s16] =	stream.indirect_vreg.scatter [tilespmem:s0], [sflag:$0x2], $0x1, v8, vm0, $0x4038;
	[tilespmem:$0xF030] =	vst v63  }
0xb0: {  	v3 =	vld [tilespmem:s28+$0xD570];
	_ =	sdelay $0x4  }
0xb1: {  	v3 =	vshift.insert v3, v0, s21  }
0xb2: {  	s0 =	simm.s32 $0x30  }
0xb3: {  	[tilespmem:s0+$0x0] =	vst.msk $0x1, v3  }
0xb4: {  	v3 =	vsel vm4, $0x1, v1;
	[tilespmem:$0x90] =	vst v6  }
0xb5: {  	s0 =	sadd.s32 @!p1 $0xD57F, s28;
	[tilespmem:$0xA0] =	vst v3  }
0xb6: {  	[spmem:s14] =	stream.linear.scatter @!p1 [tilespmem:s0], [sflag:$0x1], $0x1, $0x38;
	[tilespmem:$0xF030] =	vst v63  }
0xb7: {  	s0 =	simm.s32 @!p1 $0x1  }
0xb8: {  	v3 =	vmctz.xlane @!p1 vm4;
	_ =	swait.ge @!p1 [sflag:s0], $0x1  }
0xb9: {  	(v2sf) =	vpush @!p1 v4, $0x0  }
0xba: {  	(v2sf) =	vpush @!p1 v3, $0x0;
	_ =	sdelay $0xd  }
0xbb: {  	s2 =	spop @!p1 (v2sf)  }
0xbc: {  	s6 =	spop @!p1 (v2sf)  }
0xbd: {  	p2 =	sne.s32 @!p1 s26, s2;
	p3 =	slt.s32 @!p1 s6, $0xF  }
0xbe: {  	[sflag:s0] =	ssyncset.done @!p1 $0x0;
	p2 =	por p2, p1;
	p3 =	por !p3, p1  }
0xbf: {  	[sflag:s0] =	ssyncadd.s32 @!p1 $0xFFFFFFFF;
	v3 =	vimm.s32 @!p2 $0xFFFFFFFF;
	s6 =	simm.s32 @p3 $0xF  }
0xc0: {  	[tilespmem:$0x80] =	vst @!p2 v3;
	s2 =	sadd.s32 @!p1 $0x90, s6  }
0xc1: {  	[spmem:s10] =	stream.linear.scatter @!p1 [tilespmem:s2], [sflag:$0x1], $0x1, $0x38;
	[tilespmem:$0xF030] =	vst v63  }
0xc2: {  	_ =	swait.ge @!p1 [sflag:s0], $0x1  }
0xc3: {  	[sflag:s0] =	ssyncset.done @!p1 $0x0  }
0xc4: {  	s2 =	simm.s32 @!p1 $0x80;
	[sflag:s0] =	ssyncadd.s32 @!p1 $0xFFFFFFFF  }
0xc5: {  	[spmem:s15] =	stream.linear.scatter @!p1 [tilespmem:s2], [sflag:$0x1], $0x1, $0x38;
	[tilespmem:$0xF030] =	vst v63  }
0xc6: {  	_ =	swait.ge @!p1 [sflag:s0], $0x1  }
0xc7: {  	[sflag:s0] =	ssyncset.done @!p1 $0x0  }
0xc8: {  	[sflag:s0] =	ssyncadd.s32 @!p1 $0xFFFFFFFF;
	(ifvalue) =	ssetifvalue $0xFFFFFFFF;
	v3 =	vld [tilespmem:s25+$0x10];
	_ =	sdelay $0x3  }
.Ltmp6:
0xc9: {  	_ = 	snop;
	(pc) =	sbr.rel .LBB2_9-.Ltmp6, $3  }
0xca: {  	_ =	sdelay $0x1  }
0xcb: {  	(ifvalue) =	ssetifvalue $0xFFFFFFFF  }
0xcc: {  	[hbm4b:s1+s16] =	stream.indirect_vreg.scatter [tilespmem:s29], [sflag:$0x9], $0x1, v3, vm0, $0x4038;
	[tilespmem:$0xF030] =	vst v63  }
.LBB2_10:
0xcd: {  	_ =	sfence.sel $0x180000  }
0xce: {  	s0 =	simm.s32 $0x7;
	[bflag:$0x0] =	sbarrier.arrive $0xFFFF  }
0xcf: {  	s26 =	simm.s32 $0x8;
	[sflag:s0] =	ssyncpa.u1 $0x1  }
0xd0: {  	s28 =	simm.s32 $0x9;
	[sflag:s26] =	ssyncpa.u1 $0x1  }
0xd1: {  	[sflag:s28] =	ssyncpa.u1 $0x1  }
0xd2: {  	_ =	sfence.stream.spmem  }
0xd3: {  	s29 =	simm.s32 $0x3;
	[bflag:$0x0] =	sbarrier.arrive $0xFFFF  }
0xd4: {  	s30 =	simm.s32 $0x4;
	[sflag:s29] =	ssyncpa.u1 $0x1  }
0xd5: {  	s31 =	simm.s32 $0x3C;
	s2 =	stileid.u32;
	[sflag:s30] =	ssyncpa.u1 $0x1  }
0xd6: {  	p0 =	sne.s32 s2, $0x0;
	[sflag:s31] =	ssyncpa.u1 $0x1  }
0xd7: {  	s0 =	simm.s32 @p0 $0x1;
	_ =	sfence @p0  }
0xd8: {  	[sflag:s0] =	ssyncpa.u1 @p0 $0x1;
	s0 =	simm.s32 @p0 $0x2  }
0xd9: {  	[sflag:s0] =	ssyncpa.u1 @p0 $0x1  }
0xda: {  	_ =	strace @p0 $0x9000007A  }
0xdb: {  	[bflag:$0x2] =	sbarrier.arrive @p0 $0xFFFF  }
0xdc: {  	_ =	shalt @p0  }
.LBB2_11:
0xdd: {  	_ =	sfence.stream.spmem;
	s0 =	simm.s32 $0x5  }
0xde: {  	s2 =	simm.s32 $0x80;
	s3 =	simm.s32 $0xC0;
	[sflag:s0] =	ssyncpa.u1 $0x0  }
0xdf: {  	[tilespmem:s3], [sflag:$0x5] =	stream.linear.gather [spmem:s2], $0x20, $0x38;
	[tilespmem:$0xF030] =	vst v63  }
0xe0: {  	s2 =	simm.s32 $0x0;
	s3 =	simm.s32 $0xE0  }
0xe1: {  	[tilespmem:s3], [sflag:$0x5] =	stream.linear.gather [spmem:s2], $0x20, $0x38;
	[tilespmem:$0xF030] =	vst v63  }
.Ltmp7:
0xe2: {  	_ = 	snop;
	(pc) =	sbr.rel .LBB2_12-.Ltmp7, $4  }
0xe3: {  	_ =	swait.ge [sflag:s0], $0x40  }
0xe4: {  	[sflag:s0] =	ssyncset.done $0x0  }
0xe5: {  	s31 =	simm.s32 $0x6;
	[sflag:s0] =	ssyncadd.s32 $0xFFFFFFC0  }
0xe6: {  	s4 =	simm.s32 $0x0;
	[sflag:s31] =	ssyncpa.u1 $0x0  }
.LBB2_17:
0xe7: {  	p0 =	sgt.u32 s5, $0xC3FF  }
0xe8: {  	s0 =	sshrl.u32 @!p0 s5, $0x3  }
0xe9: {  	s5 =	sand.u32 @!p0 $0x7, s5;
	s6 =	simm.s32 @!p0 $0xB0;
	s0 =	sadd.s32 @!p0 s1, s0  }
0xea: {  	[tilespmem:s6], [sflag:$0x6] =	stream.linear.gather @!p0 [hbm4b:s0+s5], $0x1, $0x38;
	[tilespmem:$0xF030] =	vst v63  }
0xeb: {  	s0 =	simm.s32 @!p0 $0x6  }
0xec: {  	_ =	swait.ge @!p0 [sflag:s0], $0x1  }
0xed: {  	[sflag:s0] =	ssyncset.done @!p0 $0x0  }
0xee: {  	[sflag:s0] =	ssyncadd.s32 @!p0 $0xFFFFFFFF  }
0xef: {  	v2 =	vmov @!p0 s4;
	v1 =	vld.msk @!p0 [tilespmem:$0xB0], $0x1;
	_ =	sdelay $0x3  }
0xf0: {  	s0 =	simm.s32 @!p0 $0xE0  }
0xf1: {  	[tilespmem:v2+s0+$0x0], v1 =	vst.idx.ret.add.f32.msk @!p0 $0x1, v1  }
0xf2: {  	[tilespmem:s2+$0xC0] =	vst.msk $0x1, v0  }
0xf3: {  	v0 =	vld.msk [tilespmem:s4+$0xE0], $0x1;
	_ =	sdelay $0x4  }
0xf4: {  	[tilespmem:s2+$0xE0] =	vst.msk $0x1, v0;
	s2 =	sadd.s32 $0x1, s2  }
.LBB2_19:
0xf5: {  	s4 =	sadd.s32 $0x1, s4  }
0xf6: {  	p0 =	sne.s32 s4, $0x20  }
.Ltmp8:
0xf7: {  	_ = 	snop;
	(pc) =	sbr.rel @!p0 .LBB2_20-.Ltmp8, $1  }
0xf8: {  	_ =	sdelay $0x3  }
.LBB2_12:
0xf9: {  	v0 =	vld.msk [tilespmem:s4+$0xC0], $0x1;
	_ =	sdelay $0x4  }
0xfa: {  	(v2sf) =	vpush v0, $0x0;
	_ =	sdelay $0xe  }
0xfb: {  	s5 =	spop (v2sf)  }
0xfc: {  	p0 =	seq.s32 s5, $0xFFFFFFFF  }
.Ltmp9:
0xfd: {  	_ = 	snop;
	(pc) =	sbr.rel @p0 .LBB2_19-.Ltmp9, $1  }
0xfe: {  	_ =	sdelay $0x3  }
0xff: {  	p0 =	slt.s32 s2, $0x1  }
.Ltmp10:
0x100: {  	_ = 	snop;
	(pc) =	sbr.rel @p0 .LBB2_17-.Ltmp10, $1  }
0x101: {  	_ =	sdelay $0x3  }
0x102: {  	s0 =	simm.s32 $0xC0;
	p0 =	por $0x0, $0x0  }
0x103: {  	v1 =	vld.msk @!p0 [tilespmem:s0+$0x0], $0x1;
	_ =	sdelay $0x4  }
0x104: {  	(v2sf) =	vpush @!p0 v1, $0x0;
	_ =	sdelay $0xd  }
0x105: {  	p2 =	sne.s32 s2, $0x1  }
.Ltmp11:
0x106: {  	s6 =	spop @!p0 (v2sf);
	(pc) =	sbr.rel @!p2 .LBB2_16-.Ltmp11, $4  }
0x107: {  	p1 =	seq.s32 @!p0 s5, s6  }
0x108: {  	s6 =	simm.s32 $0x0;
	p1 =	por !p1, p0  }
0x109: {  	s8 =	simm.s32 $0xFFFFFFFF;
	s6 =	simm.s32 @p1 $0xFFFFFFFF  }
0x10a: {  	s7 =	simm.s32 $0x1;
	s6 =	smov.u32 @p0 s8  }
.LBB2_15:
0x10b: {  	s8 =	smov.u32 s6;
	p0 =	sne.s32 s6, $0xFFFFFFFF  }
0x10c: {  	s0 =	sadd.s32 $0x1, s0;
	s6 =	smov.u32 s7;
	s7 =	sadd.s32 $0x1, s7  }
0x10d: {  	p1 =	sne.s32 s2, s7;
	v1 =	vld.msk @!p0 [tilespmem:s0+$0x0], $0x1;
	_ =	sdelay $0x4  }
0x10e: {  	(v2sf) =	vpush @!p0 v1, $0x0;
	_ =	sdelay $0xe  }
.Ltmp12:
0x10f: {  	s9 =	spop @!p0 (v2sf);
	(pc) =	sbr.rel @p1 .LBB2_15-.Ltmp12, $4  }
0x110: {  	p2 =	seq.s32 @!p0 s5, s9  }
0x111: {  	p2 =	por !p2, p0  }
0x112: {  	s6 =	simm.s32 @p2 $0xFFFFFFFF  }
0x113: {  	s6 =	smov.u32 @p0 s8  }
.LBB2_16:
0x114: {  	p0 =	sne.s32 s6, $0xFFFFFFFF  }
.Ltmp13:
0x115: {  	_ = 	snop;
	(pc) =	sbr.rel @!p0 .LBB2_17-.Ltmp13, $1  }
0x116: {  	_ =	sdelay $0x3  }
0x117: {  	v0 =	vld.msk [tilespmem:s4+$0xE0], $0x1;
	v1 =	vmov s6  }
.Ltmp14:
0x118: {  	_ = 	snop;
	(pc) =	sbr.rel .LBB2_19-.Ltmp14, $2  }
0x119: {  	_ =	sdelay $0x2  }
0x11a: {  	[tilespmem:v1+s3+$0x0], v0 =	vst.idx.ret.add.f32.msk $0x1, v0  }
.LBB2_20:
0x11b: {  	p0 =	slt.s32 s2, $0x1  }
.Ltmp15:
0x11c: {  	_ = 	snop;
	(pc) =	sbr.rel @p0 .LBB2_24-.Ltmp15, $3  }
0x11d: {  	_ =	sdelay $0x1  }
0x11e: {  	s0 =	simm.s32 $0x6  }
0x11f: {  	s3 =	simm.s32 $0x0;
	[sflag:s0] =	ssyncpa.u1 $0x1  }
0x120: {  	s0 =	simm.s32 $0xC0  }
0x121: {  	v0 =	vld.msk [tilespmem:s0+$0x0], $0x1;
	_ =	sdelay $0x4  }
0x122: {  	(v2sf) =	vpush v0, $0x0;
	_ =	sdelay $0xe  }
0x123: {  	s2 =	sadd.s32 $0xFFFFFFFF, s2;
	s4 =	spop (v2sf)  }
0x124: {  	p1 =	sne.s32 s2, $0x0;
	p0 =	sgt.u32 s4, $0xC3FF  }
.Ltmp16:
0x125: {  	s5 =	sshrl.u32 @!p0 s4, $0x3;
	(pc) =	sbr.rel @!p1 .LBB2_23-.Ltmp16, $4  }
0x126: {  	s0 =	simm.s32 $0xE0;
	s4 =	sand.u32 @!p0 $0x7, s4;
	s5 =	sadd.s32 @!p0 s1, s5  }
0x127: {  	[hbm4b:s5+s4] =	stream.linear.scatter @!p0 [tilespmem:s0], [sflag:$0x5], $0x1, $0x38;
	[tilespmem:$0xF030] =	vst v63  }
0x128: {  	s5 =	simm.s32 $0x0  }
0x129: {  	s4 =	simm.s32 $0xC1;
	s5 =	simm.s32 @!p0 $0x4  }
.LBB2_22:
0x12a: {  	v0 =	vld.msk [tilespmem:s4+$0x0], $0x1;
	s2 =	sadd.s32 $0xFFFFFFFF, s2;
	s3 =	sadd.s32 s3, s5  }
0x12b: {  	p0 =	sne.s32 s2, $0x0;
	_ =	sdelay $0x3  }
0x12c: {  	(v2sf) =	vpush v0, $0x0;
	_ =	sdelay $0xe  }
.Ltmp17:
0x12d: {  	s6 =	spop (v2sf);
	(pc) =	sbr.rel @p0 .LBB2_22-.Ltmp17, $4  }
0x12e: {  	s5 =	simm.s32 $0x0;
	p1 =	sgt.u32 s6, $0xC3FF  }
0x12f: {  	s0 =	sadd.s32 $0x1, s0;
	s5 =	simm.s32 @!p1 $0x4;
	s7 =	sshrl.u32 @!p1 s6, $0x3  }
0x130: {  	s4 =	sadd.s32 $0x1, s4;
	s6 =	sand.u32 @!p1 $0x7, s6;
	s7 =	sadd.s32 @!p1 s1, s7  }
0x131: {  	[hbm4b:s7+s6] =	stream.linear.scatter @!p1 [tilespmem:s0], [sflag:$0x5], $0x1, $0x38;
	[tilespmem:$0xF030] =	vst v63  }
.LBB2_23:
0x132: {  	s0 =	sadd.s32 s3, s5  }
0x133: {  	s3 =	sshrl.u32 s0, $0x2  }
.LBB2_24:
0x134: {  	s0 =	simm.s32 $0x5  }
0x135: {  	_ =	swait.ge [sflag:s0], s3  }
0x136: {  	s1 =	ssub.s32 $0x0, s3;
	[sflag:s0] =	ssyncset.done $0x0  }
0x137: {  	[sflag:s0] =	ssyncadd.s32 s1  }
0x138: {  	[sflag:s0] =	ssyncpa.u1 $0x1  }
0x139: {  	s29 =	simm.s32 $0x1;
	_ =	sfence  }
0x13a: {  	s30 =	simm.s32 $0x2;
	[sflag:s29] =	ssyncpa.u1 $0x1  }
0x13b: {  	[sflag:s30] =	ssyncpa.u1 $0x1  }
0x13c: {  	_ =	strace $0x9000007A  }
0x13d: {  	[bflag:$0x2] =	sbarrier.arrive $0xFFFF  }
0x13e: {  	s31 =	rddreg [dreg:$0x1]  }
0x13f: {  	s0 =	sadd.s32 $0x100000, s31  }
0x140: {  	[sflag:s0] =	ssyncadd.tile.s32 $0x1;
	_ =	shalt  }
.Lfunc_end2:
_tile_overlayer_lowered:
.L_overlay_start_2:
0x141: {  	(tag) =	ssettag $0x2  }
0x142: {  	s0 =	rddreg [dreg:$0x0];
	s2 =	stileid.u32  }
0x143: {  	s1 =	rddreg [dreg:$0x1];
	p0 =	sne.s32 s2, $0x0  }
0x144: {  	s3 =	rddreg [dreg:$0x2];
	[bflag:$0x3] =	sbarrier.arrive $0xFFFF;
	s2 =	simm.s32 @!p0 $0x1C01  }
0x145: {  	[timem:s3], [sflag:s2] =	dma.local @!p0 [hbm:s0], s1  }
0x146: {  	s0 =	simm.s32 @!p0 $0x1  }
0x147: {  	_ =	swait.ge @!p0 [sflag:s0], s1  }
0x148: {  	s1 =	ssub.s32 @!p0 $0x0, s1;
	[sflag:s0] =	ssyncset.done @!p0 $0x0  }
0x149: {  	[sflag:s0] =	ssyncadd.s32 @!p0 s1  }
0x14a: {  	[bflag:$0x3] =	sbarrier.arrive $0xFFFF  }
0x14b: {  	_ =	shalt  }

// kernel: scatter_offload_async_start
scs
__scs_entry_jumppad:
0x0: {  	(pc) =	sbr.rel $0x88, $3  }
0x1: {  	(tag) =	ssettag $0x0;
	lr =	simm.s32 $0x1  }
0x2: {  	[smem:$0x3F97] =	sst lr;
	_ =	strace $0xD0000000  }
0x3: {  	_ = 	snop  }
0x4: {  	_ = 	snop  }
0x5: {  	_ = 	snop  }
0x6: {  	_ = 	snop  }
0x7: {  	_ = 	snop  }
__scs_overlays_trampoline_lowered:
0x8: {  	[smem:$0x3FA6] =	sst s0  }
0x9: {  	[smem:$0x3FA7] =	sst s1  }
0xa: {  	[smem:$0x3FA8] =	sst s2  }
0xb: {  	[smem:$0x3FA9] =	sst s3  }
0xc: {  	[smem:$0x3FAA] =	sst s4  }
0xd: {  	[smem:$0x3FAB] =	sst s5  }
0xe: {  	[smem:$0x3FAC] =	sst s6  }
0xf: {  	[smem:$0x3FAD] =	sst s7  }
0x10: {  	[smem:$0x3FAE] =	sst s8  }
0x11: {  	[smem:$0x3FAF] =	sst s9;
	s0 =	simm.s32 @!p0 $0x0  }
0x12: {  	s1 =	sld [smem:$0x3F95];
	s0 =	simm.s32 @p0 $0x1  }
0x13: {  	[smem:$0x3FB0] =	sst s0;
	s0 =	simm.s32 @!p1 $0x0  }
0x14: {  	s2 =	sld [smem:$0x3F94];
	s0 =	simm.s32 @p1 $0x1  }
0x15: {  	[smem:$0x3FB1] =	sst s0;
	s0 =	simm.s32 @!p2 $0x0  }
0x16: {  	s3 =	sld [smem:$0x3FDB];
	s0 =	simm.s32 @p2 $0x1  }
0x17: {  	s4 =	simm.s32 $0x1BF5;
	[smem:$0x3FB3] =	sst s0  }
0x18: {  	s0 =	sld [smem:$0x3F96];
	_ =	swait.ge [sflag:s4], $0x0  }
0x19: {  	s7 =	sld [smem:$0x3F97]  }
0x1a: {  	s8 =	sadd.s32 $0xFFFFE003, lr  }
0x1b: {  	s9 =	sadd.s32 $0xFFFFFEF7, lr;
	s5 =	simm.s32 $0xFFFFFFFF;
	p2 =	slt.u32 s8, $0xFFFFF086  }
0x1c: {  	p1 =	slt.u32 s9, $0xF7A;
	s5 =	simm.s32 @!p2 $0x0  }
0x1d: {  	s5 =	simm.s32 @p1 $0x1;
	p0 =	seq.s32 s7, s2  }
0x1e: {  	s7 =	smul.u32 @!p0 $0xF7A, s2;
	p2 =	seq.s32 @!p0 s5, $0x0  }
0x1f: {  	s9 =	smul.u32 $0xF7A, s1;
	s8 =	simm.s32 @!p0 $0x1BF5;
	p2 =	por !p2, p0  }
0x20: {  	[sflag:s8] =	ssyncset.s32 @!p0 $0xFFFFF086;
	s6 =	sadd.s32 @!p0 s3, s7;
	s7 =	simm.s32 @!p0 $0x108  }
0x21: {  	s3 =	sadd.s32 s3, s9;
	s6 =	sadd.s32 @!p0 $0x88, s6;
	s7 =	simm.s32 @p2 $0x1082  }
0x22: {  	[simem:s7], [sflag:s8] =	dma.local @!p0 [hbm:s6], $0xF7A  }
0x23: {  	s9 =	sor.u32 $0xD0000000, s2;
	s6 =	simm.s32 $0x108;
	_ =	swait.ge @!p0 [sflag:s8], $0x0  }
0x24: {  	s3 =	sadd.s32 $0x88, s3;
	s6 =	simm.s32 @!p1 $0x1082;
	[sflag:s4] =	ssyncset.s32 $0xFFFFF086  }
0x25: {  	[simem:s6], [sflag:s4] =	dma.local [hbm:s3], $0xF7A  }
0x26: {  	[smem:$0x3F97] =	sst s1;
	(tag) =	ssettag s2;
	_ =	strace s9  }
0x27: {  	s1 =	sld [smem:$0x3FA7]  }
0x28: {  	s2 =	sld [smem:$0x3FA8]  }
0x29: {  	s4 =	sld [smem:$0x3FAA]  }
0x2a: {  	p0 =	seq.s32 s5, $0x0;
	s5 =	sld [smem:$0x3FAB]  }
0x2b: {  	s6 =	sld [smem:$0x3FAC]  }
0x2c: {  	s7 =	sld [smem:$0x3FAD]  }
0x2d: {  	s3 =	simm.s32 $0x108;
	s8 =	sld [smem:$0x3FAE]  }
0x2e: {  	s3 =	simm.s32 @!p0 $0x1082;
	s9 =	sld [smem:$0x3FAF]  }
0x2f: {  	lr =	sadd.s32 s0, s3;
	s0 =	sld [smem:$0x3FA6]  }
0x30: {  	s3 =	sld [smem:$0x3FA9]  }
0x31: {  	[smem:$0x3FB2] =	sst s10  }
0x32: {  	s10 =	sld [smem:$0x3FB0];
	_ =	sdelay $0x3  }
0x33: {  	p0 =	seq.s32 s10, $0x1;
	s10 =	sld [smem:$0x3FB2];
	_ =	sdelay $0x3  }
0x34: {  	[smem:$0x3FB2] =	sst s10  }
0x35: {  	s10 =	sld [smem:$0x3FB1];
	_ =	sdelay $0x3  }
0x36: {  	p1 =	seq.s32 s10, $0x1;
	s10 =	sld [smem:$0x3FB2];
	_ =	sdelay $0x3  }
0x37: {  	[smem:$0x3FB2] =	sst s10  }
0x38: {  	s10 =	sld [smem:$0x3FB3]  }
0x39: {  	_ = 	snop;
	(pc) =	sbr.ind lr, $3  }
0x3a: {  	_ = 	snop  }
0x3b: {  	_ = 	snop  }
0x3c: {  	p2 =	seq.s32 s10, $0x1;
	s10 =	sld [smem:$0x3FB2]  }
0x3d: {  	_ =	shalt  }
0x3e: {  	_ =	shalt  }
0x3f: {  	_ =	shalt  }
0x40: {  	_ =	shalt  }
0x41: {  	_ =	shalt  }
0x42: {  	_ =	shalt  }
0x43: {  	_ =	shalt  }
0x44: {  	_ =	shalt  }
0x45: {  	_ =	shalt  }
0x46: {  	_ =	shalt  }
0x47: {  	_ =	shalt  }
0x48: {  	_ =	shalt  }
0x49: {  	_ =	shalt  }
0x4a: {  	_ =	shalt  }
0x4b: {  	_ =	shalt  }
0x4c: {  	_ =	shalt  }
0x4d: {  	_ =	shalt  }
0x4e: {  	_ =	shalt  }
0x4f: {  	_ =	shalt  }
0x50: {  	_ =	shalt  }
0x51: {  	_ =	shalt  }
0x52: {  	_ =	shalt  }
0x53: {  	_ =	shalt  }
0x54: {  	_ =	shalt  }
0x55: {  	_ =	shalt  }
0x56: {  	_ =	shalt  }
0x57: {  	_ =	shalt  }
0x58: {  	_ =	shalt  }
0x59: {  	_ =	shalt  }
0x5a: {  	_ =	shalt  }
0x5b: {  	_ =	shalt  }
0x5c: {  	_ =	shalt  }
0x5d: {  	_ =	shalt  }
0x5e: {  	_ =	shalt  }
0x5f: {  	_ =	shalt  }
0x60: {  	_ =	shalt  }
0x61: {  	_ =	shalt  }
0x62: {  	_ =	shalt  }
0x63: {  	_ =	shalt  }
0x64: {  	_ =	shalt  }
0x65: {  	_ =	shalt  }
0x66: {  	_ =	shalt  }
0x67: {  	_ =	shalt  }
0x68: {  	_ =	shalt  }
0x69: {  	_ =	shalt  }
0x6a: {  	_ =	shalt  }
0x6b: {  	_ =	shalt  }
0x6c: {  	_ =	shalt  }
0x6d: {  	_ =	shalt  }
0x6e: {  	_ =	shalt  }
0x6f: {  	_ =	shalt  }
0x70: {  	_ =	shalt  }
0x71: {  	_ =	shalt  }
0x72: {  	_ =	shalt  }
0x73: {  	_ =	shalt  }
0x74: {  	_ =	shalt  }
0x75: {  	_ =	shalt  }
0x76: {  	_ =	shalt  }
0x77: {  	_ =	shalt  }
0x78: {  	_ =	shalt  }
0x79: {  	_ =	shalt  }
0x7a: {  	_ =	shalt  }
0x7b: {  	_ =	shalt  }
0x7c: {  	_ =	shalt  }
0x7d: {  	_ =	shalt  }
0x7e: {  	_ =	shalt  }
0x7f: {  	_ =	shalt  }
0x80: {  	_ =	shalt  }
0x81: {  	_ =	shalt  }
0x82: {  	_ =	shalt  }
0x83: {  	_ =	shalt  }
0x84: {  	_ =	shalt  }
0x85: {  	_ =	shalt  }
0x86: {  	_ =	shalt  }
0x87: {  	_ =	shalt  }
.Lfunc_end0:
.L_simem_size_0:
called_computation_lowered:
.L_overlay_start_0:
0x88: {  	s2 =	sld [smem:$0x3FD9]  }
0x89: {  	s3 =	sld [smem:$0x3FFE];
	_ =	sdelay $0x1  }
0x8a: {  	s1 =	srdreg.scid  }
0x8b: {  	s0 =	sand.u32 $0x1, s1  }
0x8c: {  	s15 =	sshll.u32 s0, $0xA;
	s2 =	sadd.s32 s3, s2  }
0x8d: {  	s2 =	sadd.s32 s2, s15  }
0x8e: {  	[smem:$0x3FBE] =	sst s2  }
0x8f: {  	_ = 	snop  }
0x90: {  	(tm) =	ssettm $0x1  }
0x91: {  	s16 =	sld [smem:$0x3FFB];
	_ =	sdelay $0x3  }
0x92: {  	_ =	strace s16  }
0x93: {  	s2 =	sld [smem:$0x3FFC];
	_ =	sdelay $0x3  }
0x94: {  	_ =	strace s2  }
0x95: {  	s2 =	sld [smem:$0x3FFD];
	_ =	sdelay $0x3  }
0x96: {  	_ =	strace s2  }
0x97: {  	_ =	strace $0x8FFFFFFF  }
0x98: {  	s17 =	sld [smem:$0x3FDB];
	_ =	sdelay $0x1  }
0x99: {  	s18 =	simm.s32 $_scs_section_size  }
0x9a: {  	s4 =	simm.s32 $_size__tile_overlayer_lowered;
	s5 =	simm.s32 $_tile_overlayer_lowered  }
0x9b: {  	s21 =	simm.s32 $0x1BFF;
	s20 =	sshll.u32 s5, $0x1;
	s2 =	sadd.s32 s18, s17  }
0x9c: {  	s6 =	simm.s32 $0x0;
	s19 =	sshll.u32 s4, $0x1;
	s4 =	sadd.s32 s20, s2  }
0x9d: {  	[timem:s6], [sflag:s21] =	dma.local [hbm:s4], s19  }
0x9e: {  	_ =	swait.ge [sflag:s21], s19  }
0x9f: {  	s3 =	ssub.s32 $0x0, s19;
	[sflag:s21] =	ssyncset.done $0x0  }
0xa0: {  	[sflag:s21] =	ssyncadd.s32 s3;
	_ =	sdelay $0x1  }
0xa1: {  	s22 =	simm.s32 $0x1B8B  }
0xa2: {  	_ =	swait.ge [sflag:s22], $0x1  }
0xa3: {  	[sflag:s22] =	ssyncset.done $0x0  }
0xa4: {  	s23 =	sld [smem:$0x3FFE];
	[sflag:s22] =	ssyncadd.s32 $0xFFFFFFFF  }
0xa5: {  	s25 =	simm.s32 $0x1B8E;
	s24 =	sld [smem:$0x0]  }
0xa6: {  	s26 =	simm.s32 $execute0_lowered;
	[smem:$0x3FD2] =	sst s25  }
0xa7: {  	s5 =	sshll.u32 s26, $0x1;
	_ =	strace $0x80000070;
	[dreg:$0x1] =	wrdreg $0xFFFFFFFF  }
0xa8: {  	s28 =	simm.s32 $_size_execute0_lowered;
	s2 =	sadd.s32 s2, s5;
	[dreg:$0x0] =	wrdreg $0x0  }
0xa9: {  	s5 =	sshll.u32 s28, $0x1;
	[dreg:$0x2] =	wrdreg s2  }
0xaa: {  	[dreg:$0x3] =	wrdreg s5  }
0xab: {  	[dreg:$0x4] =	wrdreg $0xC0  }
0xac: {  	_ =	task [dreg:s6], $0x5FFFF  }
0xad: {  	[dreg:$0x1] =	wrdreg $0xFFFFFFFF  }
0xae: {  	[dreg:$0x0] =	wrdreg $0x60  }
0xaf: {  	[dreg:$0x2] =	wrdreg s23  }
0xb0: {  	[dreg:$0x3] =	wrdreg s1  }
0xb1: {  	[dreg:$0x4] =	wrdreg s24  }
0xb2: {  	[dreg:$0x5] =	wrdreg $0x9  }
0xb3: {  	_ =	task.clear_ibuf [dreg:s6], $0x6FFFF;
	_ =	strace $0x90000070  }
0xb4: {  	s29 =	simm.s32 $0x9;
	_ =	strace $0x80000072  }
0xb5: {  	_ =	swait.ge [sflag:s29], $0x1  }
0xb6: {  	[sflag:s29] =	ssyncadd.s32 $0xFFFFFFFF  }
0xb7: {  	_ =	strace $0x90000072  }
0xb8: {  	_ =	sfence  }
0xb9: {  	s30 =	sld [smem:$0x0];
	_ =	sdelay $0x2  }
0xba: {  	s31 =	sshll.u32 s1, $0xD;
	s1 =	sshrl.u32 s1, $0x2  }
0xbb: {  	s3 =	sand.u32 $0x4000, s31;
	s1 =	sadd.s32 s1, s30  }
0xbc: {  	s0 =	sor.u32 s3, s0;
	s1 =	sshll.u32 s1, $0x11  }
0xbd: {  	s0 =	sor.u32 s1, s0  }
0xbe: {  	s0 =	sadd.s32 $0x8F2B, s0  }
0xbf: {  	[sflag:s0] =	ssyncadd.remote.s32 $0x1  }
0xc0: {  	_ =	sfence.sel $0xFFFF  }
0xc1: {  	[dreg:$0x0] =	wrdreg $0xFFFFFFFF;
	(pc) =	sbr.abs _section_cstart, $3  }
0xc2: {  	[dreg:$0x1] =	wrdreg $0xFFFFFFFF  }
0xc3: {  	_ =	task.clear_ibuf [dreg:s6], $0x2FFFF;
	_ =	strace $0x9FFFFFFF  }
0xc4: {  	(tm) =	ssettm $0x7FFFFFFF  }
0xc5: {  	_ =	shalt  }
tec
execute0_lowered:
.L_overlay_start_1:
0x0: {  	(tag) =	ssettag $0x1  }
0x1: {  	s2 =	rddreg [dreg:$0x0]  }
0x2: {  	s3 =	rddreg [dreg:$0x1];
	_ =	strace $0x80000071;
	s0 =	simm.s32 $0x1  }
0x3: {  	v0 =	vimm.s32 $0x0;
	[sflag:s0] =	ssyncpa.u1 $0x0;
	s0 =	simm.s32 $0x108  }
0x4: {  	[tilespmem:s0+$0x70] =	vst v0  }
0x5: {  	[tilespmem:s0+$0x60] =	vst v0  }
0x6: {  	[tilespmem:s0+$0x50] =	vst v0  }
0x7: {  	[tilespmem:s0+$0x40] =	vst v0  }
0x8: {  	[tilespmem:s0+$0x30] =	vst v0  }
0x9: {  	s1 =	sadd.s32 $0xDE200, s2;
	s15 =	sadd.s32 $0x69800, s2;
	s6 =	sadd.s32 $0x1A2D800, s2;
	[tilespmem:s0+$0x20] =	vst v0  }
0xa: {  	s14 =	sadd.s32 $0x83800, s2;
	s5 =	sand.u32 $0x1, s3;
	s3 =	simm.s32 $0x40;
	[tilespmem:s0+$0x10] =	vst v0  }
.LBB2_1:
0xb: {  	s3 =	sadd.s32 $0x40, s3;
	[tilespmem:s0+$0x0] =	vst v0;
	s0 =	sadd.s32 $0x80, s0  }
0xc: {  	p0 =	slt.u32 s3, $0x3C40;
	[tilespmem:s0+$0x70] =	vst v0  }
0xd: {  	[tilespmem:s0+$0x60] =	vst v0  }
.Ltmp0:
0xe: {  	[tilespmem:s0+$0x50] =	vst v0;
	(pc) =	sbr.rel @p0 .LBB2_1-.Ltmp0, $4  }
0xf: {  	[tilespmem:s0+$0x40] =	vst v0  }
0x10: {  	[tilespmem:s0+$0x30] =	vst v0  }
0x11: {  	[tilespmem:s0+$0x20] =	vst v0  }
0x12: {  	[tilespmem:s0+$0x10] =	vst v0  }
0x13: {  	s9 =	stileid.u32  }
0x14: {  	s2 =	simm.s32 $0x6720;
	s7 =	smul.u32 $0x6810, s9;
	p0 =	seq.s32 s9, $0xF  }
0x15: {  	s2 =	simm.s32 @!p0 $0x6810  }
0x16: {  	s2 =	sadd.s32 s7, s2  }
0x17: {  	s8 =	smin.u32 s2, $0x68000  }
0x18: {  	s2 =	ssub.s32 s8, s7  }
0x19: {  	s3 =	simm.s32 $0x2;
	s10 =	simm.s32 $0x9;
	p0 =	sgt.s32 s2, $0x0  }
0x1a: {  	s4 =	simm.s32 $0xA;
	s31 =	smul.u32 $0xD000, s5;
	s2 =	simm.s32 @!p0 $0x0  }
0x1b: {  	s11 =	simm.s32 $0xB;
	[dreg:$0x4] =	wrdreg s5;
	s29 =	smulhi.u32 $0x1111112, s2  }
0x1c: {  	s12 =	simm.s32 $0x1;
	s22 =	simm.s32 $0x0;
	s18 =	simm.s32 $0xC  }
0x1d: {  	s20 =	simm.s32 $0x0;
	s21 =	simm.s32 $0x0;
	s30 =	smul.u32 $0xF0, s29  }
.Ltmp1:
0x1e: {  	[tilespmem:s0+$0x0] =	vst v0;
	v0 =	vimm.s32 $0xFFFFFFFF;
	[sflag:s3] =	ssyncpa.u1 $0x0;
	s16 =	sshll.u32 s9, $0x8;
	(pc) =	sbr.rel .LBB2_3-.Ltmp1, $4  }
0x1f: {  	[tilespmem:$0xF208] =	vst v0;
	[sflag:s10] =	ssyncpa.u1 $0x0;
	p0 =	sne.s32 s2, s30;
	s2 =	simm.s32 $0x1  }
0x20: {  	s14 =	sadd.s32 s31, s14;
	s15 =	sadd.s32 s31, s15;
	s2 =	simm.s32 @!p0 $0x0  }
0x21: {  	[sflag:s4] =	ssyncpa.u1 $0x0;
	s19 =	smov.u32 s7;
	s13 =	sadd.s32 s2, s29  }
0x22: {  	v0 =	vlaneseq.u32;
	[sflag:s11] =	ssyncpa.u1 $0x0;
	p0 =	por $0x0, $0x0;
	s17 =	sadd.s32 $0x1, s13  }
.LBB2_18:
0x23: {  	s0 =	sshrl.u32 s31, $0x2  }
.LBB2_20:
0x24: {  	_ =	swait.ge [sflag:s18], s0  }
0x25: {  	s31 =	ssub.s32 $0x0, s0;
	v1 =	vmov s24;
	vm0 =	veq.s32 v0, $0x0;
	[sflag:s18] =	ssyncset.done $0x0  }
0x26: {  	vm15 =	veq.s32 v0, $0x2;
	v1 =	vsel vm0, s30, v1;
	[sflag:s18] =	ssyncadd.s32 s31  }
0x27: {  	v1 =	vsel vm15, s22, v1;
	[sflag:s18] =	ssyncpa.u1 $0x1  }
0x28: {  	[tilespmem:$0xF208] =	vst v1  }
.LBB2_21:
0x29: {  	s0 =	sadd.s32 $0xF0, s19  }
0x2a: {  	s2 =	smov.u32 s7;
	p1 =	slt.s32 s0, s8  }
0x2b: {  	s2 =	smov.u32 @p1 s0;
	p1 =	sne.s32 s21, s17  }
.Ltmp2:
0x2c: {  	_ = 	snop;
	(pc) =	sbr.rel @!p1 .LBB2_22-.Ltmp2, $3  }
0x2d: {  	_ =	sdelay $0x1  }
0x2e: {  	s22 =	smov.u32 s20;
	s31 =	sadd.s32 $0x1, s21;
	s20 =	smov.u32 s19  }
0x2f: {  	p0 =	por !p0, !p0;
	s21 =	smov.u32 s31;
	s19 =	smov.u32 s2  }
.LBB2_3:
0x30: {  	p1 =	sge.u32 s21, s13  }
0x31: {  	s0 =	smulhi.u32 @!p1 $0xAAAAAAAB, s21  }
0x32: {  	s2 =	smov.u32 s19;
	p2 =	sgt.s32 @!p1 s19, $0x67F10  }
0x33: {  	s3 =	sshra.s32 @!p1 s19, $0x1F;
	p2 =	por !p2, p1;
	s0 =	sshrl.u32 @!p1 s0, $0x1  }
0x34: {  	s3 =	sand.u32 @!p1 s3, s19;
	s2 =	simm.s32 @p2 $0x67F10;
	s0 =	smul.u32 @!p1 $0x3, s0  }
0x35: {  	s2 =	ssub.s32 @!p1 s2, s3  }
0x36: {  	s2 =	sadd.s32 @!p1 $0xFFF980F0, s2;
	s0 =	ssub.s32 @!p1 s21, s0  }
0x37: {  	s3 =	sshll.u32 @!p1 s2, $0x2;
	p2 =	sgt.s32 @!p1 s2, $0xEF;
	s0 =	smul.u32 @!p1 $0x3C0, s0  }
0x38: {  	s4 =	sand.u32 @!p1 $0x7, s19;
	s2 =	ssub.s32 @!p1 $0x3C0, s3;
	p2 =	por !p2, p1  }
0x39: {  	s3 =	sshrl.u32 @!p1 s19, $0x3;
	s2 =	sshrl.u32 @!p1 s2, $0x2;
	s0 =	sshrl.u32 @!p1 s0, $0x2  }
0x3a: {  	s3 =	sadd.s32 @!p1 s3, s14;
	s2 =	simm.s32 @!p2 $0x0;
	s0 =	sadd.s32 @!p1 $0x10248, s0  }
0x3b: {  	[tilespmem:s0], [sflag:$0xA] =	stream.linear.gather @!p1 [hbm4b:s3+s4], s2, $0x38;
	[tilespmem:$0x1F6F8] =	vst v63  }
0x3c: {  	s0 =	sadd.s32 $0xFFFFFFFF, s21  }
0x3d: {  	p1 =	sge.u32 s0, s13  }
0x3e: {  	p2 =	sgt.s32 @!p1 s20, $0x67F10  }
0x3f: {  	s2 =	smov.u32 s20;
	s3 =	sshra.s32 @!p1 s20, $0x1F;
	p2 =	por !p2, p1  }
0x40: {  	s3 =	sand.u32 @!p1 s3, s20;
	s2 =	simm.s32 @p2 $0x67F10  }
0x41: {  	s2 =	ssub.s32 @!p1 s2, s3  }
0x42: {  	s2 =	sadd.s32 @!p1 $0xFFF980F0, s2  }
0x43: {  	s4 =	sand.u32 @!p1 $0x1, s0;
	s3 =	sshll.u32 @!p1 s2, $0x2  }
0x44: {  	p2 =	sgt.s32 @!p1 s2, $0xEF;
	s2 =	ssub.s32 @!p1 $0x3C0, s3;
	s3 =	smulhi.u32 @!p1 $0xAAAAAAAB, s0  }
0x45: {  	s23 =	smul.u32 @!p1 $0x3C0, s4;
	p2 =	por !p2, p1;
	s2 =	sshrl.u32 @!p1 s2, $0x2  }
0x46: {  	s5 =	simm.s32 @!p1 $0xA;
	s2 =	simm.s32 @!p2 $0x0;
	s3 =	sshrl.u32 @!p1 s3, $0x1  }
0x47: {  	s23 =	sshrl.u32 @!p1 s23, $0x2;
	_ =	swait.ge @!p1 [sflag:s5], s2;
	s3 =	smul.u32 @!p1 $0x3, s3  }
0x48: {  	s23 =	sadd.s32 @!p1 $0x10518, s23;
	s24 =	ssub.s32 @!p1 $0x0, s2;
	[sflag:s5] =	ssyncset.done @!p1 $0x0  }
0x49: {  	[sflag:s5] =	ssyncadd.s32 @!p1 s24;
	s5 =	sshrl.u32 @!p1 s20, $0x3;
	s0 =	ssub.s32 @!p1 s0, s3  }
0x4a: {  	s24 =	sand.u32 @!p1 $0x7, s20;
	s5 =	sadd.s32 @!p1 s5, s15;
	s0 =	smul.u32 @!p1 $0x3C0, s0  }
0x4b: {  	[tilespmem:s23], [sflag:$0xB] =	stream.linear.gather @!p1 [hbm4b:s5+s24], s2, $0x38;
	[tilespmem:$0x1F6F8] =	vst v63  }
0x4c: {  	s3 =	ssub.s32 @!p1 $0x68000, s20;
	s2 =	smul.u32 @!p1 $0x1E000, s4  }
0x4d: {  	p2 =	slt.s32 @!p1 s3, $0xF0  }
0x4e: {  	p2 =	por !p2, p1;
	s0 =	sshrl.u32 @!p1 s0, $0x2;
	s2 =	sshrl.u32 @!p1 s2, $0x2  }
0x4f: {  	s3 =	simm.s32 @p2 $0xF0;
	s0 =	sadd.s32 @!p1 $0x10248, s0;
	s2 =	sor.u32 @!p1 $0x106F8, s2  }
0x50: {  	[tilespmem:s2], [sflag:$0x9] =	stream.indirect.gather @!p1 [hbm4b:s6+s3], $0x80, s0, s3, $0xb8;
	[tilespmem:$0x1F6F8] =	vst v63  }
0x51: {  	p1 =	slt.u32 s21, $0x2  }
.Ltmp3:
0x52: {  	_ = 	snop;
	(pc) =	sbr.rel @p1 .LBB2_21-.Ltmp3, $1  }
0x53: {  	_ =	sdelay $0x3  }
0x54: {  	p1 =	sgt.s32 s22, $0x67F10  }
0x55: {  	s0 =	smov.u32 s22;
	s2 =	sshra.s32 s22, $0x1F;
	s3 =	ssub.s32 $0x68000, s22  }
0x56: {  	s0 =	simm.s32 @!p1 $0x67F10;
	s2 =	sand.u32 s2, s22;
	p1 =	slt.s32 s3, $0xF0  }
0x57: {  	s0 =	ssub.s32 s0, s2;
	s3 =	simm.s32 @!p1 $0xF0  }
0x58: {  	s0 =	sadd.s32 $0xFFF980F0, s0;
	s25 =	sshll.u32 s3, $0x7  }
0x59: {  	s26 =	sshll.u32 s0, $0x2;
	s2 =	sand.u32 $0x3FFFFF80, s25  }
0x5a: {  	p1 =	sgt.s32 s0, $0xEF;
	s29 =	ssub.s32 $0x3C0, s26;
	_ =	swait.ge [sflag:s10], s2  }
0x5b: {  	s2 =	ssub.s32 $0x0, s2;
	[sflag:s10] =	ssyncset.done $0x0;
	s0 =	sshrl.u32 s29, $0x2  }
0x5c: {  	[sflag:s10] =	ssyncadd.s32 s2;
	s0 =	simm.s32 @p1 $0x0  }
0x5d: {  	_ =	swait.ge [sflag:s11], s0  }
0x5e: {  	s0 =	ssub.s32 $0x0, s0;
	[sflag:s11] =	ssyncset.done $0x0  }
0x5f: {  	[sflag:s11] =	ssyncadd.s32 s0  }
0x60: {  	v1 =	vld [tilespmem:$0xF208];
	_ =	sdelay $0x4  }
0x61: {  	(v2sf) =	vpush v1, $0x0  }
0x62: {  	(v2sf) =	vpush v1, $0x1  }
0x63: {  	(v2sf) =	vpush v1, $0x2;
	_ =	sdelay $0x3  }
0x64: {  	s0 =	sadd.s32 $0xF0, s22  }
0x65: {  	s2 =	ssub.s32 $0xD0000, s22;
	p1 =	slt.s32 s8, s0  }
0x66: {  	s0 =	smov.u32 @p1 s8;
	p1 =	sgt.s32 s2, $0x0  }
0x67: {  	s26 =	ssub.s32 s0, s22;
	s2 =	simm.s32 @!p1 $0x0  }
0x68: {  	p1 =	slt.s32 s2, s26  }
0x69: {  	s26 =	smov.u32 @p1 s2  }
0x6a: {  	s25 =	simm.s32 $0x1;
	p1 =	slt.s32 s26, $0x1  }
.Ltmp4:
0x6b: {  	s25 =	simm.s32 @!p0 $0x0;
	(pc) =	sbr.rel @p1 .LBB2_8-.Ltmp4, $4  }
0x6c: {  	s31 =	smul.u32 $0x3C0, s25  }
0x6d: {  	s28 =	spop (v2sf)  }
0x6e: {  	s0 =	sshrl.u32 s31, $0x2;
	s30 =	spop (v2sf)  }
0x6f: {  	s23 =	sadd.s32 $0x10518, s0;
	s22 =	spop (v2sf)  }
0x70: {  	s0 =	smin.u32 s26, $0x10  }
0x71: {  	v1 =	vmov s0  }
0x72: {  	p2 =	sgt.s32 s26, $0x10;
	vm1 =	vgt.u32 v1, v0  }
.Ltmp5:
0x73: {  	_ = 	snop;
	(pc) =	sbr.rel @!p2 .LBB2_7-.Ltmp5, $2  }
0x74: {  	_ =	sdelay $0x2  }
0x75: {  	s4 =	simm.s32 $0x10;
	s24 =	sadd.s32 $0xFFFFFFF0, s26;
	s0 =	smov.u32 s23;
	vm0 =	vmmov vm1  }
.LBB2_6:
0x76: {  	s2 =	smin.u32 s24, $0x10;
	s4 =	sadd.s32 $0x10, s4;
	v1 =	vld.msk [tilespmem:s0+$0x0 ss:$0x1], vm1  }
0x77: {  	v2 =	vmov s2;
	p2 =	slt.s32 s4, s26  }
0x78: {  	vm1 =	vgt.u32 v2, v0  }
.Ltmp6:
0x79: {  	(pc) =	sbr.rel @p2 .LBB2_6-.Ltmp6, $3  }
0x7a: {  	_ =	sdelay $0x1  }
0x7b: {  	v1 =	vshll.u32 v1, $0x4  }
0x7c: {  	s24 =	sadd.s32 $0xFFFFFFF0, s24;
	[tilespmem:s0+$0x0] =	vst.msk vm0, v1;
	s0 =	sadd.s32 $0x10, s0;
	vm0 =	vmmov vm1  }
.LBB2_7:
0x7d: {  	_ =	sdelay $0x4  }
0x7e: {  	v1 =	vld.msk [tilespmem:s0+$0x0 ss:$0x1], vm1;
	_ =	sdelay $0x4  }
0x7f: {  	v1 =	vshll.u32 v1, $0x4  }
0x80: {  	[tilespmem:s0+$0x0] =	vst.msk vm0, v1  }
.LBB2_8:
0x81: {  	s0 =	sand.u32 $0x1, s21  }
0x82: {  	s0 =	smul.u32 $0xF0, s0  }
0x83: {  	p2 =	sne.s32 s30, $0xFFFFFFFF  }
0x84: {  	v1 =	vld.msk @!p2 [tilespmem:s0+$0x10518], $0x1;
	_ =	sdelay $0x4  }
0x85: {  	(v2sf) =	vpush @!p2 v1, $0x0;
	_ =	sdelay $0xc  }
.Ltmp7:
0x86: {  	_ = 	snop;
	(pc) =	sbr.rel @p1 .LBB2_19-.Ltmp7, $4  }
0x87: {  	_ = 	snop  }
0x88: {  	s29 =	spop @!p2 (v2sf)  }
0x89: {  	s22 =	simm.s32 @!p2 $0x0;
	s24 =	smov.u32 s29  }
0x8a: {  	[sflag:s18] =	ssyncpa.u1 $0x0;
	s29 =	smov.u32 @p2 s28;
	s24 =	smov.u32 @p2 s30  }
0x8b: {  	v1 =	vld.msk [tilespmem:s23+$0x0], $0x1;
	_ =	sdelay $0x4  }
0x8c: {  	(v2sf) =	vpush v1, $0x0;
	_ =	sdelay $0xe  }
0x8d: {  	s2 =	smul.u32 $0x1E000, s25;
	s0 =	spop (v2sf)  }
0x8e: {  	s26 =	ssub.s32 $0x0, s26;
	p1 =	seq.s32 s29, s0  }
0x8f: {  	s30 =	sadd.s32 $0x1, s26;
	s2 =	sshrl.u32 s2, $0x2;
	p2 =	sgt.s32 @!p1 s29, $0x0  }
0x90: {  	s25 =	sor.u32 $0x10738, s2;
	s2 =	smov.u32 s29;
	p2 =	por !p2, p1  }
0x91: {  	s2 =	simm.s32 @p2 $0x0;
	p2 =	seq.s32 s30, $0x0  }
.Ltmp8:
0x92: {  	_ = 	snop;
	(pc) =	sbr.rel @p2 .LBB2_11-.Ltmp8, $4  }
0x93: {  	_ = 	snop  }
0x94: {  	s28 =	simm.s32 $0x0;
	s31 =	sadd.s32 $0x1, s23;
	s2 =	smin.u32 @!p1 s2, $0xC7FF0  }
0x95: {  	s4 =	simm.s32 @!p1 $0x1;
	s5 =	simm.s32 @!p1 $0x7988;
	s3 =	sand.u32 @!p1 $0xFFFF8, s2  }
0x96: {  	s4 =	smov.u32 @p1 s28;
	s2 =	sand.u32 @!p1 $0x7, s2;
	s3 =	sadd.s32 @!p1 s1, s3  }
.LBB2_10:
0x97: {  	s9 =	smov.u32 s4  }
0x98: {  	[tilespmem:s5], [sflag:$0x2] =	stream.linear.gather @!p1 [hbm4b:s3+s2], $0x80, $0x38;
	[tilespmem:$0x1F6F8] =	vst v63  }
0x99: {  	s30 =	sadd.s32 $0x1, s30;
	s2 =	smov.u32 s0;
	v1 =	vld.msk [tilespmem:s31+$0x0], $0x1  }
0x9a: {  	p2 =	seq.s32 s30, $0x0;
	_ =	sdelay $0x3  }
0x9b: {  	(v2sf) =	vpush v1, $0x0;
	_ =	sdelay $0xe  }
0x9c: {  	s0 =	spop (v2sf)  }
0x9d: {  	p1 =	seq.s32 s2, s0  }
0x9e: {  	p3 =	sgt.s32 @!p1 s2, $0x0;
	s3 =	sshll.u32 @!p1 s4, $0x9;
	s4 =	sadd.s32 @!p1 $0x1, s4  }
.Ltmp9:
0x9f: {  	p3 =	por !p3, p1;
	s3 =	sshra.s32 @!p1 s3, $0x2;
	(pc) =	sbr.rel @!p2 .LBB2_10-.Ltmp9, $4  }
0xa0: {  	s4 =	smov.u32 @p1 s9;
	s2 =	simm.s32 @p3 $0x0;
	s5 =	sadd.s32 @!p1 $0x7988, s3  }
0xa1: {  	s2 =	smin.u32 @!p1 s2, $0xC7FF0  }
0xa2: {  	s3 =	sand.u32 @!p1 $0xFFFF8, s2;
	s2 =	sand.u32 @!p1 $0x7, s2  }
0xa3: {  	s31 =	sadd.s32 $0x1, s31;
	s3 =	sadd.s32 @!p1 s1, s3  }
.LBB2_11:
0xa4: {  	[tilespmem:s5], [sflag:$0x2] =	stream.linear.gather @!p1 [hbm4b:s3+s2], $0x80, $0x38;
	[tilespmem:$0x1F6F8] =	vst v63  }
.Ltmp10:
0xa5: {  	s0 =	sshll.u32 s4, $0x7;
	(pc) =	sbr.rel .LBB2_12-.Ltmp10, $4  }
0xa6: {  	s30 =	simm.s32 $0x2;
	s0 =	sand.u32 $0x3FFFFF80, s0  }
0xa7: {  	_ =	swait.ge [sflag:s30], s0  }
0xa8: {  	s0 =	ssub.s32 $0x0, s0;
	[sflag:s30] =	ssyncset.done $0x0  }
0xa9: {  	s31 =	simm.s32 $0x0;
	[sflag:s30] =	ssyncadd.s32 s0  }
.LBB2_13:
0xaa: {  	v1 =	vld [tilespmem:s25+$0xFFFFFFC0];
	_ =	sdelay $0x3  }
0xab: {  	s0 =	sshra.s32 s0, $0x2  }
0xac: {  	[tilespmem:s0+$0x108] =	vst.add.f32.msk $0xffff, v1  }
0xad: {  	v1 =	vld [tilespmem:s25+$0xFFFFFFD0];
	_ =	sdelay $0x4  }
0xae: {  	[tilespmem:s0+$0x118] =	vst.add.f32.msk $0xffff, v1  }
0xaf: {  	v1 =	vld [tilespmem:s25+$0xFFFFFFE0];
	_ =	sdelay $0x4  }
0xb0: {  	[tilespmem:s0+$0x128] =	vst.add.f32.msk $0xffff, v1  }
0xb1: {  	v1 =	vld [tilespmem:s25+$0xFFFFFFF0];
	_ =	sdelay $0x4  }
0xb2: {  	[tilespmem:s0+$0x138] =	vst.add.f32.msk $0xffff, v1  }
0xb3: {  	v1 =	vld [tilespmem:s25+$0x0];
	_ =	sdelay $0x4  }
0xb4: {  	[tilespmem:s0+$0x148] =	vst.add.f32.msk $0xffff, v1  }
0xb5: {  	v1 =	vld [tilespmem:s25+$0x10];
	_ =	sdelay $0x4  }
0xb6: {  	[tilespmem:s0+$0x158] =	vst.add.f32.msk $0xffff, v1  }
0xb7: {  	v1 =	vld [tilespmem:s25+$0x20];
	_ =	sdelay $0x4  }
0xb8: {  	[tilespmem:s0+$0x168] =	vst.add.f32.msk $0xffff, v1  }
0xb9: {  	v1 =	vld [tilespmem:s25+$0x30];
	_ =	sdelay $0x4  }
0xba: {  	[tilespmem:s0+$0x178] =	vst.add.f32.msk $0xffff, v1  }
.LBB2_17:
0xbb: {  	s26 =	sadd.s32 $0x1, s26  }
0xbc: {  	p1 =	seq.s32 s26, $0x0  }
.Ltmp11:
0xbd: {  	_ = 	snop;
	(pc) =	sbr.rel @p1 .LBB2_18-.Ltmp11, $2  }
0xbe: {  	_ =	sdelay $0x2  }
0xbf: {  	s23 =	sadd.s32 $0x1, s23;
	s25 =	sadd.s32 $0x80, s25;
	s29 =	smov.u32 s30  }
.LBB2_12:
0xc0: {  	v1 =	vld.msk [tilespmem:s23+$0x0], $0x1;
	_ =	sdelay $0x4  }
0xc1: {  	(v2sf) =	vpush v1, $0x0;
	_ =	sdelay $0xe  }
0xc2: {  	s30 =	spop (v2sf)  }
0xc3: {  	p1 =	sne.s32 s29, s30  }
.Ltmp12:
0xc4: {  	_ = 	snop;
	(pc) =	sbr.rel @!p1 .LBB2_13-.Ltmp12, $2  }
0xc5: {  	_ =	sdelay $0x2  }
0xc6: {  	s0 =	sshll.u32 s22, $0x9  }
0xc7: {  	p1 =	seq.s32 s29, s24  }
.Ltmp13:
0xc8: {  	_ = 	snop;
	(pc) =	sbr.rel @!p1 .LBB2_15-.Ltmp13, $1  }
0xc9: {  	_ =	sdelay $0x3  }
0xca: {  	s0 =	sshra.s32 s0, $0x2  }
.Ltmp14:
0xcb: {  	s0 =	sadd.s32 $0x108, s0;
	(pc) =	sbr.rel .LBB2_16-.Ltmp14, $4  }
0xcc: {  	[spmem:s16] =	stream.linear.scatter [tilespmem:s0], [sflag:$0x1], $0x80, $0x38;
	[tilespmem:$0x1F6F8] =	vst v63  }
0xcd: {  	_ =	swait.ge [sflag:s12], $0x80  }
0xce: {  	[sflag:s12] =	ssyncset.done $0x0  }
0xcf: {  	[sflag:s12] =	ssyncadd.s32 $0xFFFFFF80  }
.LBB2_15:
0xd0: {  	s2 =	sshll.u32 s28, $0x9  }
0xd1: {  	s2 =	sshra.s32 s2, $0x2  }
0xd2: {  	v1 =	vld [tilespmem:s2+$0x7988];
	_ =	sdelay $0x3  }
0xd3: {  	s0 =	sshra.s32 s0, $0x2  }
0xd4: {  	[tilespmem:s0+$0x108] =	vst.add.f32.msk $0xffff, v1  }
0xd5: {  	v1 =	vld [tilespmem:s2+$0x7998];
	_ =	sdelay $0x4  }
0xd6: {  	[tilespmem:s0+$0x118] =	vst.add.f32.msk $0xffff, v1  }
0xd7: {  	v1 =	vld [tilespmem:s2+$0x79A8];
	_ =	sdelay $0x4  }
0xd8: {  	[tilespmem:s0+$0x128] =	vst.add.f32.msk $0xffff, v1  }
0xd9: {  	v1 =	vld [tilespmem:s2+$0x79B8];
	_ =	sdelay $0x4  }
0xda: {  	[tilespmem:s0+$0x138] =	vst.add.f32.msk $0xffff, v1  }
0xdb: {  	v1 =	vld [tilespmem:s2+$0x79C8];
	_ =	sdelay $0x4  }
0xdc: {  	[tilespmem:s0+$0x148] =	vst.add.f32.msk $0xffff, v1  }
0xdd: {  	v1 =	vld [tilespmem:s2+$0x79D8];
	_ =	sdelay $0x4  }
0xde: {  	[tilespmem:s0+$0x158] =	vst.add.f32.msk $0xffff, v1  }
0xdf: {  	v1 =	vld [tilespmem:s2+$0x79E8];
	_ =	sdelay $0x4  }
0xe0: {  	[tilespmem:s0+$0x168] =	vst.add.f32.msk $0xffff, v1  }
0xe1: {  	v1 =	vld [tilespmem:s2+$0x79F8];
	_ =	sdelay $0x2  }
0xe2: {  	p1 =	sgt.u32 s29, $0xC7FF0  }
0xe3: {  	s2 =	sand.u32 @!p1 $0xFFFF8, s29  }
0xe4: {  	s3 =	sadd.s32 $0x108, s0;
	[tilespmem:s0+$0x178] =	vst.add.f32.msk $0xffff, v1;
	s0 =	sadd.s32 @!p1 s1, s2;
	s2 =	sand.u32 @!p1 $0x7, s29  }
0xe5: {  	[hbm4b:s0+s2] =	stream.linear.scatter @!p1 [tilespmem:s3], [sflag:$0xC], $0x80, $0x38;
	[tilespmem:$0x1F6F8] =	vst v63  }
0xe6: {  	s0 =	simm.s32 $0x0  }
0xe7: {  	s0 =	simm.s32 @!p1 $0x200  }
0xe8: {  	s31 =	sadd.s32 s0, s31  }
.LBB2_16:
0xe9: {  	s0 =	sadd.s32 $0x1, s22  }
0xea: {  	s2 =	smulhi.u32 $0x88888889, s0;
	_ =	sdelay $0x1  }
0xeb: {  	v1 =	vld [tilespmem:s25+$0xFFFFFFC0];
	s2 =	sshrl.u32 s2, $0x7  }
0xec: {  	s2 =	smul.u32 $0xF0, s2;
	_ =	sdelay $0x1  }
0xed: {  	s22 =	ssub.s32 s0, s2  }
0xee: {  	s0 =	sshll.u32 s22, $0x7  }
0xef: {  	[tilespmem:s0+$0x108] =	vst v1  }
0xf0: {  	v1 =	vld [tilespmem:s25+$0xFFFFFFD0];
	_ =	sdelay $0x4  }
0xf1: {  	[tilespmem:s0+$0x118] =	vst v1  }
0xf2: {  	v1 =	vld [tilespmem:s25+$0xFFFFFFE0];
	_ =	sdelay $0x4  }
0xf3: {  	[tilespmem:s0+$0x128] =	vst v1  }
0xf4: {  	v1 =	vld [tilespmem:s25+$0xFFFFFFF0];
	_ =	sdelay $0x4  }
0xf5: {  	[tilespmem:s0+$0x138] =	vst v1  }
0xf6: {  	v1 =	vld [tilespmem:s25+$0x0];
	_ =	sdelay $0x4  }
0xf7: {  	[tilespmem:s0+$0x148] =	vst v1  }
0xf8: {  	v1 =	vld [tilespmem:s25+$0x10];
	_ =	sdelay $0x4  }
0xf9: {  	[tilespmem:s0+$0x158] =	vst v1  }
0xfa: {  	v1 =	vld [tilespmem:s25+$0x20];
	_ =	sdelay $0x4  }
0xfb: {  	[tilespmem:s0+$0x168] =	vst v1  }
0xfc: {  	v1 =	vld [tilespmem:s25+$0x30]  }
.Ltmp15:
0xfd: {  	_ = 	snop;
	(pc) =	sbr.rel .LBB2_17-.Ltmp15, $2  }
0xfe: {  	_ =	sdelay $0x2  }
0xff: {  	s28 =	sadd.s32 $0x1, s28;
	[tilespmem:s0+$0x178] =	vst v1  }
.LBB2_19:
.Ltmp16:
0x100: {  	(pc) =	sbr.rel .LBB2_20-.Ltmp16, $4  }
0x101: {  	_ = 	snop  }
0x102: {  	s0 =	simm.s32 $0x2  }
0x103: {  	_ =	swait.ge [sflag:s0], $0x0  }
0x104: {  	s30 =	smov.u32 s29;
	[sflag:s0] =	ssyncset.done $0x0;
	s0 =	simm.s32 $0x0  }
.LBB2_22:
0x105: {  	_ =	sfence.sel $0x180000  }
0x106: {  	s0 =	simm.s32 $0x9;
	[bflag:$0x0] =	sbarrier.arrive $0xFFFF  }
0x107: {  	s24 =	simm.s32 $0xA;
	[sflag:s0] =	ssyncpa.u1 $0x1  }
0x108: {  	s25 =	simm.s32 $0xB;
	[sflag:s24] =	ssyncpa.u1 $0x1  }
0x109: {  	s26 =	simm.s32 $0x2;
	[sflag:s25] =	ssyncpa.u1 $0x1  }
0x10a: {  	[sflag:s26] =	ssyncpa.u1 $0x1  }
0x10b: {  	v0 =	vld [tilespmem:$0xF208];
	_ =	sdelay $0x4  }
0x10c: {  	(v2sf) =	vpush v0, $0x0  }
0x10d: {  	(v2sf) =	vpush v0, $0x1;
	_ =	sdelay $0x1  }
0x10e: {  	(v2sf) =	vpush v0, $0x2;
	_ =	sdelay $0xb  }
0x10f: {  	s0 =	spop (v2sf)  }
0x110: {  	s2 =	spop (v2sf)  }
0x111: {  	s3 =	smov.u32 s0;
	p0 =	sne.s32 s0, s2  }
0x112: {  	s4 =	spop (v2sf);
	s3 =	simm.s32 @!p0 $0xFFFFFFFF  }
0x113: {  	v2 =	vimm.s32 $0x1;
	v3 =	vlaneseq.u32;
	p0 =	seq.s32 s4, $0xFFFFFFFF;
	v1 =	vmov s3  }
0x114: {  	s16 =	stileid.u32;
	v0 =	vperm.xlane v0, v2;
	p1 =	sne.s32 @!p0 s0, s2;
	v1 =	vperm.xlane v1, v3  }
0x115: {  	vm0 =	vcmask $0x3F04;
	s6 =	simm.s32 $0xF208;
	s0 =	simm.s32 @!p0 $0x1;
	p1 =	por !p1, p0  }
0x116: {  	s3 =	sshll.u32 s16, $0x1;
	s2 =	sshll.u32 @!p0 s4, $0x9;
	s0 =	simm.s32 @p1 $0x0;
	v0 =	vsel vm0, v1, v0  }
0x117: {  	s5 =	sor.u32 $0x1000, s3;
	s2 =	sshra.s32 @!p0 s2, $0x2;
	s0 =	sor.u32 @!p0 s0, s3;
	[tilespmem:$0xF208] =	vst v0  }
0x118: {  	[spmem:s5] =	stream.linear.scatter [tilespmem:s6], [sflag:$0x1], $0x2, $0x38;
	[tilespmem:$0x1F6F8] =	vst v63  }
0x119: {  	s2 =	sadd.s32 @!p0 $0x108, s2;
	s0 =	sshll.u32 @!p0 s0, $0x7  }
0x11a: {  	[spmem:s0] =	stream.linear.scatter @!p0 [tilespmem:s2], [sflag:$0x1], $0x80, $0x38;
	[tilespmem:$0x1F6F8] =	vst v63  }
0x11b: {  	s0 =	simm.s32 @!p0 $0x82  }
0x11c: {  	s28 =	simm.s32 $0x1;
	s0 =	simm.s32 @p0 $0x2  }
0x11d: {  	_ =	swait.ge [sflag:s28], s0  }
0x11e: {  	s0 =	ssub.s32 $0x0, s0;
	[sflag:s28] =	ssyncset.done $0x0  }
0x11f: {  	p0 =	sne.s32 s16, $0x0;
	[sflag:s28] =	ssyncadd.s32 s0  }
.Ltmp17:
0x120: {  	_ =	sfence.stream.spmem;
	(pc) =	sbr.rel @p0 .LBB2_39-.Ltmp17, $4  }
0x121: {  	s29 =	simm.s32 $0x3;
	[bflag:$0x0] =	sbarrier.arrive $0xFFFF  }
0x122: {  	s30 =	simm.s32 $0x4;
	[sflag:s29] =	ssyncpa.u1 $0x1  }
0x123: {  	s31 =	simm.s32 $0x3C;
	[sflag:s30] =	ssyncpa.u1 $0x1  }
0x124: {  	s15 =	rddreg [dreg:$0x4];
	[sflag:s31] =	ssyncpa.u1 $0x1  }
0x125: {  	_ =	sfence.stream.spmem;
	s0 =	simm.s32 $0x5  }
0x126: {  	s2 =	simm.s32 $0x1000;
	s3 =	simm.s32 $0xF218;
	[sflag:s0] =	ssyncpa.u1 $0x0  }
0x127: {  	[tilespmem:s3], [sflag:$0x5] =	stream.linear.gather [spmem:s2], $0x20, $0x38;
	[tilespmem:$0x1F6F8] =	vst v63  }
0x128: {  	s26 =	simm.s32 $0x0;
	s28 =	simm.s32 $0xF238  }
0x129: {  	[tilespmem:s28], [sflag:$0x5] =	stream.linear.gather [spmem:s26], $0x1000, $0x38;
	[tilespmem:$0x1F6F8] =	vst v63  }
0x12a: {  	_ =	swait.ge [sflag:s0], $0x1020  }
0x12b: {  	[sflag:s0] =	ssyncset.done $0x0  }
0x12c: {  	s29 =	simm.s32 $0x0;
	[sflag:s0] =	ssyncadd.s32 $0xFFFFEFE0  }
0x12d: {  	v0 =	vld.msk [tilespmem:s29+$0xF218], $0x1;
	_ =	sdelay $0x1  }
0x12e: {  	s30 =	simm.s32 $0x1  }
0x12f: {  	v1 =	vld.msk [tilespmem:s30+$0xF218], $0x1;
	_ =	sdelay $0x1  }
0x130: {  	(v2sf) =	vpush v0, $0x0;
	_ =	sdelay $0x2  }
0x131: {  	(v2sf) =	vpush v1, $0x0;
	_ =	sdelay $0x2  }
0x132: {  	s31 =	simm.s32 $0x2  }
0x133: {  	v0 =	vld.msk [tilespmem:s31+$0xF218], $0x1;
	_ =	sdelay $0x2  }
0x134: {  	s4 =	simm.s32 $0xFFFFFFFF;
	s5 =	simm.s32 $0xFFFFFFFF;
	s0 =	simm.s32 $0xC  }
.LBB2_24:
0x135: {  	s2 =	smov.u32 s5;
	s3 =	smov.u32 s4  }
0x136: {  	s4 =	sshra.s32 s0, $0x2;
	p1 =	sne.s32 s0, $0x7C;
	s0 =	sadd.s32 $0x4, s0;
	(v2sf) =	vpush v0, $0x0  }
0x137: {  	v0 =	vld.msk [tilespmem:s4+$0xF218], $0x1  }
.Ltmp18:
0x138: {  	(pc) =	sbr.rel @p1 .LBB2_24-.Ltmp18, $4  }
0x139: {  	s5 =	spop (v2sf)  }
0x13a: {  	p2 =	sne.s32 s3, $0xFFFFFFFF;
	s4 =	smov.u32 s5  }
0x13b: {  	p3 =	seq.s32 s5, $0xFFFFFFFF;
	s4 =	smov.u32 @p2 s3  }
0x13c: {  	s5 =	smov.u32 @p3 s2;
	s4 =	smov.u32 @p3 s3  }
0x13d: {  	(v2sf) =	vpush v0, $0x0;
	_ =	sdelay $0x8  }
0x13e: {  	s0 =	spop (v2sf)  }
0x13f: {  	p1 =	sne.s32 s4, $0xFFFFFFFF;
	s2 =	smov.u32 s0  }
0x140: {  	s9 =	simm.s32 $0x6;
	p2 =	seq.s32 s0, $0xFFFFFFFF;
	s2 =	smov.u32 @p1 s4  }
0x141: {  	s6 =	simm.s32 $0x0;
	s2 =	smov.u32 @p2 s4;
	s3 =	spop (v2sf)  }
0x142: {  	s0 =	smov.u32 @p2 s5;
	p1 =	sne.s32 s2, $0xFFFFFFFF;
	s4 =	smov.u32 s3  }
.Ltmp19:
0x143: {  	p2 =	seq.s32 s3, $0xFFFFFFFF;
	s4 =	smov.u32 @p1 s2;
	(pc) =	sbr.rel .LBB2_26-.Ltmp19, $4  }
0x144: {  	s10 =	simm.s32 $0xF188;
	s4 =	smov.u32 @p2 s2;
	s7 =	spop (v2sf)  }
0x145: {  	s11 =	simm.s32 $0x0;
	p1 =	sne.s32 s4, $0xFFFFFFFF;
	s8 =	smov.u32 s7  }
0x146: {  	s3 =	smov.u32 @p2 s0;
	p2 =	seq.s32 s7, $0xFFFFFFFF;
	s8 =	smov.u32 @p1 s4  }
0x147: {  	[sflag:s9] =	ssyncpa.u1 $0x0;
	s7 =	smov.u32 @p2 s3;
	s8 =	smov.u32 @p2 s4  }
.LBB2_32:
0x148: {  	p1 =	sgt.u32 s12, $0xC7FF0  }
0x149: {  	p2 =	seq.s32 @!p1 s12, s8  }
0x14a: {  	p1 =	por p1, p2  }
0x14b: {  	p2 =	sne.s32 @!p1 s12, s7  }
0x14c: {  	p1 =	por p1, !p2  }
0x14d: {  	s0 =	sshll.u32 @p1 s11, $0x9  }
0x14e: {  	s0 =	sand.u32 @!p1 $0xFFFF8, s12  }
0x14f: {  	s2 =	sand.u32 @!p1 $0x7, s12;
	s0 =	sadd.s32 @!p1 s1, s0  }
0x150: {  	[tilespmem:s10], [sflag:$0x6] =	stream.linear.gather @!p1 [hbm4b:s0+s2], $0x80, $0x38;
	[tilespmem:$0x1F6F8] =	vst v63  }
0x151: {  	_ =	swait.ge @!p1 [sflag:s9], $0x80  }
0x152: {  	[sflag:s9] =	ssyncset.done @!p1 $0x0  }
0x153: {  	[sflag:s9] =	ssyncadd.s32 @!p1 $0xFFFFFF80  }
0x154: {  	v1 =	vld @!p1 [tilespmem:$0xF188];
	_ =	sdelay $0x2  }
0x155: {  	s0 =	sshll.u32 @!p1 s11, $0x9  }
0x156: {  	s2 =	sshrl.u32 @!p1 s0, $0x2  }
0x157: {  	[tilespmem:s2+$0xF238] =	vst.add.f32.msk @!p1 $0xffff, v1  }
0x158: {  	v1 =	vld @!p1 [tilespmem:$0xF198];
	_ =	sdelay $0x4  }
0x159: {  	[tilespmem:s2+$0xF248] =	vst.add.f32.msk @!p1 $0xffff, v1  }
0x15a: {  	v1 =	vld @!p1 [tilespmem:$0xF1A8];
	_ =	sdelay $0x4  }
0x15b: {  	[tilespmem:s2+$0xF258] =	vst.add.f32.msk @!p1 $0xffff, v1  }
0x15c: {  	v1 =	vld @!p1 [tilespmem:$0xF1B8];
	_ =	sdelay $0x4  }
0x15d: {  	[tilespmem:s2+$0xF268] =	vst.add.f32.msk @!p1 $0xffff, v1  }
0x15e: {  	v1 =	vld @!p1 [tilespmem:$0xF1C8];
	_ =	sdelay $0x4  }
0x15f: {  	[tilespmem:s2+$0xF278] =	vst.add.f32.msk @!p1 $0xffff, v1  }
0x160: {  	v1 =	vld @!p1 [tilespmem:$0xF1D8];
	_ =	sdelay $0x4  }
0x161: {  	[tilespmem:s2+$0xF288] =	vst.add.f32.msk @!p1 $0xffff, v1  }
0x162: {  	v1 =	vld @!p1 [tilespmem:$0xF1E8];
	_ =	sdelay $0x4  }
0x163: {  	[tilespmem:s2+$0xF298] =	vst.add.f32.msk @!p1 $0xffff, v1  }
0x164: {  	v1 =	vld @!p1 [tilespmem:$0xF1F8];
	_ =	sdelay $0x4  }
0x165: {  	[tilespmem:s2+$0xF2A8] =	vst.add.f32.msk @!p1 $0xffff, v1  }
0x166: {  	s0 =	sshrl.u32 s0, $0x2;
	[tilespmem:s6+$0xF218] =	vst.msk $0x1, v0  }
0x167: {  	v0 =	vld [tilespmem:s0+$0xF238];
	_ =	sdelay $0x2  }
0x168: {  	s31 =	sshll.u32 s6, $0x9  }
0x169: {  	s2 =	sshra.s32 s31, $0x2  }
0x16a: {  	[tilespmem:s2+$0xF238] =	vst v0  }
0x16b: {  	v0 =	vld [tilespmem:s0+$0xF248];
	_ =	sdelay $0x4  }
0x16c: {  	[tilespmem:s2+$0xF248] =	vst v0  }
0x16d: {  	v0 =	vld [tilespmem:s0+$0xF258];
	_ =	sdelay $0x4  }
0x16e: {  	[tilespmem:s2+$0xF258] =	vst v0  }
0x16f: {  	v0 =	vld [tilespmem:s0+$0xF268];
	_ =	sdelay $0x4  }
0x170: {  	[tilespmem:s2+$0xF268] =	vst v0  }
0x171: {  	v0 =	vld [tilespmem:s0+$0xF278];
	_ =	sdelay $0x4  }
0x172: {  	[tilespmem:s2+$0xF278] =	vst v0  }
0x173: {  	v0 =	vld [tilespmem:s0+$0xF288];
	_ =	sdelay $0x4  }
0x174: {  	[tilespmem:s2+$0xF288] =	vst v0  }
0x175: {  	v0 =	vld [tilespmem:s0+$0xF298];
	_ =	sdelay $0x4  }
0x176: {  	[tilespmem:s2+$0xF298] =	vst v0  }
0x177: {  	v0 =	vld [tilespmem:s0+$0xF2A8];
	_ =	sdelay $0x4  }
0x178: {  	s6 =	sadd.s32 $0x1, s6;
	[tilespmem:s2+$0xF2A8] =	vst v0  }
.LBB2_33:
0x179: {  	s11 =	sadd.s32 $0x1, s11  }
0x17a: {  	p1 =	sne.s32 s11, $0x20  }
.Ltmp20:
0x17b: {  	_ = 	snop;
	(pc) =	sbr.rel @!p1 .LBB2_34-.Ltmp20, $1  }
0x17c: {  	_ =	sdelay $0x3  }
.LBB2_26:
0x17d: {  	v0 =	vld.msk [tilespmem:s11+$0xF218], $0x1;
	_ =	sdelay $0x4  }
0x17e: {  	(v2sf) =	vpush v0, $0x0;
	_ =	sdelay $0xe  }
0x17f: {  	s12 =	spop (v2sf)  }
0x180: {  	p1 =	seq.s32 s12, $0xFFFFFFFF  }
.Ltmp21:
0x181: {  	_ = 	snop;
	(pc) =	sbr.rel @p1 .LBB2_33-.Ltmp21, $1  }
0x182: {  	_ =	sdelay $0x3  }
0x183: {  	p1 =	slt.s32 s6, $0x1  }
.Ltmp22:
0x184: {  	_ = 	snop;
	(pc) =	sbr.rel @p1 .LBB2_32-.Ltmp22, $1  }
0x185: {  	_ =	sdelay $0x3  }
0x186: {  	s13 =	simm.s32 $0xF218;
	p1 =	por $0x0, $0x0  }
0x187: {  	v1 =	vld.msk @!p1 [tilespmem:s13+$0x0], $0x1;
	_ =	sdelay $0x4  }
0x188: {  	(v2sf) =	vpush @!p1 v1, $0x0;
	_ =	sdelay $0xd  }
0x189: {  	p3 =	sne.s32 s6, $0x1  }
.Ltmp23:
0x18a: {  	s0 =	spop @!p1 (v2sf);
	(pc) =	sbr.rel @!p3 .LBB2_30-.Ltmp23, $4  }
0x18b: {  	p2 =	seq.s32 @!p1 s12, s0  }
0x18c: {  	s14 =	simm.s32 $0x0;
	p2 =	por !p2, p1  }
0x18d: {  	s2 =	simm.s32 $0xFFFFFFFF;
	s14 =	simm.s32 @p2 $0xFFFFFFFF  }
0x18e: {  	s0 =	simm.s32 $0x1;
	s14 =	smov.u32 @p1 s2  }
.LBB2_29:
0x18f: {  	s2 =	smov.u32 s14;
	p1 =	sne.s32 s14, $0xFFFFFFFF  }
0x190: {  	s13 =	sadd.s32 $0x1, s13;
	s14 =	smov.u32 s0;
	s0 =	sadd.s32 $0x1, s0  }
0x191: {  	p2 =	sne.s32 s6, s0;
	v1 =	vld.msk @!p1 [tilespmem:s13+$0x0], $0x1;
	_ =	sdelay $0x4  }
0x192: {  	(v2sf) =	vpush @!p1 v1, $0x0;
	_ =	sdelay $0xe  }
.Ltmp24:
0x193: {  	s3 =	spop @!p1 (v2sf);
	(pc) =	sbr.rel @p2 .LBB2_29-.Ltmp24, $4  }
0x194: {  	p3 =	seq.s32 @!p1 s12, s3  }
0x195: {  	p3 =	por !p3, p1  }
0x196: {  	s14 =	simm.s32 @p3 $0xFFFFFFFF  }
0x197: {  	s14 =	smov.u32 @p1 s2  }
.LBB2_30:
0x198: {  	p1 =	seq.s32 s14, $0xFFFFFFFF  }
.Ltmp25:
0x199: {  	_ = 	snop;
	(pc) =	sbr.rel @p1 .LBB2_32-.Ltmp25, $1  }
0x19a: {  	_ =	sdelay $0x3  }
0x19b: {  	s0 =	sshll.u32 s11, $0x7  }
0x19c: {  	s0 =	sand.u32 $0x3FFFFF80, s0  }
0x19d: {  	v0 =	vld [tilespmem:s0+$0xF238];
	_ =	sdelay $0x2  }
0x19e: {  	s2 =	sshll.u32 s14, $0x9  }
0x19f: {  	s2 =	sshra.s32 s2, $0x2  }
0x1a0: {  	[tilespmem:s2+$0xF238] =	vst.add.f32.msk $0xffff, v0  }
0x1a1: {  	v0 =	vld [tilespmem:s0+$0xF248];
	_ =	sdelay $0x4  }
0x1a2: {  	[tilespmem:s2+$0xF248] =	vst.add.f32.msk $0xffff, v0  }
0x1a3: {  	v0 =	vld [tilespmem:s0+$0xF258];
	_ =	sdelay $0x4  }
0x1a4: {  	[tilespmem:s2+$0xF258] =	vst.add.f32.msk $0xffff, v0  }
0x1a5: {  	v0 =	vld [tilespmem:s0+$0xF268];
	_ =	sdelay $0x4  }
0x1a6: {  	[tilespmem:s2+$0xF268] =	vst.add.f32.msk $0xffff, v0  }
0x1a7: {  	v0 =	vld [tilespmem:s0+$0xF278];
	_ =	sdelay $0x4  }
0x1a8: {  	[tilespmem:s2+$0xF278] =	vst.add.f32.msk $0xffff, v0  }
0x1a9: {  	v0 =	vld [tilespmem:s0+$0xF288];
	_ =	sdelay $0x4  }
0x1aa: {  	[tilespmem:s2+$0xF288] =	vst.add.f32.msk $0xffff, v0  }
0x1ab: {  	v0 =	vld [tilespmem:s0+$0xF298];
	_ =	sdelay $0x4  }
0x1ac: {  	[tilespmem:s2+$0xF298] =	vst.add.f32.msk $0xffff, v0  }
0x1ad: {  	v0 =	vld [tilespmem:s0+$0xF2A8]  }
.Ltmp26:
0x1ae: {  	_ = 	snop;
	(pc) =	sbr.rel .LBB2_33-.Ltmp26, $2  }
0x1af: {  	_ =	sdelay $0x2  }
0x1b0: {  	[tilespmem:s2+$0xF2A8] =	vst.add.f32.msk $0xffff, v0  }
.LBB2_34:
0x1b1: {  	s0 =	simm.s32 $0x6;
	p1 =	seq.s32 s6, $0x0  }
0x1b2: {  	[sflag:s0] =	ssyncpa.u1 $0x1;
	v0 =	vimm.s32 @p1 $0xFFFFFFFF  }
0x1b3: {  	s9 =	sadd.s32 $0xFFFFFFFF, s6;
	[tilespmem:$0x10238] =	vst @p1 v0  }
0x1b4: {  	v0 =	vld.msk @!p1 [tilespmem:s9+$0xF218], $0x1;
	_ =	sdelay $0x1  }
0x1b5: {  	v1 =	vld.msk @!p1 [tilespmem:$0xF218], $0x1;
	_ =	sdelay $0x2  }
0x1b6: {  	p2 =	seq.s32 @!p1 s9, $0x0;
	v0 =	vbroadcast @!p1 v0, $0x0  }
0x1b7: {  	vm0 =	vmmov @!p1 $0x1;
	p2 =	por !p2, p1  }
0x1b8: {  	v1 =	vnsel @!p1 vm0, $0xFFFFFFFF, v1;
	vm0 =	vcmask @!p1 $0x308;
	v0 =	vpsel !p2, $0xFFFFFFFF, v0  }
0x1b9: {  	p2 =	sne.s32 @!p1 s8, s7;
	v0 =	vsel @!p1 vm0, v1, v0  }
0x1ba: {  	s0 =	simm.s32 @!p1 $0xF238;
	s2 =	simm.s32 @!p1 $0x0;
	p3 =	por !p2, p1;
	[tilespmem:$0x10238] =	vst @!p1 v0  }
0x1bb: {  	[spmem:s2] =	stream.linear.scatter @!p1 [tilespmem:s0], [sflag:$0x1], $0x80, $0x38;
	[tilespmem:$0x1F6F8] =	vst v63  }
0x1bc: {  	s0 =	sshll.u32 @!p3 s9, $0x9  }
0x1bd: {  	s0 =	sshra.s32 @!p3 s0, $0x2  }
0x1be: {  	s2 =	simm.s32 @!p3 $0x80;
	s0 =	sadd.s32 @!p3 $0xF238, s0  }
0x1bf: {  	[spmem:s2] =	stream.linear.scatter @!p3 [tilespmem:s0], [sflag:$0x1], $0x80, $0x38;
	[tilespmem:$0x1F6F8] =	vst v63  }
0x1c0: {  	s0 =	simm.s32 @!p3 $0x1  }
0x1c1: {  	_ =	swait.ge @!p3 [sflag:s0], $0x100  }
0x1c2: {  	p1 =	por p2, p1;
	[sflag:s0] =	ssyncset.done @!p3 $0x0  }
0x1c3: {  	[sflag:s0] =	ssyncadd.s32 @!p3 $0xFFFFFF00;
	s0 =	simm.s32 @!p1 $0x1  }
0x1c4: {  	_ =	swait.ge @!p1 [sflag:s0], $0x80  }
0x1c5: {  	s29 =	simm.s32 $0x10238;
	[sflag:s0] =	ssyncset.done @!p1 $0x0  }
0x1c6: {  	s30 =	simm.s32 $0x1000;
	s31 =	simm.s32 $0x1;
	[sflag:s0] =	ssyncadd.s32 @!p1 $0xFFFFFF80  }
0x1c7: {  	[spmem:s30] =	stream.linear.scatter [tilespmem:s29], [sflag:$0x1], $0x10, $0x38;
	[tilespmem:$0x1F6F8] =	vst v63  }
0x1c8: {  	_ =	swait.ge [sflag:s31], $0x10  }
0x1c9: {  	[sflag:s31] =	ssyncset.done $0x0  }
0x1ca: {  	p1 =	seq.s32 s15, $0x0;
	s8 =	rddreg [dreg:$0x1];
	[sflag:s31] =	ssyncadd.s32 $0xFFFFFFF0  }
0x1cb: {  	s2 =	sshll.u32 @p1 s8, $0xE;
	s7 =	rddreg [dreg:$0x2]  }
0x1cc: {  	s0 =	sadd.s32 @p1 $0x15C3C, s2;
	s2 =	sshll.u32 @p1 s7, $0x11  }
0x1cd: {  	_ =	sfence.stream.spmem;
	s0 =	sor.u32 @p1 s2, s0  }
0x1ce: {  	[sflag:s0] =	ssyncadd.remote.s32 @p1 $0x1;
	s0 =	simm.s32 @p1 $0x4  }
0x1cf: {  	s3 =	simm.s32 @!p1 $0x3C;
	s2 =	sand.u32 $0xFFFFFFFE, s8;
	_ =	swait.ge @p1 [sflag:s0], $0x22  }
0x1d0: {  	s4 =	simm.s32 @!p1 $0x0;
	s2 =	sadd.s32 @!p1 $0x4, s2;
	[sflag:s0] =	ssyncset.done @p1 $0x0  }
0x1d1: {  	s5 =	simm.s32 @!p1 $0x100;
	[sflag:s0] =	ssyncadd.s32 @p1 $0xFFFFFFDE;
	s0 =	sshll.u32 @!p1 s2, $0x1A  }
0x1d2: {  	s2 =	sshll.u32 @!p1 s2, $0xD;
	s0 =	sor.u32 @!p1 s0, s7;
	_ =	swait.eq @!p1 [sflag:s3], $0x1  }
0x1d3: {  	s2 =	sor.u32 @!p1 $0x1C04, s2;
	s3 =	simm.s32 @!p1 $0x1C03;
	s0 =	sor.u32 @!p1 $0x80004000, s0  }
0x1d4: {  	[spmem:s5], [sflag:s2] =	dma.general @!p1 [spmem:s4], [sflag:s3], length:$0x20, [dreg:$0x0], stride_count:$0x0, ici_dest:s0, dma_misc:DstOpCode:WRITE  }
0x1d5: {  	p2 =	slt.s32 s9, $0x2;
	s4 =	simm.s32 @!p1 $0x200;
	s5 =	simm.s32 @!p1 $0x202  }
0x1d6: {  	[spmem:s5], [sflag:s2] =	dma.general @!p1 [spmem:s4], [sflag:s3], length:$0x2, [dreg:$0x0], stride_count:$0x0, ici_dest:s0, dma_misc:DstOpCode:WRITE  }
.Ltmp27:
0x1d7: {  	s0 =	simm.s32 @!p1 $0x3;
	(pc) =	sbr.rel @p2 .LBB2_38-.Ltmp27, $4  }
0x1d8: {  	s2 =	sshll.u32 @!p1 s8, $0xE;
	_ =	swait.ge @!p1 [sflag:s0], $0x22  }
0x1d9: {  	s3 =	sshll.u32 @!p1 s7, $0x11;
	s2 =	sadd.s32 @!p1 $0x11C3C, s2;
	[sflag:s0] =	ssyncset.done @!p1 $0x0  }
0x1da: {  	[sflag:s0] =	ssyncadd.s32 @!p1 $0xFFFFFFDE;
	s0 =	sor.u32 @!p1 s3, s2  }
0x1db: {  	[sflag:s0] =	ssyncadd.remote.s32 @!p1 $0xFFFFFFFF;
	s0 =	simm.s32 $0x0  }
0x1dc: {  	s0 =	simm.s32 $0xF219  }
0x1dd: {  	v0 =	vld.msk [tilespmem:s0+$0x0], $0x1;
	_ =	sdelay $0x4  }
0x1de: {  	(v2sf) =	vpush v0, $0x0;
	_ =	sdelay $0xb  }
0x1df: {  	s31 =	sadd.s32 $0xFFFFFFFE, s6  }
0x1e0: {  	s0 =	sadd.s32 $0xFFFFFFFF, s31  }
0x1e1: {  	p2 =	sne.s32 s0, $0x0  }
.Ltmp28:
0x1e2: {  	s2 =	spop (v2sf);
	(pc) =	sbr.rel @!p2 .LBB2_37-.Ltmp28, $4  }
0x1e3: {  	s4 =	simm.s32 $0xF2B8;
	s7 =	simm.s32 $0x0;
	p1 =	sgt.u32 s2, $0xC7FF0  }
0x1e4: {  	s5 =	simm.s32 $0x0;
	s6 =	simm.s32 $0xF21A;
	s3 =	sand.u32 @!p1 $0xFFFF8, s2  }
0x1e5: {  	s2 =	sand.u32 @!p1 $0x7, s2;
	s7 =	simm.s32 @!p1 $0x200;
	s3 =	sadd.s32 @!p1 s1, s3  }
0x1e6: {  	[hbm4b:s3+s2] =	stream.linear.scatter @!p1 [tilespmem:s4], [sflag:$0x5], $0x80, $0x38;
	[tilespmem:$0x1F6F8] =	vst v63  }
.LBB2_36:
0x1e7: {  	v0 =	vld.msk [tilespmem:s6+$0x0], $0x1;
	s0 =	sadd.s32 $0xFFFFFFFF, s0;
	s5 =	sadd.s32 s5, s7  }
0x1e8: {  	p1 =	sne.s32 s0, $0x0;
	_ =	sdelay $0x3  }
0x1e9: {  	(v2sf) =	vpush v0, $0x0;
	_ =	sdelay $0xe  }
.Ltmp29:
0x1ea: {  	s2 =	spop (v2sf);
	(pc) =	sbr.rel @p1 .LBB2_36-.Ltmp29, $4  }
0x1eb: {  	s7 =	simm.s32 $0x0;
	p2 =	sgt.u32 s2, $0xC7FF0  }
0x1ec: {  	s4 =	sadd.s32 $0x80, s4;
	s7 =	simm.s32 @!p2 $0x200;
	s3 =	sand.u32 @!p2 $0xFFFF8, s2  }
0x1ed: {  	s6 =	sadd.s32 $0x1, s6;
	s2 =	sand.u32 @!p2 $0x7, s2;
	s3 =	sadd.s32 @!p2 s1, s3  }
0x1ee: {  	[hbm4b:s3+s2] =	stream.linear.scatter @!p2 [tilespmem:s4], [sflag:$0x5], $0x80, $0x38;
	[tilespmem:$0x1F6F8] =	vst v63  }
.LBB2_37:
0x1ef: {  	s0 =	sadd.s32 s5, s7  }
0x1f0: {  	s0 =	sshrl.u32 s0, $0x2  }
.LBB2_38:
0x1f1: {  	s2 =	simm.s32 $0x5  }
0x1f2: {  	_ =	swait.ge [sflag:s2], s0  }
0x1f3: {  	s31 =	ssub.s32 $0x0, s0;
	[sflag:s2] =	ssyncset.done $0x0  }
0x1f4: {  	[sflag:s2] =	ssyncadd.s32 s31  }
0x1f5: {  	[sflag:s2] =	ssyncpa.u1 $0x1  }
.LBB2_39:
0x1f6: {  	s0 =	sor.u32 s15, s16  }
0x1f7: {  	p1 =	sne.s32 s0, $0x0  }
.Ltmp30:
0x1f8: {  	_ = 	snop;
	(pc) =	sbr.rel @p1 .LBB2_54-.Ltmp30, $3  }
0x1f9: {  	_ =	sdelay $0x1  }
0x1fa: {  	[bflag:$0x0] =	sbarrier.arrive $0xFFFF  }
0x1fb: {  	_ =	sfence  }
0x1fc: {  	s0 =	simm.s32 $0x7  }
0x1fd: {  	s2 =	simm.s32 $0x1000;
	s3 =	simm.s32 $0xF218;
	[sflag:s0] =	ssyncpa.u1 $0x0  }
0x1fe: {  	[tilespmem:s3], [sflag:$0x7] =	stream.linear.gather [spmem:s2], $0x20, $0x38;
	[tilespmem:$0x1F6F8] =	vst v63  }
0x1ff: {  	s30 =	simm.s32 $0xF238;
	s2 =	simm.s32 $0x0  }
0x200: {  	[tilespmem:s30], [sflag:$0x7] =	stream.linear.gather [spmem:s2], $0x1000, $0x38;
	[tilespmem:$0x1F6F8] =	vst v63  }
.Ltmp31:
0x201: {  	_ = 	snop;
	(pc) =	sbr.rel .LBB2_41-.Ltmp31, $4  }
0x202: {  	_ =	swait.ge [sflag:s0], $0x1020  }
0x203: {  	[sflag:s0] =	ssyncset.done $0x0  }
0x204: {  	s31 =	simm.s32 $0x8;
	[sflag:s0] =	ssyncadd.s32 $0xFFFFEFE0  }
0x205: {  	s3 =	simm.s32 $0x0;
	[sflag:s31] =	ssyncpa.u1 $0x0  }
.LBB2_47:
0x206: {  	p1 =	slt.u32 s4, $0xC7FF1  }
0x207: {  	s0 =	sand.u32 @p1 $0xFFFF8, s4  }
0x208: {  	s4 =	sand.u32 @p1 $0x7, s4;
	s5 =	simm.s32 @p1 $0xF188;
	s0 =	sadd.s32 @p1 s1, s0  }
0x209: {  	[tilespmem:s5], [sflag:$0x8] =	stream.linear.gather @p1 [hbm4b:s0+s4], $0x80, $0x38;
	[tilespmem:$0x1F6F8] =	vst v63  }
0x20a: {  	s0 =	simm.s32 @p1 $0x8  }
0x20b: {  	_ =	swait.ge @p1 [sflag:s0], $0x80  }
0x20c: {  	[sflag:s0] =	ssyncset.done @p1 $0x0  }
0x20d: {  	[sflag:s0] =	ssyncadd.s32 @p1 $0xFFFFFF80  }
0x20e: {  	v1 =	vld @p1 [tilespmem:$0xF188];
	_ =	sdelay $0x2  }
0x20f: {  	s0 =	sshll.u32 @p1 s3, $0x9  }
0x210: {  	s4 =	sshrl.u32 @p1 s0, $0x2  }
0x211: {  	[tilespmem:s4+$0xF238] =	vst.add.f32.msk @p1 $0xffff, v1  }
0x212: {  	v1 =	vld @p1 [tilespmem:$0xF198];
	_ =	sdelay $0x4  }
0x213: {  	[tilespmem:s4+$0xF248] =	vst.add.f32.msk @p1 $0xffff, v1  }
0x214: {  	v1 =	vld @p1 [tilespmem:$0xF1A8];
	_ =	sdelay $0x4  }
0x215: {  	[tilespmem:s4+$0xF258] =	vst.add.f32.msk @p1 $0xffff, v1  }
0x216: {  	v1 =	vld @p1 [tilespmem:$0xF1B8];
	_ =	sdelay $0x4  }
0x217: {  	[tilespmem:s4+$0xF268] =	vst.add.f32.msk @p1 $0xffff, v1  }
0x218: {  	v1 =	vld @p1 [tilespmem:$0xF1C8];
	_ =	sdelay $0x4  }
0x219: {  	[tilespmem:s4+$0xF278] =	vst.add.f32.msk @p1 $0xffff, v1  }
0x21a: {  	v1 =	vld @p1 [tilespmem:$0xF1D8];
	_ =	sdelay $0x4  }
0x21b: {  	[tilespmem:s4+$0xF288] =	vst.add.f32.msk @p1 $0xffff, v1  }
0x21c: {  	v1 =	vld @p1 [tilespmem:$0xF1E8];
	_ =	sdelay $0x4  }
0x21d: {  	[tilespmem:s4+$0xF298] =	vst.add.f32.msk @p1 $0xffff, v1  }
0x21e: {  	v1 =	vld @p1 [tilespmem:$0xF1F8];
	_ =	sdelay $0x3  }
0x21f: {  	s5 =	sshll.u32 @!p1 s3, $0x9  }
0x220: {  	s5 =	smov.u32 @p1 s0;
	[tilespmem:s4+$0xF2A8] =	vst.add.f32.msk @p1 $0xffff, v1  }
0x221: {  	s0 =	sshrl.u32 s5, $0x2;
	[tilespmem:s2+$0xF218] =	vst.msk $0x1, v0  }
0x222: {  	v0 =	vld [tilespmem:s0+$0xF238];
	_ =	sdelay $0x2  }
0x223: {  	s31 =	sshll.u32 s2, $0x9  }
0x224: {  	s4 =	sshra.s32 s31, $0x2  }
0x225: {  	[tilespmem:s4+$0xF238] =	vst v0  }
0x226: {  	v0 =	vld [tilespmem:s0+$0xF248];
	_ =	sdelay $0x4  }
0x227: {  	[tilespmem:s4+$0xF248] =	vst v0  }
0x228: {  	v0 =	vld [tilespmem:s0+$0xF258];
	_ =	sdelay $0x4  }
0x229: {  	[tilespmem:s4+$0xF258] =	vst v0  }
0x22a: {  	v0 =	vld [tilespmem:s0+$0xF268];
	_ =	sdelay $0x4  }
0x22b: {  	[tilespmem:s4+$0xF268] =	vst v0  }
0x22c: {  	v0 =	vld [tilespmem:s0+$0xF278];
	_ =	sdelay $0x4  }
0x22d: {  	[tilespmem:s4+$0xF278] =	vst v0  }
0x22e: {  	v0 =	vld [tilespmem:s0+$0xF288];
	_ =	sdelay $0x4  }
0x22f: {  	[tilespmem:s4+$0xF288] =	vst v0  }
0x230: {  	v0 =	vld [tilespmem:s0+$0xF298];
	_ =	sdelay $0x4  }
0x231: {  	[tilespmem:s4+$0xF298] =	vst v0  }
0x232: {  	v0 =	vld [tilespmem:s0+$0xF2A8];
	_ =	sdelay $0x4  }
0x233: {  	s2 =	sadd.s32 $0x1, s2;
	[tilespmem:s4+$0xF2A8] =	vst v0  }
.LBB2_48:
0x234: {  	s3 =	sadd.s32 $0x1, s3  }
0x235: {  	p1 =	sne.s32 s3, $0x20  }
.Ltmp32:
0x236: {  	_ = 	snop;
	(pc) =	sbr.rel @!p1 .LBB2_49-.Ltmp32, $1  }
0x237: {  	_ =	sdelay $0x3  }
.LBB2_41:
0x238: {  	v0 =	vld.msk [tilespmem:s3+$0xF218], $0x1;
	_ =	sdelay $0x4  }
0x239: {  	(v2sf) =	vpush v0, $0x0;
	_ =	sdelay $0xe  }
0x23a: {  	s4 =	spop (v2sf)  }
0x23b: {  	p1 =	seq.s32 s4, $0xFFFFFFFF  }
.Ltmp33:
0x23c: {  	_ = 	snop;
	(pc) =	sbr.rel @p1 .LBB2_48-.Ltmp33, $1  }
0x23d: {  	_ =	sdelay $0x3  }
0x23e: {  	p1 =	slt.s32 s2, $0x1  }
.Ltmp34:
0x23f: {  	_ = 	snop;
	(pc) =	sbr.rel @p1 .LBB2_47-.Ltmp34, $1  }
0x240: {  	_ =	sdelay $0x3  }
0x241: {  	s5 =	simm.s32 $0xF218;
	p1 =	por $0x0, $0x0  }
0x242: {  	v1 =	vld.msk @!p1 [tilespmem:s5+$0x0], $0x1;
	_ =	sdelay $0x4  }
0x243: {  	(v2sf) =	vpush @!p1 v1, $0x0;
	_ =	sdelay $0xd  }
0x244: {  	p3 =	sne.s32 s2, $0x1  }
.Ltmp35:
0x245: {  	s0 =	spop @!p1 (v2sf);
	(pc) =	sbr.rel @!p3 .LBB2_45-.Ltmp35, $4  }
0x246: {  	p2 =	seq.s32 @!p1 s4, s0  }
0x247: {  	s6 =	simm.s32 $0x0;
	p2 =	por !p2, p1  }
0x248: {  	s7 =	simm.s32 $0xFFFFFFFF;
	s6 =	simm.s32 @p2 $0xFFFFFFFF  }
0x249: {  	s0 =	simm.s32 $0x1;
	s6 =	smov.u32 @p1 s7  }
.LBB2_44:
0x24a: {  	s7 =	smov.u32 s6;
	p1 =	sne.s32 s6, $0xFFFFFFFF  }
0x24b: {  	s5 =	sadd.s32 $0x1, s5;
	s6 =	smov.u32 s0;
	s0 =	sadd.s32 $0x1, s0  }
0x24c: {  	p2 =	sne.s32 s2, s0;
	v1 =	vld.msk @!p1 [tilespmem:s5+$0x0], $0x1;
	_ =	sdelay $0x4  }
0x24d: {  	(v2sf) =	vpush @!p1 v1, $0x0;
	_ =	sdelay $0xe  }
.Ltmp36:
0x24e: {  	s8 =	spop @!p1 (v2sf);
	(pc) =	sbr.rel @p2 .LBB2_44-.Ltmp36, $4  }
0x24f: {  	p3 =	seq.s32 @!p1 s4, s8  }
0x250: {  	p3 =	por !p3, p1  }
0x251: {  	s6 =	simm.s32 @p3 $0xFFFFFFFF  }
0x252: {  	s6 =	smov.u32 @p1 s7  }
.LBB2_45:
0x253: {  	p1 =	seq.s32 s6, $0xFFFFFFFF  }
.Ltmp37:
0x254: {  	_ = 	snop;
	(pc) =	sbr.rel @p1 .LBB2_47-.Ltmp37, $1  }
0x255: {  	_ =	sdelay $0x3  }
0x256: {  	s0 =	sshll.u32 s3, $0x7  }
0x257: {  	s0 =	sand.u32 $0x3FFFFF80, s0  }
0x258: {  	v0 =	vld [tilespmem:s0+$0xF238];
	_ =	sdelay $0x2  }
0x259: {  	s4 =	sshll.u32 s6, $0x9  }
0x25a: {  	s4 =	sshra.s32 s4, $0x2  }
0x25b: {  	[tilespmem:s4+$0xF238] =	vst.add.f32.msk $0xffff, v0  }
0x25c: {  	v0 =	vld [tilespmem:s0+$0xF248];
	_ =	sdelay $0x4  }
0x25d: {  	[tilespmem:s4+$0xF248] =	vst.add.f32.msk $0xffff, v0  }
0x25e: {  	v0 =	vld [tilespmem:s0+$0xF258];
	_ =	sdelay $0x4  }
0x25f: {  	[tilespmem:s4+$0xF258] =	vst.add.f32.msk $0xffff, v0  }
0x260: {  	v0 =	vld [tilespmem:s0+$0xF268];
	_ =	sdelay $0x4  }
0x261: {  	[tilespmem:s4+$0xF268] =	vst.add.f32.msk $0xffff, v0  }
0x262: {  	v0 =	vld [tilespmem:s0+$0xF278];
	_ =	sdelay $0x4  }
0x263: {  	[tilespmem:s4+$0xF278] =	vst.add.f32.msk $0xffff, v0  }
0x264: {  	v0 =	vld [tilespmem:s0+$0xF288];
	_ =	sdelay $0x4  }
0x265: {  	[tilespmem:s4+$0xF288] =	vst.add.f32.msk $0xffff, v0  }
0x266: {  	v0 =	vld [tilespmem:s0+$0xF298];
	_ =	sdelay $0x4  }
0x267: {  	[tilespmem:s4+$0xF298] =	vst.add.f32.msk $0xffff, v0  }
0x268: {  	v0 =	vld [tilespmem:s0+$0xF2A8]  }
.Ltmp38:
0x269: {  	_ = 	snop;
	(pc) =	sbr.rel .LBB2_48-.Ltmp38, $2  }
0x26a: {  	_ =	sdelay $0x2  }
0x26b: {  	[tilespmem:s4+$0xF2A8] =	vst.add.f32.msk $0xffff, v0  }
.LBB2_49:
0x26c: {  	p1 =	slt.s32 s2, $0x1  }
.Ltmp39:
0x26d: {  	_ = 	snop;
	(pc) =	sbr.rel @p1 .LBB2_53-.Ltmp39, $3  }
0x26e: {  	_ =	sdelay $0x1  }
0x26f: {  	s0 =	simm.s32 $0x8  }
0x270: {  	s3 =	simm.s32 $0x0;
	[sflag:s0] =	ssyncpa.u1 $0x1  }
0x271: {  	s0 =	simm.s32 $0xF218  }
0x272: {  	v0 =	vld.msk [tilespmem:s0+$0x0], $0x1;
	_ =	sdelay $0x4  }
0x273: {  	(v2sf) =	vpush v0, $0x0;
	_ =	sdelay $0xe  }
0x274: {  	s0 =	sadd.s32 $0xFFFFFFFF, s2;
	s5 =	spop (v2sf)  }
0x275: {  	p2 =	sne.s32 s0, $0x0;
	p1 =	sgt.u32 s5, $0xC7FF0  }
.Ltmp40:
0x276: {  	s6 =	sand.u32 @!p1 $0xFFFF8, s5;
	(pc) =	sbr.rel @!p2 .LBB2_52-.Ltmp40, $4  }
0x277: {  	s4 =	simm.s32 $0xF238;
	s5 =	sand.u32 @!p1 $0x7, s5;
	s2 =	sadd.s32 @!p1 s1, s6  }
0x278: {  	[hbm4b:s2+s5] =	stream.linear.scatter @!p1 [tilespmem:s4], [sflag:$0x7], $0x80, $0x38;
	[tilespmem:$0x1F6F8] =	vst v63  }
0x279: {  	s5 =	simm.s32 $0x0  }
0x27a: {  	s2 =	simm.s32 $0xF219;
	s5 =	simm.s32 @!p1 $0x200  }
.LBB2_51:
0x27b: {  	v0 =	vld.msk [tilespmem:s2+$0x0], $0x1;
	s0 =	sadd.s32 $0xFFFFFFFF, s0;
	s3 =	sadd.s32 s3, s5  }
0x27c: {  	p1 =	sne.s32 s0, $0x0;
	_ =	sdelay $0x3  }
0x27d: {  	(v2sf) =	vpush v0, $0x0;
	_ =	sdelay $0xe  }
.Ltmp41:
0x27e: {  	s6 =	spop (v2sf);
	(pc) =	sbr.rel @p1 .LBB2_51-.Ltmp41, $4  }
0x27f: {  	s5 =	simm.s32 $0x0;
	p2 =	sgt.u32 s6, $0xC7FF0  }
0x280: {  	s4 =	sadd.s32 $0x80, s4;
	s5 =	simm.s32 @!p2 $0x200;
	s7 =	sand.u32 @!p2 $0xFFFF8, s6  }
0x281: {  	s2 =	sadd.s32 $0x1, s2;
	s6 =	sand.u32 @!p2 $0x7, s6;
	s7 =	sadd.s32 @!p2 s1, s7  }
0x282: {  	[hbm4b:s7+s6] =	stream.linear.scatter @!p2 [tilespmem:s4], [sflag:$0x7], $0x80, $0x38;
	[tilespmem:$0x1F6F8] =	vst v63  }
.LBB2_52:
0x283: {  	s0 =	sadd.s32 s3, s5  }
0x284: {  	s3 =	sshrl.u32 s0, $0x2  }
.LBB2_53:
0x285: {  	s0 =	simm.s32 $0x7  }
0x286: {  	_ =	swait.ge [sflag:s0], s3  }
0x287: {  	s1 =	ssub.s32 $0x0, s3;
	[sflag:s0] =	ssyncset.done $0x0  }
0x288: {  	[sflag:s0] =	ssyncadd.s32 s1  }
0x289: {  	[sflag:s0] =	ssyncpa.u1 $0x1  }
.LBB2_54:
0x28a: {  	_ =	sfence;
	s0 =	simm.s32 $0x1  }
0x28b: {  	[sflag:s0] =	ssyncpa.u1 $0x1  }
0x28c: {  	_ =	strace $0x90000071  }
0x28d: {  	[bflag:$0x2] =	sbarrier.arrive $0xFFFF  }
0x28e: {  	s0 =	rddreg [dreg:$0x3]  }
0x28f: {  	s0 =	sadd.s32 @!p0 $0x100000, s0  }
0x290: {  	[sflag:s0] =	ssyncadd.tile.s32 @!p0 $0x1;
	_ =	shalt  }
.Lfunc_end2:
_tile_overlayer_lowered:
.L_overlay_start_2:
0x291: {  	(tag) =	ssettag $0x2  }
0x292: {  	s0 =	rddreg [dreg:$0x0];
	s2 =	stileid.u32  }
0x293: {  	s1 =	rddreg [dreg:$0x1];
	p0 =	sne.s32 s2, $0x0  }
0x294: {  	s3 =	rddreg [dreg:$0x2];
	[bflag:$0x3] =	sbarrier.arrive $0xFFFF;
	s2 =	simm.s32 @!p0 $0x1C01  }
0x295: {  	[timem:s3], [sflag:s2] =	dma.local @!p0 [hbm:s0], s1  }
0x296: {  	s0 =	simm.s32 @!p0 $0x1  }
0x297: {  	_ =	swait.ge @!p0 [sflag:s0], s1  }
0x298: {  	s1 =	ssub.s32 @!p0 $0x0, s1;
	[sflag:s0] =	ssyncset.done @!p0 $0x0  }
0x299: {  	[sflag:s0] =	ssyncadd.s32 @!p0 s1  }
0x29a: {  	[bflag:$0x3] =	sbarrier.arrive $0xFFFF  }
0x29b: {  	_ =	shalt  }

// kernel: sparse-core-data-format-call.1.cloned.1.call-start
scs
called_computation.4_lowered:
.L_overlay_start_0:
0x0: {  	s2 =	sld [smem:$0x3FD9]  }
0x1: {  	s3 =	sld [smem:$0x3FFE];
	_ =	sdelay $0x1  }
0x2: {  	s1 =	srdreg.scid  }
0x3: {  	s0 =	sand.u32 $0x1, s1  }
0x4: {  	s18 =	sshll.u32 s0, $0xA;
	s2 =	sadd.s32 s3, s2  }
0x5: {  	s2 =	sadd.s32 s2, s18  }
0x6: {  	[smem:$0x3FBE] =	sst s2  }
0x7: {  	_ = 	snop  }
0x8: {  	(tm) =	ssettm $0x1  }
0x9: {  	s19 =	sld [smem:$0x3FFB];
	_ =	sdelay $0x3  }
0xa: {  	_ =	strace s19  }
0xb: {  	s2 =	sld [smem:$0x3FFC];
	_ =	sdelay $0x3  }
0xc: {  	_ =	strace s2  }
0xd: {  	s2 =	sld [smem:$0x3FFD];
	_ =	sdelay $0x3  }
0xe: {  	_ =	strace s2  }
0xf: {  	_ =	strace $0x8FFFFFFF  }
0x10: {  	s20 =	sld [smem:$0x3FDB];
	_ =	sdelay $0x1  }
0x11: {  	s21 =	simm.s32 $_scs_section_size  }
0x12: {  	s4 =	simm.s32 $_size__tile_overlayer_lowered;
	s5 =	simm.s32 $_tile_overlayer_lowered  }
0x13: {  	s6 =	simm.s32 $0x1BFF;
	s22 =	sshll.u32 s5, $0x1;
	s3 =	sadd.s32 s21, s20  }
0x14: {  	s23 =	simm.s32 $0x0;
	s4 =	sshll.u32 s4, $0x1;
	s5 =	sadd.s32 s22, s3  }
0x15: {  	[timem:s23], [sflag:s6] =	dma.local [hbm:s5], s4  }
0x16: {  	_ =	swait.ge [sflag:s6], s4  }
0x17: {  	s4 =	ssub.s32 $0x0, s4;
	[sflag:s6] =	ssyncset.done $0x0  }
0x18: {  	[sflag:s6] =	ssyncadd.s32 s4;
	_ =	sdelay $0x1  }
0x19: {  	s24 =	simm.s32 $0x1B8B  }
0x1a: {  	_ =	swait.ge [sflag:s24], $0x1  }
0x1b: {  	[sflag:s24] =	ssyncset.done $0x0  }
0x1c: {  	[sflag:s24] =	ssyncadd.s32 $0xFFFFFFFF  }
0x1d: {  	s4 =	sld [smem:$0x0]  }
0x1e: {  	s5 =	sand.u32 $0xFFFFFFFE, s1  }
0x1f: {  	p0 =	sne.s32 s1, s5  }
0x20: {  	s5 =	sshll.u32 @p0 s5, $0xE  }
0x21: {  	s5 =	sadd.s32 @p0 $0x11B8D, s5;
	s6 =	sshll.u32 @p0 s4, $0x11  }
0x22: {  	s5 =	sor.u32 @p0 s6, s5  }
0x23: {  	[sflag:s5] =	ssyncadd.remote.s32 @p0 $0x1;
	_ =	sdelay $0x1  }
0x24: {  	s5 =	simm.s32 @p0 $0x1B8D  }
0x25: {  	_ =	swait.eq @p0 [sflag:s5], $0x1  }
0x26: {  	[sflag:s5] =	ssyncadd.s32 @p0 $0xFFFFFFFF  }
0x27: {  	s6 =	sshll.u32 @!p0 s1, $0xE  }
0x28: {  	s6 =	sor.u32 @!p0 $0x4000, s6;
	s5 =	simm.s32 @!p0 $0x1B8D  }
0x29: {  	s4 =	sshll.u32 @!p0 s4, $0x11;
	s6 =	sadd.s32 @!p0 $0x11B8D, s6;
	_ =	swait.eq @!p0 [sflag:s5], $0x1  }
0x2a: {  	s4 =	sor.u32 @!p0 s4, s6;
	[sflag:s5] =	ssyncadd.s32 @!p0 $0xFFFFFFFF  }
0x2b: {  	s26 =	simm.s32 $0x1B8E;
	s25 =	sld [smem:$0x3FFE];
	[sflag:s4] =	ssyncadd.remote.s32 @!p0 $0x1  }
0x2c: {  	s27 =	simm.s32 $execute0_lowered;
	[smem:$0x3FD2] =	sst s26  }
0x2d: {  	s5 =	sshll.u32 s27, $0x1;
	_ =	strace $0x8000006A;
	[dreg:$0x1] =	wrdreg $0xFFFFFFFF  }
0x2e: {  	s28 =	simm.s32 $_size_execute0_lowered;
	s3 =	sadd.s32 s3, s5;
	[dreg:$0x0] =	wrdreg $0x0  }
0x2f: {  	s5 =	sshll.u32 s28, $0x1;
	[dreg:$0x2] =	wrdreg s3  }
0x30: {  	[dreg:$0x3] =	wrdreg s5  }
0x31: {  	[dreg:$0x4] =	wrdreg $0xC0  }
0x32: {  	_ =	task [dreg:s23], $0x5FFFF  }
0x33: {  	[dreg:$0x1] =	wrdreg $0xFFFFFFFF  }
0x34: {  	[dreg:$0x0] =	wrdreg $0x60  }
0x35: {  	[dreg:$0x2] =	wrdreg s25  }
0x36: {  	[dreg:$0x3] =	wrdreg $0xA  }
0x37: {  	_ =	task.clear_ibuf [dreg:s23], $0x4FFFF;
	_ =	strace $0x9000006A  }
0x38: {  	s29 =	simm.s32 $0xA;
	_ =	strace $0x8000006C  }
0x39: {  	_ =	swait.ge [sflag:s29], $0x1  }
0x3a: {  	[sflag:s29] =	ssyncadd.s32 $0xFFFFFFFF  }
0x3b: {  	_ =	strace $0x9000006C  }
0x3c: {  	_ =	sfence  }
0x3d: {  	s30 =	sld [smem:$0x0];
	_ =	sdelay $0x2  }
0x3e: {  	s31 =	sshll.u32 s1, $0xD;
	s1 =	sshrl.u32 s1, $0x2  }
0x3f: {  	s4 =	sand.u32 $0x4000, s31;
	s1 =	sadd.s32 s1, s30  }
0x40: {  	s0 =	sor.u32 s4, s0;
	s1 =	sshll.u32 s1, $0x11  }
0x41: {  	s0 =	sor.u32 s1, s0  }
0x42: {  	s0 =	sadd.s32 $0x8F2B, s0  }
0x43: {  	[sflag:s0] =	ssyncadd.remote.s32 $0x1  }
0x44: {  	_ =	sfence.sel $0xFFFF  }
0x45: {  	[dreg:$0x0] =	wrdreg $0xFFFFFFFF;
	(pc) =	sbr.abs _section_cstart, $3  }
0x46: {  	[dreg:$0x1] =	wrdreg $0xFFFFFFFF  }
0x47: {  	_ =	task.clear_ibuf [dreg:s23], $0x2FFFF;
	_ =	strace $0x9FFFFFFF  }
0x48: {  	(tm) =	ssettm $0x7FFFFFFF  }
0x49: {  	_ =	shalt  }
tec
execute0_lowered:
.L_overlay_start_1:
0x0: {  	(tag) =	ssettag $0x1  }
0x1: {  	s0 =	srdreg.scid  }
0x2: {  	s5 =	rddreg [dreg:$0x0];
	s1 =	sshll.u32 s0, $0x4  }
0x3: {  	s4 =	simm.s32 $0x1;
	s0 =	stileid.u32;
	s1 =	sand.u32 $0x10, s1  }
0x4: {  	s8 =	simm.s32 $0x2;
	s12 =	simm.s32 $0x0;
	s2 =	sor.u32 s0, s1  }
0x5: {  	s11 =	simm.s32 $0x0;
	s9 =	simm.s32 $0x0;
	s2 =	sshll.u32 s2, $0x7  }
0x6: {  	s10 =	simm.s32 $0x0;
	s3 =	sadd.s32 $0x182D800, s5;
	s6 =	ssub.s32 $0x10000, s2  }
.Ltmp0:
0x7: {  	s1 =	rddreg [dreg:$0x1];
	s7 =	sand.u32 $0xF80, s6;
	(pc) =	sbr.rel .LBB1_1-.Ltmp0, $4  }
0x8: {  	_ =	strace $0x8000006B;
	p0 =	sne.s32 s7, $0x0;
	s7 =	simm.s32 $0x1  }
0x9: {  	[sflag:s4] =	ssyncpa.u1 $0x0;
	s6 =	sshrl.u32 s6, $0xC;
	s7 =	simm.s32 @!p0 $0x0  }
0xa: {  	s5 =	sadd.s32 $0x192D800, s5;
	[sflag:s8] =	ssyncpa.u1 $0x0;
	s6 =	sadd.s32 s7, s6  }
0xb: {  	s8 =	smov.u32 s2;
	p0 =	por $0x0, $0x0;
	s7 =	sadd.s32 $0x1, s6  }
.LBB1_4:
0xc: {  	v5 =	vld [tilespmem:s16+$0xFFFFFFD0];
	[tilespmem:s15+$0x2040 ss:$0x81] =	vst.msk $0xffff, v1  }
0xd: {  	v58 =	vld [tilespmem:s16+$0xFFFFFFE0];
	[tilespmem:s15+$0x2850 ss:$0x81] =	vst.msk $0xffff, v2  }
0xe: {  	s17 =	sshra.s32 s17, $0x2;
	v59 =	vld [tilespmem:s16+$0xFFFFFFF0];
	[tilespmem:s15+$0x3060 ss:$0x81] =	vst.msk $0xffff, v3  }
0xf: {  	v60 =	vld [tilespmem:s16+$0x0];
	[tilespmem:s15+$0x0 ss:$0x81] =	vst.msk $0xffff, v0;
	s14 =	sadd.s32 s17, s14  }
0x10: {  	v61 =	vld [tilespmem:s16+$0x10];
	[tilespmem:s14+$0x3870 ss:$0x81] =	vst.msk $0xffff, v4  }
0x11: {  	v62 =	vld [tilespmem:s16+$0x20];
	s12 =	sshll.u32 s12, $0x7;
	s28 =	sshll.u32 s11, $0x3;
	[tilespmem:s14+$0x810 ss:$0x81] =	vst.msk $0xffff, v5  }
0x12: {  	v63 =	vld [tilespmem:s16+$0xFFFFFFC0];
	s29 =	sand.u32 $0x7FFC00, s12;
	s15 =	sand.u32 $0x7FFC00, s28;
	[tilespmem:s14+$0x1020 ss:$0x81] =	vst.msk $0xffff, v58  }
0x13: {  	s12 =	sand.u32 $0x380, s12;
	s15 =	sadd.s32 s15, s29;
	[tilespmem:s14+$0x1830 ss:$0x81] =	vst.msk $0xffff, v59  }
0x14: {  	s30 =	sshrl.u32 s11, $0x3;
	s12 =	sor.u32 s12, s15;
	[tilespmem:s14+$0x2040 ss:$0x81] =	vst.msk $0xffff, v60  }
0x15: {  	s15 =	sand.u32 $0xF, s30;
	s12 =	sshrl.u32 s12, $0x3;
	[tilespmem:s14+$0x2850 ss:$0x81] =	vst.msk $0xffff, v61  }
0x16: {  	s15 =	sadd.s32 s5, s15;
	[tilespmem:s14+$0x3060 ss:$0x81] =	vst.msk $0xffff, v62;
	s12 =	sand.u32 $0xFFFF0, s12  }
0x17: {  	s31 =	sand.u32 $0x7, s11;
	[tilespmem:s14+$0x0 ss:$0x81] =	vst.msk $0xffff, v63;
	s12 =	sadd.s32 s12, s15  }
0x18: {  	[hbm4b:s12+s31] =	stream.linear.scatter [tilespmem:s13], [sflag:$0x2], $0x4000, $0x20;
	[tilespmem:$0x10100] =	vst v63  }
.LBB1_5:
0x19: {  	s13 =	sadd.s32 $0x1000, s8  }
0x1a: {  	s11 =	sadd.s32 $0x80, s9;
	s15 =	smov.u32 s9;
	p2 =	sgt.s32 s13, $0xFFFF  }
0x1b: {  	s15 =	smov.u32 @p2 s11  }
0x1c: {  	s13 =	smov.u32 @p2 s2;
	p2 =	sgt.s32 s15, $0x7F  }
0x1d: {  	s15 =	simm.s32 @p2 $0x0;
	p2 =	sne.s32 s10, s7  }
.Ltmp1:
0x1e: {  	p1 =	slt.u32 s10, $0x2;
	(pc) =	sbr.rel @!p2 .LBB1_6-.Ltmp1, $4  }
0x1f: {  	s14 =	simm.s32 @!p1 $0x2  }
0x20: {  	s12 =	smov.u32 s8;
	p0 =	por !p0, !p0;
	_ =	swait.ge @!p1 [sflag:s14], $0x4000  }
0x21: {  	s11 =	smov.u32 s9;
	[sflag:s14] =	ssyncset.done @!p1 $0x0;
	s8 =	smov.u32 s13  }
0x22: {  	s10 =	sadd.s32 $0x1, s10;
	[sflag:s14] =	ssyncadd.s32 @!p1 $0xFFFFC000;
	s9 =	smov.u32 s15  }
.LBB1_1:
0x23: {  	p1 =	sge.u32 s10, s6;
	s31 =	sadd.s32 $0xFFFFFFFF, s10  }
0x24: {  	s13 =	sand.u32 @!p1 $0x78, s8;
	s14 =	sshll.u32 @!p1 s9, $0x10;
	s15 =	sshll.u32 @!p1 s9, $0x7  }
0x25: {  	s16 =	sshll.u32 @!p1 s8, $0x3;
	s14 =	sand.u32 @!p1 $0x780000, s14;
	s15 =	sand.u32 @!p1 $0x380, s15  }
0x26: {  	s14 =	sadd.s32 @!p1 s14, s16;
	s16 =	sand.u32 @!p1 $0xFC00, s16;
	s13 =	sor.u32 @!p1 s15, s13  }
0x27: {  	s15 =	sxor.u32 @!p1 $0xFFFFFFFF, s10;
	s14 =	sand.u32 @!p1 $0x7F0000, s14;
	s13 =	sor.u32 @!p1 s16, s13  }
0x28: {  	s15 =	sshll.u32 @!p1 s15, $0xE;
	s13 =	sor.u32 @!p1 s14, s13;
	s14 =	sand.u32 @!p1 $0x7, s8  }
0x29: {  	s16 =	simm.s32 @!p1 $0x80000;
	s13 =	sshrl.u32 @!p1 s13, $0x3;
	s14 =	sshll.u32 @!p1 s14, $0x12  }
0x2a: {  	s15 =	sand.u32 @!p1 $0x4000, s15;
	s13 =	sadd.s32 @!p1 s3, s13;
	s14 =	sor.u32 @!p1 $0x400, s14  }
0x2b: {  	[tilespmem:s15], [sflag:$0x1] =	stream.strided.gather @!p1 [hbm4b:s13+s14], $0x4000, s16, s14, $0x38;
	[tilespmem:$0x10100] =	vst v63  }
0x2c: {  	p1 =	sge.u32 s31, s6  }
.Ltmp2:
0x2d: {  	_ = 	snop;
	(pc) =	sbr.rel @p1 .LBB1_5-.Ltmp2, $1  }
0x2e: {  	_ =	sdelay $0x3  }
0x2f: {  	s13 =	simm.s32 $0x1  }
0x30: {  	_ =	swait.ge [sflag:s4], $0x4000;
	s13 =	simm.s32 @!p0 $0x0  }
0x31: {  	[sflag:s4] =	ssyncset.done $0x0;
	s14 =	sshll.u32 s13, $0xE  }
0x32: {  	[sflag:s4] =	ssyncadd.s32 $0xFFFFC000;
	s16 =	sor.u32 $0x40, s14  }
0x33: {  	s13 =	smul.u32 $0x10200, s13;
	v0 =	vld [tilespmem:s16+$0x30]  }
0x34: {  	v3 =	vld [tilespmem:s16+$0xFFFFFFD0]  }
0x35: {  	s13 =	sshrl.u32 s13, $0x2;
	v4 =	vld [tilespmem:s16+$0xFFFFFFE0]  }
0x36: {  	v5 =	vld [tilespmem:s16+$0xFFFFFFF0];
	s14 =	sor.u32 $0x8000, s13  }
0x37: {  	s31 =	sand.u32 $0x1, s10;
	v1 =	vld [tilespmem:s16+$0x0];
	s15 =	sadd.s32 $0x0, s14  }
0x38: {  	v2 =	vld [tilespmem:s16+$0x10];
	s13 =	smul.u32 $0x10200, s31;
	[tilespmem:s15+$0x3870 ss:$0x81] =	vst.msk $0xffff, v0  }
0x39: {  	[tilespmem:s15+$0x810 ss:$0x81] =	vst.msk $0xffff, v3;
	v3 =	vld [tilespmem:s16+$0x20]  }
0x3a: {  	s13 =	sshrl.u32 s13, $0x2;
	v0 =	vld [tilespmem:s16+$0xFFFFFFC0];
	[tilespmem:s15+$0x1020 ss:$0x81] =	vst.msk $0xffff, v4;
	s16 =	sadd.s32 $0x80, s16  }
0x3b: {  	s17 =	simm.s32 $0x4;
	s18 =	simm.s32 $0x8;
	s13 =	sor.u32 $0x8000, s13;
	[tilespmem:s15+$0x1830 ss:$0x81] =	vst.msk $0xffff, v5;
	v4 =	vld [tilespmem:s16+$0x30]  }
.LBB1_3:
0x3c: {  	p1 =	sne.s32 s18, $0x1FC;
	v5 =	vld [tilespmem:s16+$0xFFFFFFD0];
	[tilespmem:s15+$0x2040 ss:$0x81] =	vst.msk $0xffff, v1  }
0x3d: {  	v6 =	vld [tilespmem:s16+$0xFFFFFFE0];
	[tilespmem:s15+$0x2850 ss:$0x81] =	vst.msk $0xffff, v2  }
0x3e: {  	s19 =	sshra.s32 s17, $0x2;
	s17 =	smov.u32 s18;
	v7 =	vld [tilespmem:s16+$0xFFFFFFF0];
	[tilespmem:s15+$0x3060 ss:$0x81] =	vst.msk $0xffff, v3  }
.Ltmp3:
0x3f: {  	v1 =	vld [tilespmem:s16+$0x0];
	[tilespmem:s15+$0x0 ss:$0x81] =	vst.msk $0xffff, v0;
	s15 =	sadd.s32 s19, s14;
	(pc) =	sbr.rel @p1 .LBB1_3-.Ltmp3, $4  }
0x40: {  	v2 =	vld [tilespmem:s16+$0x10];
	[tilespmem:s15+$0x3870 ss:$0x81] =	vst.msk $0xffff, v4  }
0x41: {  	[tilespmem:s15+$0x810 ss:$0x81] =	vst.msk $0xffff, v5;
	v3 =	vld [tilespmem:s16+$0x20]  }
0x42: {  	v0 =	vld [tilespmem:s16+$0xFFFFFFC0];
	[tilespmem:s15+$0x1020 ss:$0x81] =	vst.msk $0xffff, v6;
	s16 =	sadd.s32 $0x80, s16  }
0x43: {  	s18 =	sadd.s32 $0x4, s18;
	v4 =	vld [tilespmem:s16+$0x30];
	[tilespmem:s15+$0x1830 ss:$0x81] =	vst.msk $0xffff, v7  }
.Ltmp4:
0x44: {  	_ = 	snop;
	(pc) =	sbr.rel .LBB1_4-.Ltmp4, $1  }
0x45: {  	_ =	sdelay $0x3  }
.LBB1_6:
0x46: {  	_ =	sfence.sel $0x180000  }
0x47: {  	s2 =	simm.s32 $0x1;
	[bflag:$0x0] =	sbarrier.arrive $0xFFFF  }
0x48: {  	s31 =	simm.s32 $0x2;
	[sflag:s2] =	ssyncpa.u1 $0x1  }
0x49: {  	[sflag:s31] =	ssyncpa.u1 $0x1  }
0x4a: {  	p0 =	sne.s32 s0, $0x0;
	_ =	strace $0x9000006B  }
0x4b: {  	s0 =	sadd.s32 @!p0 $0x100000, s1;
	[bflag:$0x2] =	sbarrier.arrive $0xFFFF  }
0x4c: {  	[sflag:s0] =	ssyncadd.tile.s32 @!p0 $0x1;
	_ =	shalt  }
.Lfunc_end1:
_tile_overlayer_lowered:
.L_overlay_start_2:
0x4d: {  	(tag) =	ssettag $0x2  }
0x4e: {  	s0 =	rddreg [dreg:$0x0];
	s2 =	stileid.u32  }
0x4f: {  	s1 =	rddreg [dreg:$0x1];
	p0 =	sne.s32 s2, $0x0  }
0x50: {  	s3 =	rddreg [dreg:$0x2];
	[bflag:$0x3] =	sbarrier.arrive $0xFFFF;
	s2 =	simm.s32 @!p0 $0x1C01  }
0x51: {  	[timem:s3], [sflag:s2] =	dma.local @!p0 [hbm:s0], s1  }
0x52: {  	s0 =	simm.s32 @!p0 $0x1  }
0x53: {  	_ =	swait.ge @!p0 [sflag:s0], s1  }
0x54: {  	s1 =	ssub.s32 @!p0 $0x0, s1;
	[sflag:s0] =	ssyncset.done @!p0 $0x0  }
0x55: {  	[sflag:s0] =	ssyncadd.s32 @!p0 s1  }
0x56: {  	[bflag:$0x3] =	sbarrier.arrive $0xFFFF  }
0x57: {  	_ =	shalt  }

// kernel: sparse-core-data-format-call.10.cloned.1.call-start
scs
called_computation.13_lowered:
.L_overlay_start_0:
0x0: {  	s2 =	sld [smem:$0x3FD9]  }
0x1: {  	s3 =	sld [smem:$0x3FFE];
	_ =	sdelay $0x1  }
0x2: {  	s1 =	srdreg.scid  }
0x3: {  	s0 =	sand.u32 $0x1, s1  }
0x4: {  	s18 =	sshll.u32 s0, $0xA;
	s2 =	sadd.s32 s3, s2  }
0x5: {  	s2 =	sadd.s32 s2, s18  }
0x6: {  	[smem:$0x3FBE] =	sst s2  }
0x7: {  	_ = 	snop  }
0x8: {  	(tm) =	ssettm $0x1  }
0x9: {  	s19 =	sld [smem:$0x3FFB];
	_ =	sdelay $0x3  }
0xa: {  	_ =	strace s19  }
0xb: {  	s2 =	sld [smem:$0x3FFC];
	_ =	sdelay $0x3  }
0xc: {  	_ =	strace s2  }
0xd: {  	s2 =	sld [smem:$0x3FFD];
	_ =	sdelay $0x3  }
0xe: {  	_ =	strace s2  }
0xf: {  	_ =	strace $0x8FFFFFFF  }
0x10: {  	s20 =	sld [smem:$0x3FDB];
	_ =	sdelay $0x1  }
0x11: {  	s21 =	simm.s32 $_scs_section_size  }
0x12: {  	s4 =	simm.s32 $_size__tile_overlayer_lowered;
	s5 =	simm.s32 $_tile_overlayer_lowered  }
0x13: {  	s6 =	simm.s32 $0x1BFF;
	s22 =	sshll.u32 s5, $0x1;
	s3 =	sadd.s32 s21, s20  }
0x14: {  	s23 =	simm.s32 $0x0;
	s4 =	sshll.u32 s4, $0x1;
	s5 =	sadd.s32 s22, s3  }
0x15: {  	[timem:s23], [sflag:s6] =	dma.local [hbm:s5], s4  }
0x16: {  	_ =	swait.ge [sflag:s6], s4  }
0x17: {  	s4 =	ssub.s32 $0x0, s4;
	[sflag:s6] =	ssyncset.done $0x0  }
0x18: {  	[sflag:s6] =	ssyncadd.s32 s4;
	_ =	sdelay $0x1  }
0x19: {  	s24 =	simm.s32 $0x1B8B  }
0x1a: {  	_ =	swait.ge [sflag:s24], $0x1  }
0x1b: {  	[sflag:s24] =	ssyncset.done $0x0  }
0x1c: {  	[sflag:s24] =	ssyncadd.s32 $0xFFFFFFFF  }
0x1d: {  	s4 =	sld [smem:$0x0]  }
0x1e: {  	s5 =	sand.u32 $0xFFFFFFFE, s1  }
0x1f: {  	p0 =	sne.s32 s1, s5  }
0x20: {  	s5 =	sshll.u32 @p0 s5, $0xE  }
0x21: {  	s5 =	sadd.s32 @p0 $0x11B8D, s5;
	s6 =	sshll.u32 @p0 s4, $0x11  }
0x22: {  	s5 =	sor.u32 @p0 s6, s5  }
0x23: {  	[sflag:s5] =	ssyncadd.remote.s32 @p0 $0x1;
	_ =	sdelay $0x1  }
0x24: {  	s5 =	simm.s32 @p0 $0x1B8D  }
0x25: {  	_ =	swait.eq @p0 [sflag:s5], $0x1  }
0x26: {  	[sflag:s5] =	ssyncadd.s32 @p0 $0xFFFFFFFF  }
0x27: {  	s6 =	sshll.u32 @!p0 s1, $0xE  }
0x28: {  	s6 =	sor.u32 @!p0 $0x4000, s6;
	s5 =	simm.s32 @!p0 $0x1B8D  }
0x29: {  	s4 =	sshll.u32 @!p0 s4, $0x11;
	s6 =	sadd.s32 @!p0 $0x11B8D, s6;
	_ =	swait.eq @!p0 [sflag:s5], $0x1  }
0x2a: {  	s4 =	sor.u32 @!p0 s4, s6;
	[sflag:s5] =	ssyncadd.s32 @!p0 $0xFFFFFFFF  }
0x2b: {  	s26 =	simm.s32 $0x1B8E;
	s25 =	sld [smem:$0x3FFE];
	[sflag:s4] =	ssyncadd.remote.s32 @!p0 $0x1  }
0x2c: {  	s27 =	simm.s32 $execute0_lowered;
	[smem:$0x3FD2] =	sst s26  }
0x2d: {  	s5 =	sshll.u32 s27, $0x1;
	_ =	strace $0x8000004F;
	[dreg:$0x1] =	wrdreg $0xFFFFFFFF  }
0x2e: {  	s28 =	simm.s32 $_size_execute0_lowered;
	s3 =	sadd.s32 s3, s5;
	[dreg:$0x0] =	wrdreg $0x0  }
0x2f: {  	s5 =	sshll.u32 s28, $0x1;
	[dreg:$0x2] =	wrdreg s3  }
0x30: {  	[dreg:$0x3] =	wrdreg s5  }
0x31: {  	[dreg:$0x4] =	wrdreg $0xC0  }
0x32: {  	_ =	task [dreg:s23], $0x5FFFF  }
0x33: {  	[dreg:$0x1] =	wrdreg $0xFFFFFFFF  }
0x34: {  	[dreg:$0x0] =	wrdreg $0x60  }
0x35: {  	[dreg:$0x2] =	wrdreg s25  }
0x36: {  	[dreg:$0x3] =	wrdreg $0x13  }
0x37: {  	_ =	task.clear_ibuf [dreg:s23], $0x4FFFF;
	_ =	strace $0x9000004F  }
0x38: {  	s29 =	simm.s32 $0x13;
	_ =	strace $0x80000051  }
0x39: {  	_ =	swait.ge [sflag:s29], $0x1  }
0x3a: {  	[sflag:s29] =	ssyncadd.s32 $0xFFFFFFFF  }
0x3b: {  	_ =	strace $0x90000051  }
0x3c: {  	_ =	sfence  }
0x3d: {  	s30 =	sld [smem:$0x0];
	_ =	sdelay $0x2  }
0x3e: {  	s31 =	sshll.u32 s1, $0xD;
	s1 =	sshrl.u32 s1, $0x2  }
0x3f: {  	s4 =	sand.u32 $0x4000, s31;
	s1 =	sadd.s32 s1, s30  }
0x40: {  	s0 =	sor.u32 s4, s0;
	s1 =	sshll.u32 s1, $0x11  }
0x41: {  	s0 =	sor.u32 s1, s0  }
0x42: {  	s0 =	sadd.s32 $0x8F2B, s0  }
0x43: {  	[sflag:s0] =	ssyncadd.remote.s32 $0x1  }
0x44: {  	_ =	sfence.sel $0xFFFF  }
0x45: {  	[dreg:$0x0] =	wrdreg $0xFFFFFFFF;
	(pc) =	sbr.abs _section_cstart, $3  }
0x46: {  	[dreg:$0x1] =	wrdreg $0xFFFFFFFF  }
0x47: {  	_ =	task.clear_ibuf [dreg:s23], $0x2FFFF;
	_ =	strace $0x9FFFFFFF  }
0x48: {  	(tm) =	ssettm $0x7FFFFFFF  }
0x49: {  	_ =	shalt  }
tec
execute0_lowered:
.L_overlay_start_1:
0x0: {  	(tag) =	ssettag $0x1  }
0x1: {  	s0 =	srdreg.scid  }
0x2: {  	s5 =	rddreg [dreg:$0x0];
	s1 =	sshll.u32 s0, $0x4  }
0x3: {  	s4 =	simm.s32 $0x1;
	s0 =	stileid.u32;
	s1 =	sand.u32 $0x10, s1  }
0x4: {  	s8 =	simm.s32 $0x2;
	s12 =	simm.s32 $0x0;
	s2 =	sor.u32 s0, s1  }
0x5: {  	s11 =	simm.s32 $0x0;
	s9 =	simm.s32 $0x0;
	s2 =	sshll.u32 s2, $0x7  }
0x6: {  	s10 =	simm.s32 $0x0;
	s3 =	sadd.s32 $0x62D800, s5;
	s6 =	ssub.s32 $0x10000, s2  }
.Ltmp0:
0x7: {  	s1 =	rddreg [dreg:$0x1];
	s7 =	sand.u32 $0xF80, s6;
	(pc) =	sbr.rel .LBB1_1-.Ltmp0, $4  }
0x8: {  	_ =	strace $0x80000050;
	p0 =	sne.s32 s7, $0x0;
	s7 =	simm.s32 $0x1  }
0x9: {  	[sflag:s4] =	ssyncpa.u1 $0x0;
	s6 =	sshrl.u32 s6, $0xC;
	s7 =	simm.s32 @!p0 $0x0  }
0xa: {  	s5 =	sadd.s32 $0x72D800, s5;
	[sflag:s8] =	ssyncpa.u1 $0x0;
	s6 =	sadd.s32 s7, s6  }
0xb: {  	s8 =	smov.u32 s2;
	p0 =	por $0x0, $0x0;
	s7 =	sadd.s32 $0x1, s6  }
.LBB1_4:
0xc: {  	v5 =	vld [tilespmem:s16+$0xFFFFFFD0];
	[tilespmem:s15+$0x2040 ss:$0x81] =	vst.msk $0xffff, v1  }
0xd: {  	v58 =	vld [tilespmem:s16+$0xFFFFFFE0];
	[tilespmem:s15+$0x2850 ss:$0x81] =	vst.msk $0xffff, v2  }
0xe: {  	s17 =	sshra.s32 s17, $0x2;
	v59 =	vld [tilespmem:s16+$0xFFFFFFF0];
	[tilespmem:s15+$0x3060 ss:$0x81] =	vst.msk $0xffff, v3  }
0xf: {  	v60 =	vld [tilespmem:s16+$0x0];
	[tilespmem:s15+$0x0 ss:$0x81] =	vst.msk $0xffff, v0;
	s14 =	sadd.s32 s17, s14  }
0x10: {  	v61 =	vld [tilespmem:s16+$0x10];
	[tilespmem:s14+$0x3870 ss:$0x81] =	vst.msk $0xffff, v4  }
0x11: {  	v62 =	vld [tilespmem:s16+$0x20];
	s12 =	sshll.u32 s12, $0x7;
	s28 =	sshll.u32 s11, $0x3;
	[tilespmem:s14+$0x810 ss:$0x81] =	vst.msk $0xffff, v5  }
0x12: {  	v63 =	vld [tilespmem:s16+$0xFFFFFFC0];
	s29 =	sand.u32 $0x7FFC00, s12;
	s15 =	sand.u32 $0x7FFC00, s28;
	[tilespmem:s14+$0x1020 ss:$0x81] =	vst.msk $0xffff, v58  }
0x13: {  	s12 =	sand.u32 $0x380, s12;
	s15 =	sadd.s32 s15, s29;
	[tilespmem:s14+$0x1830 ss:$0x81] =	vst.msk $0xffff, v59  }
0x14: {  	s30 =	sshrl.u32 s11, $0x3;
	s12 =	sor.u32 s12, s15;
	[tilespmem:s14+$0x2040 ss:$0x81] =	vst.msk $0xffff, v60  }
0x15: {  	s15 =	sand.u32 $0xF, s30;
	s12 =	sshrl.u32 s12, $0x3;
	[tilespmem:s14+$0x2850 ss:$0x81] =	vst.msk $0xffff, v61  }
0x16: {  	s15 =	sadd.s32 s5, s15;
	[tilespmem:s14+$0x3060 ss:$0x81] =	vst.msk $0xffff, v62;
	s12 =	sand.u32 $0xFFFF0, s12  }
0x17: {  	s31 =	sand.u32 $0x7, s11;
	[tilespmem:s14+$0x0 ss:$0x81] =	vst.msk $0xffff, v63;
	s12 =	sadd.s32 s12, s15  }
0x18: {  	[hbm4b:s12+s31] =	stream.linear.scatter [tilespmem:s13], [sflag:$0x2], $0x4000, $0x20;
	[tilespmem:$0x10100] =	vst v63  }
.LBB1_5:
0x19: {  	s13 =	sadd.s32 $0x1000, s8  }
0x1a: {  	s11 =	sadd.s32 $0x80, s9;
	s15 =	smov.u32 s9;
	p2 =	sgt.s32 s13, $0xFFFF  }
0x1b: {  	s15 =	smov.u32 @p2 s11  }
0x1c: {  	s13 =	smov.u32 @p2 s2;
	p2 =	sgt.s32 s15, $0x7F  }
0x1d: {  	s15 =	simm.s32 @p2 $0x0;
	p2 =	sne.s32 s10, s7  }
.Ltmp1:
0x1e: {  	p1 =	slt.u32 s10, $0x2;
	(pc) =	sbr.rel @!p2 .LBB1_6-.Ltmp1, $4  }
0x1f: {  	s14 =	simm.s32 @!p1 $0x2  }
0x20: {  	s12 =	smov.u32 s8;
	p0 =	por !p0, !p0;
	_ =	swait.ge @!p1 [sflag:s14], $0x4000  }
0x21: {  	s11 =	smov.u32 s9;
	[sflag:s14] =	ssyncset.done @!p1 $0x0;
	s8 =	smov.u32 s13  }
0x22: {  	s10 =	sadd.s32 $0x1, s10;
	[sflag:s14] =	ssyncadd.s32 @!p1 $0xFFFFC000;
	s9 =	smov.u32 s15  }
.LBB1_1:
0x23: {  	p1 =	sge.u32 s10, s6;
	s31 =	sadd.s32 $0xFFFFFFFF, s10  }
0x24: {  	s13 =	sand.u32 @!p1 $0x78, s8;
	s14 =	sshll.u32 @!p1 s9, $0x10;
	s15 =	sshll.u32 @!p1 s9, $0x7  }
0x25: {  	s16 =	sshll.u32 @!p1 s8, $0x3;
	s14 =	sand.u32 @!p1 $0x780000, s14;
	s15 =	sand.u32 @!p1 $0x380, s15  }
0x26: {  	s14 =	sadd.s32 @!p1 s14, s16;
	s16 =	sand.u32 @!p1 $0xFC00, s16;
	s13 =	sor.u32 @!p1 s15, s13  }
0x27: {  	s15 =	sxor.u32 @!p1 $0xFFFFFFFF, s10;
	s14 =	sand.u32 @!p1 $0x7F0000, s14;
	s13 =	sor.u32 @!p1 s16, s13  }
0x28: {  	s15 =	sshll.u32 @!p1 s15, $0xE;
	s13 =	sor.u32 @!p1 s14, s13;
	s14 =	sand.u32 @!p1 $0x7, s8  }
0x29: {  	s16 =	simm.s32 @!p1 $0x80000;
	s13 =	sshrl.u32 @!p1 s13, $0x3;
	s14 =	sshll.u32 @!p1 s14, $0x12  }
0x2a: {  	s15 =	sand.u32 @!p1 $0x4000, s15;
	s13 =	sadd.s32 @!p1 s3, s13;
	s14 =	sor.u32 @!p1 $0x400, s14  }
0x2b: {  	[tilespmem:s15], [sflag:$0x1] =	stream.strided.gather @!p1 [hbm4b:s13+s14], $0x4000, s16, s14, $0x38;
	[tilespmem:$0x10100] =	vst v63  }
0x2c: {  	p1 =	sge.u32 s31, s6  }
.Ltmp2:
0x2d: {  	_ = 	snop;
	(pc) =	sbr.rel @p1 .LBB1_5-.Ltmp2, $1  }
0x2e: {  	_ =	sdelay $0x3  }
0x2f: {  	s13 =	simm.s32 $0x1  }
0x30: {  	_ =	swait.ge [sflag:s4], $0x4000;
	s13 =	simm.s32 @!p0 $0x0  }
0x31: {  	[sflag:s4] =	ssyncset.done $0x0;
	s14 =	sshll.u32 s13, $0xE  }
0x32: {  	[sflag:s4] =	ssyncadd.s32 $0xFFFFC000;
	s16 =	sor.u32 $0x40, s14  }
0x33: {  	s13 =	smul.u32 $0x10200, s13;
	v0 =	vld [tilespmem:s16+$0x30]  }
0x34: {  	v3 =	vld [tilespmem:s16+$0xFFFFFFD0]  }
0x35: {  	s13 =	sshrl.u32 s13, $0x2;
	v4 =	vld [tilespmem:s16+$0xFFFFFFE0]  }
0x36: {  	v5 =	vld [tilespmem:s16+$0xFFFFFFF0];
	s14 =	sor.u32 $0x8000, s13  }
0x37: {  	s31 =	sand.u32 $0x1, s10;
	v1 =	vld [tilespmem:s16+$0x0];
	s15 =	sadd.s32 $0x0, s14  }
0x38: {  	v2 =	vld [tilespmem:s16+$0x10];
	s13 =	smul.u32 $0x10200, s31;
	[tilespmem:s15+$0x3870 ss:$0x81] =	vst.msk $0xffff, v0  }
0x39: {  	[tilespmem:s15+$0x810 ss:$0x81] =	vst.msk $0xffff, v3;
	v3 =	vld [tilespmem:s16+$0x20]  }
0x3a: {  	s13 =	sshrl.u32 s13, $0x2;
	v0 =	vld [tilespmem:s16+$0xFFFFFFC0];
	[tilespmem:s15+$0x1020 ss:$0x81] =	vst.msk $0xffff, v4;
	s16 =	sadd.s32 $0x80, s16  }
0x3b: {  	s17 =	simm.s32 $0x4;
	s18 =	simm.s32 $0x8;
	s13 =	sor.u32 $0x8000, s13;
	[tilespmem:s15+$0x1830 ss:$0x81] =	vst.msk $0xffff, v5;
	v4 =	vld [tilespmem:s16+$0x30]  }
.LBB1_3:
0x3c: {  	p1 =	sne.s32 s18, $0x1FC;
	v5 =	vld [tilespmem:s16+$0xFFFFFFD0];
	[tilespmem:s15+$0x2040 ss:$0x81] =	vst.msk $0xffff, v1  }
0x3d: {  	v6 =	vld [tilespmem:s16+$0xFFFFFFE0];
	[tilespmem:s15+$0x2850 ss:$0x81] =	vst.msk $0xffff, v2  }
0x3e: {  	s19 =	sshra.s32 s17, $0x2;
	s17 =	smov.u32 s18;
	v7 =	vld [tilespmem:s16+$0xFFFFFFF0];
	[tilespmem:s15+$0x3060 ss:$0x81] =	vst.msk $0xffff, v3  }
.Ltmp3:
0x3f: {  	v1 =	vld [tilespmem:s16+$0x0];
	[tilespmem:s15+$0x0 ss:$0x81] =	vst.msk $0xffff, v0;
	s15 =	sadd.s32 s19, s14;
	(pc) =	sbr.rel @p1 .LBB1_3-.Ltmp3, $4  }
0x40: {  	v2 =	vld [tilespmem:s16+$0x10];
	[tilespmem:s15+$0x3870 ss:$0x81] =	vst.msk $0xffff, v4  }
0x41: {  	[tilespmem:s15+$0x810 ss:$0x81] =	vst.msk $0xffff, v5;
	v3 =	vld [tilespmem:s16+$0x20]  }
0x42: {  	v0 =	vld [tilespmem:s16+$0xFFFFFFC0];
	[tilespmem:s15+$0x1020 ss:$0x81] =	vst.msk $0xffff, v6;
	s16 =	sadd.s32 $0x80, s16  }
0x43: {  	s18 =	sadd.s32 $0x4, s18;
	v4 =	vld [tilespmem:s16+$0x30];
	[tilespmem:s15+$0x1830 ss:$0x81] =	vst.msk $0xffff, v7  }
.Ltmp4:
0x44: {  	_ = 	snop;
	(pc) =	sbr.rel .LBB1_4-.Ltmp4, $1  }
0x45: {  	_ =	sdelay $0x3  }
.LBB1_6:
0x46: {  	_ =	sfence.sel $0x180000  }
0x47: {  	s2 =	simm.s32 $0x1;
	[bflag:$0x0] =	sbarrier.arrive $0xFFFF  }
0x48: {  	s31 =	simm.s32 $0x2;
	[sflag:s2] =	ssyncpa.u1 $0x1  }
0x49: {  	[sflag:s31] =	ssyncpa.u1 $0x1  }
0x4a: {  	p0 =	sne.s32 s0, $0x0;
	_ =	strace $0x90000050  }
0x4b: {  	s0 =	sadd.s32 @!p0 $0x100000, s1;
	[bflag:$0x2] =	sbarrier.arrive $0xFFFF  }
0x4c: {  	[sflag:s0] =	ssyncadd.tile.s32 @!p0 $0x1;
	_ =	shalt  }
.Lfunc_end1:
_tile_overlayer_lowered:
.L_overlay_start_2:
0x4d: {  	(tag) =	ssettag $0x2  }
0x4e: {  	s0 =	rddreg [dreg:$0x0];
	s2 =	stileid.u32  }
0x4f: {  	s1 =	rddreg [dreg:$0x1];
	p0 =	sne.s32 s2, $0x0  }
0x50: {  	s3 =	rddreg [dreg:$0x2];
	[bflag:$0x3] =	sbarrier.arrive $0xFFFF;
	s2 =	simm.s32 @!p0 $0x1C01  }
0x51: {  	[timem:s3], [sflag:s2] =	dma.local @!p0 [hbm:s0], s1  }
0x52: {  	s0 =	simm.s32 @!p0 $0x1  }
0x53: {  	_ =	swait.ge @!p0 [sflag:s0], s1  }
0x54: {  	s1 =	ssub.s32 @!p0 $0x0, s1;
	[sflag:s0] =	ssyncset.done @!p0 $0x0  }
0x55: {  	[sflag:s0] =	ssyncadd.s32 @!p0 s1  }
0x56: {  	[bflag:$0x3] =	sbarrier.arrive $0xFFFF  }
0x57: {  	_ =	shalt  }

// kernel: sparse-core-data-format-call.11.cloned.1.call-start
scs
called_computation.14_lowered:
.L_overlay_start_0:
0x0: {  	s2 =	sld [smem:$0x3FD9]  }
0x1: {  	s3 =	sld [smem:$0x3FFE];
	_ =	sdelay $0x1  }
0x2: {  	s1 =	srdreg.scid  }
0x3: {  	s0 =	sand.u32 $0x1, s1  }
0x4: {  	s18 =	sshll.u32 s0, $0xA;
	s2 =	sadd.s32 s3, s2  }
0x5: {  	s2 =	sadd.s32 s2, s18  }
0x6: {  	[smem:$0x3FBE] =	sst s2  }
0x7: {  	_ = 	snop  }
0x8: {  	(tm) =	ssettm $0x1  }
0x9: {  	s19 =	sld [smem:$0x3FFB];
	_ =	sdelay $0x3  }
0xa: {  	_ =	strace s19  }
0xb: {  	s2 =	sld [smem:$0x3FFC];
	_ =	sdelay $0x3  }
0xc: {  	_ =	strace s2  }
0xd: {  	s2 =	sld [smem:$0x3FFD];
	_ =	sdelay $0x3  }
0xe: {  	_ =	strace s2  }
0xf: {  	_ =	strace $0x8FFFFFFF  }
0x10: {  	s20 =	sld [smem:$0x3FDB];
	_ =	sdelay $0x1  }
0x11: {  	s21 =	simm.s32 $_scs_section_size  }
0x12: {  	s4 =	simm.s32 $_size__tile_overlayer_lowered;
	s5 =	simm.s32 $_tile_overlayer_lowered  }
0x13: {  	s6 =	simm.s32 $0x1BFF;
	s22 =	sshll.u32 s5, $0x1;
	s3 =	sadd.s32 s21, s20  }
0x14: {  	s23 =	simm.s32 $0x0;
	s4 =	sshll.u32 s4, $0x1;
	s5 =	sadd.s32 s22, s3  }
0x15: {  	[timem:s23], [sflag:s6] =	dma.local [hbm:s5], s4  }
0x16: {  	_ =	swait.ge [sflag:s6], s4  }
0x17: {  	s4 =	ssub.s32 $0x0, s4;
	[sflag:s6] =	ssyncset.done $0x0  }
0x18: {  	[sflag:s6] =	ssyncadd.s32 s4;
	_ =	sdelay $0x1  }
0x19: {  	s24 =	simm.s32 $0x1B8B  }
0x1a: {  	_ =	swait.ge [sflag:s24], $0x1  }
0x1b: {  	[sflag:s24] =	ssyncset.done $0x0  }
0x1c: {  	[sflag:s24] =	ssyncadd.s32 $0xFFFFFFFF  }
0x1d: {  	s4 =	sld [smem:$0x0]  }
0x1e: {  	s5 =	sand.u32 $0xFFFFFFFE, s1  }
0x1f: {  	p0 =	sne.s32 s1, s5  }
0x20: {  	s5 =	sshll.u32 @p0 s5, $0xE  }
0x21: {  	s5 =	sadd.s32 @p0 $0x11B8D, s5;
	s6 =	sshll.u32 @p0 s4, $0x11  }
0x22: {  	s5 =	sor.u32 @p0 s6, s5  }
0x23: {  	[sflag:s5] =	ssyncadd.remote.s32 @p0 $0x1;
	_ =	sdelay $0x1  }
0x24: {  	s5 =	simm.s32 @p0 $0x1B8D  }
0x25: {  	_ =	swait.eq @p0 [sflag:s5], $0x1  }
0x26: {  	[sflag:s5] =	ssyncadd.s32 @p0 $0xFFFFFFFF  }
0x27: {  	s6 =	sshll.u32 @!p0 s1, $0xE  }
0x28: {  	s6 =	sor.u32 @!p0 $0x4000, s6;
	s5 =	simm.s32 @!p0 $0x1B8D  }
0x29: {  	s4 =	sshll.u32 @!p0 s4, $0x11;
	s6 =	sadd.s32 @!p0 $0x11B8D, s6;
	_ =	swait.eq @!p0 [sflag:s5], $0x1  }
0x2a: {  	s4 =	sor.u32 @!p0 s4, s6;
	[sflag:s5] =	ssyncadd.s32 @!p0 $0xFFFFFFFF  }
0x2b: {  	s26 =	simm.s32 $0x1B8E;
	s25 =	sld [smem:$0x3FFE];
	[sflag:s4] =	ssyncadd.remote.s32 @!p0 $0x1  }
0x2c: {  	s27 =	simm.s32 $execute0_lowered;
	[smem:$0x3FD2] =	sst s26  }
0x2d: {  	s5 =	sshll.u32 s27, $0x1;
	_ =	strace $0x8000004C;
	[dreg:$0x1] =	wrdreg $0xFFFFFFFF  }
0x2e: {  	s28 =	simm.s32 $_size_execute0_lowered;
	s3 =	sadd.s32 s3, s5;
	[dreg:$0x0] =	wrdreg $0x0  }
0x2f: {  	s5 =	sshll.u32 s28, $0x1;
	[dreg:$0x2] =	wrdreg s3  }
0x30: {  	[dreg:$0x3] =	wrdreg s5  }
0x31: {  	[dreg:$0x4] =	wrdreg $0xC0  }
0x32: {  	_ =	task [dreg:s23], $0x5FFFF  }
0x33: {  	[dreg:$0x1] =	wrdreg $0xFFFFFFFF  }
0x34: {  	[dreg:$0x0] =	wrdreg $0x60  }
0x35: {  	[dreg:$0x2] =	wrdreg s25  }
0x36: {  	[dreg:$0x3] =	wrdreg $0x14  }
0x37: {  	_ =	task.clear_ibuf [dreg:s23], $0x4FFFF;
	_ =	strace $0x9000004C  }
0x38: {  	s29 =	simm.s32 $0x14;
	_ =	strace $0x8000004E  }
0x39: {  	_ =	swait.ge [sflag:s29], $0x1  }
0x3a: {  	[sflag:s29] =	ssyncadd.s32 $0xFFFFFFFF  }
0x3b: {  	_ =	strace $0x9000004E  }
0x3c: {  	_ =	sfence  }
0x3d: {  	s30 =	sld [smem:$0x0];
	_ =	sdelay $0x2  }
0x3e: {  	s31 =	sshll.u32 s1, $0xD;
	s1 =	sshrl.u32 s1, $0x2  }
0x3f: {  	s4 =	sand.u32 $0x4000, s31;
	s1 =	sadd.s32 s1, s30  }
0x40: {  	s0 =	sor.u32 s4, s0;
	s1 =	sshll.u32 s1, $0x11  }
0x41: {  	s0 =	sor.u32 s1, s0  }
0x42: {  	s0 =	sadd.s32 $0x8F2B, s0  }
0x43: {  	[sflag:s0] =	ssyncadd.remote.s32 $0x1  }
0x44: {  	_ =	sfence.sel $0xFFFF  }
0x45: {  	[dreg:$0x0] =	wrdreg $0xFFFFFFFF;
	(pc) =	sbr.abs _section_cstart, $3  }
0x46: {  	[dreg:$0x1] =	wrdreg $0xFFFFFFFF  }
0x47: {  	_ =	task.clear_ibuf [dreg:s23], $0x2FFFF;
	_ =	strace $0x9FFFFFFF  }
0x48: {  	(tm) =	ssettm $0x7FFFFFFF  }
0x49: {  	_ =	shalt  }
tec
execute0_lowered:
.L_overlay_start_1:
0x0: {  	(tag) =	ssettag $0x1  }
0x1: {  	s0 =	srdreg.scid  }
0x2: {  	s5 =	rddreg [dreg:$0x0];
	s1 =	sshll.u32 s0, $0x4  }
0x3: {  	s4 =	simm.s32 $0x1;
	s0 =	stileid.u32;
	s1 =	sand.u32 $0x10, s1  }
0x4: {  	s8 =	simm.s32 $0x2;
	s12 =	simm.s32 $0x0;
	s2 =	sor.u32 s0, s1  }
0x5: {  	s11 =	simm.s32 $0x0;
	s9 =	simm.s32 $0x0;
	s2 =	sshll.u32 s2, $0x7  }
0x6: {  	s10 =	simm.s32 $0x0;
	s3 =	sadd.s32 $0x42D800, s5;
	s6 =	ssub.s32 $0x10000, s2  }
.Ltmp0:
0x7: {  	s1 =	rddreg [dreg:$0x1];
	s7 =	sand.u32 $0xF80, s6;
	(pc) =	sbr.rel .LBB1_1-.Ltmp0, $4  }
0x8: {  	_ =	strace $0x8000004D;
	p0 =	sne.s32 s7, $0x0;
	s7 =	simm.s32 $0x1  }
0x9: {  	[sflag:s4] =	ssyncpa.u1 $0x0;
	s6 =	sshrl.u32 s6, $0xC;
	s7 =	simm.s32 @!p0 $0x0  }
0xa: {  	s5 =	sadd.s32 $0x52D800, s5;
	[sflag:s8] =	ssyncpa.u1 $0x0;
	s6 =	sadd.s32 s7, s6  }
0xb: {  	s8 =	smov.u32 s2;
	p0 =	por $0x0, $0x0;
	s7 =	sadd.s32 $0x1, s6  }
.LBB1_4:
0xc: {  	v5 =	vld [tilespmem:s16+$0xFFFFFFD0];
	[tilespmem:s15+$0x2040 ss:$0x81] =	vst.msk $0xffff, v1  }
0xd: {  	v58 =	vld [tilespmem:s16+$0xFFFFFFE0];
	[tilespmem:s15+$0x2850 ss:$0x81] =	vst.msk $0xffff, v2  }
0xe: {  	s17 =	sshra.s32 s17, $0x2;
	v59 =	vld [tilespmem:s16+$0xFFFFFFF0];
	[tilespmem:s15+$0x3060 ss:$0x81] =	vst.msk $0xffff, v3  }
0xf: {  	v60 =	vld [tilespmem:s16+$0x0];
	[tilespmem:s15+$0x0 ss:$0x81] =	vst.msk $0xffff, v0;
	s14 =	sadd.s32 s17, s14  }
0x10: {  	v61 =	vld [tilespmem:s16+$0x10];
	[tilespmem:s14+$0x3870 ss:$0x81] =	vst.msk $0xffff, v4  }
0x11: {  	v62 =	vld [tilespmem:s16+$0x20];
	s12 =	sshll.u32 s12, $0x7;
	s28 =	sshll.u32 s11, $0x3;
	[tilespmem:s14+$0x810 ss:$0x81] =	vst.msk $0xffff, v5  }
0x12: {  	v63 =	vld [tilespmem:s16+$0xFFFFFFC0];
	s29 =	sand.u32 $0x7FFC00, s12;
	s15 =	sand.u32 $0x7FFC00, s28;
	[tilespmem:s14+$0x1020 ss:$0x81] =	vst.msk $0xffff, v58  }
0x13: {  	s12 =	sand.u32 $0x380, s12;
	s15 =	sadd.s32 s15, s29;
	[tilespmem:s14+$0x1830 ss:$0x81] =	vst.msk $0xffff, v59  }
0x14: {  	s30 =	sshrl.u32 s11, $0x3;
	s12 =	sor.u32 s12, s15;
	[tilespmem:s14+$0x2040 ss:$0x81] =	vst.msk $0xffff, v60  }
0x15: {  	s15 =	sand.u32 $0xF, s30;
	s12 =	sshrl.u32 s12, $0x3;
	[tilespmem:s14+$0x2850 ss:$0x81] =	vst.msk $0xffff, v61  }
0x16: {  	s15 =	sadd.s32 s5, s15;
	[tilespmem:s14+$0x3060 ss:$0x81] =	vst.msk $0xffff, v62;
	s12 =	sand.u32 $0xFFFF0, s12  }
0x17: {  	s31 =	sand.u32 $0x7, s11;
	[tilespmem:s14+$0x0 ss:$0x81] =	vst.msk $0xffff, v63;
	s12 =	sadd.s32 s12, s15  }
0x18: {  	[hbm4b:s12+s31] =	stream.linear.scatter [tilespmem:s13], [sflag:$0x2], $0x4000, $0x20;
	[tilespmem:$0x10100] =	vst v63  }
.LBB1_5:
0x19: {  	s13 =	sadd.s32 $0x1000, s8  }
0x1a: {  	s11 =	sadd.s32 $0x80, s9;
	s15 =	smov.u32 s9;
	p2 =	sgt.s32 s13, $0xFFFF  }
0x1b: {  	s15 =	smov.u32 @p2 s11  }
0x1c: {  	s13 =	smov.u32 @p2 s2;
	p2 =	sgt.s32 s15, $0x7F  }
0x1d: {  	s15 =	simm.s32 @p2 $0x0;
	p2 =	sne.s32 s10, s7  }
.Ltmp1:
0x1e: {  	p1 =	slt.u32 s10, $0x2;
	(pc) =	sbr.rel @!p2 .LBB1_6-.Ltmp1, $4  }
0x1f: {  	s14 =	simm.s32 @!p1 $0x2  }
0x20: {  	s12 =	smov.u32 s8;
	p0 =	por !p0, !p0;
	_ =	swait.ge @!p1 [sflag:s14], $0x4000  }
0x21: {  	s11 =	smov.u32 s9;
	[sflag:s14] =	ssyncset.done @!p1 $0x0;
	s8 =	smov.u32 s13  }
0x22: {  	s10 =	sadd.s32 $0x1, s10;
	[sflag:s14] =	ssyncadd.s32 @!p1 $0xFFFFC000;
	s9 =	smov.u32 s15  }
.LBB1_1:
0x23: {  	p1 =	sge.u32 s10, s6;
	s31 =	sadd.s32 $0xFFFFFFFF, s10  }
0x24: {  	s13 =	sand.u32 @!p1 $0x78, s8;
	s14 =	sshll.u32 @!p1 s9, $0x10;
	s15 =	sshll.u32 @!p1 s9, $0x7  }
0x25: {  	s16 =	sshll.u32 @!p1 s8, $0x3;
	s14 =	sand.u32 @!p1 $0x780000, s14;
	s15 =	sand.u32 @!p1 $0x380, s15  }
0x26: {  	s14 =	sadd.s32 @!p1 s14, s16;
	s16 =	sand.u32 @!p1 $0xFC00, s16;
	s13 =	sor.u32 @!p1 s15, s13  }
0x27: {  	s15 =	sxor.u32 @!p1 $0xFFFFFFFF, s10;
	s14 =	sand.u32 @!p1 $0x7F0000, s14;
	s13 =	sor.u32 @!p1 s16, s13  }
0x28: {  	s15 =	sshll.u32 @!p1 s15, $0xE;
	s13 =	sor.u32 @!p1 s14, s13;
	s14 =	sand.u32 @!p1 $0x7, s8  }
0x29: {  	s16 =	simm.s32 @!p1 $0x80000;
	s13 =	sshrl.u32 @!p1 s13, $0x3;
	s14 =	sshll.u32 @!p1 s14, $0x12  }
0x2a: {  	s15 =	sand.u32 @!p1 $0x4000, s15;
	s13 =	sadd.s32 @!p1 s3, s13;
	s14 =	sor.u32 @!p1 $0x400, s14  }
0x2b: {  	[tilespmem:s15], [sflag:$0x1] =	stream.strided.gather @!p1 [hbm4b:s13+s14], $0x4000, s16, s14, $0x38;
	[tilespmem:$0x10100] =	vst v63  }
0x2c: {  	p1 =	sge.u32 s31, s6  }
.Ltmp2:
0x2d: {  	_ = 	snop;
	(pc) =	sbr.rel @p1 .LBB1_5-.Ltmp2, $1  }
0x2e: {  	_ =	sdelay $0x3  }
0x2f: {  	s13 =	simm.s32 $0x1  }
0x30: {  	_ =	swait.ge [sflag:s4], $0x4000;
	s13 =	simm.s32 @!p0 $0x0  }
0x31: {  	[sflag:s4] =	ssyncset.done $0x0;
	s14 =	sshll.u32 s13, $0xE  }
0x32: {  	[sflag:s4] =	ssyncadd.s32 $0xFFFFC000;
	s16 =	sor.u32 $0x40, s14  }
0x33: {  	s13 =	smul.u32 $0x10200, s13;
	v0 =	vld [tilespmem:s16+$0x30]  }
0x34: {  	v3 =	vld [tilespmem:s16+$0xFFFFFFD0]  }
0x35: {  	s13 =	sshrl.u32 s13, $0x2;
	v4 =	vld [tilespmem:s16+$0xFFFFFFE0]  }
0x36: {  	v5 =	vld [tilespmem:s16+$0xFFFFFFF0];
	s14 =	sor.u32 $0x8000, s13  }
0x37: {  	s31 =	sand.u32 $0x1, s10;
	v1 =	vld [tilespmem:s16+$0x0];
	s15 =	sadd.s32 $0x0, s14  }
0x38: {  	v2 =	vld [tilespmem:s16+$0x10];
	s13 =	smul.u32 $0x10200, s31;
	[tilespmem:s15+$0x3870 ss:$0x81] =	vst.msk $0xffff, v0  }
0x39: {  	[tilespmem:s15+$0x810 ss:$0x81] =	vst.msk $0xffff, v3;
	v3 =	vld [tilespmem:s16+$0x20]  }
0x3a: {  	s13 =	sshrl.u32 s13, $0x2;
	v0 =	vld [tilespmem:s16+$0xFFFFFFC0];
	[tilespmem:s15+$0x1020 ss:$0x81] =	vst.msk $0xffff, v4;
	s16 =	sadd.s32 $0x80, s16  }
0x3b: {  	s17 =	simm.s32 $0x4;
	s18 =	simm.s32 $0x8;
	s13 =	sor.u32 $0x8000, s13;
	[tilespmem:s15+$0x1830 ss:$0x81] =	vst.msk $0xffff, v5;
	v4 =	vld [tilespmem:s16+$0x30]  }
.LBB1_3:
0x3c: {  	p1 =	sne.s32 s18, $0x1FC;
	v5 =	vld [tilespmem:s16+$0xFFFFFFD0];
	[tilespmem:s15+$0x2040 ss:$0x81] =	vst.msk $0xffff, v1  }
0x3d: {  	v6 =	vld [tilespmem:s16+$0xFFFFFFE0];
	[tilespmem:s15+$0x2850 ss:$0x81] =	vst.msk $0xffff, v2  }
0x3e: {  	s19 =	sshra.s32 s17, $0x2;
	s17 =	smov.u32 s18;
	v7 =	vld [tilespmem:s16+$0xFFFFFFF0];
	[tilespmem:s15+$0x3060 ss:$0x81] =	vst.msk $0xffff, v3  }
.Ltmp3:
0x3f: {  	v1 =	vld [tilespmem:s16+$0x0];
	[tilespmem:s15+$0x0 ss:$0x81] =	vst.msk $0xffff, v0;
	s15 =	sadd.s32 s19, s14;
	(pc) =	sbr.rel @p1 .LBB1_3-.Ltmp3, $4  }
0x40: {  	v2 =	vld [tilespmem:s16+$0x10];
	[tilespmem:s15+$0x3870 ss:$0x81] =	vst.msk $0xffff, v4  }
0x41: {  	[tilespmem:s15+$0x810 ss:$0x81] =	vst.msk $0xffff, v5;
	v3 =	vld [tilespmem:s16+$0x20]  }
0x42: {  	v0 =	vld [tilespmem:s16+$0xFFFFFFC0];
	[tilespmem:s15+$0x1020 ss:$0x81] =	vst.msk $0xffff, v6;
	s16 =	sadd.s32 $0x80, s16  }
0x43: {  	s18 =	sadd.s32 $0x4, s18;
	v4 =	vld [tilespmem:s16+$0x30];
	[tilespmem:s15+$0x1830 ss:$0x81] =	vst.msk $0xffff, v7  }
.Ltmp4:
0x44: {  	_ = 	snop;
	(pc) =	sbr.rel .LBB1_4-.Ltmp4, $1  }
0x45: {  	_ =	sdelay $0x3  }
.LBB1_6:
0x46: {  	_ =	sfence.sel $0x180000  }
0x47: {  	s2 =	simm.s32 $0x1;
	[bflag:$0x0] =	sbarrier.arrive $0xFFFF  }
0x48: {  	s31 =	simm.s32 $0x2;
	[sflag:s2] =	ssyncpa.u1 $0x1  }
0x49: {  	[sflag:s31] =	ssyncpa.u1 $0x1  }
0x4a: {  	p0 =	sne.s32 s0, $0x0;
	_ =	strace $0x9000004D  }
0x4b: {  	s0 =	sadd.s32 @!p0 $0x100000, s1;
	[bflag:$0x2] =	sbarrier.arrive $0xFFFF  }
0x4c: {  	[sflag:s0] =	ssyncadd.tile.s32 @!p0 $0x1;
	_ =	shalt  }
.Lfunc_end1:
_tile_overlayer_lowered:
.L_overlay_start_2:
0x4d: {  	(tag) =	ssettag $0x2  }
0x4e: {  	s0 =	rddreg [dreg:$0x0];
	s2 =	stileid.u32  }
0x4f: {  	s1 =	rddreg [dreg:$0x1];
	p0 =	sne.s32 s2, $0x0  }
0x50: {  	s3 =	rddreg [dreg:$0x2];
	[bflag:$0x3] =	sbarrier.arrive $0xFFFF;
	s2 =	simm.s32 @!p0 $0x1C01  }
0x51: {  	[timem:s3], [sflag:s2] =	dma.local @!p0 [hbm:s0], s1  }
0x52: {  	s0 =	simm.s32 @!p0 $0x1  }
0x53: {  	_ =	swait.ge @!p0 [sflag:s0], s1  }
0x54: {  	s1 =	ssub.s32 @!p0 $0x0, s1;
	[sflag:s0] =	ssyncset.done @!p0 $0x0  }
0x55: {  	[sflag:s0] =	ssyncadd.s32 @!p0 s1  }
0x56: {  	[bflag:$0x3] =	sbarrier.arrive $0xFFFF  }
0x57: {  	_ =	shalt  }

// kernel: sparse-core-data-format-call.12.cloned.1.call-start
scs
called_computation.15_lowered:
.L_overlay_start_0:
0x0: {  	s1 =	sld [smem:$0x3FD9]  }
0x1: {  	s2 =	sld [smem:$0x3FFE];
	_ =	sdelay $0x1  }
0x2: {  	s3 =	srdreg.scid  }
0x3: {  	s0 =	sand.u32 $0x1, s3  }
0x4: {  	s17 =	sshll.u32 s0, $0xA;
	s1 =	sadd.s32 s2, s1  }
0x5: {  	s1 =	sadd.s32 s1, s17  }
0x6: {  	[smem:$0x3FBE] =	sst s1  }
0x7: {  	_ = 	snop  }
0x8: {  	(tm) =	ssettm $0x1  }
0x9: {  	s18 =	sld [smem:$0x3FFB];
	_ =	sdelay $0x3  }
0xa: {  	_ =	strace s18  }
0xb: {  	s1 =	sld [smem:$0x3FFC];
	_ =	sdelay $0x3  }
0xc: {  	_ =	strace s1  }
0xd: {  	s1 =	sld [smem:$0x3FFD];
	_ =	sdelay $0x3  }
0xe: {  	_ =	strace s1  }
0xf: {  	_ =	strace $0x8FFFFFFF  }
0x10: {  	s19 =	sld [smem:$0x3FDB];
	_ =	sdelay $0x1  }
0x11: {  	s20 =	simm.s32 $_scs_section_size  }
0x12: {  	s4 =	simm.s32 $_size__tile_overlayer_lowered;
	s5 =	simm.s32 $_tile_overlayer_lowered  }
0x13: {  	s23 =	simm.s32 $0x1BFF;
	s22 =	sshll.u32 s5, $0x1;
	s1 =	sadd.s32 s20, s19  }
0x14: {  	s6 =	simm.s32 $0x0;
	s21 =	sshll.u32 s4, $0x1;
	s4 =	sadd.s32 s22, s1  }
0x15: {  	[timem:s6], [sflag:s23] =	dma.local [hbm:s4], s21  }
0x16: {  	_ =	swait.ge [sflag:s23], s21  }
0x17: {  	s2 =	ssub.s32 $0x0, s21;
	[sflag:s23] =	ssyncset.done $0x0  }
0x18: {  	[sflag:s23] =	ssyncadd.s32 s2;
	_ =	sdelay $0x1  }
0x19: {  	s24 =	simm.s32 $0x1B8B  }
0x1a: {  	_ =	swait.ge [sflag:s24], $0x1  }
0x1b: {  	[sflag:s24] =	ssyncset.done $0x0  }
0x1c: {  	s26 =	simm.s32 $0x1B8E;
	s25 =	sld [smem:$0x3FFE];
	[sflag:s24] =	ssyncadd.s32 $0xFFFFFFFF  }
0x1d: {  	s27 =	simm.s32 $execute0_lowered;
	[smem:$0x3FD2] =	sst s26  }
0x1e: {  	s4 =	sshll.u32 s27, $0x1;
	_ =	strace $0x80000049;
	[dreg:$0x1] =	wrdreg $0xFFFFFFFF  }
0x1f: {  	s28 =	simm.s32 $_size_execute0_lowered;
	s1 =	sadd.s32 s1, s4;
	[dreg:$0x0] =	wrdreg $0x0  }
0x20: {  	s4 =	sshll.u32 s28, $0x1;
	[dreg:$0x2] =	wrdreg s1  }
0x21: {  	[dreg:$0x3] =	wrdreg s4  }
0x22: {  	[dreg:$0x4] =	wrdreg $0xC0  }
0x23: {  	_ =	task [dreg:s6], $0x5FFFF  }
0x24: {  	[dreg:$0x1] =	wrdreg $0xFFFFFFFF  }
0x25: {  	[dreg:$0x0] =	wrdreg $0x60  }
0x26: {  	[dreg:$0x2] =	wrdreg s25  }
0x27: {  	[dreg:$0x3] =	wrdreg $0x15  }
0x28: {  	_ =	task.clear_ibuf [dreg:s6], $0x4FFFF;
	_ =	strace $0x90000049  }
0x29: {  	s29 =	simm.s32 $0x15;
	_ =	strace $0x8000004B  }
0x2a: {  	_ =	swait.ge [sflag:s29], $0x1  }
0x2b: {  	[sflag:s29] =	ssyncadd.s32 $0xFFFFFFFF  }
0x2c: {  	_ =	strace $0x9000004B  }
0x2d: {  	_ =	sfence  }
0x2e: {  	s30 =	sld [smem:$0x0];
	_ =	sdelay $0x2  }
0x2f: {  	s31 =	sshll.u32 s3, $0xD;
	s3 =	sshrl.u32 s3, $0x2  }
0x30: {  	s2 =	sand.u32 $0x4000, s31;
	s1 =	sadd.s32 s3, s30  }
0x31: {  	s0 =	sor.u32 s2, s0;
	s1 =	sshll.u32 s1, $0x11  }
0x32: {  	s0 =	sor.u32 s1, s0  }
0x33: {  	s0 =	sadd.s32 $0x8F2B, s0  }
0x34: {  	[sflag:s0] =	ssyncadd.remote.s32 $0x1  }
0x35: {  	_ =	sfence.sel $0xFFFF  }
0x36: {  	[dreg:$0x0] =	wrdreg $0xFFFFFFFF;
	(pc) =	sbr.abs _section_cstart, $3  }
0x37: {  	[dreg:$0x1] =	wrdreg $0xFFFFFFFF  }
0x38: {  	_ =	task.clear_ibuf [dreg:s6], $0x2FFFF;
	_ =	strace $0x9FFFFFFF  }
0x39: {  	(tm) =	ssettm $0x7FFFFFFF  }
tec
execute0_lowered:
.L_overlay_start_1:
0x0: {  	(tag) =	ssettag $0x1  }
0x1: {  	s0 =	srdreg.scid  }
0x2: {  	s5 =	rddreg [dreg:$0x0];
	s1 =	sshll.u32 s0, $0x4  }
0x3: {  	s4 =	simm.s32 $0x1;
	s0 =	stileid.u32;
	s1 =	sand.u32 $0x10, s1  }
0x4: {  	s8 =	simm.s32 $0x2;
	s12 =	simm.s32 $0x0;
	s2 =	sor.u32 s0, s1  }
0x5: {  	s11 =	simm.s32 $0x0;
	s9 =	simm.s32 $0x0;
	s2 =	sshll.u32 s2, $0x7  }
0x6: {  	s10 =	simm.s32 $0x0;
	s3 =	sadd.s32 $0x22D800, s5;
	s6 =	ssub.s32 $0x10000, s2  }
.Ltmp0:
0x7: {  	s1 =	rddreg [dreg:$0x1];
	s7 =	sand.u32 $0xF80, s6;
	(pc) =	sbr.rel .LBB1_1-.Ltmp0, $4  }
0x8: {  	_ =	strace $0x8000004A;
	p0 =	sne.s32 s7, $0x0;
	s7 =	simm.s32 $0x1  }
0x9: {  	[sflag:s4] =	ssyncpa.u1 $0x0;
	s6 =	sshrl.u32 s6, $0xC;
	s7 =	simm.s32 @!p0 $0x0  }
0xa: {  	s5 =	sadd.s32 $0x32D800, s5;
	[sflag:s8] =	ssyncpa.u1 $0x0;
	s6 =	sadd.s32 s7, s6  }
0xb: {  	s8 =	smov.u32 s2;
	p0 =	por $0x0, $0x0;
	s7 =	sadd.s32 $0x1, s6  }
.LBB1_4:
0xc: {  	v5 =	vld [tilespmem:s16+$0xFFFFFFD0];
	[tilespmem:s15+$0x2040 ss:$0x81] =	vst.msk $0xffff, v1  }
0xd: {  	v58 =	vld [tilespmem:s16+$0xFFFFFFE0];
	[tilespmem:s15+$0x2850 ss:$0x81] =	vst.msk $0xffff, v2  }
0xe: {  	s17 =	sshra.s32 s17, $0x2;
	v59 =	vld [tilespmem:s16+$0xFFFFFFF0];
	[tilespmem:s15+$0x3060 ss:$0x81] =	vst.msk $0xffff, v3  }
0xf: {  	v60 =	vld [tilespmem:s16+$0x0];
	[tilespmem:s15+$0x0 ss:$0x81] =	vst.msk $0xffff, v0;
	s14 =	sadd.s32 s17, s14  }
0x10: {  	v61 =	vld [tilespmem:s16+$0x10];
	[tilespmem:s14+$0x3870 ss:$0x81] =	vst.msk $0xffff, v4  }
0x11: {  	v62 =	vld [tilespmem:s16+$0x20];
	s12 =	sshll.u32 s12, $0x7;
	s28 =	sshll.u32 s11, $0x3;
	[tilespmem:s14+$0x810 ss:$0x81] =	vst.msk $0xffff, v5  }
0x12: {  	v63 =	vld [tilespmem:s16+$0xFFFFFFC0];
	s29 =	sand.u32 $0x7FFC00, s12;
	s15 =	sand.u32 $0x7FFC00, s28;
	[tilespmem:s14+$0x1020 ss:$0x81] =	vst.msk $0xffff, v58  }
0x13: {  	s12 =	sand.u32 $0x380, s12;
	s15 =	sadd.s32 s15, s29;
	[tilespmem:s14+$0x1830 ss:$0x81] =	vst.msk $0xffff, v59  }
0x14: {  	s30 =	sshrl.u32 s11, $0x3;
	s12 =	sor.u32 s12, s15;
	[tilespmem:s14+$0x2040 ss:$0x81] =	vst.msk $0xffff, v60  }
0x15: {  	s15 =	sand.u32 $0xF, s30;
	s12 =	sshrl.u32 s12, $0x3;
	[tilespmem:s14+$0x2850 ss:$0x81] =	vst.msk $0xffff, v61  }
0x16: {  	s15 =	sadd.s32 s5, s15;
	[tilespmem:s14+$0x3060 ss:$0x81] =	vst.msk $0xffff, v62;
	s12 =	sand.u32 $0xFFFF0, s12  }
0x17: {  	s31 =	sand.u32 $0x7, s11;
	[tilespmem:s14+$0x0 ss:$0x81] =	vst.msk $0xffff, v63;
	s12 =	sadd.s32 s12, s15  }
0x18: {  	[hbm4b:s12+s31] =	stream.linear.scatter [tilespmem:s13], [sflag:$0x2], $0x4000, $0x20;
	[tilespmem:$0x10100] =	vst v63  }
.LBB1_5:
0x19: {  	s13 =	sadd.s32 $0x1000, s8  }
0x1a: {  	s11 =	sadd.s32 $0x80, s9;
	s15 =	smov.u32 s9;
	p2 =	sgt.s32 s13, $0xFFFF  }
0x1b: {  	s15 =	smov.u32 @p2 s11  }
0x1c: {  	s13 =	smov.u32 @p2 s2;
	p2 =	sgt.s32 s15, $0x7F  }
0x1d: {  	s15 =	simm.s32 @p2 $0x0;
	p2 =	sne.s32 s10, s7  }
.Ltmp1:
0x1e: {  	p1 =	slt.u32 s10, $0x2;
	(pc) =	sbr.rel @!p2 .LBB1_6-.Ltmp1, $4  }
0x1f: {  	s14 =	simm.s32 @!p1 $0x2  }
0x20: {  	s12 =	smov.u32 s8;
	p0 =	por !p0, !p0;
	_ =	swait.ge @!p1 [sflag:s14], $0x4000  }
0x21: {  	s11 =	smov.u32 s9;
	[sflag:s14] =	ssyncset.done @!p1 $0x0;
	s8 =	smov.u32 s13  }
0x22: {  	s10 =	sadd.s32 $0x1, s10;
	[sflag:s14] =	ssyncadd.s32 @!p1 $0xFFFFC000;
	s9 =	smov.u32 s15  }
.LBB1_1:
0x23: {  	p1 =	sge.u32 s10, s6;
	s31 =	sadd.s32 $0xFFFFFFFF, s10  }
0x24: {  	s13 =	sand.u32 @!p1 $0x78, s8;
	s14 =	sshll.u32 @!p1 s9, $0x10;
	s15 =	sshll.u32 @!p1 s9, $0x7  }
0x25: {  	s16 =	sshll.u32 @!p1 s8, $0x3;
	s14 =	sand.u32 @!p1 $0x780000, s14;
	s15 =	sand.u32 @!p1 $0x380, s15  }
0x26: {  	s14 =	sadd.s32 @!p1 s14, s16;
	s16 =	sand.u32 @!p1 $0xFC00, s16;
	s13 =	sor.u32 @!p1 s15, s13  }
0x27: {  	s15 =	sxor.u32 @!p1 $0xFFFFFFFF, s10;
	s14 =	sand.u32 @!p1 $0x7F0000, s14;
	s13 =	sor.u32 @!p1 s16, s13  }
0x28: {  	s15 =	sshll.u32 @!p1 s15, $0xE;
	s13 =	sor.u32 @!p1 s14, s13;
	s14 =	sand.u32 @!p1 $0x7, s8  }
0x29: {  	s16 =	simm.s32 @!p1 $0x80000;
	s13 =	sshrl.u32 @!p1 s13, $0x3;
	s14 =	sshll.u32 @!p1 s14, $0x12  }
0x2a: {  	s15 =	sand.u32 @!p1 $0x4000, s15;
	s13 =	sadd.s32 @!p1 s3, s13;
	s14 =	sor.u32 @!p1 $0x400, s14  }
0x2b: {  	[tilespmem:s15], [sflag:$0x1] =	stream.strided.gather @!p1 [hbm4b:s13+s14], $0x4000, s16, s14, $0x38;
	[tilespmem:$0x10100] =	vst v63  }
0x2c: {  	p1 =	sge.u32 s31, s6  }
.Ltmp2:
0x2d: {  	_ = 	snop;
	(pc) =	sbr.rel @p1 .LBB1_5-.Ltmp2, $1  }
0x2e: {  	_ =	sdelay $0x3  }
0x2f: {  	s13 =	simm.s32 $0x1  }
0x30: {  	_ =	swait.ge [sflag:s4], $0x4000;
	s13 =	simm.s32 @!p0 $0x0  }
0x31: {  	[sflag:s4] =	ssyncset.done $0x0;
	s14 =	sshll.u32 s13, $0xE  }
0x32: {  	[sflag:s4] =	ssyncadd.s32 $0xFFFFC000;
	s16 =	sor.u32 $0x40, s14  }
0x33: {  	s13 =	smul.u32 $0x10200, s13;
	v0 =	vld [tilespmem:s16+$0x30]  }
0x34: {  	v3 =	vld [tilespmem:s16+$0xFFFFFFD0]  }
0x35: {  	s13 =	sshrl.u32 s13, $0x2;
	v4 =	vld [tilespmem:s16+$0xFFFFFFE0]  }
0x36: {  	v5 =	vld [tilespmem:s16+$0xFFFFFFF0];
	s14 =	sor.u32 $0x8000, s13  }
0x37: {  	s31 =	sand.u32 $0x1, s10;
	v1 =	vld [tilespmem:s16+$0x0];
	s15 =	sadd.s32 $0x0, s14  }
0x38: {  	v2 =	vld [tilespmem:s16+$0x10];
	s13 =	smul.u32 $0x10200, s31;
	[tilespmem:s15+$0x3870 ss:$0x81] =	vst.msk $0xffff, v0  }
0x39: {  	[tilespmem:s15+$0x810 ss:$0x81] =	vst.msk $0xffff, v3;
	v3 =	vld [tilespmem:s16+$0x20]  }
0x3a: {  	s13 =	sshrl.u32 s13, $0x2;
	v0 =	vld [tilespmem:s16+$0xFFFFFFC0];
	[tilespmem:s15+$0x1020 ss:$0x81] =	vst.msk $0xffff, v4;
	s16 =	sadd.s32 $0x80, s16  }
0x3b: {  	s17 =	simm.s32 $0x4;
	s18 =	simm.s32 $0x8;
	s13 =	sor.u32 $0x8000, s13;
	[tilespmem:s15+$0x1830 ss:$0x81] =	vst.msk $0xffff, v5;
	v4 =	vld [tilespmem:s16+$0x30]  }
.LBB1_3:
0x3c: {  	p1 =	sne.s32 s18, $0x1FC;
	v5 =	vld [tilespmem:s16+$0xFFFFFFD0];
	[tilespmem:s15+$0x2040 ss:$0x81] =	vst.msk $0xffff, v1  }
0x3d: {  	v6 =	vld [tilespmem:s16+$0xFFFFFFE0];
	[tilespmem:s15+$0x2850 ss:$0x81] =	vst.msk $0xffff, v2  }
0x3e: {  	s19 =	sshra.s32 s17, $0x2;
	s17 =	smov.u32 s18;
	v7 =	vld [tilespmem:s16+$0xFFFFFFF0];
	[tilespmem:s15+$0x3060 ss:$0x81] =	vst.msk $0xffff, v3  }
.Ltmp3:
0x3f: {  	v1 =	vld [tilespmem:s16+$0x0];
	[tilespmem:s15+$0x0 ss:$0x81] =	vst.msk $0xffff, v0;
	s15 =	sadd.s32 s19, s14;
	(pc) =	sbr.rel @p1 .LBB1_3-.Ltmp3, $4  }
0x40: {  	v2 =	vld [tilespmem:s16+$0x10];
	[tilespmem:s15+$0x3870 ss:$0x81] =	vst.msk $0xffff, v4  }
0x41: {  	[tilespmem:s15+$0x810 ss:$0x81] =	vst.msk $0xffff, v5;
	v3 =	vld [tilespmem:s16+$0x20]  }
0x42: {  	v0 =	vld [tilespmem:s16+$0xFFFFFFC0];
	[tilespmem:s15+$0x1020 ss:$0x81] =	vst.msk $0xffff, v6;
	s16 =	sadd.s32 $0x80, s16  }
0x43: {  	s18 =	sadd.s32 $0x4, s18;
	v4 =	vld [tilespmem:s16+$0x30];
	[tilespmem:s15+$0x1830 ss:$0x81] =	vst.msk $0xffff, v7  }
.Ltmp4:
0x44: {  	_ = 	snop;
	(pc) =	sbr.rel .LBB1_4-.Ltmp4, $1  }
0x45: {  	_ =	sdelay $0x3  }
.LBB1_6:
0x46: {  	_ =	sfence.sel $0x180000  }
0x47: {  	s2 =	simm.s32 $0x1;
	[bflag:$0x0] =	sbarrier.arrive $0xFFFF  }
0x48: {  	s31 =	simm.s32 $0x2;
	[sflag:s2] =	ssyncpa.u1 $0x1  }
0x49: {  	[sflag:s31] =	ssyncpa.u1 $0x1  }
0x4a: {  	p0 =	sne.s32 s0, $0x0;
	_ =	strace $0x9000004A  }
0x4b: {  	s0 =	sadd.s32 @!p0 $0x100000, s1;
	[bflag:$0x2] =	sbarrier.arrive $0xFFFF  }
0x4c: {  	[sflag:s0] =	ssyncadd.tile.s32 @!p0 $0x1;
	_ =	shalt  }
.Lfunc_end1:
_tile_overlayer_lowered:
.L_overlay_start_2:
0x4d: {  	(tag) =	ssettag $0x2  }
0x4e: {  	s0 =	rddreg [dreg:$0x0];
	s2 =	stileid.u32  }
0x4f: {  	s1 =	rddreg [dreg:$0x1];
	p0 =	sne.s32 s2, $0x0  }
0x50: {  	s3 =	rddreg [dreg:$0x2];
	[bflag:$0x3] =	sbarrier.arrive $0xFFFF;
	s2 =	simm.s32 @!p0 $0x1C01  }
0x51: {  	[timem:s3], [sflag:s2] =	dma.local @!p0 [hbm:s0], s1  }
0x52: {  	s0 =	simm.s32 @!p0 $0x1  }
0x53: {  	_ =	swait.ge @!p0 [sflag:s0], s1  }
0x54: {  	s1 =	ssub.s32 @!p0 $0x0, s1;
	[sflag:s0] =	ssyncset.done @!p0 $0x0  }
0x55: {  	[sflag:s0] =	ssyncadd.s32 @!p0 s1  }
0x56: {  	[bflag:$0x3] =	sbarrier.arrive $0xFFFF  }
0x57: {  	_ =	shalt  }

// kernel: sparse-core-data-format-call.2.cloned.1.call-start
scs
called_computation.5_lowered:
.L_overlay_start_0:
0x0: {  	s2 =	sld [smem:$0x3FD9]  }
0x1: {  	s3 =	sld [smem:$0x3FFE];
	_ =	sdelay $0x1  }
0x2: {  	s1 =	srdreg.scid  }
0x3: {  	s0 =	sand.u32 $0x1, s1  }
0x4: {  	s18 =	sshll.u32 s0, $0xA;
	s2 =	sadd.s32 s3, s2  }
0x5: {  	s2 =	sadd.s32 s2, s18  }
0x6: {  	[smem:$0x3FBE] =	sst s2  }
0x7: {  	_ = 	snop  }
0x8: {  	(tm) =	ssettm $0x1  }
0x9: {  	s19 =	sld [smem:$0x3FFB];
	_ =	sdelay $0x3  }
0xa: {  	_ =	strace s19  }
0xb: {  	s2 =	sld [smem:$0x3FFC];
	_ =	sdelay $0x3  }
0xc: {  	_ =	strace s2  }
0xd: {  	s2 =	sld [smem:$0x3FFD];
	_ =	sdelay $0x3  }
0xe: {  	_ =	strace s2  }
0xf: {  	_ =	strace $0x8FFFFFFF  }
0x10: {  	s20 =	sld [smem:$0x3FDB];
	_ =	sdelay $0x1  }
0x11: {  	s21 =	simm.s32 $_scs_section_size  }
0x12: {  	s4 =	simm.s32 $_size__tile_overlayer_lowered;
	s5 =	simm.s32 $_tile_overlayer_lowered  }
0x13: {  	s6 =	simm.s32 $0x1BFF;
	s22 =	sshll.u32 s5, $0x1;
	s3 =	sadd.s32 s21, s20  }
0x14: {  	s23 =	simm.s32 $0x0;
	s4 =	sshll.u32 s4, $0x1;
	s5 =	sadd.s32 s22, s3  }
0x15: {  	[timem:s23], [sflag:s6] =	dma.local [hbm:s5], s4  }
0x16: {  	_ =	swait.ge [sflag:s6], s4  }
0x17: {  	s4 =	ssub.s32 $0x0, s4;
	[sflag:s6] =	ssyncset.done $0x0  }
0x18: {  	[sflag:s6] =	ssyncadd.s32 s4;
	_ =	sdelay $0x1  }
0x19: {  	s24 =	simm.s32 $0x1B8B  }
0x1a: {  	_ =	swait.ge [sflag:s24], $0x1  }
0x1b: {  	[sflag:s24] =	ssyncset.done $0x0  }
0x1c: {  	[sflag:s24] =	ssyncadd.s32 $0xFFFFFFFF  }
0x1d: {  	s4 =	sld [smem:$0x0]  }
0x1e: {  	s5 =	sand.u32 $0xFFFFFFFE, s1  }
0x1f: {  	p0 =	sne.s32 s1, s5  }
0x20: {  	s5 =	sshll.u32 @p0 s5, $0xE  }
0x21: {  	s5 =	sadd.s32 @p0 $0x11B8D, s5;
	s6 =	sshll.u32 @p0 s4, $0x11  }
0x22: {  	s5 =	sor.u32 @p0 s6, s5  }
0x23: {  	[sflag:s5] =	ssyncadd.remote.s32 @p0 $0x1;
	_ =	sdelay $0x1  }
0x24: {  	s5 =	simm.s32 @p0 $0x1B8D  }
0x25: {  	_ =	swait.eq @p0 [sflag:s5], $0x1  }
0x26: {  	[sflag:s5] =	ssyncadd.s32 @p0 $0xFFFFFFFF  }
0x27: {  	s6 =	sshll.u32 @!p0 s1, $0xE  }
0x28: {  	s6 =	sor.u32 @!p0 $0x4000, s6;
	s5 =	simm.s32 @!p0 $0x1B8D  }
0x29: {  	s4 =	sshll.u32 @!p0 s4, $0x11;
	s6 =	sadd.s32 @!p0 $0x11B8D, s6;
	_ =	swait.eq @!p0 [sflag:s5], $0x1  }
0x2a: {  	s4 =	sor.u32 @!p0 s4, s6;
	[sflag:s5] =	ssyncadd.s32 @!p0 $0xFFFFFFFF  }
0x2b: {  	s26 =	simm.s32 $0x1B8E;
	s25 =	sld [smem:$0x3FFE];
	[sflag:s4] =	ssyncadd.remote.s32 @!p0 $0x1  }
0x2c: {  	s27 =	simm.s32 $execute0_lowered;
	[smem:$0x3FD2] =	sst s26  }
0x2d: {  	s5 =	sshll.u32 s27, $0x1;
	_ =	strace $0x80000067;
	[dreg:$0x1] =	wrdreg $0xFFFFFFFF  }
0x2e: {  	s28 =	simm.s32 $_size_execute0_lowered;
	s3 =	sadd.s32 s3, s5;
	[dreg:$0x0] =	wrdreg $0x0  }
0x2f: {  	s5 =	sshll.u32 s28, $0x1;
	[dreg:$0x2] =	wrdreg s3  }
0x30: {  	[dreg:$0x3] =	wrdreg s5  }
0x31: {  	[dreg:$0x4] =	wrdreg $0xC0  }
0x32: {  	_ =	task [dreg:s23], $0x5FFFF  }
0x33: {  	[dreg:$0x1] =	wrdreg $0xFFFFFFFF  }
0x34: {  	[dreg:$0x0] =	wrdreg $0x60  }
0x35: {  	[dreg:$0x2] =	wrdreg s25  }
0x36: {  	[dreg:$0x3] =	wrdreg $0xB  }
0x37: {  	_ =	task.clear_ibuf [dreg:s23], $0x4FFFF;
	_ =	strace $0x90000067  }
0x38: {  	s29 =	simm.s32 $0xB;
	_ =	strace $0x80000069  }
0x39: {  	_ =	swait.ge [sflag:s29], $0x1  }
0x3a: {  	[sflag:s29] =	ssyncadd.s32 $0xFFFFFFFF  }
0x3b: {  	_ =	strace $0x90000069  }
0x3c: {  	_ =	sfence  }
0x3d: {  	s30 =	sld [smem:$0x0];
	_ =	sdelay $0x2  }
0x3e: {  	s31 =	sshll.u32 s1, $0xD;
	s1 =	sshrl.u32 s1, $0x2  }
0x3f: {  	s4 =	sand.u32 $0x4000, s31;
	s1 =	sadd.s32 s1, s30  }
0x40: {  	s0 =	sor.u32 s4, s0;
	s1 =	sshll.u32 s1, $0x11  }
0x41: {  	s0 =	sor.u32 s1, s0  }
0x42: {  	s0 =	sadd.s32 $0x8F2B, s0  }
0x43: {  	[sflag:s0] =	ssyncadd.remote.s32 $0x1  }
0x44: {  	_ =	sfence.sel $0xFFFF  }
0x45: {  	[dreg:$0x0] =	wrdreg $0xFFFFFFFF;
	(pc) =	sbr.abs _section_cstart, $3  }
0x46: {  	[dreg:$0x1] =	wrdreg $0xFFFFFFFF  }
0x47: {  	_ =	task.clear_ibuf [dreg:s23], $0x2FFFF;
	_ =	strace $0x9FFFFFFF  }
0x48: {  	(tm) =	ssettm $0x7FFFFFFF  }
0x49: {  	_ =	shalt  }
tec
execute0_lowered:
.L_overlay_start_1:
0x0: {  	(tag) =	ssettag $0x1  }
0x1: {  	s0 =	srdreg.scid  }
0x2: {  	s5 =	rddreg [dreg:$0x0];
	s1 =	sshll.u32 s0, $0x4  }
0x3: {  	s4 =	simm.s32 $0x1;
	s0 =	stileid.u32;
	s1 =	sand.u32 $0x10, s1  }
0x4: {  	s8 =	simm.s32 $0x2;
	s12 =	simm.s32 $0x0;
	s2 =	sor.u32 s0, s1  }
0x5: {  	s11 =	simm.s32 $0x0;
	s9 =	simm.s32 $0x0;
	s2 =	sshll.u32 s2, $0x7  }
0x6: {  	s10 =	simm.s32 $0x0;
	s3 =	sadd.s32 $0x162D800, s5;
	s6 =	ssub.s32 $0x10000, s2  }
.Ltmp0:
0x7: {  	s1 =	rddreg [dreg:$0x1];
	s7 =	sand.u32 $0xF80, s6;
	(pc) =	sbr.rel .LBB1_1-.Ltmp0, $4  }
0x8: {  	_ =	strace $0x80000068;
	p0 =	sne.s32 s7, $0x0;
	s7 =	simm.s32 $0x1  }
0x9: {  	[sflag:s4] =	ssyncpa.u1 $0x0;
	s6 =	sshrl.u32 s6, $0xC;
	s7 =	simm.s32 @!p0 $0x0  }
0xa: {  	s5 =	sadd.s32 $0x172D800, s5;
	[sflag:s8] =	ssyncpa.u1 $0x0;
	s6 =	sadd.s32 s7, s6  }
0xb: {  	s8 =	smov.u32 s2;
	p0 =	por $0x0, $0x0;
	s7 =	sadd.s32 $0x1, s6  }
.LBB1_4:
0xc: {  	v5 =	vld [tilespmem:s16+$0xFFFFFFD0];
	[tilespmem:s15+$0x2040 ss:$0x81] =	vst.msk $0xffff, v1  }
0xd: {  	v58 =	vld [tilespmem:s16+$0xFFFFFFE0];
	[tilespmem:s15+$0x2850 ss:$0x81] =	vst.msk $0xffff, v2  }
0xe: {  	s17 =	sshra.s32 s17, $0x2;
	v59 =	vld [tilespmem:s16+$0xFFFFFFF0];
	[tilespmem:s15+$0x3060 ss:$0x81] =	vst.msk $0xffff, v3  }
0xf: {  	v60 =	vld [tilespmem:s16+$0x0];
	[tilespmem:s15+$0x0 ss:$0x81] =	vst.msk $0xffff, v0;
	s14 =	sadd.s32 s17, s14  }
0x10: {  	v61 =	vld [tilespmem:s16+$0x10];
	[tilespmem:s14+$0x3870 ss:$0x81] =	vst.msk $0xffff, v4  }
0x11: {  	v62 =	vld [tilespmem:s16+$0x20];
	s12 =	sshll.u32 s12, $0x7;
	s28 =	sshll.u32 s11, $0x3;
	[tilespmem:s14+$0x810 ss:$0x81] =	vst.msk $0xffff, v5  }
0x12: {  	v63 =	vld [tilespmem:s16+$0xFFFFFFC0];
	s29 =	sand.u32 $0x7FFC00, s12;
	s15 =	sand.u32 $0x7FFC00, s28;
	[tilespmem:s14+$0x1020 ss:$0x81] =	vst.msk $0xffff, v58  }
0x13: {  	s12 =	sand.u32 $0x380, s12;
	s15 =	sadd.s32 s15, s29;
	[tilespmem:s14+$0x1830 ss:$0x81] =	vst.msk $0xffff, v59  }
0x14: {  	s30 =	sshrl.u32 s11, $0x3;
	s12 =	sor.u32 s12, s15;
	[tilespmem:s14+$0x2040 ss:$0x81] =	vst.msk $0xffff, v60  }
0x15: {  	s15 =	sand.u32 $0xF, s30;
	s12 =	sshrl.u32 s12, $0x3;
	[tilespmem:s14+$0x2850 ss:$0x81] =	vst.msk $0xffff, v61  }
0x16: {  	s15 =	sadd.s32 s5, s15;
	[tilespmem:s14+$0x3060 ss:$0x81] =	vst.msk $0xffff, v62;
	s12 =	sand.u32 $0xFFFF0, s12  }
0x17: {  	s31 =	sand.u32 $0x7, s11;
	[tilespmem:s14+$0x0 ss:$0x81] =	vst.msk $0xffff, v63;
	s12 =	sadd.s32 s12, s15  }
0x18: {  	[hbm4b:s12+s31] =	stream.linear.scatter [tilespmem:s13], [sflag:$0x2], $0x4000, $0x20;
	[tilespmem:$0x10100] =	vst v63  }
.LBB1_5:
0x19: {  	s13 =	sadd.s32 $0x1000, s8  }
0x1a: {  	s11 =	sadd.s32 $0x80, s9;
	s15 =	smov.u32 s9;
	p2 =	sgt.s32 s13, $0xFFFF  }
0x1b: {  	s15 =	smov.u32 @p2 s11  }
0x1c: {  	s13 =	smov.u32 @p2 s2;
	p2 =	sgt.s32 s15, $0x7F  }
0x1d: {  	s15 =	simm.s32 @p2 $0x0;
	p2 =	sne.s32 s10, s7  }
.Ltmp1:
0x1e: {  	p1 =	slt.u32 s10, $0x2;
	(pc) =	sbr.rel @!p2 .LBB1_6-.Ltmp1, $4  }
0x1f: {  	s14 =	simm.s32 @!p1 $0x2  }
0x20: {  	s12 =	smov.u32 s8;
	p0 =	por !p0, !p0;
	_ =	swait.ge @!p1 [sflag:s14], $0x4000  }
0x21: {  	s11 =	smov.u32 s9;
	[sflag:s14] =	ssyncset.done @!p1 $0x0;
	s8 =	smov.u32 s13  }
0x22: {  	s10 =	sadd.s32 $0x1, s10;
	[sflag:s14] =	ssyncadd.s32 @!p1 $0xFFFFC000;
	s9 =	smov.u32 s15  }
.LBB1_1:
0x23: {  	p1 =	sge.u32 s10, s6;
	s31 =	sadd.s32 $0xFFFFFFFF, s10  }
0x24: {  	s13 =	sand.u32 @!p1 $0x78, s8;
	s14 =	sshll.u32 @!p1 s9, $0x10;
	s15 =	sshll.u32 @!p1 s9, $0x7  }
0x25: {  	s16 =	sshll.u32 @!p1 s8, $0x3;
	s14 =	sand.u32 @!p1 $0x780000, s14;
	s15 =	sand.u32 @!p1 $0x380, s15  }
0x26: {  	s14 =	sadd.s32 @!p1 s14, s16;
	s16 =	sand.u32 @!p1 $0xFC00, s16;
	s13 =	sor.u32 @!p1 s15, s13  }
0x27: {  	s15 =	sxor.u32 @!p1 $0xFFFFFFFF, s10;
	s14 =	sand.u32 @!p1 $0x7F0000, s14;
	s13 =	sor.u32 @!p1 s16, s13  }
0x28: {  	s15 =	sshll.u32 @!p1 s15, $0xE;
	s13 =	sor.u32 @!p1 s14, s13;
	s14 =	sand.u32 @!p1 $0x7, s8  }
0x29: {  	s16 =	simm.s32 @!p1 $0x80000;
	s13 =	sshrl.u32 @!p1 s13, $0x3;
	s14 =	sshll.u32 @!p1 s14, $0x12  }
0x2a: {  	s15 =	sand.u32 @!p1 $0x4000, s15;
	s13 =	sadd.s32 @!p1 s3, s13;
	s14 =	sor.u32 @!p1 $0x400, s14  }
0x2b: {  	[tilespmem:s15], [sflag:$0x1] =	stream.strided.gather @!p1 [hbm4b:s13+s14], $0x4000, s16, s14, $0x38;
	[tilespmem:$0x10100] =	vst v63  }
0x2c: {  	p1 =	sge.u32 s31, s6  }
.Ltmp2:
0x2d: {  	_ = 	snop;
	(pc) =	sbr.rel @p1 .LBB1_5-.Ltmp2, $1  }
0x2e: {  	_ =	sdelay $0x3  }
0x2f: {  	s13 =	simm.s32 $0x1  }
0x30: {  	_ =	swait.ge [sflag:s4], $0x4000;
	s13 =	simm.s32 @!p0 $0x0  }
0x31: {  	[sflag:s4] =	ssyncset.done $0x0;
	s14 =	sshll.u32 s13, $0xE  }
0x32: {  	[sflag:s4] =	ssyncadd.s32 $0xFFFFC000;
	s16 =	sor.u32 $0x40, s14  }
0x33: {  	s13 =	smul.u32 $0x10200, s13;
	v0 =	vld [tilespmem:s16+$0x30]  }
0x34: {  	v3 =	vld [tilespmem:s16+$0xFFFFFFD0]  }
0x35: {  	s13 =	sshrl.u32 s13, $0x2;
	v4 =	vld [tilespmem:s16+$0xFFFFFFE0]  }
0x36: {  	v5 =	vld [tilespmem:s16+$0xFFFFFFF0];
	s14 =	sor.u32 $0x8000, s13  }
0x37: {  	s31 =	sand.u32 $0x1, s10;
	v1 =	vld [tilespmem:s16+$0x0];
	s15 =	sadd.s32 $0x0, s14  }
0x38: {  	v2 =	vld [tilespmem:s16+$0x10];
	s13 =	smul.u32 $0x10200, s31;
	[tilespmem:s15+$0x3870 ss:$0x81] =	vst.msk $0xffff, v0  }
0x39: {  	[tilespmem:s15+$0x810 ss:$0x81] =	vst.msk $0xffff, v3;
	v3 =	vld [tilespmem:s16+$0x20]  }
0x3a: {  	s13 =	sshrl.u32 s13, $0x2;
	v0 =	vld [tilespmem:s16+$0xFFFFFFC0];
	[tilespmem:s15+$0x1020 ss:$0x81] =	vst.msk $0xffff, v4;
	s16 =	sadd.s32 $0x80, s16  }
0x3b: {  	s17 =	simm.s32 $0x4;
	s18 =	simm.s32 $0x8;
	s13 =	sor.u32 $0x8000, s13;
	[tilespmem:s15+$0x1830 ss:$0x81] =	vst.msk $0xffff, v5;
	v4 =	vld [tilespmem:s16+$0x30]  }
.LBB1_3:
0x3c: {  	p1 =	sne.s32 s18, $0x1FC;
	v5 =	vld [tilespmem:s16+$0xFFFFFFD0];
	[tilespmem:s15+$0x2040 ss:$0x81] =	vst.msk $0xffff, v1  }
0x3d: {  	v6 =	vld [tilespmem:s16+$0xFFFFFFE0];
	[tilespmem:s15+$0x2850 ss:$0x81] =	vst.msk $0xffff, v2  }
0x3e: {  	s19 =	sshra.s32 s17, $0x2;
	s17 =	smov.u32 s18;
	v7 =	vld [tilespmem:s16+$0xFFFFFFF0];
	[tilespmem:s15+$0x3060 ss:$0x81] =	vst.msk $0xffff, v3  }
.Ltmp3:
0x3f: {  	v1 =	vld [tilespmem:s16+$0x0];
	[tilespmem:s15+$0x0 ss:$0x81] =	vst.msk $0xffff, v0;
	s15 =	sadd.s32 s19, s14;
	(pc) =	sbr.rel @p1 .LBB1_3-.Ltmp3, $4  }
0x40: {  	v2 =	vld [tilespmem:s16+$0x10];
	[tilespmem:s15+$0x3870 ss:$0x81] =	vst.msk $0xffff, v4  }
0x41: {  	[tilespmem:s15+$0x810 ss:$0x81] =	vst.msk $0xffff, v5;
	v3 =	vld [tilespmem:s16+$0x20]  }
0x42: {  	v0 =	vld [tilespmem:s16+$0xFFFFFFC0];
	[tilespmem:s15+$0x1020 ss:$0x81] =	vst.msk $0xffff, v6;
	s16 =	sadd.s32 $0x80, s16  }
0x43: {  	s18 =	sadd.s32 $0x4, s18;
	v4 =	vld [tilespmem:s16+$0x30];
	[tilespmem:s15+$0x1830 ss:$0x81] =	vst.msk $0xffff, v7  }
.Ltmp4:
0x44: {  	_ = 	snop;
	(pc) =	sbr.rel .LBB1_4-.Ltmp4, $1  }
0x45: {  	_ =	sdelay $0x3  }
.LBB1_6:
0x46: {  	_ =	sfence.sel $0x180000  }
0x47: {  	s2 =	simm.s32 $0x1;
	[bflag:$0x0] =	sbarrier.arrive $0xFFFF  }
0x48: {  	s31 =	simm.s32 $0x2;
	[sflag:s2] =	ssyncpa.u1 $0x1  }
0x49: {  	[sflag:s31] =	ssyncpa.u1 $0x1  }
0x4a: {  	p0 =	sne.s32 s0, $0x0;
	_ =	strace $0x90000068  }
0x4b: {  	s0 =	sadd.s32 @!p0 $0x100000, s1;
	[bflag:$0x2] =	sbarrier.arrive $0xFFFF  }
0x4c: {  	[sflag:s0] =	ssyncadd.tile.s32 @!p0 $0x1;
	_ =	shalt  }
.Lfunc_end1:
_tile_overlayer_lowered:
.L_overlay_start_2:
0x4d: {  	(tag) =	ssettag $0x2  }
0x4e: {  	s0 =	rddreg [dreg:$0x0];
	s2 =	stileid.u32  }
0x4f: {  	s1 =	rddreg [dreg:$0x1];
	p0 =	sne.s32 s2, $0x0  }
0x50: {  	s3 =	rddreg [dreg:$0x2];
	[bflag:$0x3] =	sbarrier.arrive $0xFFFF;
	s2 =	simm.s32 @!p0 $0x1C01  }
0x51: {  	[timem:s3], [sflag:s2] =	dma.local @!p0 [hbm:s0], s1  }
0x52: {  	s0 =	simm.s32 @!p0 $0x1  }
0x53: {  	_ =	swait.ge @!p0 [sflag:s0], s1  }
0x54: {  	s1 =	ssub.s32 @!p0 $0x0, s1;
	[sflag:s0] =	ssyncset.done @!p0 $0x0  }
0x55: {  	[sflag:s0] =	ssyncadd.s32 @!p0 s1  }
0x56: {  	[bflag:$0x3] =	sbarrier.arrive $0xFFFF  }
0x57: {  	_ =	shalt  }

// kernel: sparse-core-data-format-call.3.cloned.1.call-start
scs
called_computation.6_lowered:
.L_overlay_start_0:
0x0: {  	s2 =	sld [smem:$0x3FD9]  }
0x1: {  	s3 =	sld [smem:$0x3FFE];
	_ =	sdelay $0x1  }
0x2: {  	s1 =	srdreg.scid  }
0x3: {  	s0 =	sand.u32 $0x1, s1  }
0x4: {  	s18 =	sshll.u32 s0, $0xA;
	s2 =	sadd.s32 s3, s2  }
0x5: {  	s2 =	sadd.s32 s2, s18  }
0x6: {  	[smem:$0x3FBE] =	sst s2  }
0x7: {  	_ = 	snop  }
0x8: {  	(tm) =	ssettm $0x1  }
0x9: {  	s19 =	sld [smem:$0x3FFB];
	_ =	sdelay $0x3  }
0xa: {  	_ =	strace s19  }
0xb: {  	s2 =	sld [smem:$0x3FFC];
	_ =	sdelay $0x3  }
0xc: {  	_ =	strace s2  }
0xd: {  	s2 =	sld [smem:$0x3FFD];
	_ =	sdelay $0x3  }
0xe: {  	_ =	strace s2  }
0xf: {  	_ =	strace $0x8FFFFFFF  }
0x10: {  	s20 =	sld [smem:$0x3FDB];
	_ =	sdelay $0x1  }
0x11: {  	s21 =	simm.s32 $_scs_section_size  }
0x12: {  	s4 =	simm.s32 $_size__tile_overlayer_lowered;
	s5 =	simm.s32 $_tile_overlayer_lowered  }
0x13: {  	s6 =	simm.s32 $0x1BFF;
	s22 =	sshll.u32 s5, $0x1;
	s3 =	sadd.s32 s21, s20  }
0x14: {  	s23 =	simm.s32 $0x0;
	s4 =	sshll.u32 s4, $0x1;
	s5 =	sadd.s32 s22, s3  }
0x15: {  	[timem:s23], [sflag:s6] =	dma.local [hbm:s5], s4  }
0x16: {  	_ =	swait.ge [sflag:s6], s4  }
0x17: {  	s4 =	ssub.s32 $0x0, s4;
	[sflag:s6] =	ssyncset.done $0x0  }
0x18: {  	[sflag:s6] =	ssyncadd.s32 s4;
	_ =	sdelay $0x1  }
0x19: {  	s24 =	simm.s32 $0x1B8B  }
0x1a: {  	_ =	swait.ge [sflag:s24], $0x1  }
0x1b: {  	[sflag:s24] =	ssyncset.done $0x0  }
0x1c: {  	[sflag:s24] =	ssyncadd.s32 $0xFFFFFFFF  }
0x1d: {  	s4 =	sld [smem:$0x0]  }
0x1e: {  	s5 =	sand.u32 $0xFFFFFFFE, s1  }
0x1f: {  	p0 =	sne.s32 s1, s5  }
0x20: {  	s5 =	sshll.u32 @p0 s5, $0xE  }
0x21: {  	s5 =	sadd.s32 @p0 $0x11B8D, s5;
	s6 =	sshll.u32 @p0 s4, $0x11  }
0x22: {  	s5 =	sor.u32 @p0 s6, s5  }
0x23: {  	[sflag:s5] =	ssyncadd.remote.s32 @p0 $0x1;
	_ =	sdelay $0x1  }
0x24: {  	s5 =	simm.s32 @p0 $0x1B8D  }
0x25: {  	_ =	swait.eq @p0 [sflag:s5], $0x1  }
0x26: {  	[sflag:s5] =	ssyncadd.s32 @p0 $0xFFFFFFFF  }
0x27: {  	s6 =	sshll.u32 @!p0 s1, $0xE  }
0x28: {  	s6 =	sor.u32 @!p0 $0x4000, s6;
	s5 =	simm.s32 @!p0 $0x1B8D  }
0x29: {  	s4 =	sshll.u32 @!p0 s4, $0x11;
	s6 =	sadd.s32 @!p0 $0x11B8D, s6;
	_ =	swait.eq @!p0 [sflag:s5], $0x1  }
0x2a: {  	s4 =	sor.u32 @!p0 s4, s6;
	[sflag:s5] =	ssyncadd.s32 @!p0 $0xFFFFFFFF  }
0x2b: {  	s26 =	simm.s32 $0x1B8E;
	s25 =	sld [smem:$0x3FFE];
	[sflag:s4] =	ssyncadd.remote.s32 @!p0 $0x1  }
0x2c: {  	s27 =	simm.s32 $execute0_lowered;
	[smem:$0x3FD2] =	sst s26  }
0x2d: {  	s5 =	sshll.u32 s27, $0x1;
	_ =	strace $0x80000064;
	[dreg:$0x1] =	wrdreg $0xFFFFFFFF  }
0x2e: {  	s28 =	simm.s32 $_size_execute0_lowered;
	s3 =	sadd.s32 s3, s5;
	[dreg:$0x0] =	wrdreg $0x0  }
0x2f: {  	s5 =	sshll.u32 s28, $0x1;
	[dreg:$0x2] =	wrdreg s3  }
0x30: {  	[dreg:$0x3] =	wrdreg s5  }
0x31: {  	[dreg:$0x4] =	wrdreg $0xC0  }
0x32: {  	_ =	task [dreg:s23], $0x5FFFF  }
0x33: {  	[dreg:$0x1] =	wrdreg $0xFFFFFFFF  }
0x34: {  	[dreg:$0x0] =	wrdreg $0x60  }
0x35: {  	[dreg:$0x2] =	wrdreg s25  }
0x36: {  	[dreg:$0x3] =	wrdreg $0xC  }
0x37: {  	_ =	task.clear_ibuf [dreg:s23], $0x4FFFF;
	_ =	strace $0x90000064  }
0x38: {  	s29 =	simm.s32 $0xC;
	_ =	strace $0x80000066  }
0x39: {  	_ =	swait.ge [sflag:s29], $0x1  }
0x3a: {  	[sflag:s29] =	ssyncadd.s32 $0xFFFFFFFF  }
0x3b: {  	_ =	strace $0x90000066  }
0x3c: {  	_ =	sfence  }
0x3d: {  	s30 =	sld [smem:$0x0];
	_ =	sdelay $0x2  }
0x3e: {  	s31 =	sshll.u32 s1, $0xD;
	s1 =	sshrl.u32 s1, $0x2  }
0x3f: {  	s4 =	sand.u32 $0x4000, s31;
	s1 =	sadd.s32 s1, s30  }
0x40: {  	s0 =	sor.u32 s4, s0;
	s1 =	sshll.u32 s1, $0x11  }
0x41: {  	s0 =	sor.u32 s1, s0  }
0x42: {  	s0 =	sadd.s32 $0x8F2B, s0  }
0x43: {  	[sflag:s0] =	ssyncadd.remote.s32 $0x1  }
0x44: {  	_ =	sfence.sel $0xFFFF  }
0x45: {  	[dreg:$0x0] =	wrdreg $0xFFFFFFFF;
	(pc) =	sbr.abs _section_cstart, $3  }
0x46: {  	[dreg:$0x1] =	wrdreg $0xFFFFFFFF  }
0x47: {  	_ =	task.clear_ibuf [dreg:s23], $0x2FFFF;
	_ =	strace $0x9FFFFFFF  }
0x48: {  	(tm) =	ssettm $0x7FFFFFFF  }
0x49: {  	_ =	shalt  }
tec
execute0_lowered:
.L_overlay_start_1:
0x0: {  	(tag) =	ssettag $0x1  }
0x1: {  	s0 =	srdreg.scid  }
0x2: {  	s5 =	rddreg [dreg:$0x0];
	s1 =	sshll.u32 s0, $0x4  }
0x3: {  	s4 =	simm.s32 $0x1;
	s0 =	stileid.u32;
	s1 =	sand.u32 $0x10, s1  }
0x4: {  	s8 =	simm.s32 $0x2;
	s12 =	simm.s32 $0x0;
	s2 =	sor.u32 s0, s1  }
0x5: {  	s11 =	simm.s32 $0x0;
	s9 =	simm.s32 $0x0;
	s2 =	sshll.u32 s2, $0x7  }
0x6: {  	s10 =	simm.s32 $0x0;
	s3 =	sadd.s32 $0x142D800, s5;
	s6 =	ssub.s32 $0x10000, s2  }
.Ltmp0:
0x7: {  	s1 =	rddreg [dreg:$0x1];
	s7 =	sand.u32 $0xF80, s6;
	(pc) =	sbr.rel .LBB1_1-.Ltmp0, $4  }
0x8: {  	_ =	strace $0x80000065;
	p0 =	sne.s32 s7, $0x0;
	s7 =	simm.s32 $0x1  }
0x9: {  	[sflag:s4] =	ssyncpa.u1 $0x0;
	s6 =	sshrl.u32 s6, $0xC;
	s7 =	simm.s32 @!p0 $0x0  }
0xa: {  	s5 =	sadd.s32 $0x152D800, s5;
	[sflag:s8] =	ssyncpa.u1 $0x0;
	s6 =	sadd.s32 s7, s6  }
0xb: {  	s8 =	smov.u32 s2;
	p0 =	por $0x0, $0x0;
	s7 =	sadd.s32 $0x1, s6  }
.LBB1_4:
0xc: {  	v5 =	vld [tilespmem:s16+$0xFFFFFFD0];
	[tilespmem:s15+$0x2040 ss:$0x81] =	vst.msk $0xffff, v1  }
0xd: {  	v58 =	vld [tilespmem:s16+$0xFFFFFFE0];
	[tilespmem:s15+$0x2850 ss:$0x81] =	vst.msk $0xffff, v2  }
0xe: {  	s17 =	sshra.s32 s17, $0x2;
	v59 =	vld [tilespmem:s16+$0xFFFFFFF0];
	[tilespmem:s15+$0x3060 ss:$0x81] =	vst.msk $0xffff, v3  }
0xf: {  	v60 =	vld [tilespmem:s16+$0x0];
	[tilespmem:s15+$0x0 ss:$0x81] =	vst.msk $0xffff, v0;
	s14 =	sadd.s32 s17, s14  }
0x10: {  	v61 =	vld [tilespmem:s16+$0x10];
	[tilespmem:s14+$0x3870 ss:$0x81] =	vst.msk $0xffff, v4  }
0x11: {  	v62 =	vld [tilespmem:s16+$0x20];
	s12 =	sshll.u32 s12, $0x7;
	s28 =	sshll.u32 s11, $0x3;
	[tilespmem:s14+$0x810 ss:$0x81] =	vst.msk $0xffff, v5  }
0x12: {  	v63 =	vld [tilespmem:s16+$0xFFFFFFC0];
	s29 =	sand.u32 $0x7FFC00, s12;
	s15 =	sand.u32 $0x7FFC00, s28;
	[tilespmem:s14+$0x1020 ss:$0x81] =	vst.msk $0xffff, v58  }
0x13: {  	s12 =	sand.u32 $0x380, s12;
	s15 =	sadd.s32 s15, s29;
	[tilespmem:s14+$0x1830 ss:$0x81] =	vst.msk $0xffff, v59  }
0x14: {  	s30 =	sshrl.u32 s11, $0x3;
	s12 =	sor.u32 s12, s15;
	[tilespmem:s14+$0x2040 ss:$0x81] =	vst.msk $0xffff, v60  }
0x15: {  	s15 =	sand.u32 $0xF, s30;
	s12 =	sshrl.u32 s12, $0x3;
	[tilespmem:s14+$0x2850 ss:$0x81] =	vst.msk $0xffff, v61  }
0x16: {  	s15 =	sadd.s32 s5, s15;
	[tilespmem:s14+$0x3060 ss:$0x81] =	vst.msk $0xffff, v62;
	s12 =	sand.u32 $0xFFFF0, s12  }
0x17: {  	s31 =	sand.u32 $0x7, s11;
	[tilespmem:s14+$0x0 ss:$0x81] =	vst.msk $0xffff, v63;
	s12 =	sadd.s32 s12, s15  }
0x18: {  	[hbm4b:s12+s31] =	stream.linear.scatter [tilespmem:s13], [sflag:$0x2], $0x4000, $0x20;
	[tilespmem:$0x10100] =	vst v63  }
.LBB1_5:
0x19: {  	s13 =	sadd.s32 $0x1000, s8  }
0x1a: {  	s11 =	sadd.s32 $0x80, s9;
	s15 =	smov.u32 s9;
	p2 =	sgt.s32 s13, $0xFFFF  }
0x1b: {  	s15 =	smov.u32 @p2 s11  }
0x1c: {  	s13 =	smov.u32 @p2 s2;
	p2 =	sgt.s32 s15, $0x7F  }
0x1d: {  	s15 =	simm.s32 @p2 $0x0;
	p2 =	sne.s32 s10, s7  }
.Ltmp1:
0x1e: {  	p1 =	slt.u32 s10, $0x2;
	(pc) =	sbr.rel @!p2 .LBB1_6-.Ltmp1, $4  }
0x1f: {  	s14 =	simm.s32 @!p1 $0x2  }
0x20: {  	s12 =	smov.u32 s8;
	p0 =	por !p0, !p0;
	_ =	swait.ge @!p1 [sflag:s14], $0x4000  }
0x21: {  	s11 =	smov.u32 s9;
	[sflag:s14] =	ssyncset.done @!p1 $0x0;
	s8 =	smov.u32 s13  }
0x22: {  	s10 =	sadd.s32 $0x1, s10;
	[sflag:s14] =	ssyncadd.s32 @!p1 $0xFFFFC000;
	s9 =	smov.u32 s15  }
.LBB1_1:
0x23: {  	p1 =	sge.u32 s10, s6;
	s31 =	sadd.s32 $0xFFFFFFFF, s10  }
0x24: {  	s13 =	sand.u32 @!p1 $0x78, s8;
	s14 =	sshll.u32 @!p1 s9, $0x10;
	s15 =	sshll.u32 @!p1 s9, $0x7  }
0x25: {  	s16 =	sshll.u32 @!p1 s8, $0x3;
	s14 =	sand.u32 @!p1 $0x780000, s14;
	s15 =	sand.u32 @!p1 $0x380, s15  }
0x26: {  	s14 =	sadd.s32 @!p1 s14, s16;
	s16 =	sand.u32 @!p1 $0xFC00, s16;
	s13 =	sor.u32 @!p1 s15, s13  }
0x27: {  	s15 =	sxor.u32 @!p1 $0xFFFFFFFF, s10;
	s14 =	sand.u32 @!p1 $0x7F0000, s14;
	s13 =	sor.u32 @!p1 s16, s13  }
0x28: {  	s15 =	sshll.u32 @!p1 s15, $0xE;
	s13 =	sor.u32 @!p1 s14, s13;
	s14 =	sand.u32 @!p1 $0x7, s8  }
0x29: {  	s16 =	simm.s32 @!p1 $0x80000;
	s13 =	sshrl.u32 @!p1 s13, $0x3;
	s14 =	sshll.u32 @!p1 s14, $0x12  }
0x2a: {  	s15 =	sand.u32 @!p1 $0x4000, s15;
	s13 =	sadd.s32 @!p1 s3, s13;
	s14 =	sor.u32 @!p1 $0x400, s14  }
0x2b: {  	[tilespmem:s15], [sflag:$0x1] =	stream.strided.gather @!p1 [hbm4b:s13+s14], $0x4000, s16, s14, $0x38;
	[tilespmem:$0x10100] =	vst v63  }
0x2c: {  	p1 =	sge.u32 s31, s6  }
.Ltmp2:
0x2d: {  	_ = 	snop;
	(pc) =	sbr.rel @p1 .LBB1_5-.Ltmp2, $1  }
0x2e: {  	_ =	sdelay $0x3  }
0x2f: {  	s13 =	simm.s32 $0x1  }
0x30: {  	_ =	swait.ge [sflag:s4], $0x4000;
	s13 =	simm.s32 @!p0 $0x0  }
0x31: {  	[sflag:s4] =	ssyncset.done $0x0;
	s14 =	sshll.u32 s13, $0xE  }
0x32: {  	[sflag:s4] =	ssyncadd.s32 $0xFFFFC000;
	s16 =	sor.u32 $0x40, s14  }
0x33: {  	s13 =	smul.u32 $0x10200, s13;
	v0 =	vld [tilespmem:s16+$0x30]  }
0x34: {  	v3 =	vld [tilespmem:s16+$0xFFFFFFD0]  }
0x35: {  	s13 =	sshrl.u32 s13, $0x2;
	v4 =	vld [tilespmem:s16+$0xFFFFFFE0]  }
0x36: {  	v5 =	vld [tilespmem:s16+$0xFFFFFFF0];
	s14 =	sor.u32 $0x8000, s13  }
0x37: {  	s31 =	sand.u32 $0x1, s10;
	v1 =	vld [tilespmem:s16+$0x0];
	s15 =	sadd.s32 $0x0, s14  }
0x38: {  	v2 =	vld [tilespmem:s16+$0x10];
	s13 =	smul.u32 $0x10200, s31;
	[tilespmem:s15+$0x3870 ss:$0x81] =	vst.msk $0xffff, v0  }
0x39: {  	[tilespmem:s15+$0x810 ss:$0x81] =	vst.msk $0xffff, v3;
	v3 =	vld [tilespmem:s16+$0x20]  }
0x3a: {  	s13 =	sshrl.u32 s13, $0x2;
	v0 =	vld [tilespmem:s16+$0xFFFFFFC0];
	[tilespmem:s15+$0x1020 ss:$0x81] =	vst.msk $0xffff, v4;
	s16 =	sadd.s32 $0x80, s16  }
0x3b: {  	s17 =	simm.s32 $0x4;
	s18 =	simm.s32 $0x8;
	s13 =	sor.u32 $0x8000, s13;
	[tilespmem:s15+$0x1830 ss:$0x81] =	vst.msk $0xffff, v5;
	v4 =	vld [tilespmem:s16+$0x30]  }
.LBB1_3:
0x3c: {  	p1 =	sne.s32 s18, $0x1FC;
	v5 =	vld [tilespmem:s16+$0xFFFFFFD0];
	[tilespmem:s15+$0x2040 ss:$0x81] =	vst.msk $0xffff, v1  }
0x3d: {  	v6 =	vld [tilespmem:s16+$0xFFFFFFE0];
	[tilespmem:s15+$0x2850 ss:$0x81] =	vst.msk $0xffff, v2  }
0x3e: {  	s19 =	sshra.s32 s17, $0x2;
	s17 =	smov.u32 s18;
	v7 =	vld [tilespmem:s16+$0xFFFFFFF0];
	[tilespmem:s15+$0x3060 ss:$0x81] =	vst.msk $0xffff, v3  }
.Ltmp3:
0x3f: {  	v1 =	vld [tilespmem:s16+$0x0];
	[tilespmem:s15+$0x0 ss:$0x81] =	vst.msk $0xffff, v0;
	s15 =	sadd.s32 s19, s14;
	(pc) =	sbr.rel @p1 .LBB1_3-.Ltmp3, $4  }
0x40: {  	v2 =	vld [tilespmem:s16+$0x10];
	[tilespmem:s15+$0x3870 ss:$0x81] =	vst.msk $0xffff, v4  }
0x41: {  	[tilespmem:s15+$0x810 ss:$0x81] =	vst.msk $0xffff, v5;
	v3 =	vld [tilespmem:s16+$0x20]  }
0x42: {  	v0 =	vld [tilespmem:s16+$0xFFFFFFC0];
	[tilespmem:s15+$0x1020 ss:$0x81] =	vst.msk $0xffff, v6;
	s16 =	sadd.s32 $0x80, s16  }
0x43: {  	s18 =	sadd.s32 $0x4, s18;
	v4 =	vld [tilespmem:s16+$0x30];
	[tilespmem:s15+$0x1830 ss:$0x81] =	vst.msk $0xffff, v7  }
.Ltmp4:
0x44: {  	_ = 	snop;
	(pc) =	sbr.rel .LBB1_4-.Ltmp4, $1  }
0x45: {  	_ =	sdelay $0x3  }
.LBB1_6:
0x46: {  	_ =	sfence.sel $0x180000  }
0x47: {  	s2 =	simm.s32 $0x1;
	[bflag:$0x0] =	sbarrier.arrive $0xFFFF  }
0x48: {  	s31 =	simm.s32 $0x2;
	[sflag:s2] =	ssyncpa.u1 $0x1  }
0x49: {  	[sflag:s31] =	ssyncpa.u1 $0x1  }
0x4a: {  	p0 =	sne.s32 s0, $0x0;
	_ =	strace $0x90000065  }
0x4b: {  	s0 =	sadd.s32 @!p0 $0x100000, s1;
	[bflag:$0x2] =	sbarrier.arrive $0xFFFF  }
0x4c: {  	[sflag:s0] =	ssyncadd.tile.s32 @!p0 $0x1;
	_ =	shalt  }
.Lfunc_end1:
_tile_overlayer_lowered:
.L_overlay_start_2:
0x4d: {  	(tag) =	ssettag $0x2  }
0x4e: {  	s0 =	rddreg [dreg:$0x0];
	s2 =	stileid.u32  }
0x4f: {  	s1 =	rddreg [dreg:$0x1];
	p0 =	sne.s32 s2, $0x0  }
0x50: {  	s3 =	rddreg [dreg:$0x2];
	[bflag:$0x3] =	sbarrier.arrive $0xFFFF;
	s2 =	simm.s32 @!p0 $0x1C01  }
0x51: {  	[timem:s3], [sflag:s2] =	dma.local @!p0 [hbm:s0], s1  }
0x52: {  	s0 =	simm.s32 @!p0 $0x1  }
0x53: {  	_ =	swait.ge @!p0 [sflag:s0], s1  }
0x54: {  	s1 =	ssub.s32 @!p0 $0x0, s1;
	[sflag:s0] =	ssyncset.done @!p0 $0x0  }
0x55: {  	[sflag:s0] =	ssyncadd.s32 @!p0 s1  }
0x56: {  	[bflag:$0x3] =	sbarrier.arrive $0xFFFF  }
0x57: {  	_ =	shalt  }

// kernel: sparse-core-data-format-call.4.cloned.1.call-start
scs
called_computation.7_lowered:
.L_overlay_start_0:
0x0: {  	s2 =	sld [smem:$0x3FD9]  }
0x1: {  	s3 =	sld [smem:$0x3FFE];
	_ =	sdelay $0x1  }
0x2: {  	s1 =	srdreg.scid  }
0x3: {  	s0 =	sand.u32 $0x1, s1  }
0x4: {  	s18 =	sshll.u32 s0, $0xA;
	s2 =	sadd.s32 s3, s2  }
0x5: {  	s2 =	sadd.s32 s2, s18  }
0x6: {  	[smem:$0x3FBE] =	sst s2  }
0x7: {  	_ = 	snop  }
0x8: {  	(tm) =	ssettm $0x1  }
0x9: {  	s19 =	sld [smem:$0x3FFB];
	_ =	sdelay $0x3  }
0xa: {  	_ =	strace s19  }
0xb: {  	s2 =	sld [smem:$0x3FFC];
	_ =	sdelay $0x3  }
0xc: {  	_ =	strace s2  }
0xd: {  	s2 =	sld [smem:$0x3FFD];
	_ =	sdelay $0x3  }
0xe: {  	_ =	strace s2  }
0xf: {  	_ =	strace $0x8FFFFFFF  }
0x10: {  	s20 =	sld [smem:$0x3FDB];
	_ =	sdelay $0x1  }
0x11: {  	s21 =	simm.s32 $_scs_section_size  }
0x12: {  	s4 =	simm.s32 $_size__tile_overlayer_lowered;
	s5 =	simm.s32 $_tile_overlayer_lowered  }
0x13: {  	s6 =	simm.s32 $0x1BFF;
	s22 =	sshll.u32 s5, $0x1;
	s3 =	sadd.s32 s21, s20  }
0x14: {  	s23 =	simm.s32 $0x0;
	s4 =	sshll.u32 s4, $0x1;
	s5 =	sadd.s32 s22, s3  }
0x15: {  	[timem:s23], [sflag:s6] =	dma.local [hbm:s5], s4  }
0x16: {  	_ =	swait.ge [sflag:s6], s4  }
0x17: {  	s4 =	ssub.s32 $0x0, s4;
	[sflag:s6] =	ssyncset.done $0x0  }
0x18: {  	[sflag:s6] =	ssyncadd.s32 s4;
	_ =	sdelay $0x1  }
0x19: {  	s24 =	simm.s32 $0x1B8B  }
0x1a: {  	_ =	swait.ge [sflag:s24], $0x1  }
0x1b: {  	[sflag:s24] =	ssyncset.done $0x0  }
0x1c: {  	[sflag:s24] =	ssyncadd.s32 $0xFFFFFFFF  }
0x1d: {  	s4 =	sld [smem:$0x0]  }
0x1e: {  	s5 =	sand.u32 $0xFFFFFFFE, s1  }
0x1f: {  	p0 =	sne.s32 s1, s5  }
0x20: {  	s5 =	sshll.u32 @p0 s5, $0xE  }
0x21: {  	s5 =	sadd.s32 @p0 $0x11B8D, s5;
	s6 =	sshll.u32 @p0 s4, $0x11  }
0x22: {  	s5 =	sor.u32 @p0 s6, s5  }
0x23: {  	[sflag:s5] =	ssyncadd.remote.s32 @p0 $0x1;
	_ =	sdelay $0x1  }
0x24: {  	s5 =	simm.s32 @p0 $0x1B8D  }
0x25: {  	_ =	swait.eq @p0 [sflag:s5], $0x1  }
0x26: {  	[sflag:s5] =	ssyncadd.s32 @p0 $0xFFFFFFFF  }
0x27: {  	s6 =	sshll.u32 @!p0 s1, $0xE  }
0x28: {  	s6 =	sor.u32 @!p0 $0x4000, s6;
	s5 =	simm.s32 @!p0 $0x1B8D  }
0x29: {  	s4 =	sshll.u32 @!p0 s4, $0x11;
	s6 =	sadd.s32 @!p0 $0x11B8D, s6;
	_ =	swait.eq @!p0 [sflag:s5], $0x1  }
0x2a: {  	s4 =	sor.u32 @!p0 s4, s6;
	[sflag:s5] =	ssyncadd.s32 @!p0 $0xFFFFFFFF  }
0x2b: {  	s26 =	simm.s32 $0x1B8E;
	s25 =	sld [smem:$0x3FFE];
	[sflag:s4] =	ssyncadd.remote.s32 @!p0 $0x1  }
0x2c: {  	s27 =	simm.s32 $execute0_lowered;
	[smem:$0x3FD2] =	sst s26  }
0x2d: {  	s5 =	sshll.u32 s27, $0x1;
	_ =	strace $0x80000061;
	[dreg:$0x1] =	wrdreg $0xFFFFFFFF  }
0x2e: {  	s28 =	simm.s32 $_size_execute0_lowered;
	s3 =	sadd.s32 s3, s5;
	[dreg:$0x0] =	wrdreg $0x0  }
0x2f: {  	s5 =	sshll.u32 s28, $0x1;
	[dreg:$0x2] =	wrdreg s3  }
0x30: {  	[dreg:$0x3] =	wrdreg s5  }
0x31: {  	[dreg:$0x4] =	wrdreg $0xC0  }
0x32: {  	_ =	task [dreg:s23], $0x5FFFF  }
0x33: {  	[dreg:$0x1] =	wrdreg $0xFFFFFFFF  }
0x34: {  	[dreg:$0x0] =	wrdreg $0x60  }
0x35: {  	[dreg:$0x2] =	wrdreg s25  }
0x36: {  	[dreg:$0x3] =	wrdreg $0xD  }
0x37: {  	_ =	task.clear_ibuf [dreg:s23], $0x4FFFF;
	_ =	strace $0x90000061  }
0x38: {  	s29 =	simm.s32 $0xD;
	_ =	strace $0x80000063  }
0x39: {  	_ =	swait.ge [sflag:s29], $0x1  }
0x3a: {  	[sflag:s29] =	ssyncadd.s32 $0xFFFFFFFF  }
0x3b: {  	_ =	strace $0x90000063  }
0x3c: {  	_ =	sfence  }
0x3d: {  	s30 =	sld [smem:$0x0];
	_ =	sdelay $0x2  }
0x3e: {  	s31 =	sshll.u32 s1, $0xD;
	s1 =	sshrl.u32 s1, $0x2  }
0x3f: {  	s4 =	sand.u32 $0x4000, s31;
	s1 =	sadd.s32 s1, s30  }
0x40: {  	s0 =	sor.u32 s4, s0;
	s1 =	sshll.u32 s1, $0x11  }
0x41: {  	s0 =	sor.u32 s1, s0  }
0x42: {  	s0 =	sadd.s32 $0x8F2B, s0  }
0x43: {  	[sflag:s0] =	ssyncadd.remote.s32 $0x1  }
0x44: {  	_ =	sfence.sel $0xFFFF  }
0x45: {  	[dreg:$0x0] =	wrdreg $0xFFFFFFFF;
	(pc) =	sbr.abs _section_cstart, $3  }
0x46: {  	[dreg:$0x1] =	wrdreg $0xFFFFFFFF  }
0x47: {  	_ =	task.clear_ibuf [dreg:s23], $0x2FFFF;
	_ =	strace $0x9FFFFFFF  }
0x48: {  	(tm) =	ssettm $0x7FFFFFFF  }
0x49: {  	_ =	shalt  }
tec
execute0_lowered:
.L_overlay_start_1:
0x0: {  	(tag) =	ssettag $0x1  }
0x1: {  	s0 =	srdreg.scid  }
0x2: {  	s5 =	rddreg [dreg:$0x0];
	s1 =	sshll.u32 s0, $0x4  }
0x3: {  	s4 =	simm.s32 $0x1;
	s0 =	stileid.u32;
	s1 =	sand.u32 $0x10, s1  }
0x4: {  	s8 =	simm.s32 $0x2;
	s12 =	simm.s32 $0x0;
	s2 =	sor.u32 s0, s1  }
0x5: {  	s11 =	simm.s32 $0x0;
	s9 =	simm.s32 $0x0;
	s2 =	sshll.u32 s2, $0x7  }
0x6: {  	s10 =	simm.s32 $0x0;
	s3 =	sadd.s32 $0x122D800, s5;
	s6 =	ssub.s32 $0x10000, s2  }
.Ltmp0:
0x7: {  	s1 =	rddreg [dreg:$0x1];
	s7 =	sand.u32 $0xF80, s6;
	(pc) =	sbr.rel .LBB1_1-.Ltmp0, $4  }
0x8: {  	_ =	strace $0x80000062;
	p0 =	sne.s32 s7, $0x0;
	s7 =	simm.s32 $0x1  }
0x9: {  	[sflag:s4] =	ssyncpa.u1 $0x0;
	s6 =	sshrl.u32 s6, $0xC;
	s7 =	simm.s32 @!p0 $0x0  }
0xa: {  	s5 =	sadd.s32 $0x132D800, s5;
	[sflag:s8] =	ssyncpa.u1 $0x0;
	s6 =	sadd.s32 s7, s6  }
0xb: {  	s8 =	smov.u32 s2;
	p0 =	por $0x0, $0x0;
	s7 =	sadd.s32 $0x1, s6  }
.LBB1_4:
0xc: {  	v5 =	vld [tilespmem:s16+$0xFFFFFFD0];
	[tilespmem:s15+$0x2040 ss:$0x81] =	vst.msk $0xffff, v1  }
0xd: {  	v58 =	vld [tilespmem:s16+$0xFFFFFFE0];
	[tilespmem:s15+$0x2850 ss:$0x81] =	vst.msk $0xffff, v2  }
0xe: {  	s17 =	sshra.s32 s17, $0x2;
	v59 =	vld [tilespmem:s16+$0xFFFFFFF0];
	[tilespmem:s15+$0x3060 ss:$0x81] =	vst.msk $0xffff, v3  }
0xf: {  	v60 =	vld [tilespmem:s16+$0x0];
	[tilespmem:s15+$0x0 ss:$0x81] =	vst.msk $0xffff, v0;
	s14 =	sadd.s32 s17, s14  }
0x10: {  	v61 =	vld [tilespmem:s16+$0x10];
	[tilespmem:s14+$0x3870 ss:$0x81] =	vst.msk $0xffff, v4  }
0x11: {  	v62 =	vld [tilespmem:s16+$0x20];
	s12 =	sshll.u32 s12, $0x7;
	s28 =	sshll.u32 s11, $0x3;
	[tilespmem:s14+$0x810 ss:$0x81] =	vst.msk $0xffff, v5  }
0x12: {  	v63 =	vld [tilespmem:s16+$0xFFFFFFC0];
	s29 =	sand.u32 $0x7FFC00, s12;
	s15 =	sand.u32 $0x7FFC00, s28;
	[tilespmem:s14+$0x1020 ss:$0x81] =	vst.msk $0xffff, v58  }
0x13: {  	s12 =	sand.u32 $0x380, s12;
	s15 =	sadd.s32 s15, s29;
	[tilespmem:s14+$0x1830 ss:$0x81] =	vst.msk $0xffff, v59  }
0x14: {  	s30 =	sshrl.u32 s11, $0x3;
	s12 =	sor.u32 s12, s15;
	[tilespmem:s14+$0x2040 ss:$0x81] =	vst.msk $0xffff, v60  }
0x15: {  	s15 =	sand.u32 $0xF, s30;
	s12 =	sshrl.u32 s12, $0x3;
	[tilespmem:s14+$0x2850 ss:$0x81] =	vst.msk $0xffff, v61  }
0x16: {  	s15 =	sadd.s32 s5, s15;
	[tilespmem:s14+$0x3060 ss:$0x81] =	vst.msk $0xffff, v62;
	s12 =	sand.u32 $0xFFFF0, s12  }
0x17: {  	s31 =	sand.u32 $0x7, s11;
	[tilespmem:s14+$0x0 ss:$0x81] =	vst.msk $0xffff, v63;
	s12 =	sadd.s32 s12, s15  }
0x18: {  	[hbm4b:s12+s31] =	stream.linear.scatter [tilespmem:s13], [sflag:$0x2], $0x4000, $0x20;
	[tilespmem:$0x10100] =	vst v63  }
.LBB1_5:
0x19: {  	s13 =	sadd.s32 $0x1000, s8  }
0x1a: {  	s11 =	sadd.s32 $0x80, s9;
	s15 =	smov.u32 s9;
	p2 =	sgt.s32 s13, $0xFFFF  }
0x1b: {  	s15 =	smov.u32 @p2 s11  }
0x1c: {  	s13 =	smov.u32 @p2 s2;
	p2 =	sgt.s32 s15, $0x7F  }
0x1d: {  	s15 =	simm.s32 @p2 $0x0;
	p2 =	sne.s32 s10, s7  }
.Ltmp1:
0x1e: {  	p1 =	slt.u32 s10, $0x2;
	(pc) =	sbr.rel @!p2 .LBB1_6-.Ltmp1, $4  }
0x1f: {  	s14 =	simm.s32 @!p1 $0x2  }
0x20: {  	s12 =	smov.u32 s8;
	p0 =	por !p0, !p0;
	_ =	swait.ge @!p1 [sflag:s14], $0x4000  }
0x21: {  	s11 =	smov.u32 s9;
	[sflag:s14] =	ssyncset.done @!p1 $0x0;
	s8 =	smov.u32 s13  }
0x22: {  	s10 =	sadd.s32 $0x1, s10;
	[sflag:s14] =	ssyncadd.s32 @!p1 $0xFFFFC000;
	s9 =	smov.u32 s15  }
.LBB1_1:
0x23: {  	p1 =	sge.u32 s10, s6;
	s31 =	sadd.s32 $0xFFFFFFFF, s10  }
0x24: {  	s13 =	sand.u32 @!p1 $0x78, s8;
	s14 =	sshll.u32 @!p1 s9, $0x10;
	s15 =	sshll.u32 @!p1 s9, $0x7  }
0x25: {  	s16 =	sshll.u32 @!p1 s8, $0x3;
	s14 =	sand.u32 @!p1 $0x780000, s14;
	s15 =	sand.u32 @!p1 $0x380, s15  }
0x26: {  	s14 =	sadd.s32 @!p1 s14, s16;
	s16 =	sand.u32 @!p1 $0xFC00, s16;
	s13 =	sor.u32 @!p1 s15, s13  }
0x27: {  	s15 =	sxor.u32 @!p1 $0xFFFFFFFF, s10;
	s14 =	sand.u32 @!p1 $0x7F0000, s14;
	s13 =	sor.u32 @!p1 s16, s13  }
0x28: {  	s15 =	sshll.u32 @!p1 s15, $0xE;
	s13 =	sor.u32 @!p1 s14, s13;
	s14 =	sand.u32 @!p1 $0x7, s8  }
0x29: {  	s16 =	simm.s32 @!p1 $0x80000;
	s13 =	sshrl.u32 @!p1 s13, $0x3;
	s14 =	sshll.u32 @!p1 s14, $0x12  }
0x2a: {  	s15 =	sand.u32 @!p1 $0x4000, s15;
	s13 =	sadd.s32 @!p1 s3, s13;
	s14 =	sor.u32 @!p1 $0x400, s14  }
0x2b: {  	[tilespmem:s15], [sflag:$0x1] =	stream.strided.gather @!p1 [hbm4b:s13+s14], $0x4000, s16, s14, $0x38;
	[tilespmem:$0x10100] =	vst v63  }
0x2c: {  	p1 =	sge.u32 s31, s6  }
.Ltmp2:
0x2d: {  	_ = 	snop;
	(pc) =	sbr.rel @p1 .LBB1_5-.Ltmp2, $1  }
0x2e: {  	_ =	sdelay $0x3  }
0x2f: {  	s13 =	simm.s32 $0x1  }
0x30: {  	_ =	swait.ge [sflag:s4], $0x4000;
	s13 =	simm.s32 @!p0 $0x0  }
0x31: {  	[sflag:s4] =	ssyncset.done $0x0;
	s14 =	sshll.u32 s13, $0xE  }
0x32: {  	[sflag:s4] =	ssyncadd.s32 $0xFFFFC000;
	s16 =	sor.u32 $0x40, s14  }
0x33: {  	s13 =	smul.u32 $0x10200, s13;
	v0 =	vld [tilespmem:s16+$0x30]  }
0x34: {  	v3 =	vld [tilespmem:s16+$0xFFFFFFD0]  }
0x35: {  	s13 =	sshrl.u32 s13, $0x2;
	v4 =	vld [tilespmem:s16+$0xFFFFFFE0]  }
0x36: {  	v5 =	vld [tilespmem:s16+$0xFFFFFFF0];
	s14 =	sor.u32 $0x8000, s13  }
0x37: {  	s31 =	sand.u32 $0x1, s10;
	v1 =	vld [tilespmem:s16+$0x0];
	s15 =	sadd.s32 $0x0, s14  }
0x38: {  	v2 =	vld [tilespmem:s16+$0x10];
	s13 =	smul.u32 $0x10200, s31;
	[tilespmem:s15+$0x3870 ss:$0x81] =	vst.msk $0xffff, v0  }
0x39: {  	[tilespmem:s15+$0x810 ss:$0x81] =	vst.msk $0xffff, v3;
	v3 =	vld [tilespmem:s16+$0x20]  }
0x3a: {  	s13 =	sshrl.u32 s13, $0x2;
	v0 =	vld [tilespmem:s16+$0xFFFFFFC0];
	[tilespmem:s15+$0x1020 ss:$0x81] =	vst.msk $0xffff, v4;
	s16 =	sadd.s32 $0x80, s16  }
0x3b: {  	s17 =	simm.s32 $0x4;
	s18 =	simm.s32 $0x8;
	s13 =	sor.u32 $0x8000, s13;
	[tilespmem:s15+$0x1830 ss:$0x81] =	vst.msk $0xffff, v5;
	v4 =	vld [tilespmem:s16+$0x30]  }
.LBB1_3:
0x3c: {  	p1 =	sne.s32 s18, $0x1FC;
	v5 =	vld [tilespmem:s16+$0xFFFFFFD0];
	[tilespmem:s15+$0x2040 ss:$0x81] =	vst.msk $0xffff, v1  }
0x3d: {  	v6 =	vld [tilespmem:s16+$0xFFFFFFE0];
	[tilespmem:s15+$0x2850 ss:$0x81] =	vst.msk $0xffff, v2  }
0x3e: {  	s19 =	sshra.s32 s17, $0x2;
	s17 =	smov.u32 s18;
	v7 =	vld [tilespmem:s16+$0xFFFFFFF0];
	[tilespmem:s15+$0x3060 ss:$0x81] =	vst.msk $0xffff, v3  }
.Ltmp3:
0x3f: {  	v1 =	vld [tilespmem:s16+$0x0];
	[tilespmem:s15+$0x0 ss:$0x81] =	vst.msk $0xffff, v0;
	s15 =	sadd.s32 s19, s14;
	(pc) =	sbr.rel @p1 .LBB1_3-.Ltmp3, $4  }
0x40: {  	v2 =	vld [tilespmem:s16+$0x10];
	[tilespmem:s15+$0x3870 ss:$0x81] =	vst.msk $0xffff, v4  }
0x41: {  	[tilespmem:s15+$0x810 ss:$0x81] =	vst.msk $0xffff, v5;
	v3 =	vld [tilespmem:s16+$0x20]  }
0x42: {  	v0 =	vld [tilespmem:s16+$0xFFFFFFC0];
	[tilespmem:s15+$0x1020 ss:$0x81] =	vst.msk $0xffff, v6;
	s16 =	sadd.s32 $0x80, s16  }
0x43: {  	s18 =	sadd.s32 $0x4, s18;
	v4 =	vld [tilespmem:s16+$0x30];
	[tilespmem:s15+$0x1830 ss:$0x81] =	vst.msk $0xffff, v7  }
.Ltmp4:
0x44: {  	_ = 	snop;
	(pc) =	sbr.rel .LBB1_4-.Ltmp4, $1  }
0x45: {  	_ =	sdelay $0x3  }
.LBB1_6:
0x46: {  	_ =	sfence.sel $0x180000  }
0x47: {  	s2 =	simm.s32 $0x1;
	[bflag:$0x0] =	sbarrier.arrive $0xFFFF  }
0x48: {  	s31 =	simm.s32 $0x2;
	[sflag:s2] =	ssyncpa.u1 $0x1  }
0x49: {  	[sflag:s31] =	ssyncpa.u1 $0x1  }
0x4a: {  	p0 =	sne.s32 s0, $0x0;
	_ =	strace $0x90000062  }
0x4b: {  	s0 =	sadd.s32 @!p0 $0x100000, s1;
	[bflag:$0x2] =	sbarrier.arrive $0xFFFF  }
0x4c: {  	[sflag:s0] =	ssyncadd.tile.s32 @!p0 $0x1;
	_ =	shalt  }
.Lfunc_end1:
_tile_overlayer_lowered:
.L_overlay_start_2:
0x4d: {  	(tag) =	ssettag $0x2  }
0x4e: {  	s0 =	rddreg [dreg:$0x0];
	s2 =	stileid.u32  }
0x4f: {  	s1 =	rddreg [dreg:$0x1];
	p0 =	sne.s32 s2, $0x0  }
0x50: {  	s3 =	rddreg [dreg:$0x2];
	[bflag:$0x3] =	sbarrier.arrive $0xFFFF;
	s2 =	simm.s32 @!p0 $0x1C01  }
0x51: {  	[timem:s3], [sflag:s2] =	dma.local @!p0 [hbm:s0], s1  }
0x52: {  	s0 =	simm.s32 @!p0 $0x1  }
0x53: {  	_ =	swait.ge @!p0 [sflag:s0], s1  }
0x54: {  	s1 =	ssub.s32 @!p0 $0x0, s1;
	[sflag:s0] =	ssyncset.done @!p0 $0x0  }
0x55: {  	[sflag:s0] =	ssyncadd.s32 @!p0 s1  }
0x56: {  	[bflag:$0x3] =	sbarrier.arrive $0xFFFF  }
0x57: {  	_ =	shalt  }

// kernel: sparse-core-data-format-call.5.cloned.1.call-start
scs
called_computation.8_lowered:
.L_overlay_start_0:
0x0: {  	s2 =	sld [smem:$0x3FD9]  }
0x1: {  	s3 =	sld [smem:$0x3FFE];
	_ =	sdelay $0x1  }
0x2: {  	s1 =	srdreg.scid  }
0x3: {  	s0 =	sand.u32 $0x1, s1  }
0x4: {  	s18 =	sshll.u32 s0, $0xA;
	s2 =	sadd.s32 s3, s2  }
0x5: {  	s2 =	sadd.s32 s2, s18  }
0x6: {  	[smem:$0x3FBE] =	sst s2  }
0x7: {  	_ = 	snop  }
0x8: {  	(tm) =	ssettm $0x1  }
0x9: {  	s19 =	sld [smem:$0x3FFB];
	_ =	sdelay $0x3  }
0xa: {  	_ =	strace s19  }
0xb: {  	s2 =	sld [smem:$0x3FFC];
	_ =	sdelay $0x3  }
0xc: {  	_ =	strace s2  }
0xd: {  	s2 =	sld [smem:$0x3FFD];
	_ =	sdelay $0x3  }
0xe: {  	_ =	strace s2  }
0xf: {  	_ =	strace $0x8FFFFFFF  }
0x10: {  	s20 =	sld [smem:$0x3FDB];
	_ =	sdelay $0x1  }
0x11: {  	s21 =	simm.s32 $_scs_section_size  }
0x12: {  	s4 =	simm.s32 $_size__tile_overlayer_lowered;
	s5 =	simm.s32 $_tile_overlayer_lowered  }
0x13: {  	s6 =	simm.s32 $0x1BFF;
	s22 =	sshll.u32 s5, $0x1;
	s3 =	sadd.s32 s21, s20  }
0x14: {  	s23 =	simm.s32 $0x0;
	s4 =	sshll.u32 s4, $0x1;
	s5 =	sadd.s32 s22, s3  }
0x15: {  	[timem:s23], [sflag:s6] =	dma.local [hbm:s5], s4  }
0x16: {  	_ =	swait.ge [sflag:s6], s4  }
0x17: {  	s4 =	ssub.s32 $0x0, s4;
	[sflag:s6] =	ssyncset.done $0x0  }
0x18: {  	[sflag:s6] =	ssyncadd.s32 s4;
	_ =	sdelay $0x1  }
0x19: {  	s24 =	simm.s32 $0x1B8B  }
0x1a: {  	_ =	swait.ge [sflag:s24], $0x1  }
0x1b: {  	[sflag:s24] =	ssyncset.done $0x0  }
0x1c: {  	[sflag:s24] =	ssyncadd.s32 $0xFFFFFFFF  }
0x1d: {  	s4 =	sld [smem:$0x0]  }
0x1e: {  	s5 =	sand.u32 $0xFFFFFFFE, s1  }
0x1f: {  	p0 =	sne.s32 s1, s5  }
0x20: {  	s5 =	sshll.u32 @p0 s5, $0xE  }
0x21: {  	s5 =	sadd.s32 @p0 $0x11B8D, s5;
	s6 =	sshll.u32 @p0 s4, $0x11  }
0x22: {  	s5 =	sor.u32 @p0 s6, s5  }
0x23: {  	[sflag:s5] =	ssyncadd.remote.s32 @p0 $0x1;
	_ =	sdelay $0x1  }
0x24: {  	s5 =	simm.s32 @p0 $0x1B8D  }
0x25: {  	_ =	swait.eq @p0 [sflag:s5], $0x1  }
0x26: {  	[sflag:s5] =	ssyncadd.s32 @p0 $0xFFFFFFFF  }
0x27: {  	s6 =	sshll.u32 @!p0 s1, $0xE  }
0x28: {  	s6 =	sor.u32 @!p0 $0x4000, s6;
	s5 =	simm.s32 @!p0 $0x1B8D  }
0x29: {  	s4 =	sshll.u32 @!p0 s4, $0x11;
	s6 =	sadd.s32 @!p0 $0x11B8D, s6;
	_ =	swait.eq @!p0 [sflag:s5], $0x1  }
0x2a: {  	s4 =	sor.u32 @!p0 s4, s6;
	[sflag:s5] =	ssyncadd.s32 @!p0 $0xFFFFFFFF  }
0x2b: {  	s26 =	simm.s32 $0x1B8E;
	s25 =	sld [smem:$0x3FFE];
	[sflag:s4] =	ssyncadd.remote.s32 @!p0 $0x1  }
0x2c: {  	s27 =	simm.s32 $execute0_lowered;
	[smem:$0x3FD2] =	sst s26  }
0x2d: {  	s5 =	sshll.u32 s27, $0x1;
	_ =	strace $0x8000005E;
	[dreg:$0x1] =	wrdreg $0xFFFFFFFF  }
0x2e: {  	s28 =	simm.s32 $_size_execute0_lowered;
	s3 =	sadd.s32 s3, s5;
	[dreg:$0x0] =	wrdreg $0x0  }
0x2f: {  	s5 =	sshll.u32 s28, $0x1;
	[dreg:$0x2] =	wrdreg s3  }
0x30: {  	[dreg:$0x3] =	wrdreg s5  }
0x31: {  	[dreg:$0x4] =	wrdreg $0xC0  }
0x32: {  	_ =	task [dreg:s23], $0x5FFFF  }
0x33: {  	[dreg:$0x1] =	wrdreg $0xFFFFFFFF  }
0x34: {  	[dreg:$0x0] =	wrdreg $0x60  }
0x35: {  	[dreg:$0x2] =	wrdreg s25  }
0x36: {  	[dreg:$0x3] =	wrdreg $0xE  }
0x37: {  	_ =	task.clear_ibuf [dreg:s23], $0x4FFFF;
	_ =	strace $0x9000005E  }
0x38: {  	s29 =	simm.s32 $0xE;
	_ =	strace $0x80000060  }
0x39: {  	_ =	swait.ge [sflag:s29], $0x1  }
0x3a: {  	[sflag:s29] =	ssyncadd.s32 $0xFFFFFFFF  }
0x3b: {  	_ =	strace $0x90000060  }
0x3c: {  	_ =	sfence  }
0x3d: {  	s30 =	sld [smem:$0x0];
	_ =	sdelay $0x2  }
0x3e: {  	s31 =	sshll.u32 s1, $0xD;
	s1 =	sshrl.u32 s1, $0x2  }
0x3f: {  	s4 =	sand.u32 $0x4000, s31;
	s1 =	sadd.s32 s1, s30  }
0x40: {  	s0 =	sor.u32 s4, s0;
	s1 =	sshll.u32 s1, $0x11  }
0x41: {  	s0 =	sor.u32 s1, s0  }
0x42: {  	s0 =	sadd.s32 $0x8F2B, s0  }
0x43: {  	[sflag:s0] =	ssyncadd.remote.s32 $0x1  }
0x44: {  	_ =	sfence.sel $0xFFFF  }
0x45: {  	[dreg:$0x0] =	wrdreg $0xFFFFFFFF;
	(pc) =	sbr.abs _section_cstart, $3  }
0x46: {  	[dreg:$0x1] =	wrdreg $0xFFFFFFFF  }
0x47: {  	_ =	task.clear_ibuf [dreg:s23], $0x2FFFF;
	_ =	strace $0x9FFFFFFF  }
0x48: {  	(tm) =	ssettm $0x7FFFFFFF  }
0x49: {  	_ =	shalt  }
tec
execute0_lowered:
.L_overlay_start_1:
0x0: {  	(tag) =	ssettag $0x1  }
0x1: {  	s0 =	srdreg.scid  }
0x2: {  	s5 =	rddreg [dreg:$0x0];
	s1 =	sshll.u32 s0, $0x4  }
0x3: {  	s4 =	simm.s32 $0x1;
	s0 =	stileid.u32;
	s1 =	sand.u32 $0x10, s1  }
0x4: {  	s8 =	simm.s32 $0x2;
	s12 =	simm.s32 $0x0;
	s2 =	sor.u32 s0, s1  }
0x5: {  	s11 =	simm.s32 $0x0;
	s9 =	simm.s32 $0x0;
	s2 =	sshll.u32 s2, $0x7  }
0x6: {  	s10 =	simm.s32 $0x0;
	s3 =	sadd.s32 $0x102D800, s5;
	s6 =	ssub.s32 $0x10000, s2  }
.Ltmp0:
0x7: {  	s1 =	rddreg [dreg:$0x1];
	s7 =	sand.u32 $0xF80, s6;
	(pc) =	sbr.rel .LBB1_1-.Ltmp0, $4  }
0x8: {  	_ =	strace $0x8000005F;
	p0 =	sne.s32 s7, $0x0;
	s7 =	simm.s32 $0x1  }
0x9: {  	[sflag:s4] =	ssyncpa.u1 $0x0;
	s6 =	sshrl.u32 s6, $0xC;
	s7 =	simm.s32 @!p0 $0x0  }
0xa: {  	s5 =	sadd.s32 $0x112D800, s5;
	[sflag:s8] =	ssyncpa.u1 $0x0;
	s6 =	sadd.s32 s7, s6  }
0xb: {  	s8 =	smov.u32 s2;
	p0 =	por $0x0, $0x0;
	s7 =	sadd.s32 $0x1, s6  }
.LBB1_4:
0xc: {  	v5 =	vld [tilespmem:s16+$0xFFFFFFD0];
	[tilespmem:s15+$0x2040 ss:$0x81] =	vst.msk $0xffff, v1  }
0xd: {  	v58 =	vld [tilespmem:s16+$0xFFFFFFE0];
	[tilespmem:s15+$0x2850 ss:$0x81] =	vst.msk $0xffff, v2  }
0xe: {  	s17 =	sshra.s32 s17, $0x2;
	v59 =	vld [tilespmem:s16+$0xFFFFFFF0];
	[tilespmem:s15+$0x3060 ss:$0x81] =	vst.msk $0xffff, v3  }
0xf: {  	v60 =	vld [tilespmem:s16+$0x0];
	[tilespmem:s15+$0x0 ss:$0x81] =	vst.msk $0xffff, v0;
	s14 =	sadd.s32 s17, s14  }
0x10: {  	v61 =	vld [tilespmem:s16+$0x10];
	[tilespmem:s14+$0x3870 ss:$0x81] =	vst.msk $0xffff, v4  }
0x11: {  	v62 =	vld [tilespmem:s16+$0x20];
	s12 =	sshll.u32 s12, $0x7;
	s28 =	sshll.u32 s11, $0x3;
	[tilespmem:s14+$0x810 ss:$0x81] =	vst.msk $0xffff, v5  }
0x12: {  	v63 =	vld [tilespmem:s16+$0xFFFFFFC0];
	s29 =	sand.u32 $0x7FFC00, s12;
	s15 =	sand.u32 $0x7FFC00, s28;
	[tilespmem:s14+$0x1020 ss:$0x81] =	vst.msk $0xffff, v58  }
0x13: {  	s12 =	sand.u32 $0x380, s12;
	s15 =	sadd.s32 s15, s29;
	[tilespmem:s14+$0x1830 ss:$0x81] =	vst.msk $0xffff, v59  }
0x14: {  	s30 =	sshrl.u32 s11, $0x3;
	s12 =	sor.u32 s12, s15;
	[tilespmem:s14+$0x2040 ss:$0x81] =	vst.msk $0xffff, v60  }
0x15: {  	s15 =	sand.u32 $0xF, s30;
	s12 =	sshrl.u32 s12, $0x3;
	[tilespmem:s14+$0x2850 ss:$0x81] =	vst.msk $0xffff, v61  }
0x16: {  	s15 =	sadd.s32 s5, s15;
	[tilespmem:s14+$0x3060 ss:$0x81] =	vst.msk $0xffff, v62;
	s12 =	sand.u32 $0xFFFF0, s12  }
0x17: {  	s31 =	sand.u32 $0x7, s11;
	[tilespmem:s14+$0x0 ss:$0x81] =	vst.msk $0xffff, v63;
	s12 =	sadd.s32 s12, s15  }
0x18: {  	[hbm4b:s12+s31] =	stream.linear.scatter [tilespmem:s13], [sflag:$0x2], $0x4000, $0x20;
	[tilespmem:$0x10100] =	vst v63  }
.LBB1_5:
0x19: {  	s13 =	sadd.s32 $0x1000, s8  }
0x1a: {  	s11 =	sadd.s32 $0x80, s9;
	s15 =	smov.u32 s9;
	p2 =	sgt.s32 s13, $0xFFFF  }
0x1b: {  	s15 =	smov.u32 @p2 s11  }
0x1c: {  	s13 =	smov.u32 @p2 s2;
	p2 =	sgt.s32 s15, $0x7F  }
0x1d: {  	s15 =	simm.s32 @p2 $0x0;
	p2 =	sne.s32 s10, s7  }
.Ltmp1:
0x1e: {  	p1 =	slt.u32 s10, $0x2;
	(pc) =	sbr.rel @!p2 .LBB1_6-.Ltmp1, $4  }
0x1f: {  	s14 =	simm.s32 @!p1 $0x2  }
0x20: {  	s12 =	smov.u32 s8;
	p0 =	por !p0, !p0;
	_ =	swait.ge @!p1 [sflag:s14], $0x4000  }
0x21: {  	s11 =	smov.u32 s9;
	[sflag:s14] =	ssyncset.done @!p1 $0x0;
	s8 =	smov.u32 s13  }
0x22: {  	s10 =	sadd.s32 $0x1, s10;
	[sflag:s14] =	ssyncadd.s32 @!p1 $0xFFFFC000;
	s9 =	smov.u32 s15  }
.LBB1_1:
0x23: {  	p1 =	sge.u32 s10, s6;
	s31 =	sadd.s32 $0xFFFFFFFF, s10  }
0x24: {  	s13 =	sand.u32 @!p1 $0x78, s8;
	s14 =	sshll.u32 @!p1 s9, $0x10;
	s15 =	sshll.u32 @!p1 s9, $0x7  }
0x25: {  	s16 =	sshll.u32 @!p1 s8, $0x3;
	s14 =	sand.u32 @!p1 $0x780000, s14;
	s15 =	sand.u32 @!p1 $0x380, s15  }
0x26: {  	s14 =	sadd.s32 @!p1 s14, s16;
	s16 =	sand.u32 @!p1 $0xFC00, s16;
	s13 =	sor.u32 @!p1 s15, s13  }
0x27: {  	s15 =	sxor.u32 @!p1 $0xFFFFFFFF, s10;
	s14 =	sand.u32 @!p1 $0x7F0000, s14;
	s13 =	sor.u32 @!p1 s16, s13  }
0x28: {  	s15 =	sshll.u32 @!p1 s15, $0xE;
	s13 =	sor.u32 @!p1 s14, s13;
	s14 =	sand.u32 @!p1 $0x7, s8  }
0x29: {  	s16 =	simm.s32 @!p1 $0x80000;
	s13 =	sshrl.u32 @!p1 s13, $0x3;
	s14 =	sshll.u32 @!p1 s14, $0x12  }
0x2a: {  	s15 =	sand.u32 @!p1 $0x4000, s15;
	s13 =	sadd.s32 @!p1 s3, s13;
	s14 =	sor.u32 @!p1 $0x400, s14  }
0x2b: {  	[tilespmem:s15], [sflag:$0x1] =	stream.strided.gather @!p1 [hbm4b:s13+s14], $0x4000, s16, s14, $0x38;
	[tilespmem:$0x10100] =	vst v63  }
0x2c: {  	p1 =	sge.u32 s31, s6  }
.Ltmp2:
0x2d: {  	_ = 	snop;
	(pc) =	sbr.rel @p1 .LBB1_5-.Ltmp2, $1  }
0x2e: {  	_ =	sdelay $0x3  }
0x2f: {  	s13 =	simm.s32 $0x1  }
0x30: {  	_ =	swait.ge [sflag:s4], $0x4000;
	s13 =	simm.s32 @!p0 $0x0  }
0x31: {  	[sflag:s4] =	ssyncset.done $0x0;
	s14 =	sshll.u32 s13, $0xE  }
0x32: {  	[sflag:s4] =	ssyncadd.s32 $0xFFFFC000;
	s16 =	sor.u32 $0x40, s14  }
0x33: {  	s13 =	smul.u32 $0x10200, s13;
	v0 =	vld [tilespmem:s16+$0x30]  }
0x34: {  	v3 =	vld [tilespmem:s16+$0xFFFFFFD0]  }
0x35: {  	s13 =	sshrl.u32 s13, $0x2;
	v4 =	vld [tilespmem:s16+$0xFFFFFFE0]  }
0x36: {  	v5 =	vld [tilespmem:s16+$0xFFFFFFF0];
	s14 =	sor.u32 $0x8000, s13  }
0x37: {  	s31 =	sand.u32 $0x1, s10;
	v1 =	vld [tilespmem:s16+$0x0];
	s15 =	sadd.s32 $0x0, s14  }
0x38: {  	v2 =	vld [tilespmem:s16+$0x10];
	s13 =	smul.u32 $0x10200, s31;
	[tilespmem:s15+$0x3870 ss:$0x81] =	vst.msk $0xffff, v0  }
0x39: {  	[tilespmem:s15+$0x810 ss:$0x81] =	vst.msk $0xffff, v3;
	v3 =	vld [tilespmem:s16+$0x20]  }
0x3a: {  	s13 =	sshrl.u32 s13, $0x2;
	v0 =	vld [tilespmem:s16+$0xFFFFFFC0];
	[tilespmem:s15+$0x1020 ss:$0x81] =	vst.msk $0xffff, v4;
	s16 =	sadd.s32 $0x80, s16  }
0x3b: {  	s17 =	simm.s32 $0x4;
	s18 =	simm.s32 $0x8;
	s13 =	sor.u32 $0x8000, s13;
	[tilespmem:s15+$0x1830 ss:$0x81] =	vst.msk $0xffff, v5;
	v4 =	vld [tilespmem:s16+$0x30]  }
.LBB1_3:
0x3c: {  	p1 =	sne.s32 s18, $0x1FC;
	v5 =	vld [tilespmem:s16+$0xFFFFFFD0];
	[tilespmem:s15+$0x2040 ss:$0x81] =	vst.msk $0xffff, v1  }
0x3d: {  	v6 =	vld [tilespmem:s16+$0xFFFFFFE0];
	[tilespmem:s15+$0x2850 ss:$0x81] =	vst.msk $0xffff, v2  }
0x3e: {  	s19 =	sshra.s32 s17, $0x2;
	s17 =	smov.u32 s18;
	v7 =	vld [tilespmem:s16+$0xFFFFFFF0];
	[tilespmem:s15+$0x3060 ss:$0x81] =	vst.msk $0xffff, v3  }
.Ltmp3:
0x3f: {  	v1 =	vld [tilespmem:s16+$0x0];
	[tilespmem:s15+$0x0 ss:$0x81] =	vst.msk $0xffff, v0;
	s15 =	sadd.s32 s19, s14;
	(pc) =	sbr.rel @p1 .LBB1_3-.Ltmp3, $4  }
0x40: {  	v2 =	vld [tilespmem:s16+$0x10];
	[tilespmem:s15+$0x3870 ss:$0x81] =	vst.msk $0xffff, v4  }
0x41: {  	[tilespmem:s15+$0x810 ss:$0x81] =	vst.msk $0xffff, v5;
	v3 =	vld [tilespmem:s16+$0x20]  }
0x42: {  	v0 =	vld [tilespmem:s16+$0xFFFFFFC0];
	[tilespmem:s15+$0x1020 ss:$0x81] =	vst.msk $0xffff, v6;
	s16 =	sadd.s32 $0x80, s16  }
0x43: {  	s18 =	sadd.s32 $0x4, s18;
	v4 =	vld [tilespmem:s16+$0x30];
	[tilespmem:s15+$0x1830 ss:$0x81] =	vst.msk $0xffff, v7  }
.Ltmp4:
0x44: {  	_ = 	snop;
	(pc) =	sbr.rel .LBB1_4-.Ltmp4, $1  }
0x45: {  	_ =	sdelay $0x3  }
.LBB1_6:
0x46: {  	_ =	sfence.sel $0x180000  }
0x47: {  	s2 =	simm.s32 $0x1;
	[bflag:$0x0] =	sbarrier.arrive $0xFFFF  }
0x48: {  	s31 =	simm.s32 $0x2;
	[sflag:s2] =	ssyncpa.u1 $0x1  }
0x49: {  	[sflag:s31] =	ssyncpa.u1 $0x1  }
0x4a: {  	p0 =	sne.s32 s0, $0x0;
	_ =	strace $0x9000005F  }
0x4b: {  	s0 =	sadd.s32 @!p0 $0x100000, s1;
	[bflag:$0x2] =	sbarrier.arrive $0xFFFF  }
0x4c: {  	[sflag:s0] =	ssyncadd.tile.s32 @!p0 $0x1;
	_ =	shalt  }
.Lfunc_end1:
_tile_overlayer_lowered:
.L_overlay_start_2:
0x4d: {  	(tag) =	ssettag $0x2  }
0x4e: {  	s0 =	rddreg [dreg:$0x0];
	s2 =	stileid.u32  }
0x4f: {  	s1 =	rddreg [dreg:$0x1];
	p0 =	sne.s32 s2, $0x0  }
0x50: {  	s3 =	rddreg [dreg:$0x2];
	[bflag:$0x3] =	sbarrier.arrive $0xFFFF;
	s2 =	simm.s32 @!p0 $0x1C01  }
0x51: {  	[timem:s3], [sflag:s2] =	dma.local @!p0 [hbm:s0], s1  }
0x52: {  	s0 =	simm.s32 @!p0 $0x1  }
0x53: {  	_ =	swait.ge @!p0 [sflag:s0], s1  }
0x54: {  	s1 =	ssub.s32 @!p0 $0x0, s1;
	[sflag:s0] =	ssyncset.done @!p0 $0x0  }
0x55: {  	[sflag:s0] =	ssyncadd.s32 @!p0 s1  }
0x56: {  	[bflag:$0x3] =	sbarrier.arrive $0xFFFF  }
0x57: {  	_ =	shalt  }

// kernel: sparse-core-data-format-call.6.cloned.1.call-start
scs
called_computation.9_lowered:
.L_overlay_start_0:
0x0: {  	s2 =	sld [smem:$0x3FD9]  }
0x1: {  	s3 =	sld [smem:$0x3FFE];
	_ =	sdelay $0x1  }
0x2: {  	s1 =	srdreg.scid  }
0x3: {  	s0 =	sand.u32 $0x1, s1  }
0x4: {  	s18 =	sshll.u32 s0, $0xA;
	s2 =	sadd.s32 s3, s2  }
0x5: {  	s2 =	sadd.s32 s2, s18  }
0x6: {  	[smem:$0x3FBE] =	sst s2  }
0x7: {  	_ = 	snop  }
0x8: {  	(tm) =	ssettm $0x1  }
0x9: {  	s19 =	sld [smem:$0x3FFB];
	_ =	sdelay $0x3  }
0xa: {  	_ =	strace s19  }
0xb: {  	s2 =	sld [smem:$0x3FFC];
	_ =	sdelay $0x3  }
0xc: {  	_ =	strace s2  }
0xd: {  	s2 =	sld [smem:$0x3FFD];
	_ =	sdelay $0x3  }
0xe: {  	_ =	strace s2  }
0xf: {  	_ =	strace $0x8FFFFFFF  }
0x10: {  	s20 =	sld [smem:$0x3FDB];
	_ =	sdelay $0x1  }
0x11: {  	s21 =	simm.s32 $_scs_section_size  }
0x12: {  	s4 =	simm.s32 $_size__tile_overlayer_lowered;
	s5 =	simm.s32 $_tile_overlayer_lowered  }
0x13: {  	s6 =	simm.s32 $0x1BFF;
	s22 =	sshll.u32 s5, $0x1;
	s3 =	sadd.s32 s21, s20  }
0x14: {  	s23 =	simm.s32 $0x0;
	s4 =	sshll.u32 s4, $0x1;
	s5 =	sadd.s32 s22, s3  }
0x15: {  	[timem:s23], [sflag:s6] =	dma.local [hbm:s5], s4  }
0x16: {  	_ =	swait.ge [sflag:s6], s4  }
0x17: {  	s4 =	ssub.s32 $0x0, s4;
	[sflag:s6] =	ssyncset.done $0x0  }
0x18: {  	[sflag:s6] =	ssyncadd.s32 s4;
	_ =	sdelay $0x1  }
0x19: {  	s24 =	simm.s32 $0x1B8B  }
0x1a: {  	_ =	swait.ge [sflag:s24], $0x1  }
0x1b: {  	[sflag:s24] =	ssyncset.done $0x0  }
0x1c: {  	[sflag:s24] =	ssyncadd.s32 $0xFFFFFFFF  }
0x1d: {  	s4 =	sld [smem:$0x0]  }
0x1e: {  	s5 =	sand.u32 $0xFFFFFFFE, s1  }
0x1f: {  	p0 =	sne.s32 s1, s5  }
0x20: {  	s5 =	sshll.u32 @p0 s5, $0xE  }
0x21: {  	s5 =	sadd.s32 @p0 $0x11B8D, s5;
	s6 =	sshll.u32 @p0 s4, $0x11  }
0x22: {  	s5 =	sor.u32 @p0 s6, s5  }
0x23: {  	[sflag:s5] =	ssyncadd.remote.s32 @p0 $0x1;
	_ =	sdelay $0x1  }
0x24: {  	s5 =	simm.s32 @p0 $0x1B8D  }
0x25: {  	_ =	swait.eq @p0 [sflag:s5], $0x1  }
0x26: {  	[sflag:s5] =	ssyncadd.s32 @p0 $0xFFFFFFFF  }
0x27: {  	s6 =	sshll.u32 @!p0 s1, $0xE  }
0x28: {  	s6 =	sor.u32 @!p0 $0x4000, s6;
	s5 =	simm.s32 @!p0 $0x1B8D  }
0x29: {  	s4 =	sshll.u32 @!p0 s4, $0x11;
	s6 =	sadd.s32 @!p0 $0x11B8D, s6;
	_ =	swait.eq @!p0 [sflag:s5], $0x1  }
0x2a: {  	s4 =	sor.u32 @!p0 s4, s6;
	[sflag:s5] =	ssyncadd.s32 @!p0 $0xFFFFFFFF  }
0x2b: {  	s26 =	simm.s32 $0x1B8E;
	s25 =	sld [smem:$0x3FFE];
	[sflag:s4] =	ssyncadd.remote.s32 @!p0 $0x1  }
0x2c: {  	s27 =	simm.s32 $execute0_lowered;
	[smem:$0x3FD2] =	sst s26  }
0x2d: {  	s5 =	sshll.u32 s27, $0x1;
	_ =	strace $0x8000005B;
	[dreg:$0x1] =	wrdreg $0xFFFFFFFF  }
0x2e: {  	s28 =	simm.s32 $_size_execute0_lowered;
	s3 =	sadd.s32 s3, s5;
	[dreg:$0x0] =	wrdreg $0x0  }
0x2f: {  	s5 =	sshll.u32 s28, $0x1;
	[dreg:$0x2] =	wrdreg s3  }
0x30: {  	[dreg:$0x3] =	wrdreg s5  }
0x31: {  	[dreg:$0x4] =	wrdreg $0xC0  }
0x32: {  	_ =	task [dreg:s23], $0x5FFFF  }
0x33: {  	[dreg:$0x1] =	wrdreg $0xFFFFFFFF  }
0x34: {  	[dreg:$0x0] =	wrdreg $0x60  }
0x35: {  	[dreg:$0x2] =	wrdreg s25  }
0x36: {  	[dreg:$0x3] =	wrdreg $0xF  }
0x37: {  	_ =	task.clear_ibuf [dreg:s23], $0x4FFFF;
	_ =	strace $0x9000005B  }
0x38: {  	s29 =	simm.s32 $0xF;
	_ =	strace $0x8000005D  }
0x39: {  	_ =	swait.ge [sflag:s29], $0x1  }
0x3a: {  	[sflag:s29] =	ssyncadd.s32 $0xFFFFFFFF  }
0x3b: {  	_ =	strace $0x9000005D  }
0x3c: {  	_ =	sfence  }
0x3d: {  	s30 =	sld [smem:$0x0];
	_ =	sdelay $0x2  }
0x3e: {  	s31 =	sshll.u32 s1, $0xD;
	s1 =	sshrl.u32 s1, $0x2  }
0x3f: {  	s4 =	sand.u32 $0x4000, s31;
	s1 =	sadd.s32 s1, s30  }
0x40: {  	s0 =	sor.u32 s4, s0;
	s1 =	sshll.u32 s1, $0x11  }
0x41: {  	s0 =	sor.u32 s1, s0  }
0x42: {  	s0 =	sadd.s32 $0x8F2B, s0  }
0x43: {  	[sflag:s0] =	ssyncadd.remote.s32 $0x1  }
0x44: {  	_ =	sfence.sel $0xFFFF  }
0x45: {  	[dreg:$0x0] =	wrdreg $0xFFFFFFFF;
	(pc) =	sbr.abs _section_cstart, $3  }
0x46: {  	[dreg:$0x1] =	wrdreg $0xFFFFFFFF  }
0x47: {  	_ =	task.clear_ibuf [dreg:s23], $0x2FFFF;
	_ =	strace $0x9FFFFFFF  }
0x48: {  	(tm) =	ssettm $0x7FFFFFFF  }
0x49: {  	_ =	shalt  }
tec
execute0_lowered:
.L_overlay_start_1:
0x0: {  	(tag) =	ssettag $0x1  }
0x1: {  	s0 =	srdreg.scid  }
0x2: {  	s5 =	rddreg [dreg:$0x0];
	s1 =	sshll.u32 s0, $0x4  }
0x3: {  	s4 =	simm.s32 $0x1;
	s0 =	stileid.u32;
	s1 =	sand.u32 $0x10, s1  }
0x4: {  	s8 =	simm.s32 $0x2;
	s12 =	simm.s32 $0x0;
	s2 =	sor.u32 s0, s1  }
0x5: {  	s11 =	simm.s32 $0x0;
	s9 =	simm.s32 $0x0;
	s2 =	sshll.u32 s2, $0x7  }
0x6: {  	s10 =	simm.s32 $0x0;
	s3 =	sadd.s32 $0xE2D800, s5;
	s6 =	ssub.s32 $0x10000, s2  }
.Ltmp0:
0x7: {  	s1 =	rddreg [dreg:$0x1];
	s7 =	sand.u32 $0xF80, s6;
	(pc) =	sbr.rel .LBB1_1-.Ltmp0, $4  }
0x8: {  	_ =	strace $0x8000005C;
	p0 =	sne.s32 s7, $0x0;
	s7 =	simm.s32 $0x1  }
0x9: {  	[sflag:s4] =	ssyncpa.u1 $0x0;
	s6 =	sshrl.u32 s6, $0xC;
	s7 =	simm.s32 @!p0 $0x0  }
0xa: {  	s5 =	sadd.s32 $0xF2D800, s5;
	[sflag:s8] =	ssyncpa.u1 $0x0;
	s6 =	sadd.s32 s7, s6  }
0xb: {  	s8 =	smov.u32 s2;
	p0 =	por $0x0, $0x0;
	s7 =	sadd.s32 $0x1, s6  }
.LBB1_4:
0xc: {  	v5 =	vld [tilespmem:s16+$0xFFFFFFD0];
	[tilespmem:s15+$0x2040 ss:$0x81] =	vst.msk $0xffff, v1  }
0xd: {  	v58 =	vld [tilespmem:s16+$0xFFFFFFE0];
	[tilespmem:s15+$0x2850 ss:$0x81] =	vst.msk $0xffff, v2  }
0xe: {  	s17 =	sshra.s32 s17, $0x2;
	v59 =	vld [tilespmem:s16+$0xFFFFFFF0];
	[tilespmem:s15+$0x3060 ss:$0x81] =	vst.msk $0xffff, v3  }
0xf: {  	v60 =	vld [tilespmem:s16+$0x0];
	[tilespmem:s15+$0x0 ss:$0x81] =	vst.msk $0xffff, v0;
	s14 =	sadd.s32 s17, s14  }
0x10: {  	v61 =	vld [tilespmem:s16+$0x10];
	[tilespmem:s14+$0x3870 ss:$0x81] =	vst.msk $0xffff, v4  }
0x11: {  	v62 =	vld [tilespmem:s16+$0x20];
	s12 =	sshll.u32 s12, $0x7;
	s28 =	sshll.u32 s11, $0x3;
	[tilespmem:s14+$0x810 ss:$0x81] =	vst.msk $0xffff, v5  }
0x12: {  	v63 =	vld [tilespmem:s16+$0xFFFFFFC0];
	s29 =	sand.u32 $0x7FFC00, s12;
	s15 =	sand.u32 $0x7FFC00, s28;
	[tilespmem:s14+$0x1020 ss:$0x81] =	vst.msk $0xffff, v58  }
0x13: {  	s12 =	sand.u32 $0x380, s12;
	s15 =	sadd.s32 s15, s29;
	[tilespmem:s14+$0x1830 ss:$0x81] =	vst.msk $0xffff, v59  }
0x14: {  	s30 =	sshrl.u32 s11, $0x3;
	s12 =	sor.u32 s12, s15;
	[tilespmem:s14+$0x2040 ss:$0x81] =	vst.msk $0xffff, v60  }
0x15: {  	s15 =	sand.u32 $0xF, s30;
	s12 =	sshrl.u32 s12, $0x3;
	[tilespmem:s14+$0x2850 ss:$0x81] =	vst.msk $0xffff, v61  }
0x16: {  	s15 =	sadd.s32 s5, s15;
	[tilespmem:s14+$0x3060 ss:$0x81] =	vst.msk $0xffff, v62;
	s12 =	sand.u32 $0xFFFF0, s12  }
0x17: {  	s31 =	sand.u32 $0x7, s11;
	[tilespmem:s14+$0x0 ss:$0x81] =	vst.msk $0xffff, v63;
	s12 =	sadd.s32 s12, s15  }
0x18: {  	[hbm4b:s12+s31] =	stream.linear.scatter [tilespmem:s13], [sflag:$0x2], $0x4000, $0x20;
	[tilespmem:$0x10100] =	vst v63  }
.LBB1_5:
0x19: {  	s13 =	sadd.s32 $0x1000, s8  }
0x1a: {  	s11 =	sadd.s32 $0x80, s9;
	s15 =	smov.u32 s9;
	p2 =	sgt.s32 s13, $0xFFFF  }
0x1b: {  	s15 =	smov.u32 @p2 s11  }
0x1c: {  	s13 =	smov.u32 @p2 s2;
	p2 =	sgt.s32 s15, $0x7F  }
0x1d: {  	s15 =	simm.s32 @p2 $0x0;
	p2 =	sne.s32 s10, s7  }
.Ltmp1:
0x1e: {  	p1 =	slt.u32 s10, $0x2;
	(pc) =	sbr.rel @!p2 .LBB1_6-.Ltmp1, $4  }
0x1f: {  	s14 =	simm.s32 @!p1 $0x2  }
0x20: {  	s12 =	smov.u32 s8;
	p0 =	por !p0, !p0;
	_ =	swait.ge @!p1 [sflag:s14], $0x4000  }
0x21: {  	s11 =	smov.u32 s9;
	[sflag:s14] =	ssyncset.done @!p1 $0x0;
	s8 =	smov.u32 s13  }
0x22: {  	s10 =	sadd.s32 $0x1, s10;
	[sflag:s14] =	ssyncadd.s32 @!p1 $0xFFFFC000;
	s9 =	smov.u32 s15  }
.LBB1_1:
0x23: {  	p1 =	sge.u32 s10, s6;
	s31 =	sadd.s32 $0xFFFFFFFF, s10  }
0x24: {  	s13 =	sand.u32 @!p1 $0x78, s8;
	s14 =	sshll.u32 @!p1 s9, $0x10;
	s15 =	sshll.u32 @!p1 s9, $0x7  }
0x25: {  	s16 =	sshll.u32 @!p1 s8, $0x3;
	s14 =	sand.u32 @!p1 $0x780000, s14;
	s15 =	sand.u32 @!p1 $0x380, s15  }
0x26: {  	s14 =	sadd.s32 @!p1 s14, s16;
	s16 =	sand.u32 @!p1 $0xFC00, s16;
	s13 =	sor.u32 @!p1 s15, s13  }
0x27: {  	s15 =	sxor.u32 @!p1 $0xFFFFFFFF, s10;
	s14 =	sand.u32 @!p1 $0x7F0000, s14;
	s13 =	sor.u32 @!p1 s16, s13  }
0x28: {  	s15 =	sshll.u32 @!p1 s15, $0xE;
	s13 =	sor.u32 @!p1 s14, s13;
	s14 =	sand.u32 @!p1 $0x7, s8  }
0x29: {  	s16 =	simm.s32 @!p1 $0x80000;
	s13 =	sshrl.u32 @!p1 s13, $0x3;
	s14 =	sshll.u32 @!p1 s14, $0x12  }
0x2a: {  	s15 =	sand.u32 @!p1 $0x4000, s15;
	s13 =	sadd.s32 @!p1 s3, s13;
	s14 =	sor.u32 @!p1 $0x400, s14  }
0x2b: {  	[tilespmem:s15], [sflag:$0x1] =	stream.strided.gather @!p1 [hbm4b:s13+s14], $0x4000, s16, s14, $0x38;
	[tilespmem:$0x10100] =	vst v63  }
0x2c: {  	p1 =	sge.u32 s31, s6  }
.Ltmp2:
0x2d: {  	_ = 	snop;
	(pc) =	sbr.rel @p1 .LBB1_5-.Ltmp2, $1  }
0x2e: {  	_ =	sdelay $0x3  }
0x2f: {  	s13 =	simm.s32 $0x1  }
0x30: {  	_ =	swait.ge [sflag:s4], $0x4000;
	s13 =	simm.s32 @!p0 $0x0  }
0x31: {  	[sflag:s4] =	ssyncset.done $0x0;
	s14 =	sshll.u32 s13, $0xE  }
0x32: {  	[sflag:s4] =	ssyncadd.s32 $0xFFFFC000;
	s16 =	sor.u32 $0x40, s14  }
0x33: {  	s13 =	smul.u32 $0x10200, s13;
	v0 =	vld [tilespmem:s16+$0x30]  }
0x34: {  	v3 =	vld [tilespmem:s16+$0xFFFFFFD0]  }
0x35: {  	s13 =	sshrl.u32 s13, $0x2;
	v4 =	vld [tilespmem:s16+$0xFFFFFFE0]  }
0x36: {  	v5 =	vld [tilespmem:s16+$0xFFFFFFF0];
	s14 =	sor.u32 $0x8000, s13  }
0x37: {  	s31 =	sand.u32 $0x1, s10;
	v1 =	vld [tilespmem:s16+$0x0];
	s15 =	sadd.s32 $0x0, s14  }
0x38: {  	v2 =	vld [tilespmem:s16+$0x10];
	s13 =	smul.u32 $0x10200, s31;
	[tilespmem:s15+$0x3870 ss:$0x81] =	vst.msk $0xffff, v0  }
0x39: {  	[tilespmem:s15+$0x810 ss:$0x81] =	vst.msk $0xffff, v3;
	v3 =	vld [tilespmem:s16+$0x20]  }
0x3a: {  	s13 =	sshrl.u32 s13, $0x2;
	v0 =	vld [tilespmem:s16+$0xFFFFFFC0];
	[tilespmem:s15+$0x1020 ss:$0x81] =	vst.msk $0xffff, v4;
	s16 =	sadd.s32 $0x80, s16  }
0x3b: {  	s17 =	simm.s32 $0x4;
	s18 =	simm.s32 $0x8;
	s13 =	sor.u32 $0x8000, s13;
	[tilespmem:s15+$0x1830 ss:$0x81] =	vst.msk $0xffff, v5;
	v4 =	vld [tilespmem:s16+$0x30]  }
.LBB1_3:
0x3c: {  	p1 =	sne.s32 s18, $0x1FC;
	v5 =	vld [tilespmem:s16+$0xFFFFFFD0];
	[tilespmem:s15+$0x2040 ss:$0x81] =	vst.msk $0xffff, v1  }
0x3d: {  	v6 =	vld [tilespmem:s16+$0xFFFFFFE0];
	[tilespmem:s15+$0x2850 ss:$0x81] =	vst.msk $0xffff, v2  }
0x3e: {  	s19 =	sshra.s32 s17, $0x2;
	s17 =	smov.u32 s18;
	v7 =	vld [tilespmem:s16+$0xFFFFFFF0];
	[tilespmem:s15+$0x3060 ss:$0x81] =	vst.msk $0xffff, v3  }
.Ltmp3:
0x3f: {  	v1 =	vld [tilespmem:s16+$0x0];
	[tilespmem:s15+$0x0 ss:$0x81] =	vst.msk $0xffff, v0;
	s15 =	sadd.s32 s19, s14;
	(pc) =	sbr.rel @p1 .LBB1_3-.Ltmp3, $4  }
0x40: {  	v2 =	vld [tilespmem:s16+$0x10];
	[tilespmem:s15+$0x3870 ss:$0x81] =	vst.msk $0xffff, v4  }
0x41: {  	[tilespmem:s15+$0x810 ss:$0x81] =	vst.msk $0xffff, v5;
	v3 =	vld [tilespmem:s16+$0x20]  }
0x42: {  	v0 =	vld [tilespmem:s16+$0xFFFFFFC0];
	[tilespmem:s15+$0x1020 ss:$0x81] =	vst.msk $0xffff, v6;
	s16 =	sadd.s32 $0x80, s16  }
0x43: {  	s18 =	sadd.s32 $0x4, s18;
	v4 =	vld [tilespmem:s16+$0x30];
	[tilespmem:s15+$0x1830 ss:$0x81] =	vst.msk $0xffff, v7  }
.Ltmp4:
0x44: {  	_ = 	snop;
	(pc) =	sbr.rel .LBB1_4-.Ltmp4, $1  }
0x45: {  	_ =	sdelay $0x3  }
.LBB1_6:
0x46: {  	_ =	sfence.sel $0x180000  }
0x47: {  	s2 =	simm.s32 $0x1;
	[bflag:$0x0] =	sbarrier.arrive $0xFFFF  }
0x48: {  	s31 =	simm.s32 $0x2;
	[sflag:s2] =	ssyncpa.u1 $0x1  }
0x49: {  	[sflag:s31] =	ssyncpa.u1 $0x1  }
0x4a: {  	p0 =	sne.s32 s0, $0x0;
	_ =	strace $0x9000005C  }
0x4b: {  	s0 =	sadd.s32 @!p0 $0x100000, s1;
	[bflag:$0x2] =	sbarrier.arrive $0xFFFF  }
0x4c: {  	[sflag:s0] =	ssyncadd.tile.s32 @!p0 $0x1;
	_ =	shalt  }
.Lfunc_end1:
_tile_overlayer_lowered:
.L_overlay_start_2:
0x4d: {  	(tag) =	ssettag $0x2  }
0x4e: {  	s0 =	rddreg [dreg:$0x0];
	s2 =	stileid.u32  }
0x4f: {  	s1 =	rddreg [dreg:$0x1];
	p0 =	sne.s32 s2, $0x0  }
0x50: {  	s3 =	rddreg [dreg:$0x2];
	[bflag:$0x3] =	sbarrier.arrive $0xFFFF;
	s2 =	simm.s32 @!p0 $0x1C01  }
0x51: {  	[timem:s3], [sflag:s2] =	dma.local @!p0 [hbm:s0], s1  }
0x52: {  	s0 =	simm.s32 @!p0 $0x1  }
0x53: {  	_ =	swait.ge @!p0 [sflag:s0], s1  }
0x54: {  	s1 =	ssub.s32 @!p0 $0x0, s1;
	[sflag:s0] =	ssyncset.done @!p0 $0x0  }
0x55: {  	[sflag:s0] =	ssyncadd.s32 @!p0 s1  }
0x56: {  	[bflag:$0x3] =	sbarrier.arrive $0xFFFF  }
0x57: {  	_ =	shalt  }

// kernel: sparse-core-data-format-call.7.cloned.1.call-start
scs
called_computation.10_lowered:
.L_overlay_start_0:
0x0: {  	s2 =	sld [smem:$0x3FD9]  }
0x1: {  	s3 =	sld [smem:$0x3FFE];
	_ =	sdelay $0x1  }
0x2: {  	s1 =	srdreg.scid  }
0x3: {  	s0 =	sand.u32 $0x1, s1  }
0x4: {  	s18 =	sshll.u32 s0, $0xA;
	s2 =	sadd.s32 s3, s2  }
0x5: {  	s2 =	sadd.s32 s2, s18  }
0x6: {  	[smem:$0x3FBE] =	sst s2  }
0x7: {  	_ = 	snop  }
0x8: {  	(tm) =	ssettm $0x1  }
0x9: {  	s19 =	sld [smem:$0x3FFB];
	_ =	sdelay $0x3  }
0xa: {  	_ =	strace s19  }
0xb: {  	s2 =	sld [smem:$0x3FFC];
	_ =	sdelay $0x3  }
0xc: {  	_ =	strace s2  }
0xd: {  	s2 =	sld [smem:$0x3FFD];
	_ =	sdelay $0x3  }
0xe: {  	_ =	strace s2  }
0xf: {  	_ =	strace $0x8FFFFFFF  }
0x10: {  	s20 =	sld [smem:$0x3FDB];
	_ =	sdelay $0x1  }
0x11: {  	s21 =	simm.s32 $_scs_section_size  }
0x12: {  	s4 =	simm.s32 $_size__tile_overlayer_lowered;
	s5 =	simm.s32 $_tile_overlayer_lowered  }
0x13: {  	s6 =	simm.s32 $0x1BFF;
	s22 =	sshll.u32 s5, $0x1;
	s3 =	sadd.s32 s21, s20  }
0x14: {  	s23 =	simm.s32 $0x0;
	s4 =	sshll.u32 s4, $0x1;
	s5 =	sadd.s32 s22, s3  }
0x15: {  	[timem:s23], [sflag:s6] =	dma.local [hbm:s5], s4  }
0x16: {  	_ =	swait.ge [sflag:s6], s4  }
0x17: {  	s4 =	ssub.s32 $0x0, s4;
	[sflag:s6] =	ssyncset.done $0x0  }
0x18: {  	[sflag:s6] =	ssyncadd.s32 s4;
	_ =	sdelay $0x1  }
0x19: {  	s24 =	simm.s32 $0x1B8B  }
0x1a: {  	_ =	swait.ge [sflag:s24], $0x1  }
0x1b: {  	[sflag:s24] =	ssyncset.done $0x0  }
0x1c: {  	[sflag:s24] =	ssyncadd.s32 $0xFFFFFFFF  }
0x1d: {  	s4 =	sld [smem:$0x0]  }
0x1e: {  	s5 =	sand.u32 $0xFFFFFFFE, s1  }
0x1f: {  	p0 =	sne.s32 s1, s5  }
0x20: {  	s5 =	sshll.u32 @p0 s5, $0xE  }
0x21: {  	s5 =	sadd.s32 @p0 $0x11B8D, s5;
	s6 =	sshll.u32 @p0 s4, $0x11  }
0x22: {  	s5 =	sor.u32 @p0 s6, s5  }
0x23: {  	[sflag:s5] =	ssyncadd.remote.s32 @p0 $0x1;
	_ =	sdelay $0x1  }
0x24: {  	s5 =	simm.s32 @p0 $0x1B8D  }
0x25: {  	_ =	swait.eq @p0 [sflag:s5], $0x1  }
0x26: {  	[sflag:s5] =	ssyncadd.s32 @p0 $0xFFFFFFFF  }
0x27: {  	s6 =	sshll.u32 @!p0 s1, $0xE  }
0x28: {  	s6 =	sor.u32 @!p0 $0x4000, s6;
	s5 =	simm.s32 @!p0 $0x1B8D  }
0x29: {  	s4 =	sshll.u32 @!p0 s4, $0x11;
	s6 =	sadd.s32 @!p0 $0x11B8D, s6;
	_ =	swait.eq @!p0 [sflag:s5], $0x1  }
0x2a: {  	s4 =	sor.u32 @!p0 s4, s6;
	[sflag:s5] =	ssyncadd.s32 @!p0 $0xFFFFFFFF  }
0x2b: {  	s26 =	simm.s32 $0x1B8E;
	s25 =	sld [smem:$0x3FFE];
	[sflag:s4] =	ssyncadd.remote.s32 @!p0 $0x1  }
0x2c: {  	s27 =	simm.s32 $execute0_lowered;
	[smem:$0x3FD2] =	sst s26  }
0x2d: {  	s5 =	sshll.u32 s27, $0x1;
	_ =	strace $0x80000058;
	[dreg:$0x1] =	wrdreg $0xFFFFFFFF  }
0x2e: {  	s28 =	simm.s32 $_size_execute0_lowered;
	s3 =	sadd.s32 s3, s5;
	[dreg:$0x0] =	wrdreg $0x0  }
0x2f: {  	s5 =	sshll.u32 s28, $0x1;
	[dreg:$0x2] =	wrdreg s3  }
0x30: {  	[dreg:$0x3] =	wrdreg s5  }
0x31: {  	[dreg:$0x4] =	wrdreg $0xC0  }
0x32: {  	_ =	task [dreg:s23], $0x5FFFF  }
0x33: {  	[dreg:$0x1] =	wrdreg $0xFFFFFFFF  }
0x34: {  	[dreg:$0x0] =	wrdreg $0x60  }
0x35: {  	[dreg:$0x2] =	wrdreg s25  }
0x36: {  	[dreg:$0x3] =	wrdreg $0x10  }
0x37: {  	_ =	task.clear_ibuf [dreg:s23], $0x4FFFF;
	_ =	strace $0x90000058  }
0x38: {  	s29 =	simm.s32 $0x10;
	_ =	strace $0x8000005A  }
0x39: {  	_ =	swait.ge [sflag:s29], $0x1  }
0x3a: {  	[sflag:s29] =	ssyncadd.s32 $0xFFFFFFFF  }
0x3b: {  	_ =	strace $0x9000005A  }
0x3c: {  	_ =	sfence  }
0x3d: {  	s30 =	sld [smem:$0x0];
	_ =	sdelay $0x2  }
0x3e: {  	s31 =	sshll.u32 s1, $0xD;
	s1 =	sshrl.u32 s1, $0x2  }
0x3f: {  	s4 =	sand.u32 $0x4000, s31;
	s1 =	sadd.s32 s1, s30  }
0x40: {  	s0 =	sor.u32 s4, s0;
	s1 =	sshll.u32 s1, $0x11  }
0x41: {  	s0 =	sor.u32 s1, s0  }
0x42: {  	s0 =	sadd.s32 $0x8F2B, s0  }
0x43: {  	[sflag:s0] =	ssyncadd.remote.s32 $0x1  }
0x44: {  	_ =	sfence.sel $0xFFFF  }
0x45: {  	[dreg:$0x0] =	wrdreg $0xFFFFFFFF;
	(pc) =	sbr.abs _section_cstart, $3  }
0x46: {  	[dreg:$0x1] =	wrdreg $0xFFFFFFFF  }
0x47: {  	_ =	task.clear_ibuf [dreg:s23], $0x2FFFF;
	_ =	strace $0x9FFFFFFF  }
0x48: {  	(tm) =	ssettm $0x7FFFFFFF  }
0x49: {  	_ =	shalt  }
tec
execute0_lowered:
.L_overlay_start_1:
0x0: {  	(tag) =	ssettag $0x1  }
0x1: {  	s0 =	srdreg.scid  }
0x2: {  	s5 =	rddreg [dreg:$0x0];
	s1 =	sshll.u32 s0, $0x4  }
0x3: {  	s4 =	simm.s32 $0x1;
	s0 =	stileid.u32;
	s1 =	sand.u32 $0x10, s1  }
0x4: {  	s8 =	simm.s32 $0x2;
	s12 =	simm.s32 $0x0;
	s2 =	sor.u32 s0, s1  }
0x5: {  	s11 =	simm.s32 $0x0;
	s9 =	simm.s32 $0x0;
	s2 =	sshll.u32 s2, $0x7  }
0x6: {  	s10 =	simm.s32 $0x0;
	s3 =	sadd.s32 $0xC2D800, s5;
	s6 =	ssub.s32 $0x10000, s2  }
.Ltmp0:
0x7: {  	s1 =	rddreg [dreg:$0x1];
	s7 =	sand.u32 $0xF80, s6;
	(pc) =	sbr.rel .LBB1_1-.Ltmp0, $4  }
0x8: {  	_ =	strace $0x80000059;
	p0 =	sne.s32 s7, $0x0;
	s7 =	simm.s32 $0x1  }
0x9: {  	[sflag:s4] =	ssyncpa.u1 $0x0;
	s6 =	sshrl.u32 s6, $0xC;
	s7 =	simm.s32 @!p0 $0x0  }
0xa: {  	s5 =	sadd.s32 $0xD2D800, s5;
	[sflag:s8] =	ssyncpa.u1 $0x0;
	s6 =	sadd.s32 s7, s6  }
0xb: {  	s8 =	smov.u32 s2;
	p0 =	por $0x0, $0x0;
	s7 =	sadd.s32 $0x1, s6  }
.LBB1_4:
0xc: {  	v5 =	vld [tilespmem:s16+$0xFFFFFFD0];
	[tilespmem:s15+$0x2040 ss:$0x81] =	vst.msk $0xffff, v1  }
0xd: {  	v58 =	vld [tilespmem:s16+$0xFFFFFFE0];
	[tilespmem:s15+$0x2850 ss:$0x81] =	vst.msk $0xffff, v2  }
0xe: {  	s17 =	sshra.s32 s17, $0x2;
	v59 =	vld [tilespmem:s16+$0xFFFFFFF0];
	[tilespmem:s15+$0x3060 ss:$0x81] =	vst.msk $0xffff, v3  }
0xf: {  	v60 =	vld [tilespmem:s16+$0x0];
	[tilespmem:s15+$0x0 ss:$0x81] =	vst.msk $0xffff, v0;
	s14 =	sadd.s32 s17, s14  }
0x10: {  	v61 =	vld [tilespmem:s16+$0x10];
	[tilespmem:s14+$0x3870 ss:$0x81] =	vst.msk $0xffff, v4  }
0x11: {  	v62 =	vld [tilespmem:s16+$0x20];
	s12 =	sshll.u32 s12, $0x7;
	s28 =	sshll.u32 s11, $0x3;
	[tilespmem:s14+$0x810 ss:$0x81] =	vst.msk $0xffff, v5  }
0x12: {  	v63 =	vld [tilespmem:s16+$0xFFFFFFC0];
	s29 =	sand.u32 $0x7FFC00, s12;
	s15 =	sand.u32 $0x7FFC00, s28;
	[tilespmem:s14+$0x1020 ss:$0x81] =	vst.msk $0xffff, v58  }
0x13: {  	s12 =	sand.u32 $0x380, s12;
	s15 =	sadd.s32 s15, s29;
	[tilespmem:s14+$0x1830 ss:$0x81] =	vst.msk $0xffff, v59  }
0x14: {  	s30 =	sshrl.u32 s11, $0x3;
	s12 =	sor.u32 s12, s15;
	[tilespmem:s14+$0x2040 ss:$0x81] =	vst.msk $0xffff, v60  }
0x15: {  	s15 =	sand.u32 $0xF, s30;
	s12 =	sshrl.u32 s12, $0x3;
	[tilespmem:s14+$0x2850 ss:$0x81] =	vst.msk $0xffff, v61  }
0x16: {  	s15 =	sadd.s32 s5, s15;
	[tilespmem:s14+$0x3060 ss:$0x81] =	vst.msk $0xffff, v62;
	s12 =	sand.u32 $0xFFFF0, s12  }
0x17: {  	s31 =	sand.u32 $0x7, s11;
	[tilespmem:s14+$0x0 ss:$0x81] =	vst.msk $0xffff, v63;
	s12 =	sadd.s32 s12, s15  }
0x18: {  	[hbm4b:s12+s31] =	stream.linear.scatter [tilespmem:s13], [sflag:$0x2], $0x4000, $0x20;
	[tilespmem:$0x10100] =	vst v63  }
.LBB1_5:
0x19: {  	s13 =	sadd.s32 $0x1000, s8  }
0x1a: {  	s11 =	sadd.s32 $0x80, s9;
	s15 =	smov.u32 s9;
	p2 =	sgt.s32 s13, $0xFFFF  }
0x1b: {  	s15 =	smov.u32 @p2 s11  }
0x1c: {  	s13 =	smov.u32 @p2 s2;
	p2 =	sgt.s32 s15, $0x7F  }
0x1d: {  	s15 =	simm.s32 @p2 $0x0;
	p2 =	sne.s32 s10, s7  }
.Ltmp1:
0x1e: {  	p1 =	slt.u32 s10, $0x2;
	(pc) =	sbr.rel @!p2 .LBB1_6-.Ltmp1, $4  }
0x1f: {  	s14 =	simm.s32 @!p1 $0x2  }
0x20: {  	s12 =	smov.u32 s8;
	p0 =	por !p0, !p0;
	_ =	swait.ge @!p1 [sflag:s14], $0x4000  }
0x21: {  	s11 =	smov.u32 s9;
	[sflag:s14] =	ssyncset.done @!p1 $0x0;
	s8 =	smov.u32 s13  }
0x22: {  	s10 =	sadd.s32 $0x1, s10;
	[sflag:s14] =	ssyncadd.s32 @!p1 $0xFFFFC000;
	s9 =	smov.u32 s15  }
.LBB1_1:
0x23: {  	p1 =	sge.u32 s10, s6;
	s31 =	sadd.s32 $0xFFFFFFFF, s10  }
0x24: {  	s13 =	sand.u32 @!p1 $0x78, s8;
	s14 =	sshll.u32 @!p1 s9, $0x10;
	s15 =	sshll.u32 @!p1 s9, $0x7  }
0x25: {  	s16 =	sshll.u32 @!p1 s8, $0x3;
	s14 =	sand.u32 @!p1 $0x780000, s14;
	s15 =	sand.u32 @!p1 $0x380, s15  }
0x26: {  	s14 =	sadd.s32 @!p1 s14, s16;
	s16 =	sand.u32 @!p1 $0xFC00, s16;
	s13 =	sor.u32 @!p1 s15, s13  }
0x27: {  	s15 =	sxor.u32 @!p1 $0xFFFFFFFF, s10;
	s14 =	sand.u32 @!p1 $0x7F0000, s14;
	s13 =	sor.u32 @!p1 s16, s13  }
0x28: {  	s15 =	sshll.u32 @!p1 s15, $0xE;
	s13 =	sor.u32 @!p1 s14, s13;
	s14 =	sand.u32 @!p1 $0x7, s8  }
0x29: {  	s16 =	simm.s32 @!p1 $0x80000;
	s13 =	sshrl.u32 @!p1 s13, $0x3;
	s14 =	sshll.u32 @!p1 s14, $0x12  }
0x2a: {  	s15 =	sand.u32 @!p1 $0x4000, s15;
	s13 =	sadd.s32 @!p1 s3, s13;
	s14 =	sor.u32 @!p1 $0x400, s14  }
0x2b: {  	[tilespmem:s15], [sflag:$0x1] =	stream.strided.gather @!p1 [hbm4b:s13+s14], $0x4000, s16, s14, $0x38;
	[tilespmem:$0x10100] =	vst v63  }
0x2c: {  	p1 =	sge.u32 s31, s6  }
.Ltmp2:
0x2d: {  	_ = 	snop;
	(pc) =	sbr.rel @p1 .LBB1_5-.Ltmp2, $1  }
0x2e: {  	_ =	sdelay $0x3  }
0x2f: {  	s13 =	simm.s32 $0x1  }
0x30: {  	_ =	swait.ge [sflag:s4], $0x4000;
	s13 =	simm.s32 @!p0 $0x0  }
0x31: {  	[sflag:s4] =	ssyncset.done $0x0;
	s14 =	sshll.u32 s13, $0xE  }
0x32: {  	[sflag:s4] =	ssyncadd.s32 $0xFFFFC000;
	s16 =	sor.u32 $0x40, s14  }
0x33: {  	s13 =	smul.u32 $0x10200, s13;
	v0 =	vld [tilespmem:s16+$0x30]  }
0x34: {  	v3 =	vld [tilespmem:s16+$0xFFFFFFD0]  }
0x35: {  	s13 =	sshrl.u32 s13, $0x2;
	v4 =	vld [tilespmem:s16+$0xFFFFFFE0]  }
0x36: {  	v5 =	vld [tilespmem:s16+$0xFFFFFFF0];
	s14 =	sor.u32 $0x8000, s13  }
0x37: {  	s31 =	sand.u32 $0x1, s10;
	v1 =	vld [tilespmem:s16+$0x0];
	s15 =	sadd.s32 $0x0, s14  }
0x38: {  	v2 =	vld [tilespmem:s16+$0x10];
	s13 =	smul.u32 $0x10200, s31;
	[tilespmem:s15+$0x3870 ss:$0x81] =	vst.msk $0xffff, v0  }
0x39: {  	[tilespmem:s15+$0x810 ss:$0x81] =	vst.msk $0xffff, v3;
	v3 =	vld [tilespmem:s16+$0x20]  }
0x3a: {  	s13 =	sshrl.u32 s13, $0x2;
	v0 =	vld [tilespmem:s16+$0xFFFFFFC0];
	[tilespmem:s15+$0x1020 ss:$0x81] =	vst.msk $0xffff, v4;
	s16 =	sadd.s32 $0x80, s16  }
0x3b: {  	s17 =	simm.s32 $0x4;
	s18 =	simm.s32 $0x8;
	s13 =	sor.u32 $0x8000, s13;
	[tilespmem:s15+$0x1830 ss:$0x81] =	vst.msk $0xffff, v5;
	v4 =	vld [tilespmem:s16+$0x30]  }
.LBB1_3:
0x3c: {  	p1 =	sne.s32 s18, $0x1FC;
	v5 =	vld [tilespmem:s16+$0xFFFFFFD0];
	[tilespmem:s15+$0x2040 ss:$0x81] =	vst.msk $0xffff, v1  }
0x3d: {  	v6 =	vld [tilespmem:s16+$0xFFFFFFE0];
	[tilespmem:s15+$0x2850 ss:$0x81] =	vst.msk $0xffff, v2  }
0x3e: {  	s19 =	sshra.s32 s17, $0x2;
	s17 =	smov.u32 s18;
	v7 =	vld [tilespmem:s16+$0xFFFFFFF0];
	[tilespmem:s15+$0x3060 ss:$0x81] =	vst.msk $0xffff, v3  }
.Ltmp3:
0x3f: {  	v1 =	vld [tilespmem:s16+$0x0];
	[tilespmem:s15+$0x0 ss:$0x81] =	vst.msk $0xffff, v0;
	s15 =	sadd.s32 s19, s14;
	(pc) =	sbr.rel @p1 .LBB1_3-.Ltmp3, $4  }
0x40: {  	v2 =	vld [tilespmem:s16+$0x10];
	[tilespmem:s15+$0x3870 ss:$0x81] =	vst.msk $0xffff, v4  }
0x41: {  	[tilespmem:s15+$0x810 ss:$0x81] =	vst.msk $0xffff, v5;
	v3 =	vld [tilespmem:s16+$0x20]  }
0x42: {  	v0 =	vld [tilespmem:s16+$0xFFFFFFC0];
	[tilespmem:s15+$0x1020 ss:$0x81] =	vst.msk $0xffff, v6;
	s16 =	sadd.s32 $0x80, s16  }
0x43: {  	s18 =	sadd.s32 $0x4, s18;
	v4 =	vld [tilespmem:s16+$0x30];
	[tilespmem:s15+$0x1830 ss:$0x81] =	vst.msk $0xffff, v7  }
.Ltmp4:
0x44: {  	_ = 	snop;
	(pc) =	sbr.rel .LBB1_4-.Ltmp4, $1  }
0x45: {  	_ =	sdelay $0x3  }
.LBB1_6:
0x46: {  	_ =	sfence.sel $0x180000  }
0x47: {  	s2 =	simm.s32 $0x1;
	[bflag:$0x0] =	sbarrier.arrive $0xFFFF  }
0x48: {  	s31 =	simm.s32 $0x2;
	[sflag:s2] =	ssyncpa.u1 $0x1  }
0x49: {  	[sflag:s31] =	ssyncpa.u1 $0x1  }
0x4a: {  	p0 =	sne.s32 s0, $0x0;
	_ =	strace $0x90000059  }
0x4b: {  	s0 =	sadd.s32 @!p0 $0x100000, s1;
	[bflag:$0x2] =	sbarrier.arrive $0xFFFF  }
0x4c: {  	[sflag:s0] =	ssyncadd.tile.s32 @!p0 $0x1;
	_ =	shalt  }
.Lfunc_end1:
_tile_overlayer_lowered:
.L_overlay_start_2:
0x4d: {  	(tag) =	ssettag $0x2  }
0x4e: {  	s0 =	rddreg [dreg:$0x0];
	s2 =	stileid.u32  }
0x4f: {  	s1 =	rddreg [dreg:$0x1];
	p0 =	sne.s32 s2, $0x0  }
0x50: {  	s3 =	rddreg [dreg:$0x2];
	[bflag:$0x3] =	sbarrier.arrive $0xFFFF;
	s2 =	simm.s32 @!p0 $0x1C01  }
0x51: {  	[timem:s3], [sflag:s2] =	dma.local @!p0 [hbm:s0], s1  }
0x52: {  	s0 =	simm.s32 @!p0 $0x1  }
0x53: {  	_ =	swait.ge @!p0 [sflag:s0], s1  }
0x54: {  	s1 =	ssub.s32 @!p0 $0x0, s1;
	[sflag:s0] =	ssyncset.done @!p0 $0x0  }
0x55: {  	[sflag:s0] =	ssyncadd.s32 @!p0 s1  }
0x56: {  	[bflag:$0x3] =	sbarrier.arrive $0xFFFF  }
0x57: {  	_ =	shalt  }

// kernel: sparse-core-data-format-call.8.cloned.1.call-start
scs
called_computation.11_lowered:
.L_overlay_start_0:
0x0: {  	s2 =	sld [smem:$0x3FD9]  }
0x1: {  	s3 =	sld [smem:$0x3FFE];
	_ =	sdelay $0x1  }
0x2: {  	s1 =	srdreg.scid  }
0x3: {  	s0 =	sand.u32 $0x1, s1  }
0x4: {  	s18 =	sshll.u32 s0, $0xA;
	s2 =	sadd.s32 s3, s2  }
0x5: {  	s2 =	sadd.s32 s2, s18  }
0x6: {  	[smem:$0x3FBE] =	sst s2  }
0x7: {  	_ = 	snop  }
0x8: {  	(tm) =	ssettm $0x1  }
0x9: {  	s19 =	sld [smem:$0x3FFB];
	_ =	sdelay $0x3  }
0xa: {  	_ =	strace s19  }
0xb: {  	s2 =	sld [smem:$0x3FFC];
	_ =	sdelay $0x3  }
0xc: {  	_ =	strace s2  }
0xd: {  	s2 =	sld [smem:$0x3FFD];
	_ =	sdelay $0x3  }
0xe: {  	_ =	strace s2  }
0xf: {  	_ =	strace $0x8FFFFFFF  }
0x10: {  	s20 =	sld [smem:$0x3FDB];
	_ =	sdelay $0x1  }
0x11: {  	s21 =	simm.s32 $_scs_section_size  }
0x12: {  	s4 =	simm.s32 $_size__tile_overlayer_lowered;
	s5 =	simm.s32 $_tile_overlayer_lowered  }
0x13: {  	s6 =	simm.s32 $0x1BFF;
	s22 =	sshll.u32 s5, $0x1;
	s3 =	sadd.s32 s21, s20  }
0x14: {  	s23 =	simm.s32 $0x0;
	s4 =	sshll.u32 s4, $0x1;
	s5 =	sadd.s32 s22, s3  }
0x15: {  	[timem:s23], [sflag:s6] =	dma.local [hbm:s5], s4  }
0x16: {  	_ =	swait.ge [sflag:s6], s4  }
0x17: {  	s4 =	ssub.s32 $0x0, s4;
	[sflag:s6] =	ssyncset.done $0x0  }
0x18: {  	[sflag:s6] =	ssyncadd.s32 s4;
	_ =	sdelay $0x1  }
0x19: {  	s24 =	simm.s32 $0x1B8B  }
0x1a: {  	_ =	swait.ge [sflag:s24], $0x1  }
0x1b: {  	[sflag:s24] =	ssyncset.done $0x0  }
0x1c: {  	[sflag:s24] =	ssyncadd.s32 $0xFFFFFFFF  }
0x1d: {  	s4 =	sld [smem:$0x0]  }
0x1e: {  	s5 =	sand.u32 $0xFFFFFFFE, s1  }
0x1f: {  	p0 =	sne.s32 s1, s5  }
0x20: {  	s5 =	sshll.u32 @p0 s5, $0xE  }
0x21: {  	s5 =	sadd.s32 @p0 $0x11B8D, s5;
	s6 =	sshll.u32 @p0 s4, $0x11  }
0x22: {  	s5 =	sor.u32 @p0 s6, s5  }
0x23: {  	[sflag:s5] =	ssyncadd.remote.s32 @p0 $0x1;
	_ =	sdelay $0x1  }
0x24: {  	s5 =	simm.s32 @p0 $0x1B8D  }
0x25: {  	_ =	swait.eq @p0 [sflag:s5], $0x1  }
0x26: {  	[sflag:s5] =	ssyncadd.s32 @p0 $0xFFFFFFFF  }
0x27: {  	s6 =	sshll.u32 @!p0 s1, $0xE  }
0x28: {  	s6 =	sor.u32 @!p0 $0x4000, s6;
	s5 =	simm.s32 @!p0 $0x1B8D  }
0x29: {  	s4 =	sshll.u32 @!p0 s4, $0x11;
	s6 =	sadd.s32 @!p0 $0x11B8D, s6;
	_ =	swait.eq @!p0 [sflag:s5], $0x1  }
0x2a: {  	s4 =	sor.u32 @!p0 s4, s6;
	[sflag:s5] =	ssyncadd.s32 @!p0 $0xFFFFFFFF  }
0x2b: {  	s26 =	simm.s32 $0x1B8E;
	s25 =	sld [smem:$0x3FFE];
	[sflag:s4] =	ssyncadd.remote.s32 @!p0 $0x1  }
0x2c: {  	s27 =	simm.s32 $execute0_lowered;
	[smem:$0x3FD2] =	sst s26  }
0x2d: {  	s5 =	sshll.u32 s27, $0x1;
	_ =	strace $0x80000055;
	[dreg:$0x1] =	wrdreg $0xFFFFFFFF  }
0x2e: {  	s28 =	simm.s32 $_size_execute0_lowered;
	s3 =	sadd.s32 s3, s5;
	[dreg:$0x0] =	wrdreg $0x0  }
0x2f: {  	s5 =	sshll.u32 s28, $0x1;
	[dreg:$0x2] =	wrdreg s3  }
0x30: {  	[dreg:$0x3] =	wrdreg s5  }
0x31: {  	[dreg:$0x4] =	wrdreg $0xC0  }
0x32: {  	_ =	task [dreg:s23], $0x5FFFF  }
0x33: {  	[dreg:$0x1] =	wrdreg $0xFFFFFFFF  }
0x34: {  	[dreg:$0x0] =	wrdreg $0x60  }
0x35: {  	[dreg:$0x2] =	wrdreg s25  }
0x36: {  	[dreg:$0x3] =	wrdreg $0x11  }
0x37: {  	_ =	task.clear_ibuf [dreg:s23], $0x4FFFF;
	_ =	strace $0x90000055  }
0x38: {  	s29 =	simm.s32 $0x11;
	_ =	strace $0x80000057  }
0x39: {  	_ =	swait.ge [sflag:s29], $0x1  }
0x3a: {  	[sflag:s29] =	ssyncadd.s32 $0xFFFFFFFF  }
0x3b: {  	_ =	strace $0x90000057  }
0x3c: {  	_ =	sfence  }
0x3d: {  	s30 =	sld [smem:$0x0];
	_ =	sdelay $0x2  }
0x3e: {  	s31 =	sshll.u32 s1, $0xD;
	s1 =	sshrl.u32 s1, $0x2  }
0x3f: {  	s4 =	sand.u32 $0x4000, s31;
	s1 =	sadd.s32 s1, s30  }
0x40: {  	s0 =	sor.u32 s4, s0;
	s1 =	sshll.u32 s1, $0x11  }
0x41: {  	s0 =	sor.u32 s1, s0  }
0x42: {  	s0 =	sadd.s32 $0x8F2B, s0  }
0x43: {  	[sflag:s0] =	ssyncadd.remote.s32 $0x1  }
0x44: {  	_ =	sfence.sel $0xFFFF  }
0x45: {  	[dreg:$0x0] =	wrdreg $0xFFFFFFFF;
	(pc) =	sbr.abs _section_cstart, $3  }
0x46: {  	[dreg:$0x1] =	wrdreg $0xFFFFFFFF  }
0x47: {  	_ =	task.clear_ibuf [dreg:s23], $0x2FFFF;
	_ =	strace $0x9FFFFFFF  }
0x48: {  	(tm) =	ssettm $0x7FFFFFFF  }
0x49: {  	_ =	shalt  }
tec
execute0_lowered:
.L_overlay_start_1:
0x0: {  	(tag) =	ssettag $0x1  }
0x1: {  	s0 =	srdreg.scid  }
0x2: {  	s5 =	rddreg [dreg:$0x0];
	s1 =	sshll.u32 s0, $0x4  }
0x3: {  	s4 =	simm.s32 $0x1;
	s0 =	stileid.u32;
	s1 =	sand.u32 $0x10, s1  }
0x4: {  	s8 =	simm.s32 $0x2;
	s12 =	simm.s32 $0x0;
	s2 =	sor.u32 s0, s1  }
0x5: {  	s11 =	simm.s32 $0x0;
	s9 =	simm.s32 $0x0;
	s2 =	sshll.u32 s2, $0x7  }
0x6: {  	s10 =	simm.s32 $0x0;
	s3 =	sadd.s32 $0xA2D800, s5;
	s6 =	ssub.s32 $0x10000, s2  }
.Ltmp0:
0x7: {  	s1 =	rddreg [dreg:$0x1];
	s7 =	sand.u32 $0xF80, s6;
	(pc) =	sbr.rel .LBB1_1-.Ltmp0, $4  }
0x8: {  	_ =	strace $0x80000056;
	p0 =	sne.s32 s7, $0x0;
	s7 =	simm.s32 $0x1  }
0x9: {  	[sflag:s4] =	ssyncpa.u1 $0x0;
	s6 =	sshrl.u32 s6, $0xC;
	s7 =	simm.s32 @!p0 $0x0  }
0xa: {  	s5 =	sadd.s32 $0xB2D800, s5;
	[sflag:s8] =	ssyncpa.u1 $0x0;
	s6 =	sadd.s32 s7, s6  }
0xb: {  	s8 =	smov.u32 s2;
	p0 =	por $0x0, $0x0;
	s7 =	sadd.s32 $0x1, s6  }
.LBB1_4:
0xc: {  	v5 =	vld [tilespmem:s16+$0xFFFFFFD0];
	[tilespmem:s15+$0x2040 ss:$0x81] =	vst.msk $0xffff, v1  }
0xd: {  	v58 =	vld [tilespmem:s16+$0xFFFFFFE0];
	[tilespmem:s15+$0x2850 ss:$0x81] =	vst.msk $0xffff, v2  }
0xe: {  	s17 =	sshra.s32 s17, $0x2;
	v59 =	vld [tilespmem:s16+$0xFFFFFFF0];
	[tilespmem:s15+$0x3060 ss:$0x81] =	vst.msk $0xffff, v3  }
0xf: {  	v60 =	vld [tilespmem:s16+$0x0];
	[tilespmem:s15+$0x0 ss:$0x81] =	vst.msk $0xffff, v0;
	s14 =	sadd.s32 s17, s14  }
0x10: {  	v61 =	vld [tilespmem:s16+$0x10];
	[tilespmem:s14+$0x3870 ss:$0x81] =	vst.msk $0xffff, v4  }
0x11: {  	v62 =	vld [tilespmem:s16+$0x20];
	s12 =	sshll.u32 s12, $0x7;
	s28 =	sshll.u32 s11, $0x3;
	[tilespmem:s14+$0x810 ss:$0x81] =	vst.msk $0xffff, v5  }
0x12: {  	v63 =	vld [tilespmem:s16+$0xFFFFFFC0];
	s29 =	sand.u32 $0x7FFC00, s12;
	s15 =	sand.u32 $0x7FFC00, s28;
	[tilespmem:s14+$0x1020 ss:$0x81] =	vst.msk $0xffff, v58  }
0x13: {  	s12 =	sand.u32 $0x380, s12;
	s15 =	sadd.s32 s15, s29;
	[tilespmem:s14+$0x1830 ss:$0x81] =	vst.msk $0xffff, v59  }
0x14: {  	s30 =	sshrl.u32 s11, $0x3;
	s12 =	sor.u32 s12, s15;
	[tilespmem:s14+$0x2040 ss:$0x81] =	vst.msk $0xffff, v60  }
0x15: {  	s15 =	sand.u32 $0xF, s30;
	s12 =	sshrl.u32 s12, $0x3;
	[tilespmem:s14+$0x2850 ss:$0x81] =	vst.msk $0xffff, v61  }
0x16: {  	s15 =	sadd.s32 s5, s15;
	[tilespmem:s14+$0x3060 ss:$0x81] =	vst.msk $0xffff, v62;
	s12 =	sand.u32 $0xFFFF0, s12  }
0x17: {  	s31 =	sand.u32 $0x7, s11;
	[tilespmem:s14+$0x0 ss:$0x81] =	vst.msk $0xffff, v63;
	s12 =	sadd.s32 s12, s15  }
0x18: {  	[hbm4b:s12+s31] =	stream.linear.scatter [tilespmem:s13], [sflag:$0x2], $0x4000, $0x20;
	[tilespmem:$0x10100] =	vst v63  }
.LBB1_5:
0x19: {  	s13 =	sadd.s32 $0x1000, s8  }
0x1a: {  	s11 =	sadd.s32 $0x80, s9;
	s15 =	smov.u32 s9;
	p2 =	sgt.s32 s13, $0xFFFF  }
0x1b: {  	s15 =	smov.u32 @p2 s11  }
0x1c: {  	s13 =	smov.u32 @p2 s2;
	p2 =	sgt.s32 s15, $0x7F  }
0x1d: {  	s15 =	simm.s32 @p2 $0x0;
	p2 =	sne.s32 s10, s7  }
.Ltmp1:
0x1e: {  	p1 =	slt.u32 s10, $0x2;
	(pc) =	sbr.rel @!p2 .LBB1_6-.Ltmp1, $4  }
0x1f: {  	s14 =	simm.s32 @!p1 $0x2  }
0x20: {  	s12 =	smov.u32 s8;
	p0 =	por !p0, !p0;
	_ =	swait.ge @!p1 [sflag:s14], $0x4000  }
0x21: {  	s11 =	smov.u32 s9;
	[sflag:s14] =	ssyncset.done @!p1 $0x0;
	s8 =	smov.u32 s13  }
0x22: {  	s10 =	sadd.s32 $0x1, s10;
	[sflag:s14] =	ssyncadd.s32 @!p1 $0xFFFFC000;
	s9 =	smov.u32 s15  }
.LBB1_1:
0x23: {  	p1 =	sge.u32 s10, s6;
	s31 =	sadd.s32 $0xFFFFFFFF, s10  }
0x24: {  	s13 =	sand.u32 @!p1 $0x78, s8;
	s14 =	sshll.u32 @!p1 s9, $0x10;
	s15 =	sshll.u32 @!p1 s9, $0x7  }
0x25: {  	s16 =	sshll.u32 @!p1 s8, $0x3;
	s14 =	sand.u32 @!p1 $0x780000, s14;
	s15 =	sand.u32 @!p1 $0x380, s15  }
0x26: {  	s14 =	sadd.s32 @!p1 s14, s16;
	s16 =	sand.u32 @!p1 $0xFC00, s16;
	s13 =	sor.u32 @!p1 s15, s13  }
0x27: {  	s15 =	sxor.u32 @!p1 $0xFFFFFFFF, s10;
	s14 =	sand.u32 @!p1 $0x7F0000, s14;
	s13 =	sor.u32 @!p1 s16, s13  }
0x28: {  	s15 =	sshll.u32 @!p1 s15, $0xE;
	s13 =	sor.u32 @!p1 s14, s13;
	s14 =	sand.u32 @!p1 $0x7, s8  }
0x29: {  	s16 =	simm.s32 @!p1 $0x80000;
	s13 =	sshrl.u32 @!p1 s13, $0x3;
	s14 =	sshll.u32 @!p1 s14, $0x12  }
0x2a: {  	s15 =	sand.u32 @!p1 $0x4000, s15;
	s13 =	sadd.s32 @!p1 s3, s13;
	s14 =	sor.u32 @!p1 $0x400, s14  }
0x2b: {  	[tilespmem:s15], [sflag:$0x1] =	stream.strided.gather @!p1 [hbm4b:s13+s14], $0x4000, s16, s14, $0x38;
	[tilespmem:$0x10100] =	vst v63  }
0x2c: {  	p1 =	sge.u32 s31, s6  }
.Ltmp2:
0x2d: {  	_ = 	snop;
	(pc) =	sbr.rel @p1 .LBB1_5-.Ltmp2, $1  }
0x2e: {  	_ =	sdelay $0x3  }
0x2f: {  	s13 =	simm.s32 $0x1  }
0x30: {  	_ =	swait.ge [sflag:s4], $0x4000;
	s13 =	simm.s32 @!p0 $0x0  }
0x31: {  	[sflag:s4] =	ssyncset.done $0x0;
	s14 =	sshll.u32 s13, $0xE  }
0x32: {  	[sflag:s4] =	ssyncadd.s32 $0xFFFFC000;
	s16 =	sor.u32 $0x40, s14  }
0x33: {  	s13 =	smul.u32 $0x10200, s13;
	v0 =	vld [tilespmem:s16+$0x30]  }
0x34: {  	v3 =	vld [tilespmem:s16+$0xFFFFFFD0]  }
0x35: {  	s13 =	sshrl.u32 s13, $0x2;
	v4 =	vld [tilespmem:s16+$0xFFFFFFE0]  }
0x36: {  	v5 =	vld [tilespmem:s16+$0xFFFFFFF0];
	s14 =	sor.u32 $0x8000, s13  }
0x37: {  	s31 =	sand.u32 $0x1, s10;
	v1 =	vld [tilespmem:s16+$0x0];
	s15 =	sadd.s32 $0x0, s14  }
0x38: {  	v2 =	vld [tilespmem:s16+$0x10];
	s13 =	smul.u32 $0x10200, s31;
	[tilespmem:s15+$0x3870 ss:$0x81] =	vst.msk $0xffff, v0  }
0x39: {  	[tilespmem:s15+$0x810 ss:$0x81] =	vst.msk $0xffff, v3;
	v3 =	vld [tilespmem:s16+$0x20]  }
0x3a: {  	s13 =	sshrl.u32 s13, $0x2;
	v0 =	vld [tilespmem:s16+$0xFFFFFFC0];
	[tilespmem:s15+$0x1020 ss:$0x81] =	vst.msk $0xffff, v4;
	s16 =	sadd.s32 $0x80, s16  }
0x3b: {  	s17 =	simm.s32 $0x4;
	s18 =	simm.s32 $0x8;
	s13 =	sor.u32 $0x8000, s13;
	[tilespmem:s15+$0x1830 ss:$0x81] =	vst.msk $0xffff, v5;
	v4 =	vld [tilespmem:s16+$0x30]  }
.LBB1_3:
0x3c: {  	p1 =	sne.s32 s18, $0x1FC;
	v5 =	vld [tilespmem:s16+$0xFFFFFFD0];
	[tilespmem:s15+$0x2040 ss:$0x81] =	vst.msk $0xffff, v1  }
0x3d: {  	v6 =	vld [tilespmem:s16+$0xFFFFFFE0];
	[tilespmem:s15+$0x2850 ss:$0x81] =	vst.msk $0xffff, v2  }
0x3e: {  	s19 =	sshra.s32 s17, $0x2;
	s17 =	smov.u32 s18;
	v7 =	vld [tilespmem:s16+$0xFFFFFFF0];
	[tilespmem:s15+$0x3060 ss:$0x81] =	vst.msk $0xffff, v3  }
.Ltmp3:
0x3f: {  	v1 =	vld [tilespmem:s16+$0x0];
	[tilespmem:s15+$0x0 ss:$0x81] =	vst.msk $0xffff, v0;
	s15 =	sadd.s32 s19, s14;
	(pc) =	sbr.rel @p1 .LBB1_3-.Ltmp3, $4  }
0x40: {  	v2 =	vld [tilespmem:s16+$0x10];
	[tilespmem:s15+$0x3870 ss:$0x81] =	vst.msk $0xffff, v4  }
0x41: {  	[tilespmem:s15+$0x810 ss:$0x81] =	vst.msk $0xffff, v5;
	v3 =	vld [tilespmem:s16+$0x20]  }
0x42: {  	v0 =	vld [tilespmem:s16+$0xFFFFFFC0];
	[tilespmem:s15+$0x1020 ss:$0x81] =	vst.msk $0xffff, v6;
	s16 =	sadd.s32 $0x80, s16  }
0x43: {  	s18 =	sadd.s32 $0x4, s18;
	v4 =	vld [tilespmem:s16+$0x30];
	[tilespmem:s15+$0x1830 ss:$0x81] =	vst.msk $0xffff, v7  }
.Ltmp4:
0x44: {  	_ = 	snop;
	(pc) =	sbr.rel .LBB1_4-.Ltmp4, $1  }
0x45: {  	_ =	sdelay $0x3  }
.LBB1_6:
0x46: {  	_ =	sfence.sel $0x180000  }
0x47: {  	s2 =	simm.s32 $0x1;
	[bflag:$0x0] =	sbarrier.arrive $0xFFFF  }
0x48: {  	s31 =	simm.s32 $0x2;
	[sflag:s2] =	ssyncpa.u1 $0x1  }
0x49: {  	[sflag:s31] =	ssyncpa.u1 $0x1  }
0x4a: {  	p0 =	sne.s32 s0, $0x0;
	_ =	strace $0x90000056  }
0x4b: {  	s0 =	sadd.s32 @!p0 $0x100000, s1;
	[bflag:$0x2] =	sbarrier.arrive $0xFFFF  }
0x4c: {  	[sflag:s0] =	ssyncadd.tile.s32 @!p0 $0x1;
	_ =	shalt  }
.Lfunc_end1:
_tile_overlayer_lowered:
.L_overlay_start_2:
0x4d: {  	(tag) =	ssettag $0x2  }
0x4e: {  	s0 =	rddreg [dreg:$0x0];
	s2 =	stileid.u32  }
0x4f: {  	s1 =	rddreg [dreg:$0x1];
	p0 =	sne.s32 s2, $0x0  }
0x50: {  	s3 =	rddreg [dreg:$0x2];
	[bflag:$0x3] =	sbarrier.arrive $0xFFFF;
	s2 =	simm.s32 @!p0 $0x1C01  }
0x51: {  	[timem:s3], [sflag:s2] =	dma.local @!p0 [hbm:s0], s1  }
0x52: {  	s0 =	simm.s32 @!p0 $0x1  }
0x53: {  	_ =	swait.ge @!p0 [sflag:s0], s1  }
0x54: {  	s1 =	ssub.s32 @!p0 $0x0, s1;
	[sflag:s0] =	ssyncset.done @!p0 $0x0  }
0x55: {  	[sflag:s0] =	ssyncadd.s32 @!p0 s1  }
0x56: {  	[bflag:$0x3] =	sbarrier.arrive $0xFFFF  }
0x57: {  	_ =	shalt  }

// kernel: sparse-core-data-format-call.9.cloned.1.call-start
scs
called_computation.12_lowered:
.L_overlay_start_0:
0x0: {  	s2 =	sld [smem:$0x3FD9]  }
0x1: {  	s3 =	sld [smem:$0x3FFE];
	_ =	sdelay $0x1  }
0x2: {  	s1 =	srdreg.scid  }
0x3: {  	s0 =	sand.u32 $0x1, s1  }
0x4: {  	s18 =	sshll.u32 s0, $0xA;
	s2 =	sadd.s32 s3, s2  }
0x5: {  	s2 =	sadd.s32 s2, s18  }
0x6: {  	[smem:$0x3FBE] =	sst s2  }
0x7: {  	_ = 	snop  }
0x8: {  	(tm) =	ssettm $0x1  }
0x9: {  	s19 =	sld [smem:$0x3FFB];
	_ =	sdelay $0x3  }
0xa: {  	_ =	strace s19  }
0xb: {  	s2 =	sld [smem:$0x3FFC];
	_ =	sdelay $0x3  }
0xc: {  	_ =	strace s2  }
0xd: {  	s2 =	sld [smem:$0x3FFD];
	_ =	sdelay $0x3  }
0xe: {  	_ =	strace s2  }
0xf: {  	_ =	strace $0x8FFFFFFF  }
0x10: {  	s20 =	sld [smem:$0x3FDB];
	_ =	sdelay $0x1  }
0x11: {  	s21 =	simm.s32 $_scs_section_size  }
0x12: {  	s4 =	simm.s32 $_size__tile_overlayer_lowered;
	s5 =	simm.s32 $_tile_overlayer_lowered  }
0x13: {  	s6 =	simm.s32 $0x1BFF;
	s22 =	sshll.u32 s5, $0x1;
	s3 =	sadd.s32 s21, s20  }
0x14: {  	s23 =	simm.s32 $0x0;
	s4 =	sshll.u32 s4, $0x1;
	s5 =	sadd.s32 s22, s3  }
0x15: {  	[timem:s23], [sflag:s6] =	dma.local [hbm:s5], s4  }
0x16: {  	_ =	swait.ge [sflag:s6], s4  }
0x17: {  	s4 =	ssub.s32 $0x0, s4;
	[sflag:s6] =	ssyncset.done $0x0  }
0x18: {  	[sflag:s6] =	ssyncadd.s32 s4;
	_ =	sdelay $0x1  }
0x19: {  	s24 =	simm.s32 $0x1B8B  }
0x1a: {  	_ =	swait.ge [sflag:s24], $0x1  }
0x1b: {  	[sflag:s24] =	ssyncset.done $0x0  }
0x1c: {  	[sflag:s24] =	ssyncadd.s32 $0xFFFFFFFF  }
0x1d: {  	s4 =	sld [smem:$0x0]  }
0x1e: {  	s5 =	sand.u32 $0xFFFFFFFE, s1  }
0x1f: {  	p0 =	sne.s32 s1, s5  }
0x20: {  	s5 =	sshll.u32 @p0 s5, $0xE  }
0x21: {  	s5 =	sadd.s32 @p0 $0x11B8D, s5;
	s6 =	sshll.u32 @p0 s4, $0x11  }
0x22: {  	s5 =	sor.u32 @p0 s6, s5  }
0x23: {  	[sflag:s5] =	ssyncadd.remote.s32 @p0 $0x1;
	_ =	sdelay $0x1  }
0x24: {  	s5 =	simm.s32 @p0 $0x1B8D  }
0x25: {  	_ =	swait.eq @p0 [sflag:s5], $0x1  }
0x26: {  	[sflag:s5] =	ssyncadd.s32 @p0 $0xFFFFFFFF  }
0x27: {  	s6 =	sshll.u32 @!p0 s1, $0xE  }
0x28: {  	s6 =	sor.u32 @!p0 $0x4000, s6;
	s5 =	simm.s32 @!p0 $0x1B8D  }
0x29: {  	s4 =	sshll.u32 @!p0 s4, $0x11;
	s6 =	sadd.s32 @!p0 $0x11B8D, s6;
	_ =	swait.eq @!p0 [sflag:s5], $0x1  }
0x2a: {  	s4 =	sor.u32 @!p0 s4, s6;
	[sflag:s5] =	ssyncadd.s32 @!p0 $0xFFFFFFFF  }
0x2b: {  	s26 =	simm.s32 $0x1B8E;
	s25 =	sld [smem:$0x3FFE];
	[sflag:s4] =	ssyncadd.remote.s32 @!p0 $0x1  }
0x2c: {  	s27 =	simm.s32 $execute0_lowered;
	[smem:$0x3FD2] =	sst s26  }
0x2d: {  	s5 =	sshll.u32 s27, $0x1;
	_ =	strace $0x80000052;
	[dreg:$0x1] =	wrdreg $0xFFFFFFFF  }
0x2e: {  	s28 =	simm.s32 $_size_execute0_lowered;
	s3 =	sadd.s32 s3, s5;
	[dreg:$0x0] =	wrdreg $0x0  }
0x2f: {  	s5 =	sshll.u32 s28, $0x1;
	[dreg:$0x2] =	wrdreg s3  }
0x30: {  	[dreg:$0x3] =	wrdreg s5  }
0x31: {  	[dreg:$0x4] =	wrdreg $0xC0  }
0x32: {  	_ =	task [dreg:s23], $0x5FFFF  }
0x33: {  	[dreg:$0x1] =	wrdreg $0xFFFFFFFF  }
0x34: {  	[dreg:$0x0] =	wrdreg $0x60  }
0x35: {  	[dreg:$0x2] =	wrdreg s25  }
0x36: {  	[dreg:$0x3] =	wrdreg $0x12  }
0x37: {  	_ =	task.clear_ibuf [dreg:s23], $0x4FFFF;
	_ =	strace $0x90000052  }
0x38: {  	s29 =	simm.s32 $0x12;
	_ =	strace $0x80000054  }
0x39: {  	_ =	swait.ge [sflag:s29], $0x1  }
0x3a: {  	[sflag:s29] =	ssyncadd.s32 $0xFFFFFFFF  }
0x3b: {  	_ =	strace $0x90000054  }
0x3c: {  	_ =	sfence  }
0x3d: {  	s30 =	sld [smem:$0x0];
	_ =	sdelay $0x2  }
0x3e: {  	s31 =	sshll.u32 s1, $0xD;
	s1 =	sshrl.u32 s1, $0x2  }
0x3f: {  	s4 =	sand.u32 $0x4000, s31;
	s1 =	sadd.s32 s1, s30  }
0x40: {  	s0 =	sor.u32 s4, s0;
	s1 =	sshll.u32 s1, $0x11  }
0x41: {  	s0 =	sor.u32 s1, s0  }
0x42: {  	s0 =	sadd.s32 $0x8F2B, s0  }
0x43: {  	[sflag:s0] =	ssyncadd.remote.s32 $0x1  }
0x44: {  	_ =	sfence.sel $0xFFFF  }
0x45: {  	[dreg:$0x0] =	wrdreg $0xFFFFFFFF;
	(pc) =	sbr.abs _section_cstart, $3  }
0x46: {  	[dreg:$0x1] =	wrdreg $0xFFFFFFFF  }
0x47: {  	_ =	task.clear_ibuf [dreg:s23], $0x2FFFF;
	_ =	strace $0x9FFFFFFF  }
0x48: {  	(tm) =	ssettm $0x7FFFFFFF  }
0x49: {  	_ =	shalt  }
tec
execute0_lowered:
.L_overlay_start_1:
0x0: {  	(tag) =	ssettag $0x1  }
0x1: {  	s0 =	srdreg.scid  }
0x2: {  	s5 =	rddreg [dreg:$0x0];
	s1 =	sshll.u32 s0, $0x4  }
0x3: {  	s4 =	simm.s32 $0x1;
	s0 =	stileid.u32;
	s1 =	sand.u32 $0x10, s1  }
0x4: {  	s8 =	simm.s32 $0x2;
	s12 =	simm.s32 $0x0;
	s2 =	sor.u32 s0, s1  }
0x5: {  	s11 =	simm.s32 $0x0;
	s9 =	simm.s32 $0x0;
	s2 =	sshll.u32 s2, $0x7  }
0x6: {  	s10 =	simm.s32 $0x0;
	s3 =	sadd.s32 $0x82D800, s5;
	s6 =	ssub.s32 $0x10000, s2  }
.Ltmp0:
0x7: {  	s1 =	rddreg [dreg:$0x1];
	s7 =	sand.u32 $0xF80, s6;
	(pc) =	sbr.rel .LBB1_1-.Ltmp0, $4  }
0x8: {  	_ =	strace $0x80000053;
	p0 =	sne.s32 s7, $0x0;
	s7 =	simm.s32 $0x1  }
0x9: {  	[sflag:s4] =	ssyncpa.u1 $0x0;
	s6 =	sshrl.u32 s6, $0xC;
	s7 =	simm.s32 @!p0 $0x0  }
0xa: {  	s5 =	sadd.s32 $0x92D800, s5;
	[sflag:s8] =	ssyncpa.u1 $0x0;
	s6 =	sadd.s32 s7, s6  }
0xb: {  	s8 =	smov.u32 s2;
	p0 =	por $0x0, $0x0;
	s7 =	sadd.s32 $0x1, s6  }
.LBB1_4:
0xc: {  	v5 =	vld [tilespmem:s16+$0xFFFFFFD0];
	[tilespmem:s15+$0x2040 ss:$0x81] =	vst.msk $0xffff, v1  }
0xd: {  	v58 =	vld [tilespmem:s16+$0xFFFFFFE0];
	[tilespmem:s15+$0x2850 ss:$0x81] =	vst.msk $0xffff, v2  }
0xe: {  	s17 =	sshra.s32 s17, $0x2;
	v59 =	vld [tilespmem:s16+$0xFFFFFFF0];
	[tilespmem:s15+$0x3060 ss:$0x81] =	vst.msk $0xffff, v3  }
0xf: {  	v60 =	vld [tilespmem:s16+$0x0];
	[tilespmem:s15+$0x0 ss:$0x81] =	vst.msk $0xffff, v0;
	s14 =	sadd.s32 s17, s14  }
0x10: {  	v61 =	vld [tilespmem:s16+$0x10];
	[tilespmem:s14+$0x3870 ss:$0x81] =	vst.msk $0xffff, v4  }
0x11: {  	v62 =	vld [tilespmem:s16+$0x20];
	s12 =	sshll.u32 s12, $0x7;
	s28 =	sshll.u32 s11, $0x3;
	[tilespmem:s14+$0x810 ss:$0x81] =	vst.msk $0xffff, v5  }
0x12: {  	v63 =	vld [tilespmem:s16+$0xFFFFFFC0];
	s29 =	sand.u32 $0x7FFC00, s12;
	s15 =	sand.u32 $0x7FFC00, s28;
	[tilespmem:s14+$0x1020 ss:$0x81] =	vst.msk $0xffff, v58  }
0x13: {  	s12 =	sand.u32 $0x380, s12;
	s15 =	sadd.s32 s15, s29;
	[tilespmem:s14+$0x1830 ss:$0x81] =	vst.msk $0xffff, v59  }
0x14: {  	s30 =	sshrl.u32 s11, $0x3;
	s12 =	sor.u32 s12, s15;
	[tilespmem:s14+$0x2040 ss:$0x81] =	vst.msk $0xffff, v60  }
0x15: {  	s15 =	sand.u32 $0xF, s30;
	s12 =	sshrl.u32 s12, $0x3;
	[tilespmem:s14+$0x2850 ss:$0x81] =	vst.msk $0xffff, v61  }
0x16: {  	s15 =	sadd.s32 s5, s15;
	[tilespmem:s14+$0x3060 ss:$0x81] =	vst.msk $0xffff, v62;
	s12 =	sand.u32 $0xFFFF0, s12  }
0x17: {  	s31 =	sand.u32 $0x7, s11;
	[tilespmem:s14+$0x0 ss:$0x81] =	vst.msk $0xffff, v63;
	s12 =	sadd.s32 s12, s15  }
0x18: {  	[hbm4b:s12+s31] =	stream.linear.scatter [tilespmem:s13], [sflag:$0x2], $0x4000, $0x20;
	[tilespmem:$0x10100] =	vst v63  }
.LBB1_5:
0x19: {  	s13 =	sadd.s32 $0x1000, s8  }
0x1a: {  	s11 =	sadd.s32 $0x80, s9;
	s15 =	smov.u32 s9;
	p2 =	sgt.s32 s13, $0xFFFF  }
0x1b: {  	s15 =	smov.u32 @p2 s11  }
0x1c: {  	s13 =	smov.u32 @p2 s2;
	p2 =	sgt.s32 s15, $0x7F  }
0x1d: {  	s15 =	simm.s32 @p2 $0x0;
	p2 =	sne.s32 s10, s7  }
.Ltmp1:
0x1e: {  	p1 =	slt.u32 s10, $0x2;
	(pc) =	sbr.rel @!p2 .LBB1_6-.Ltmp1, $4  }
0x1f: {  	s14 =	simm.s32 @!p1 $0x2  }
0x20: {  	s12 =	smov.u32 s8;
	p0 =	por !p0, !p0;
	_ =	swait.ge @!p1 [sflag:s14], $0x4000  }
0x21: {  	s11 =	smov.u32 s9;
	[sflag:s14] =	ssyncset.done @!p1 $0x0;
	s8 =	smov.u32 s13  }
0x22: {  	s10 =	sadd.s32 $0x1, s10;
	[sflag:s14] =	ssyncadd.s32 @!p1 $0xFFFFC000;
	s9 =	smov.u32 s15  }
.LBB1_1:
0x23: {  	p1 =	sge.u32 s10, s6;
	s31 =	sadd.s32 $0xFFFFFFFF, s10  }
0x24: {  	s13 =	sand.u32 @!p1 $0x78, s8;
	s14 =	sshll.u32 @!p1 s9, $0x10;
	s15 =	sshll.u32 @!p1 s9, $0x7  }
0x25: {  	s16 =	sshll.u32 @!p1 s8, $0x3;
	s14 =	sand.u32 @!p1 $0x780000, s14;
	s15 =	sand.u32 @!p1 $0x380, s15  }
0x26: {  	s14 =	sadd.s32 @!p1 s14, s16;
	s16 =	sand.u32 @!p1 $0xFC00, s16;
	s13 =	sor.u32 @!p1 s15, s13  }
0x27: {  	s15 =	sxor.u32 @!p1 $0xFFFFFFFF, s10;
	s14 =	sand.u32 @!p1 $0x7F0000, s14;
	s13 =	sor.u32 @!p1 s16, s13  }
0x28: {  	s15 =	sshll.u32 @!p1 s15, $0xE;
	s13 =	sor.u32 @!p1 s14, s13;
	s14 =	sand.u32 @!p1 $0x7, s8  }
0x29: {  	s16 =	simm.s32 @!p1 $0x80000;
	s13 =	sshrl.u32 @!p1 s13, $0x3;
	s14 =	sshll.u32 @!p1 s14, $0x12  }
0x2a: {  	s15 =	sand.u32 @!p1 $0x4000, s15;
	s13 =	sadd.s32 @!p1 s3, s13;
	s14 =	sor.u32 @!p1 $0x400, s14  }
0x2b: {  	[tilespmem:s15], [sflag:$0x1] =	stream.strided.gather @!p1 [hbm4b:s13+s14], $0x4000, s16, s14, $0x38;
	[tilespmem:$0x10100] =	vst v63  }
0x2c: {  	p1 =	sge.u32 s31, s6  }
.Ltmp2:
0x2d: {  	_ = 	snop;
	(pc) =	sbr.rel @p1 .LBB1_5-.Ltmp2, $1  }
0x2e: {  	_ =	sdelay $0x3  }
0x2f: {  	s13 =	simm.s32 $0x1  }
0x30: {  	_ =	swait.ge [sflag:s4], $0x4000;
	s13 =	simm.s32 @!p0 $0x0  }
0x31: {  	[sflag:s4] =	ssyncset.done $0x0;
	s14 =	sshll.u32 s13, $0xE  }
0x32: {  	[sflag:s4] =	ssyncadd.s32 $0xFFFFC000;
	s16 =	sor.u32 $0x40, s14  }
0x33: {  	s13 =	smul.u32 $0x10200, s13;
	v0 =	vld [tilespmem:s16+$0x30]  }
0x34: {  	v3 =	vld [tilespmem:s16+$0xFFFFFFD0]  }
0x35: {  	s13 =	sshrl.u32 s13, $0x2;
	v4 =	vld [tilespmem:s16+$0xFFFFFFE0]  }
0x36: {  	v5 =	vld [tilespmem:s16+$0xFFFFFFF0];
	s14 =	sor.u32 $0x8000, s13  }
0x37: {  	s31 =	sand.u32 $0x1, s10;
	v1 =	vld [tilespmem:s16+$0x0];
	s15 =	sadd.s32 $0x0, s14  }
0x38: {  	v2 =	vld [tilespmem:s16+$0x10];
	s13 =	smul.u32 $0x10200, s31;
	[tilespmem:s15+$0x3870 ss:$0x81] =	vst.msk $0xffff, v0  }
0x39: {  	[tilespmem:s15+$0x810 ss:$0x81] =	vst.msk $0xffff, v3;
	v3 =	vld [tilespmem:s16+$0x20]  }
0x3a: {  	s13 =	sshrl.u32 s13, $0x2;
	v0 =	vld [tilespmem:s16+$0xFFFFFFC0];
	[tilespmem:s15+$0x1020 ss:$0x81] =	vst.msk $0xffff, v4;
	s16 =	sadd.s32 $0x80, s16  }
0x3b: {  	s17 =	simm.s32 $0x4;
	s18 =	simm.s32 $0x8;
	s13 =	sor.u32 $0x8000, s13;
	[tilespmem:s15+$0x1830 ss:$0x81] =	vst.msk $0xffff, v5;
	v4 =	vld [tilespmem:s16+$0x30]  }
.LBB1_3:
0x3c: {  	p1 =	sne.s32 s18, $0x1FC;
	v5 =	vld [tilespmem:s16+$0xFFFFFFD0];
	[tilespmem:s15+$0x2040 ss:$0x81] =	vst.msk $0xffff, v1  }
0x3d: {  	v6 =	vld [tilespmem:s16+$0xFFFFFFE0];
	[tilespmem:s15+$0x2850 ss:$0x81] =	vst.msk $0xffff, v2  }
0x3e: {  	s19 =	sshra.s32 s17, $0x2;
	s17 =	smov.u32 s18;
	v7 =	vld [tilespmem:s16+$0xFFFFFFF0];
	[tilespmem:s15+$0x3060 ss:$0x81] =	vst.msk $0xffff, v3  }
.Ltmp3:
0x3f: {  	v1 =	vld [tilespmem:s16+$0x0];
	[tilespmem:s15+$0x0 ss:$0x81] =	vst.msk $0xffff, v0;
	s15 =	sadd.s32 s19, s14;
	(pc) =	sbr.rel @p1 .LBB1_3-.Ltmp3, $4  }
0x40: {  	v2 =	vld [tilespmem:s16+$0x10];
	[tilespmem:s15+$0x3870 ss:$0x81] =	vst.msk $0xffff, v4  }
0x41: {  	[tilespmem:s15+$0x810 ss:$0x81] =	vst.msk $0xffff, v5;
	v3 =	vld [tilespmem:s16+$0x20]  }
0x42: {  	v0 =	vld [tilespmem:s16+$0xFFFFFFC0];
	[tilespmem:s15+$0x1020 ss:$0x81] =	vst.msk $0xffff, v6;
	s16 =	sadd.s32 $0x80, s16  }
0x43: {  	s18 =	sadd.s32 $0x4, s18;
	v4 =	vld [tilespmem:s16+$0x30];
	[tilespmem:s15+$0x1830 ss:$0x81] =	vst.msk $0xffff, v7  }
.Ltmp4:
0x44: {  	_ = 	snop;
	(pc) =	sbr.rel .LBB1_4-.Ltmp4, $1  }
0x45: {  	_ =	sdelay $0x3  }
.LBB1_6:
0x46: {  	_ =	sfence.sel $0x180000  }
0x47: {  	s2 =	simm.s32 $0x1;
	[bflag:$0x0] =	sbarrier.arrive $0xFFFF  }
0x48: {  	s31 =	simm.s32 $0x2;
	[sflag:s2] =	ssyncpa.u1 $0x1  }
0x49: {  	[sflag:s31] =	ssyncpa.u1 $0x1  }
0x4a: {  	p0 =	sne.s32 s0, $0x0;
	_ =	strace $0x90000053  }
0x4b: {  	s0 =	sadd.s32 @!p0 $0x100000, s1;
	[bflag:$0x2] =	sbarrier.arrive $0xFFFF  }
0x4c: {  	[sflag:s0] =	ssyncadd.tile.s32 @!p0 $0x1;
	_ =	shalt  }
.Lfunc_end1:
_tile_overlayer_lowered:
.L_overlay_start_2:
0x4d: {  	(tag) =	ssettag $0x2  }
0x4e: {  	s0 =	rddreg [dreg:$0x0];
	s2 =	stileid.u32  }
0x4f: {  	s1 =	rddreg [dreg:$0x1];
	p0 =	sne.s32 s2, $0x0  }
0x50: {  	s3 =	rddreg [dreg:$0x2];
	[bflag:$0x3] =	sbarrier.arrive $0xFFFF;
	s2 =	simm.s32 @!p0 $0x1C01  }
0x51: {  	[timem:s3], [sflag:s2] =	dma.local @!p0 [hbm:s0], s1  }
0x52: {  	s0 =	simm.s32 @!p0 $0x1  }
0x53: {  	_ =	swait.ge @!p0 [sflag:s0], s1  }
0x54: {  	s1 =	ssub.s32 @!p0 $0x0, s1;
	[sflag:s0] =	ssyncset.done @!p0 $0x0  }
0x55: {  	[sflag:s0] =	ssyncadd.s32 @!p0 s1  }
0x56: {  	[bflag:$0x3] =	sbarrier.arrive $0xFFFF  }
0x57: {  	_ =	shalt  }

// kernel: sparse-core-data-format-call.cloned.1.call-start
scs
called_computation.3_lowered:
.L_overlay_start_0:
0x0: {  	s2 =	sld [smem:$0x3FD9]  }
0x1: {  	s3 =	sld [smem:$0x3FFE];
	_ =	sdelay $0x1  }
0x2: {  	s1 =	srdreg.scid  }
0x3: {  	s0 =	sand.u32 $0x1, s1  }
0x4: {  	s18 =	sshll.u32 s0, $0xA;
	s2 =	sadd.s32 s3, s2  }
0x5: {  	s2 =	sadd.s32 s2, s18  }
0x6: {  	[smem:$0x3FBE] =	sst s2  }
0x7: {  	_ = 	snop  }
0x8: {  	(tm) =	ssettm $0x1  }
0x9: {  	s19 =	sld [smem:$0x3FFB];
	_ =	sdelay $0x3  }
0xa: {  	_ =	strace s19  }
0xb: {  	s2 =	sld [smem:$0x3FFC];
	_ =	sdelay $0x3  }
0xc: {  	_ =	strace s2  }
0xd: {  	s2 =	sld [smem:$0x3FFD];
	_ =	sdelay $0x3  }
0xe: {  	_ =	strace s2  }
0xf: {  	_ =	strace $0x8FFFFFFF  }
0x10: {  	s20 =	sld [smem:$0x3FDB];
	_ =	sdelay $0x1  }
0x11: {  	s21 =	simm.s32 $_scs_section_size  }
0x12: {  	s4 =	simm.s32 $_size__tile_overlayer_lowered;
	s5 =	simm.s32 $_tile_overlayer_lowered  }
0x13: {  	s6 =	simm.s32 $0x1BFF;
	s22 =	sshll.u32 s5, $0x1;
	s3 =	sadd.s32 s21, s20  }
0x14: {  	s23 =	simm.s32 $0x0;
	s4 =	sshll.u32 s4, $0x1;
	s5 =	sadd.s32 s22, s3  }
0x15: {  	[timem:s23], [sflag:s6] =	dma.local [hbm:s5], s4  }
0x16: {  	_ =	swait.ge [sflag:s6], s4  }
0x17: {  	s4 =	ssub.s32 $0x0, s4;
	[sflag:s6] =	ssyncset.done $0x0  }
0x18: {  	[sflag:s6] =	ssyncadd.s32 s4;
	_ =	sdelay $0x1  }
0x19: {  	s24 =	simm.s32 $0x1B8B  }
0x1a: {  	_ =	swait.ge [sflag:s24], $0x1  }
0x1b: {  	[sflag:s24] =	ssyncset.done $0x0  }
0x1c: {  	[sflag:s24] =	ssyncadd.s32 $0xFFFFFFFF  }
0x1d: {  	s4 =	sld [smem:$0x0]  }
0x1e: {  	s5 =	sand.u32 $0xFFFFFFFE, s1  }
0x1f: {  	p0 =	sne.s32 s1, s5  }
0x20: {  	s5 =	sshll.u32 @p0 s5, $0xE  }
0x21: {  	s5 =	sadd.s32 @p0 $0x11B8D, s5;
	s6 =	sshll.u32 @p0 s4, $0x11  }
0x22: {  	s5 =	sor.u32 @p0 s6, s5  }
0x23: {  	[sflag:s5] =	ssyncadd.remote.s32 @p0 $0x1;
	_ =	sdelay $0x1  }
0x24: {  	s5 =	simm.s32 @p0 $0x1B8D  }
0x25: {  	_ =	swait.eq @p0 [sflag:s5], $0x1  }
0x26: {  	[sflag:s5] =	ssyncadd.s32 @p0 $0xFFFFFFFF  }
0x27: {  	s6 =	sshll.u32 @!p0 s1, $0xE  }
0x28: {  	s6 =	sor.u32 @!p0 $0x4000, s6;
	s5 =	simm.s32 @!p0 $0x1B8D  }
0x29: {  	s4 =	sshll.u32 @!p0 s4, $0x11;
	s6 =	sadd.s32 @!p0 $0x11B8D, s6;
	_ =	swait.eq @!p0 [sflag:s5], $0x1  }
0x2a: {  	s4 =	sor.u32 @!p0 s4, s6;
	[sflag:s5] =	ssyncadd.s32 @!p0 $0xFFFFFFFF  }
0x2b: {  	s26 =	simm.s32 $0x1B8E;
	s25 =	sld [smem:$0x3FFE];
	[sflag:s4] =	ssyncadd.remote.s32 @!p0 $0x1  }
0x2c: {  	s27 =	simm.s32 $execute0_lowered;
	[smem:$0x3FD2] =	sst s26  }
0x2d: {  	s5 =	sshll.u32 s27, $0x1;
	_ =	strace $0x8000006D;
	[dreg:$0x1] =	wrdreg $0xFFFFFFFF  }
0x2e: {  	s28 =	simm.s32 $_size_execute0_lowered;
	s3 =	sadd.s32 s3, s5;
	[dreg:$0x0] =	wrdreg $0x0  }
0x2f: {  	s5 =	sshll.u32 s28, $0x1;
	[dreg:$0x2] =	wrdreg s3  }
0x30: {  	[dreg:$0x3] =	wrdreg s5  }
0x31: {  	[dreg:$0x4] =	wrdreg $0xC0  }
0x32: {  	_ =	task [dreg:s23], $0x5FFFF  }
0x33: {  	[dreg:$0x1] =	wrdreg $0xFFFFFFFF  }
0x34: {  	[dreg:$0x0] =	wrdreg $0x60  }
0x35: {  	[dreg:$0x2] =	wrdreg s25  }
0x36: {  	[dreg:$0x3] =	wrdreg $0x9  }
0x37: {  	_ =	task.clear_ibuf [dreg:s23], $0x4FFFF;
	_ =	strace $0x9000006D  }
0x38: {  	s29 =	simm.s32 $0x9;
	_ =	strace $0x8000006F  }
0x39: {  	_ =	swait.ge [sflag:s29], $0x1  }
0x3a: {  	[sflag:s29] =	ssyncadd.s32 $0xFFFFFFFF  }
0x3b: {  	_ =	strace $0x9000006F  }
0x3c: {  	_ =	sfence  }
0x3d: {  	s30 =	sld [smem:$0x0];
	_ =	sdelay $0x2  }
0x3e: {  	s31 =	sshll.u32 s1, $0xD;
	s1 =	sshrl.u32 s1, $0x2  }
0x3f: {  	s4 =	sand.u32 $0x4000, s31;
	s1 =	sadd.s32 s1, s30  }
0x40: {  	s0 =	sor.u32 s4, s0;
	s1 =	sshll.u32 s1, $0x11  }
0x41: {  	s0 =	sor.u32 s1, s0  }
0x42: {  	s0 =	sadd.s32 $0x8F2B, s0  }
0x43: {  	[sflag:s0] =	ssyncadd.remote.s32 $0x1  }
0x44: {  	_ =	sfence.sel $0xFFFF  }
0x45: {  	[dreg:$0x0] =	wrdreg $0xFFFFFFFF;
	(pc) =	sbr.abs _section_cstart, $3  }
0x46: {  	[dreg:$0x1] =	wrdreg $0xFFFFFFFF  }
0x47: {  	_ =	task.clear_ibuf [dreg:s23], $0x2FFFF;
	_ =	strace $0x9FFFFFFF  }
0x48: {  	(tm) =	ssettm $0x7FFFFFFF  }
0x49: {  	_ =	shalt  }
tec
execute0_lowered:
.L_overlay_start_1:
0x0: {  	(tag) =	ssettag $0x1  }
0x1: {  	s0 =	srdreg.scid  }
0x2: {  	s5 =	rddreg [dreg:$0x0];
	s1 =	sshll.u32 s0, $0x4  }
0x3: {  	s4 =	simm.s32 $0x1;
	s0 =	stileid.u32;
	s1 =	sand.u32 $0x10, s1  }
0x4: {  	s8 =	simm.s32 $0x2;
	s12 =	simm.s32 $0x0;
	s2 =	sor.u32 s0, s1  }
0x5: {  	s11 =	simm.s32 $0x0;
	s9 =	simm.s32 $0x0;
	s2 =	sshll.u32 s2, $0x7  }
0x6: {  	s10 =	simm.s32 $0x0;
	s3 =	sadd.s32 $0xEE200, s5;
	s6 =	ssub.s32 $0x10000, s2  }
.Ltmp0:
0x7: {  	s1 =	rddreg [dreg:$0x1];
	s7 =	sand.u32 $0xF80, s6;
	(pc) =	sbr.rel .LBB1_1-.Ltmp0, $4  }
0x8: {  	_ =	strace $0x8000006E;
	p0 =	sne.s32 s7, $0x0;
	s7 =	simm.s32 $0x1  }
0x9: {  	[sflag:s4] =	ssyncpa.u1 $0x0;
	s6 =	sshrl.u32 s6, $0xC;
	s7 =	simm.s32 @!p0 $0x0  }
0xa: {  	s5 =	sadd.s32 $0x272D800, s5;
	[sflag:s8] =	ssyncpa.u1 $0x0;
	s6 =	sadd.s32 s7, s6  }
0xb: {  	s8 =	smov.u32 s2;
	p0 =	por $0x0, $0x0;
	s7 =	sadd.s32 $0x1, s6  }
.LBB1_4:
0xc: {  	v5 =	vld [tilespmem:s16+$0xFFFFFFD0];
	[tilespmem:s15+$0x2040 ss:$0x81] =	vst.msk $0xffff, v1  }
0xd: {  	v58 =	vld [tilespmem:s16+$0xFFFFFFE0];
	[tilespmem:s15+$0x2850 ss:$0x81] =	vst.msk $0xffff, v2  }
0xe: {  	s17 =	sshra.s32 s17, $0x2;
	v59 =	vld [tilespmem:s16+$0xFFFFFFF0];
	[tilespmem:s15+$0x3060 ss:$0x81] =	vst.msk $0xffff, v3  }
0xf: {  	v60 =	vld [tilespmem:s16+$0x0];
	[tilespmem:s15+$0x0 ss:$0x81] =	vst.msk $0xffff, v0;
	s14 =	sadd.s32 s17, s14  }
0x10: {  	v61 =	vld [tilespmem:s16+$0x10];
	[tilespmem:s14+$0x3870 ss:$0x81] =	vst.msk $0xffff, v4  }
0x11: {  	v62 =	vld [tilespmem:s16+$0x20];
	s12 =	sshll.u32 s12, $0x7;
	s28 =	sshll.u32 s11, $0x3;
	[tilespmem:s14+$0x810 ss:$0x81] =	vst.msk $0xffff, v5  }
0x12: {  	v63 =	vld [tilespmem:s16+$0xFFFFFFC0];
	s29 =	sand.u32 $0x7FFC00, s12;
	s15 =	sand.u32 $0x7FFC00, s28;
	[tilespmem:s14+$0x1020 ss:$0x81] =	vst.msk $0xffff, v58  }
0x13: {  	s12 =	sand.u32 $0x380, s12;
	s15 =	sadd.s32 s15, s29;
	[tilespmem:s14+$0x1830 ss:$0x81] =	vst.msk $0xffff, v59  }
0x14: {  	s30 =	sshrl.u32 s11, $0x3;
	s12 =	sor.u32 s12, s15;
	[tilespmem:s14+$0x2040 ss:$0x81] =	vst.msk $0xffff, v60  }
0x15: {  	s15 =	sand.u32 $0xF, s30;
	s12 =	sshrl.u32 s12, $0x3;
	[tilespmem:s14+$0x2850 ss:$0x81] =	vst.msk $0xffff, v61  }
0x16: {  	s15 =	sadd.s32 s5, s15;
	[tilespmem:s14+$0x3060 ss:$0x81] =	vst.msk $0xffff, v62;
	s12 =	sand.u32 $0xFFFF0, s12  }
0x17: {  	s31 =	sand.u32 $0x7, s11;
	[tilespmem:s14+$0x0 ss:$0x81] =	vst.msk $0xffff, v63;
	s12 =	sadd.s32 s12, s15  }
0x18: {  	[hbm4b:s12+s31] =	stream.linear.scatter [tilespmem:s13], [sflag:$0x2], $0x4000, $0x20;
	[tilespmem:$0x10100] =	vst v63  }
.LBB1_5:
0x19: {  	s13 =	sadd.s32 $0x1000, s8  }
0x1a: {  	s11 =	sadd.s32 $0x80, s9;
	s15 =	smov.u32 s9;
	p2 =	sgt.s32 s13, $0xFFFF  }
0x1b: {  	s15 =	smov.u32 @p2 s11  }
0x1c: {  	s13 =	smov.u32 @p2 s2;
	p2 =	sgt.s32 s15, $0x7F  }
0x1d: {  	s15 =	simm.s32 @p2 $0x0;
	p2 =	sne.s32 s10, s7  }
.Ltmp1:
0x1e: {  	p1 =	slt.u32 s10, $0x2;
	(pc) =	sbr.rel @!p2 .LBB1_6-.Ltmp1, $4  }
0x1f: {  	s14 =	simm.s32 @!p1 $0x2  }
0x20: {  	s12 =	smov.u32 s8;
	p0 =	por !p0, !p0;
	_ =	swait.ge @!p1 [sflag:s14], $0x4000  }
0x21: {  	s11 =	smov.u32 s9;
	[sflag:s14] =	ssyncset.done @!p1 $0x0;
	s8 =	smov.u32 s13  }
0x22: {  	s10 =	sadd.s32 $0x1, s10;
	[sflag:s14] =	ssyncadd.s32 @!p1 $0xFFFFC000;
	s9 =	smov.u32 s15  }
.LBB1_1:
0x23: {  	p1 =	sge.u32 s10, s6;
	s31 =	sadd.s32 $0xFFFFFFFF, s10  }
0x24: {  	s13 =	sand.u32 @!p1 $0x78, s8;
	s14 =	sshll.u32 @!p1 s9, $0x10;
	s15 =	sshll.u32 @!p1 s9, $0x7  }
0x25: {  	s16 =	sshll.u32 @!p1 s8, $0x3;
	s14 =	sand.u32 @!p1 $0x780000, s14;
	s15 =	sand.u32 @!p1 $0x380, s15  }
0x26: {  	s14 =	sadd.s32 @!p1 s14, s16;
	s16 =	sand.u32 @!p1 $0xFC00, s16;
	s13 =	sor.u32 @!p1 s15, s13  }
0x27: {  	s15 =	sxor.u32 @!p1 $0xFFFFFFFF, s10;
	s14 =	sand.u32 @!p1 $0x7F0000, s14;
	s13 =	sor.u32 @!p1 s16, s13  }
0x28: {  	s15 =	sshll.u32 @!p1 s15, $0xE;
	s13 =	sor.u32 @!p1 s14, s13;
	s14 =	sand.u32 @!p1 $0x7, s8  }
0x29: {  	s16 =	simm.s32 @!p1 $0x80000;
	s13 =	sshrl.u32 @!p1 s13, $0x3;
	s14 =	sshll.u32 @!p1 s14, $0x12  }
0x2a: {  	s15 =	sand.u32 @!p1 $0x4000, s15;
	s13 =	sadd.s32 @!p1 s3, s13;
	s14 =	sor.u32 @!p1 $0x400, s14  }
0x2b: {  	[tilespmem:s15], [sflag:$0x1] =	stream.strided.gather @!p1 [hbm4b:s13+s14], $0x4000, s16, s14, $0x38;
	[tilespmem:$0x10100] =	vst v63  }
0x2c: {  	p1 =	sge.u32 s31, s6  }
.Ltmp2:
0x2d: {  	_ = 	snop;
	(pc) =	sbr.rel @p1 .LBB1_5-.Ltmp2, $1  }
0x2e: {  	_ =	sdelay $0x3  }
0x2f: {  	s13 =	simm.s32 $0x1  }
0x30: {  	_ =	swait.ge [sflag:s4], $0x4000;
	s13 =	simm.s32 @!p0 $0x0  }
0x31: {  	[sflag:s4] =	ssyncset.done $0x0;
	s14 =	sshll.u32 s13, $0xE  }
0x32: {  	[sflag:s4] =	ssyncadd.s32 $0xFFFFC000;
	s16 =	sor.u32 $0x40, s14  }
0x33: {  	s13 =	smul.u32 $0x10200, s13;
	v0 =	vld [tilespmem:s16+$0x30]  }
0x34: {  	v3 =	vld [tilespmem:s16+$0xFFFFFFD0]  }
0x35: {  	s13 =	sshrl.u32 s13, $0x2;
	v4 =	vld [tilespmem:s16+$0xFFFFFFE0]  }
0x36: {  	v5 =	vld [tilespmem:s16+$0xFFFFFFF0];
	s14 =	sor.u32 $0x8000, s13  }
0x37: {  	s31 =	sand.u32 $0x1, s10;
	v1 =	vld [tilespmem:s16+$0x0];
	s15 =	sadd.s32 $0x0, s14  }
0x38: {  	v2 =	vld [tilespmem:s16+$0x10];
	s13 =	smul.u32 $0x10200, s31;
	[tilespmem:s15+$0x3870 ss:$0x81] =	vst.msk $0xffff, v0  }
0x39: {  	[tilespmem:s15+$0x810 ss:$0x81] =	vst.msk $0xffff, v3;
	v3 =	vld [tilespmem:s16+$0x20]  }
0x3a: {  	s13 =	sshrl.u32 s13, $0x2;
	v0 =	vld [tilespmem:s16+$0xFFFFFFC0];
	[tilespmem:s15+$0x1020 ss:$0x81] =	vst.msk $0xffff, v4;
	s16 =	sadd.s32 $0x80, s16  }
0x3b: {  	s17 =	simm.s32 $0x4;
	s18 =	simm.s32 $0x8;
	s13 =	sor.u32 $0x8000, s13;
	[tilespmem:s15+$0x1830 ss:$0x81] =	vst.msk $0xffff, v5;
	v4 =	vld [tilespmem:s16+$0x30]  }
.LBB1_3:
0x3c: {  	p1 =	sne.s32 s18, $0x1FC;
	v5 =	vld [tilespmem:s16+$0xFFFFFFD0];
	[tilespmem:s15+$0x2040 ss:$0x81] =	vst.msk $0xffff, v1  }
0x3d: {  	v6 =	vld [tilespmem:s16+$0xFFFFFFE0];
	[tilespmem:s15+$0x2850 ss:$0x81] =	vst.msk $0xffff, v2  }
0x3e: {  	s19 =	sshra.s32 s17, $0x2;
	s17 =	smov.u32 s18;
	v7 =	vld [tilespmem:s16+$0xFFFFFFF0];
	[tilespmem:s15+$0x3060 ss:$0x81] =	vst.msk $0xffff, v3  }
.Ltmp3:
0x3f: {  	v1 =	vld [tilespmem:s16+$0x0];
	[tilespmem:s15+$0x0 ss:$0x81] =	vst.msk $0xffff, v0;
	s15 =	sadd.s32 s19, s14;
	(pc) =	sbr.rel @p1 .LBB1_3-.Ltmp3, $4  }
0x40: {  	v2 =	vld [tilespmem:s16+$0x10];
	[tilespmem:s15+$0x3870 ss:$0x81] =	vst.msk $0xffff, v4  }
0x41: {  	[tilespmem:s15+$0x810 ss:$0x81] =	vst.msk $0xffff, v5;
	v3 =	vld [tilespmem:s16+$0x20]  }
0x42: {  	v0 =	vld [tilespmem:s16+$0xFFFFFFC0];
	[tilespmem:s15+$0x1020 ss:$0x81] =	vst.msk $0xffff, v6;
	s16 =	sadd.s32 $0x80, s16  }
0x43: {  	s18 =	sadd.s32 $0x4, s18;
	v4 =	vld [tilespmem:s16+$0x30];
	[tilespmem:s15+$0x1830 ss:$0x81] =	vst.msk $0xffff, v7  }
.Ltmp4:
0x44: {  	_ = 	snop;
	(pc) =	sbr.rel .LBB1_4-.Ltmp4, $1  }
0x45: {  	_ =	sdelay $0x3  }
.LBB1_6:
0x46: {  	_ =	sfence.sel $0x180000  }
0x47: {  	s2 =	simm.s32 $0x1;
	[bflag:$0x0] =	sbarrier.arrive $0xFFFF  }
0x48: {  	s31 =	simm.s32 $0x2;
	[sflag:s2] =	ssyncpa.u1 $0x1  }
0x49: {  	[sflag:s31] =	ssyncpa.u1 $0x1  }
0x4a: {  	p0 =	sne.s32 s0, $0x0;
	_ =	strace $0x9000006E  }
0x4b: {  	s0 =	sadd.s32 @!p0 $0x100000, s1;
	[bflag:$0x2] =	sbarrier.arrive $0xFFFF  }
0x4c: {  	[sflag:s0] =	ssyncadd.tile.s32 @!p0 $0x1;
	_ =	shalt  }
.Lfunc_end1:
_tile_overlayer_lowered:
.L_overlay_start_2:
0x4d: {  	(tag) =	ssettag $0x2  }
0x4e: {  	s0 =	rddreg [dreg:$0x0];
	s2 =	stileid.u32  }
0x4f: {  	s1 =	rddreg [dreg:$0x1];
	p0 =	sne.s32 s2, $0x0  }
0x50: {  	s3 =	rddreg [dreg:$0x2];
	[bflag:$0x3] =	sbarrier.arrive $0xFFFF;
	s2 =	simm.s32 @!p0 $0x1C01  }
0x51: {  	[timem:s3], [sflag:s2] =	dma.local @!p0 [hbm:s0], s1  }
0x52: {  	s0 =	simm.s32 @!p0 $0x1  }
0x53: {  	_ =	swait.ge @!p0 [sflag:s0], s1  }
0x54: {  	s1 =	ssub.s32 @!p0 $0x0, s1;
	[sflag:s0] =	ssyncset.done @!p0 $0x0  }
0x55: {  	[sflag:s0] =	ssyncadd.s32 @!p0 s1  }
0x56: {  	[bflag:$0x3] =	sbarrier.arrive $0xFFFF  }
0x57: {  	_ =	shalt  }

</sc_bundles>
